<compile_context>
chip_gen: v7x
topology: tpu7x:2x2x1
jax: 0.10.2.dev20260603
libtpu: 0.0.44.dev20260713+nightly
codegen_flags: <defaults>
</compile_context>

<pallas_src>
import functools

import jax
import jax.numpy as jnp
from jax import lax
from jax.experimental import pallas as pl
from jax.experimental.pallas import tpu as pltpu
from jax.experimental.pallas import tpu_sc as plsc

DIM = 1024
INTER = 512
E = 8
SHARED_INTER = 1024
T = 2048
TB = 256
BM = 256
BMSH = 8
NCHUNK = 32
CHT = T // NCHUNK
NBLK = 23
NSLOT = NBLK * BM


def _silu(a):
    return a * jax.nn.sigmoid(a)


def _dot(a, b):
    return jax.lax.dot_general(a, b, (((1,), (1,)), ((), ())),
                               preferred_element_type=jnp.float32)


def _gating_body(s_ref, p0_ref, p1_ref, wv1_ref, wv2_ref, be_ref):
    scores = s_ref[...]
    s = scores - jnp.max(scores, axis=-1, keepdims=True)
    es = jnp.exp(s)
    probs = es / jnp.sum(es, axis=-1, keepdims=True)
    eidx = jax.lax.broadcasted_iota(jnp.int32, (T, E), 1)
    m1 = jnp.max(probs, axis=-1, keepdims=True)
    a1 = jnp.min(jnp.where(probs == m1, eidx, E), axis=-1, keepdims=True)
    sel1 = eidx == a1
    probs_m = jnp.where(sel1, -1.0, probs)
    m2 = jnp.max(probs_m, axis=-1, keepdims=True)
    a2 = jnp.min(jnp.where(probs_m == m2, eidx, E), axis=-1, keepdims=True)
    sel2 = eidx == a2
    wv1_ref[...] = m1
    wv2_ref[...] = m2
    oh = (sel1 | sel2).astype(jnp.float32)
    SB = 128
    hi = jax.lax.Precision.HIGHEST
    ltri = (jax.lax.broadcasted_iota(jnp.int32, (SB, SB), 1)
            < jax.lax.broadcasted_iota(jnp.int32, (SB, SB), 0)
            ).astype(jnp.float32)
    ones_row = jnp.ones((1, SB), jnp.float32)
    carry = jnp.zeros((1, E), jnp.float32)
    parts = []
    for k in range(T // SB):
        blk = jax.lax.slice(oh, (k * SB, 0), ((k + 1) * SB, E))
        c = jax.lax.dot_general(ltri, blk,
                                (((1,), (0,)), ((), ()))) + carry
        parts.append(c)
        carry = carry + jax.lax.dot_general(ones_row, blk,
                                            (((1,), (0,)), ((), ())))
    cx = jnp.concatenate(parts, axis=0)
    totals_i = carry.astype(jnp.int32)
    pc = (jax.lax.shift_left(
        jax.lax.shift_right_logical(totals_i + (BM - 1), BMSH), BMSH)
          ).astype(jnp.float32)
    upper = (jax.lax.broadcasted_iota(jnp.int32, (E, E), 0)
             < jax.lax.broadcasted_iota(jnp.int32, (E, E), 1)).astype(
                 jnp.float32)
    po = jax.lax.dot_general(pc, upper, (((1,), (0,)), ((), ())),
                             precision=hi)
    slot = po + cx
    p0_ref[...] = jnp.sum(jnp.where(sel1, slot, 0.0), axis=-1,
                          keepdims=True).astype(jnp.int32)
    p1_ref[...] = jnp.sum(jnp.where(sel2, slot, 0.0), axis=-1,
                          keepdims=True).astype(jnp.int32)
    ends = po + pc
    bidx = (jax.lax.broadcasted_iota(jnp.int32, (64, E), 0)
            * BM).astype(jnp.float32)
    be_ref[...] = jnp.sum((bidx >= ends).astype(jnp.int32), axis=1,
                          keepdims=True)


def _gating(scores):
    return pl.pallas_call(
        _gating_body,
        in_specs=[pl.BlockSpec((T, E), lambda: (0, 0))],
        out_specs=[pl.BlockSpec((T, 1), lambda: (0, 0)),
                   pl.BlockSpec((T, 1), lambda: (0, 0)),
                   pl.BlockSpec((T, 1), lambda: (0, 0)),
                   pl.BlockSpec((T, 1), lambda: (0, 0)),
                   pl.BlockSpec((64, 1), lambda: (0, 0))],
        out_shape=[jax.ShapeDtypeStruct((T, 1), jnp.int32),
                   jax.ShapeDtypeStruct((T, 1), jnp.int32),
                   jax.ShapeDtypeStruct((T, 1), jnp.float32),
                   jax.ShapeDtypeStruct((T, 1), jnp.float32),
                   jax.ShapeDtypeStruct((64, 1), jnp.int32)],
    )(scores)


def _dispatch_body(x_hbm, p0_hbm, p1_hbm, xs_hbm, xrows, p0v, p1v,
                   sem0, sem1):
    wid = lax.axis_index("s") * 2 + lax.axis_index("c")
    base = wid * CHT
    xcp = pltpu.make_async_copy(x_hbm.at[pl.ds(base, CHT)], xrows, sem0)
    xcp.start()
    pltpu.sync_copy(p0_hbm.at[wid], p0v)
    pltpu.sync_copy(p1_hbm.at[wid], p1v)
    xcp.wait()
    cp0 = pltpu.make_async_copy(xrows, xs_hbm.at[p0v], sem0)
    cp1 = pltpu.make_async_copy(xrows, xs_hbm.at[p1v], sem1)
    cp0.start()
    cp1.start()
    cp0.wait()
    cp1.wait()


def _dispatch(xt, p0, p1):
    mesh = plsc.VectorSubcoreMesh(core_axis_name="c", subcore_axis_name="s")
    f = functools.partial(
        pl.kernel, mesh=mesh,
        out_type=jax.ShapeDtypeStruct((NSLOT, DIM), jnp.float32),
        scratch_types=[pltpu.VMEM((CHT, DIM), jnp.float32),
                       pltpu.VMEM((CHT,), jnp.int32),
                       pltpu.VMEM((CHT,), jnp.int32),
                       pltpu.SemaphoreType.DMA,
                       pltpu.SemaphoreType.DMA])(_dispatch_body)
    return f(xt, p0, p1)


def _grouped_body(be_ref, xs_ref, w1_ref, w2_ref, w3_ref, o_ref):
    xb = xs_ref[...]
    a = _dot(xb, w1_ref[0])
    b = _dot(xb, w3_ref[0])
    h = _silu(a) * b
    o_ref[...] = _dot(h, w2_ref[0])


def _grouped(xs, be, w1, w2, w3):
    we = lambda i, be: (jnp.minimum(be[i], E - 1), 0, 0)
    grid_spec = pltpu.PrefetchScalarGridSpec(
        num_scalar_prefetch=1,
        grid=(NBLK,),
        in_specs=[pl.BlockSpec((BM, DIM), lambda i, be: (i, 0)),
                  pl.BlockSpec((1, INTER, DIM), we),
                  pl.BlockSpec((1, DIM, INTER), we),
                  pl.BlockSpec((1, INTER, DIM), we)],
        out_specs=pl.BlockSpec((BM, DIM), lambda i, be: (i, 0)),
    )
    return pl.pallas_call(
        _grouped_body,
        grid_spec=grid_spec,
        out_shape=jax.ShapeDtypeStruct((NSLOT, DIM), jnp.float32),
    )(be, xs, w1, w2, w3)


def _combine_body(ys_hbm, p0_hbm, p1_hbm, wv1_hbm, wv2_hbm, yc_hbm,
                  g0, g1, idx0, idx1, wv0v, wv1v, sem0, sem1):
    wid = lax.axis_index("s") * 2 + lax.axis_index("c")
    base = wid * CHT
    lane = lax.iota(jnp.int32, 16)
    for h in range(2):
        pltpu.sync_copy(p0_hbm.at[wid, pl.ds(h * 32, 32)], idx0)
        pltpu.sync_copy(p1_hbm.at[wid, pl.ds(h * 32, 32)], idx1)
        pltpu.sync_copy(wv1_hbm.at[wid, pl.ds(h * 32, 32)], wv0v)
        pltpu.sync_copy(wv2_hbm.at[wid, pl.ds(h * 32, 32)], wv1v)
        cp0 = pltpu.make_async_copy(ys_hbm.at[idx0], g0, sem0)
        cp1 = pltpu.make_async_copy(ys_hbm.at[idx1], g1, sem1)
        cp0.start()
        cp1.start()
        cp0.wait()
        cp1.wait()
        def row_body(r, carry):
            cb = pl.multiple_of(jax.lax.shift_left(
                jax.lax.shift_right_logical(r, 4), 4), 16)
            rl = jax.lax.bitwise_and(r, 15)
            wc0 = wv0v[pl.ds(cb, 16)]
            wc1 = wv1v[pl.ds(cb, 16)]
            rsplat = jnp.full((16, 1), rl, jnp.int32)
            dnums = jax.lax.GatherDimensionNumbers(
                offset_dims=(), collapsed_slice_dims=(0,),
                start_index_map=(0,))
            w0 = jax.lax.gather(
                wc0, rsplat, dnums, (1,),
                mode=jax.lax.GatherScatterMode.PROMISE_IN_BOUNDS)
            w1 = jax.lax.gather(
                wc1, rsplat, dnums, (1,),
                mode=jax.lax.GatherScatterMode.PROMISE_IN_BOUNDS)
            for c in range(DIM // 16):
                sl = pl.ds(c * 16, 16)
                g0[r, sl] = w0 * g0[r, sl] + w1 * g1[r, sl]
            return carry

        lax.fori_loop(0, 32, row_body, 0)
        pltpu.sync_copy(g0, yc_hbm.at[pl.ds(base + h * 32, 32)])


def _combine(ys, p0, p1, wv1, wv2):
    mesh = plsc.VectorSubcoreMesh(core_axis_name="c", subcore_axis_name="s")
    f = functools.partial(
        pl.kernel, mesh=mesh,
        out_type=jax.ShapeDtypeStruct((T, DIM), jnp.float32),
        scratch_types=[pltpu.VMEM((32, DIM), jnp.float32),
                       pltpu.VMEM((32, DIM), jnp.float32),
                       pltpu.VMEM((32,), jnp.int32),
                       pltpu.VMEM((32,), jnp.int32),
                       pltpu.VMEM((32,), jnp.float32),
                       pltpu.VMEM((32,), jnp.float32),
                       pltpu.SemaphoreType.DMA,
                       pltpu.SemaphoreType.DMA])(_combine_body)
    return f(ys, p0, p1, wv1, wv2)


def _shared_body(x_ref, y_ref, ws1_ref, ws2_ref, ws3_ref, o_ref):
    xb = x_ref[...]
    a = _dot(xb, ws1_ref[...])
    b = _dot(xb, ws3_ref[...])
    zh = _silu(a) * b
    o_ref[...] = y_ref[...] + _dot(zh, ws2_ref[...])


def _shared(xt, yc, ws1, ws2, ws3):
    grid = (T // TB,)
    xspec = pl.BlockSpec((TB, DIM), lambda i: (i, 0))
    full = lambda s: pl.BlockSpec(s, lambda i: (0,) * len(s))
    return pl.pallas_call(
        _shared_body,
        grid=grid,
        in_specs=[xspec, xspec, full((SHARED_INTER, DIM)),
                  full((DIM, SHARED_INTER)), full((SHARED_INTER, DIM))],
        out_specs=xspec,
        out_shape=jax.ShapeDtypeStruct((T, DIM), jnp.float32),
    )(xt, yc, ws1, ws2, ws3)


@jax.jit
def kernel(x, gate_w, w1, w2, w3, ws1, ws2, ws3):
    shape = x.shape
    xt = x.reshape(-1, DIM)
    scores = xt @ gate_w.T
    p0, p1, wv1, wv2, be2d = _gating(scores)
    p0 = p0.reshape(NCHUNK, CHT)
    p1 = p1.reshape(NCHUNK, CHT)
    wv1 = wv1.reshape(NCHUNK, CHT)
    wv2 = wv2.reshape(NCHUNK, CHT)
    be = be2d.reshape(-1)[:NBLK]
    xs = _dispatch(xt, p0, p1)
    ys = _grouped(xs, be, w1, w2, w3)
    yc = _combine(ys, p0, p1, wv1, wv2)
    out = _shared(xt, yc, ws1, ws2, ws3)
    return out.reshape(shape)

# --- scband reference (transcript-rebuilt; emitter-appended) ---
"""Pipeline reference for scband-mo-e-50946902065666 (READ-ONLY COPY).

The authoritative reference and input builder live on the scoring server;
editing this copy changes nothing except your own understanding.
"""

import jax, jax.numpy as jnp
import numpy as np

DIM = 1024
INTER = 512
E = 8
TOPK = 2
SHARED_INTER = 2 * INTER  # n_shared_experts * moe_inter_dim
ROUTE_SCALE = 1.0


def _xavier(key, shape):
    # torch xavier_uniform_ on (out_features, in_features)
    fan_out, fan_in = shape[-2], shape[-1]
    a = (6.0 / (fan_in + fan_out)) ** 0.5
    return jax.random.uniform(key, shape, minval=-a, maxval=a, dtype=jnp.float32)


def setup_inputs(seed: int = 0) -> dict:
    key = jax.random.key(seed)
    ks = jax.random.split(key, 8)
    x = jax.random.normal(ks[0], (1, 2048, DIM), dtype=jnp.float32)
    gate_w = _xavier(ks[1], (E, DIM))
    w1 = _xavier(ks[2], (E, INTER, DIM))
    w2 = _xavier(ks[3], (E, DIM, INTER))
    w3 = _xavier(ks[4], (E, INTER, DIM))
    ws1 = _xavier(ks[5], (SHARED_INTER, DIM))
    ws2 = _xavier(ks[6], (DIM, SHARED_INTER))
    ws3 = _xavier(ks[7], (SHARED_INTER, DIM))
    return {"x": x, "gate_w": gate_w, "w1": w1, "w2": w2, "w3": w3,
            "ws1": ws1, "ws2": ws2, "ws3": ws3}


def reference(x, gate_w, w1, w2, w3, ws1, ws2, ws3):
    shape = x.shape
    xt = x.reshape(-1, DIM)
    # Gate: linear -> softmax (fp32) -> topk; weights gathered from original scores
    scores = xt @ gate_w.T
    probs = jax.nn.softmax(scores.astype(jnp.float32), axis=-1)
    # n_groups == 1, bias is None (dim != 7168): plain top-k on probs
    weights, indices = jax.lax.top_k(probs, TOPK)
    weights = weights.astype(x.dtype) * ROUTE_SCALE  # [T, TOPK]
    # Routed experts: y[t] += w_e[t] * Expert_e(x[t]) for selected experts
    y = jnp.zeros_like(xt)
    for e in range(E):
        we = jnp.sum(jnp.where(indices == e, weights, jnp.zeros_like(weights)), axis=-1)  # [T]
        h = jax.nn.silu(xt @ w1[e].T) * (xt @ w3[e].T)
        y = y + we[:, None] * (h @ w2[e].T)
    # Shared experts MLP
    zh = jax.nn.silu(xt @ ws1.T) * (xt @ ws3.T)
    z = zh @ ws2.T
    return (y + z).reshape(shape)

if __name__ == "__main__":
    import jax
    _d = setup_inputs()
    print(jax.jit(kernel)(*tuple(_d.values())))

</pallas_src>

<mosaic_0001>
#map = affine_map<(d0, d1) -> (0, 0)>
module attributes {stable_mosaic.version = 14 : i64} {
  func.func @_combine_body(%arg0: i32, %arg1: i32, %arg2: memref<5888x1024xf32, #tpu.memory_space<hbm>>, %arg3: memref<32x64xi32, #tpu.memory_space<hbm>>, %arg4: memref<32x64xi32, #tpu.memory_space<hbm>>, %arg5: memref<32x64xf32, #tpu.memory_space<hbm>>, %arg6: memref<32x64xf32, #tpu.memory_space<hbm>>, %arg7: memref<2048x1024xf32, #tpu.memory_space<hbm>>, %arg8: memref<32x1024xf32, #tpu.memory_space<vmem>>, %arg9: memref<32x1024xf32, #tpu.memory_space<vmem>>, %arg10: memref<32xi32, #tpu.memory_space<vmem>>, %arg11: memref<32xi32, #tpu.memory_space<vmem>>, %arg12: memref<32xf32, #tpu.memory_space<vmem>>, %arg13: memref<32xf32, #tpu.memory_space<vmem>>, %arg14: memref<!tpu.dma_semaphore, #tpu.memory_space<semaphore_mem>>, %arg15: memref<!tpu.dma_semaphore, #tpu.memory_space<semaphore_mem>>) attributes {dimension_semantics = [#tpu.dimension_semantics<core_parallel>, #tpu.dimension_semantics<subcore_parallel>], iteration_bounds = array<i64: 2, 16>, scalar_prefetch = 0 : i64, scratch_operands = 8 : i64, tpu.core_type = #tpu.core_type<sc_vector_subcore>, window_params = [{transform_indices = #map}, {transform_indices = #map}, {transform_indices = #map}, {transform_indices = #map}, {transform_indices = #map}, {transform_indices = #map}]} {
    %mul3A = arith.constant 2 : i32
    %mul3A_0 = arith.muli %arg1, %mul3A : i32
    %add3A = arith.addi %mul3A_0, %arg0 : i32
    %mul3A_1 = arith.constant 64 : i32
    %mul3A_2 = arith.muli %add3A, %mul3A_1 : i32
    %iota3A = tpu.iota {dimensions = array<i32: 0>} : vector<16xi32>
    "tpu.region"() ({
      %run_scoped3A = tpu.sem_alloc : memref<!tpu.dma_semaphore, #tpu.memory_space<semaphore_mem>>
      %dma_start3A_40 = arith.constant 0 : i32
      %dma_start3A_41 = tpu.memref_slice %arg3[%add3A, %dma_start3A_40] : memref<32x64xi32, #tpu.memory_space<hbm>> -> memref<1x32xi32, #tpu.memory_space<hbm>>
      %dma_start3A_42 = tpu.memref_squeeze %dma_start3A_41 : memref<1x32xi32, #tpu.memory_space<hbm>> -> memref<32xi32, #tpu.memory_space<hbm>>
      %dma_start3A_43 = arith.constant 0 : i32
      %dma_start3A_44 = tpu.memref_slice %arg3[%add3A, %dma_start3A_43] : memref<32x64xi32, #tpu.memory_space<hbm>> -> memref<1x32xi32, #tpu.memory_space<hbm>>
      %dma_start3A_45 = tpu.memref_squeeze %dma_start3A_44 : memref<1x32xi32, #tpu.memory_space<hbm>> -> memref<32xi32, #tpu.memory_space<hbm>>
      tpu.enqueue_dma source(%dma_start3A_45 : memref<32xi32, #tpu.memory_space<hbm>>) target(%arg10 : memref<32xi32, #tpu.memory_space<vmem>>) target_semaphore(%run_scoped3A : memref<!tpu.dma_semaphore, #tpu.memory_space<semaphore_mem>>)
      %dma_wait3A_46 = arith.constant 0 : i32
      %dma_wait3A_47 = tpu.memref_slice %arg3[%add3A, %dma_wait3A_46] : memref<32x64xi32, #tpu.memory_space<hbm>> -> memref<1x32xi32, #tpu.memory_space<hbm>>
      %dma_wait3A_48 = tpu.memref_squeeze %dma_wait3A_47 : memref<1x32xi32, #tpu.memory_space<hbm>> -> memref<32xi32, #tpu.memory_space<hbm>>
      %dma_wait3A_49 = arith.constant 0 : i32
      %dma_wait3A_50 = tpu.memref_slice %arg3[%add3A, %dma_wait3A_49] : memref<32x64xi32, #tpu.memory_space<hbm>> -> memref<1x32xi32, #tpu.memory_space<hbm>>
      %dma_wait3A_51 = tpu.memref_squeeze %dma_wait3A_50 : memref<1x32xi32, #tpu.memory_space<hbm>> -> memref<32xi32, #tpu.memory_space<hbm>>
      tpu.wait_dma2 semaphore(%run_scoped3A : memref<!tpu.dma_semaphore, #tpu.memory_space<semaphore_mem>>) src(%dma_wait3A_51 : memref<32xi32, #tpu.memory_space<hbm>>) dst(%arg10 : memref<32xi32, #tpu.memory_space<vmem>>)
      tpu.yield
    }) : () -> ()
    "tpu.region"() ({
      %run_scoped3A = tpu.sem_alloc : memref<!tpu.dma_semaphore, #tpu.memory_space<semaphore_mem>>
      %dma_start3A_40 = arith.constant 0 : i32
      %dma_start3A_41 = tpu.memref_slice %arg4[%add3A, %dma_start3A_40] : memref<32x64xi32, #tpu.memory_space<hbm>> -> memref<1x32xi32, #tpu.memory_space<hbm>>
      %dma_start3A_42 = tpu.memref_squeeze %dma_start3A_41 : memref<1x32xi32, #tpu.memory_space<hbm>> -> memref<32xi32, #tpu.memory_space<hbm>>
      %dma_start3A_43 = arith.constant 0 : i32
      %dma_start3A_44 = tpu.memref_slice %arg4[%add3A, %dma_start3A_43] : memref<32x64xi32, #tpu.memory_space<hbm>> -> memref<1x32xi32, #tpu.memory_space<hbm>>
      %dma_start3A_45 = tpu.memref_squeeze %dma_start3A_44 : memref<1x32xi32, #tpu.memory_space<hbm>> -> memref<32xi32, #tpu.memory_space<hbm>>
      tpu.enqueue_dma source(%dma_start3A_45 : memref<32xi32, #tpu.memory_space<hbm>>) target(%arg11 : memref<32xi32, #tpu.memory_space<vmem>>) target_semaphore(%run_scoped3A : memref<!tpu.dma_semaphore, #tpu.memory_space<semaphore_mem>>)
      %dma_wait3A_46 = arith.constant 0 : i32
      %dma_wait3A_47 = tpu.memref_slice %arg4[%add3A, %dma_wait3A_46] : memref<32x64xi32, #tpu.memory_space<hbm>> -> memref<1x32xi32, #tpu.memory_space<hbm>>
      %dma_wait3A_48 = tpu.memref_squeeze %dma_wait3A_47 : memref<1x32xi32, #tpu.memory_space<hbm>> -> memref<32xi32, #tpu.memory_space<hbm>>
      %dma_wait3A_49 = arith.constant 0 : i32
      %dma_wait3A_50 = tpu.memref_slice %arg4[%add3A, %dma_wait3A_49] : memref<32x64xi32, #tpu.memory_space<hbm>> -> memref<1x32xi32, #tpu.memory_space<hbm>>
      %dma_wait3A_51 = tpu.memref_squeeze %dma_wait3A_50 : memref<1x32xi32, #tpu.memory_space<hbm>> -> memref<32xi32, #tpu.memory_space<hbm>>
      tpu.wait_dma2 semaphore(%run_scoped3A : memref<!tpu.dma_semaphore, #tpu.memory_space<semaphore_mem>>) src(%dma_wait3A_51 : memref<32xi32, #tpu.memory_space<hbm>>) dst(%arg11 : memref<32xi32, #tpu.memory_space<vmem>>)
      tpu.yield
    }) : () -> ()
    "tpu.region"() ({
      %run_scoped3A = tpu.sem_alloc : memref<!tpu.dma_semaphore, #tpu.memory_space<semaphore_mem>>
      %dma_start3A_40 = arith.constant 0 : i32
      %dma_start3A_41 = tpu.memref_slice %arg5[%add3A, %dma_start3A_40] : memref<32x64xf32, #tpu.memory_space<hbm>> -> memref<1x32xf32, #tpu.memory_space<hbm>>
      %dma_start3A_42 = tpu.memref_squeeze %dma_start3A_41 : memref<1x32xf32, #tpu.memory_space<hbm>> -> memref<32xf32, #tpu.memory_space<hbm>>
      %dma_start3A_43 = arith.constant 0 : i32
      %dma_start3A_44 = tpu.memref_slice %arg5[%add3A, %dma_start3A_43] : memref<32x64xf32, #tpu.memory_space<hbm>> -> memref<1x32xf32, #tpu.memory_space<hbm>>
      %dma_start3A_45 = tpu.memref_squeeze %dma_start3A_44 : memref<1x32xf32, #tpu.memory_space<hbm>> -> memref<32xf32, #tpu.memory_space<hbm>>
      tpu.enqueue_dma source(%dma_start3A_45 : memref<32xf32, #tpu.memory_space<hbm>>) target(%arg12 : memref<32xf32, #tpu.memory_space<vmem>>) target_semaphore(%run_scoped3A : memref<!tpu.dma_semaphore, #tpu.memory_space<semaphore_mem>>)
      %dma_wait3A_46 = arith.constant 0 : i32
      %dma_wait3A_47 = tpu.memref_slice %arg5[%add3A, %dma_wait3A_46] : memref<32x64xf32, #tpu.memory_space<hbm>> -> memref<1x32xf32, #tpu.memory_space<hbm>>
      %dma_wait3A_48 = tpu.memref_squeeze %dma_wait3A_47 : memref<1x32xf32, #tpu.memory_space<hbm>> -> memref<32xf32, #tpu.memory_space<hbm>>
      %dma_wait3A_49 = arith.constant 0 : i32
      %dma_wait3A_50 = tpu.memref_slice %arg5[%add3A, %dma_wait3A_49] : memref<32x64xf32, #tpu.memory_space<hbm>> -> memref<1x32xf32, #tpu.memory_space<hbm>>
      %dma_wait3A_51 = tpu.memref_squeeze %dma_wait3A_50 : memref<1x32xf32, #tpu.memory_space<hbm>> -> memref<32xf32, #tpu.memory_space<hbm>>
      tpu.wait_dma2 semaphore(%run_scoped3A : memref<!tpu.dma_semaphore, #tpu.memory_space<semaphore_mem>>) src(%dma_wait3A_51 : memref<32xf32, #tpu.memory_space<hbm>>) dst(%arg12 : memref<32xf32, #tpu.memory_space<vmem>>)
      tpu.yield
    }) : () -> ()
    "tpu.region"() ({
      %run_scoped3A = tpu.sem_alloc : memref<!tpu.dma_semaphore, #tpu.memory_space<semaphore_mem>>
      %dma_start3A_40 = arith.constant 0 : i32
      %dma_start3A_41 = tpu.memref_slice %arg6[%add3A, %dma_start3A_40] : memref<32x64xf32, #tpu.memory_space<hbm>> -> memref<1x32xf32, #tpu.memory_space<hbm>>
      %dma_start3A_42 = tpu.memref_squeeze %dma_start3A_41 : memref<1x32xf32, #tpu.memory_space<hbm>> -> memref<32xf32, #tpu.memory_space<hbm>>
      %dma_start3A_43 = arith.constant 0 : i32
      %dma_start3A_44 = tpu.memref_slice %arg6[%add3A, %dma_start3A_43] : memref<32x64xf32, #tpu.memory_space<hbm>> -> memref<1x32xf32, #tpu.memory_space<hbm>>
      %dma_start3A_45 = tpu.memref_squeeze %dma_start3A_44 : memref<1x32xf32, #tpu.memory_space<hbm>> -> memref<32xf32, #tpu.memory_space<hbm>>
      tpu.enqueue_dma source(%dma_start3A_45 : memref<32xf32, #tpu.memory_space<hbm>>) target(%arg13 : memref<32xf32, #tpu.memory_space<vmem>>) target_semaphore(%run_scoped3A : memref<!tpu.dma_semaphore, #tpu.memory_space<semaphore_mem>>)
      %dma_wait3A_46 = arith.constant 0 : i32
      %dma_wait3A_47 = tpu.memref_slice %arg6[%add3A, %dma_wait3A_46] : memref<32x64xf32, #tpu.memory_space<hbm>> -> memref<1x32xf32, #tpu.memory_space<hbm>>
      %dma_wait3A_48 = tpu.memref_squeeze %dma_wait3A_47 : memref<1x32xf32, #tpu.memory_space<hbm>> -> memref<32xf32, #tpu.memory_space<hbm>>
      %dma_wait3A_49 = arith.constant 0 : i32
      %dma_wait3A_50 = tpu.memref_slice %arg6[%add3A, %dma_wait3A_49] : memref<32x64xf32, #tpu.memory_space<hbm>> -> memref<1x32xf32, #tpu.memory_space<hbm>>
      %dma_wait3A_51 = tpu.memref_squeeze %dma_wait3A_50 : memref<1x32xf32, #tpu.memory_space<hbm>> -> memref<32xf32, #tpu.memory_space<hbm>>
      tpu.wait_dma2 semaphore(%run_scoped3A : memref<!tpu.dma_semaphore, #tpu.memory_space<semaphore_mem>>) src(%dma_wait3A_51 : memref<32xf32, #tpu.memory_space<hbm>>) dst(%arg13 : memref<32xf32, #tpu.memory_space<vmem>>)
      tpu.yield
    }) : () -> ()
    %dma_start3A = arith.constant 0 : i32
    %dma_start3A_3 = arith.constant 0 : i32
    %dma_start3A_4 = tpu.memref_slice %arg2[%dma_start3A, %dma_start3A_3] : memref<5888x1024xf32, #tpu.memory_space<hbm>> -> memref<5888x1024xf32, #tpu.memory_space<hbm>>
    tpu.enqueue_indirect_dma source(%dma_start3A_4 : memref<5888x1024xf32, #tpu.memory_space<hbm>>) target(%arg8 : memref<32x1024xf32, #tpu.memory_space<vmem>>) offsets(%arg10 : memref<32xi32, #tpu.memory_space<vmem>>) semaphore(%arg14 : memref<!tpu.dma_semaphore, #tpu.memory_space<semaphore_mem>>)
    %dma_start3A_5 = arith.constant 0 : i32
    %dma_start3A_6 = arith.constant 0 : i32
    %dma_start3A_7 = tpu.memref_slice %arg2[%dma_start3A_5, %dma_start3A_6] : memref<5888x1024xf32, #tpu.memory_space<hbm>> -> memref<5888x1024xf32, #tpu.memory_space<hbm>>
    tpu.enqueue_indirect_dma source(%dma_start3A_7 : memref<5888x1024xf32, #tpu.memory_space<hbm>>) target(%arg9 : memref<32x1024xf32, #tpu.memory_space<vmem>>) offsets(%arg11 : memref<32xi32, #tpu.memory_space<vmem>>) semaphore(%arg15 : memref<!tpu.dma_semaphore, #tpu.memory_space<semaphore_mem>>)
    %dma_wait3A = arith.constant 0 : i32
    %dma_wait3A_8 = arith.constant 0 : i32
    %dma_wait3A_9 = tpu.memref_slice %arg2[%dma_wait3A, %dma_wait3A_8] : memref<5888x1024xf32, #tpu.memory_space<hbm>> -> memref<5888x1024xf32, #tpu.memory_space<hbm>>
    tpu.wait_indirect_dma semaphore(%arg14 : memref<!tpu.dma_semaphore, #tpu.memory_space<semaphore_mem>>) src(%dma_wait3A_9 : memref<5888x1024xf32, #tpu.memory_space<hbm>>) dst(%arg8 : memref<32x1024xf32, #tpu.memory_space<vmem>>)
    %dma_wait3A_10 = arith.constant 0 : i32
    %dma_wait3A_11 = arith.constant 0 : i32
    %dma_wait3A_12 = tpu.memref_slice %arg2[%dma_wait3A_10, %dma_wait3A_11] : memref<5888x1024xf32, #tpu.memory_space<hbm>> -> memref<5888x1024xf32, #tpu.memory_space<hbm>>
    tpu.wait_indirect_dma semaphore(%arg15 : memref<!tpu.dma_semaphore, #tpu.memory_space<semaphore_mem>>) src(%dma_wait3A_12 : memref<5888x1024xf32, #tpu.memory_space<hbm>>) dst(%arg9 : memref<32x1024xf32, #tpu.memory_space<vmem>>)
    %scan3A = arith.constant 0 : i32
    %scan3A_13 = arith.constant 0 : i32
    %scan3A_14 = arith.constant 32 : i32
    %scan3A_15 = arith.addi %scan3A_13, %scan3A_14 : i32
    %scan3A_16 = arith.constant 1 : i32
    scf.for %scan3A_40 = %scan3A_13 to %scan3A_15 step %scan3A_16  : i32 {
      %shift_right_logical3A = arith.constant 4 : i32
      %shift_right_logical3A_41 = arith.shrui %scan3A_40, %shift_right_logical3A : i32
      %shift_left3A = arith.constant 4 : i32
      %shift_left3A_42 = arith.shli %shift_right_logical3A_41, %shift_left3A : i32
      %multiple_of3A = tpu.assume_multiple %shift_left3A_42, 16 : i32
      %and3A = arith.constant 15 : i32
      %and3A_43 = arith.andi %scan3A_40, %and3A : i32
      %get3A = arith.index_cast %multiple_of3A : i32 to index
      %get3A_44 = tpu.vector_load %arg12[%get3A] {strides = array<i32>} : memref<32xf32, #tpu.memory_space<vmem>>, vector<16xf32>,
      %get3A_45 = vector.shape_cast %get3A_44 : vector<16xf32> to vector<16xf32>
      %get3A_46 = arith.index_cast %multiple_of3A : i32 to index
      %get3A_47 = tpu.vector_load %arg13[%get3A_46] {strides = array<i32>} : memref<32xf32, #tpu.memory_space<vmem>>, vector<16xf32>,
      %get3A_48 = vector.shape_cast %get3A_47 : vector<16xf32> to vector<16xf32>
      %broadcast_in_dim3A = vector.broadcast %and3A_43 : i32 to vector<16x1xi32>
      %gather3A = vector.shape_cast %broadcast_in_dim3A : vector<16x1xi32> to vector<16xi32>
      %gather3A_49 = tpu.dynamic_gather %get3A_45[%gather3A] in [0] : vector<16xf32>, vector<16xi32> -> vector<16xf32>
      %gather3A_50 = vector.shape_cast %broadcast_in_dim3A : vector<16x1xi32> to vector<16xi32>
      %gather3A_51 = tpu.dynamic_gather %get3A_48[%gather3A_50] in [0] : vector<16xf32>, vector<16xi32> -> vector<16xf32>
      %get3A_52 = arith.index_cast %scan3A_40 : i32 to index
      %get3A_53 = arith.constant 0 : index
      %get3A_54 = tpu.vector_load %arg8[%get3A_52, %get3A_53] {strides = array<i32>} : memref<32x1024xf32, #tpu.memory_space<vmem>>, vector<1x16xf32>,
      %get3A_55 = vector.shape_cast %get3A_54 : vector<1x16xf32> to vector<16xf32>
      %mul3A_56 = arith.mulf %gather3A_49, %get3A_55 : vector<16xf32>
      %get3A_57 = arith.index_cast %scan3A_40 : i32 to index
      %get3A_58 = arith.constant 0 : index
      %get3A_59 = tpu.vector_load %arg9[%get3A_57, %get3A_58] {strides = array<i32>} : memref<32x1024xf32, #tpu.memory_space<vmem>>, vector<1x16xf32>,
      %get3A_60 = vector.shape_cast %get3A_59 : vector<1x16xf32> to vector<16xf32>
      %mul3A_61 = arith.mulf %gather3A_51, %get3A_60 : vector<16xf32>
      %add3A_62 = arith.addf %mul3A_56, %mul3A_61 : vector<16xf32>
      %swap3A = arith.index_cast %scan3A_40 : i32 to index
      %swap3A_63 = arith.constant 0 : index
      %swap3A_64 = tpu.vector_load %arg8[%swap3A, %swap3A_63] {strides = array<i32>} : memref<32x1024xf32, #tpu.memory_space<vmem>>, vector<1x16xf32>,
      %swap3A_65 = vector.shape_cast %swap3A_64 : vector<1x16xf32> to vector<16xf32>
      %swap3A_66 = vector.shape_cast %add3A_62 : vector<16xf32> to vector<1x16xf32>
      tpu.vector_store %arg8[%swap3A, %swap3A_63], %swap3A_66 {strides = array<i32>} : memref<32x1024xf32, #tpu.memory_space<vmem>>, vector<1x16xf32>,
      %get3A_67 = arith.index_cast %scan3A_40 : i32 to index
      %get3A_68 = arith.constant 16 : index
      %get3A_69 = tpu.vector_load %arg8[%get3A_67, %get3A_68] {strides = array<i32>} : memref<32x1024xf32, #tpu.memory_space<vmem>>, vector<1x16xf32>,
      %get3A_70 = vector.shape_cast %get3A_69 : vector<1x16xf32> to vector<16xf32>
      %mul3A_71 = arith.mulf %gather3A_49, %get3A_70 : vector<16xf32>
      %get3A_72 = arith.index_cast %scan3A_40 : i32 to index
      %get3A_73 = arith.constant 16 : index
      %get3A_74 = tpu.vector_load %arg9[%get3A_72, %get3A_73] {strides = array<i32>} : memref<32x1024xf32, #tpu.memory_space<vmem>>, vector<1x16xf32>,
      %get3A_75 = vector.shape_cast %get3A_74 : vector<1x16xf32> to vector<16xf32>
      %mul3A_76 = arith.mulf %gather3A_51, %get3A_75 : vector<16xf32>
      %add3A_77 = arith.addf %mul3A_71, %mul3A_76 : vector<16xf32>
      %swap3A_78 = arith.index_cast %scan3A_40 : i32 to index
      %swap3A_79 = arith.constant 16 : index
      %swap3A_80 = tpu.vector_load %arg8[%swap3A_78, %swap3A_79] {strides = array<i32>} : memref<32x1024xf32, #tpu.memory_space<vmem>>, vector<1x16xf32>,
      %swap3A_81 = vector.shape_cast %swap3A_80 : vector<1x16xf32> to vector<16xf32>
      %swap3A_82 = vector.shape_cast %add3A_77 : vector<16xf32> to vector<1x16xf32>
      tpu.vector_store %arg8[%swap3A_78, %swap3A_79], %swap3A_82 {strides = array<i32>} : memref<32x1024xf32, #tpu.memory_space<vmem>>, vector<1x16xf32>,
      %get3A_83 = arith.index_cast %scan3A_40 : i32 to index
      %get3A_84 = arith.constant 32 : index
      %get3A_85 = tpu.vector_load %arg8[%get3A_83, %get3A_84] {strides = array<i32>} : memref<32x1024xf32, #tpu.memory_space<vmem>>, vector<1x16xf32>,
      %get3A_86 = vector.shape_cast %get3A_85 : vector<1x16xf32> to vector<16xf32>
      %mul3A_87 = arith.mulf %gather3A_49, %get3A_86 : vector<16xf32>
      %get3A_88 = arith.index_cast %scan3A_40 : i32 to index
      %get3A_89 = arith.constant 32 : index
      %get3A_90 = tpu.vector_load %arg9[%get3A_88, %get3A_89] {strides = array<i32>} : memref<32x1024xf32, #tpu.memory_space<vmem>>, vector<1x16xf32>,
      %get3A_91 = vector.shape_cast %get3A_90 : vector<1x16xf32> to vector<16xf32>
      %mul3A_92 = arith.mulf %gather3A_51, %get3A_91 : vector<16xf32>
      %add3A_93 = arith.addf %mul3A_87, %mul3A_92 : vector<16xf32>
      %swap3A_94 = arith.index_cast %scan3A_40 : i32 to index
      %swap3A_95 = arith.constant 32 : index
      %swap3A_96 = tpu.vector_load %arg8[%swap3A_94, %swap3A_95] {strides = array<i32>} : memref<32x1024xf32, #tpu.memory_space<vmem>>, vector<1x16xf32>,
      %swap3A_97 = vector.shape_cast %swap3A_96 : vector<1x16xf32> to vector<16xf32>
      %swap3A_98 = vector.shape_cast %add3A_93 : vector<16xf32> to vector<1x16xf32>
      tpu.vector_store %arg8[%swap3A_94, %swap3A_95], %swap3A_98 {strides = array<i32>} : memref<32x1024xf32, #tpu.memory_space<vmem>>, vector<1x16xf32>,
      %get3A_99 = arith.index_cast %scan3A_40 : i32 to index
      %get3A_100 = arith.constant 48 : index
      %get3A_101 = tpu.vector_load %arg8[%get3A_99, %get3A_100] {strides = array<i32>} : memref<32x1024xf32, #tpu.memory_space<vmem>>, vector<1x16xf32>,
      %get3A_102 = vector.shape_cast %get3A_101 : vector<1x16xf32> to vector<16xf32>
      %mul3A_103 = arith.mulf %gather3A_49, %get3A_102 : vector<16xf32>
      %get3A_104 = arith.index_cast %scan3A_40 : i32 to index
      %get3A_105 = arith.constant 48 : index
      %get3A_106 = tpu.vector_load %arg9[%get3A_104, %get3A_105] {strides = array<i32>} : memref<32x1024xf32, #tpu.memory_space<vmem>>, vector<1x16xf32>,
      %get3A_107 = vector.shape_cast %get3A_106 : vector<1x16xf32> to vector<16xf32>
      %mul3A_108 = arith.mulf %gather3A_51, %get3A_107 : vector<16xf32>
      %add3A_109 = arith.addf %mul3A_103, %mul3A_108 : vector<16xf32>
      %swap3A_110 = arith.index_cast %scan3A_40 : i32 to index
      %swap3A_111 = arith.constant 48 : index
      %swap3A_112 = tpu.vector_load %arg8[%swap3A_110, %swap3A_111] {strides = array<i32>} : memref<32x1024xf32, #tpu.memory_space<vmem>>, vector<1x16xf32>,
      %swap3A_113 = vector.shape_cast %swap3A_112 : vector<1x16xf32> to vector<16xf32>
      %swap3A_114 = vector.shape_cast %add3A_109 : vector<16xf32> to vector<1x16xf32>
      tpu.vector_store %arg8[%swap3A_110, %swap3A_111], %swap3A_114 {strides = array<i32>} : memref<32x1024xf32, #tpu.memory_space<vmem>>, vector<1x16xf32>,
      %get3A_115 = arith.index_cast %scan3A_40 : i32 to index
      %get3A_116 = arith.constant 64 : index
      %get3A_117 = tpu.vector_load %arg8[%get3A_115, %get3A_116] {strides = array<i32>} : memref<32x1024xf32, #tpu.memory_space<vmem>>, vector<1x16xf32>,
      %get3A_118 = vector.shape_cast %get3A_117 : vector<1x16xf32> to vector<16xf32>
      %mul3A_119 = arith.mulf %gather3A_49, %get3A_118 : vector<16xf32>
      %get3A_120 = arith.index_cast %scan3A_40 : i32 to index
      %get3A_121 = arith.constant 64 : index
      %get3A_122 = tpu.vector_load %arg9[%get3A_120, %get3A_121] {strides = array<i32>} : memref<32x1024xf32, #tpu.memory_space<vmem>>, vector<1x16xf32>,
      %get3A_123 = vector.shape_cast %get3A_122 : vector<1x16xf32> to vector<16xf32>
      %mul3A_124 = arith.mulf %gather3A_51, %get3A_123 : vector<16xf32>
      %add3A_125 = arith.addf %mul3A_119, %mul3A_124 : vector<16xf32>
      %swap3A_126 = arith.index_cast %scan3A_40 : i32 to index
      %swap3A_127 = arith.constant 64 : index
      %swap3A_128 = tpu.vector_load %arg8[%swap3A_126, %swap3A_127] {strides = array<i32>} : memref<32x1024xf32, #tpu.memory_space<vmem>>, vector<1x16xf32>,
      %swap3A_129 = vector.shape_cast %swap3A_128 : vector<1x16xf32> to vector<16xf32>
      %swap3A_130 = vector.shape_cast %add3A_125 : vector<16xf32> to vector<1x16xf32>
      tpu.vector_store %arg8[%swap3A_126, %swap3A_127], %swap3A_130 {strides = array<i32>} : memref<32x1024xf32, #tpu.memory_space<vmem>>, vector<1x16xf32>,
      %get3A_131 = arith.index_cast %scan3A_40 : i32 to index
      %get3A_132 = arith.constant 80 : index
      %get3A_133 = tpu.vector_load %arg8[%get3A_131, %get3A_132] {strides = array<i32>} : memref<32x1024xf32, #tpu.memory_space<vmem>>, vector<1x16xf32>,
      %get3A_134 = vector.shape_cast %get3A_133 : vector<1x16xf32> to vector<16xf32>
      %mul3A_135 = arith.mulf %gather3A_49, %get3A_134 : vector<16xf32>
      %get3A_136 = arith.index_cast %scan3A_40 : i32 to index
      %get3A_137 = arith.constant 80 : index
      %get3A_138 = tpu.vector_load %arg9[%get3A_136, %get3A_137] {strides = array<i32>} : memref<32x1024xf32, #tpu.memory_space<vmem>>, vector<1x16xf32>,
      %get3A_139 = vector.shape_cast %get3A_138 : vector<1x16xf32> to vector<16xf32>
      %mul3A_140 = arith.mulf %gather3A_51, %get3A_139 : vector<16xf32>
      %add3A_141 = arith.addf %mul3A_135, %mul3A_140 : vector<16xf32>
      %swap3A_142 = arith.index_cast %scan3A_40 : i32 to index
      %swap3A_143 = arith.constant 80 : index
      %swap3A_144 = tpu.vector_load %arg8[%swap3A_142, %swap3A_143] {strides = array<i32>} : memref<32x1024xf32, #tpu.memory_space<vmem>>, vector<1x16xf32>,
      %swap3A_145 = vector.shape_cast %swap3A_144 : vector<1x16xf32> to vector<16xf32>
      %swap3A_146 = vector.shape_cast %add3A_141 : vector<16xf32> to vector<1x16xf32>
      tpu.vector_store %arg8[%swap3A_142, %swap3A_143], %swap3A_146 {strides = array<i32>} : memref<32x1024xf32, #tpu.memory_space<vmem>>, vector<1x16xf32>,
      %get3A_147 = arith.index_cast %scan3A_40 : i32 to index
      %get3A_148 = arith.constant 96 : index
      %get3A_149 = tpu.vector_load %arg8[%get3A_147, %get3A_148] {strides = array<i32>} : memref<32x1024xf32, #tpu.memory_space<vmem>>, vector<1x16xf32>,
      %get3A_150 = vector.shape_cast %get3A_149 : vector<1x16xf32> to vector<16xf32>
      %mul3A_151 = arith.mulf %gather3A_49, %get3A_150 : vector<16xf32>
      %get3A_152 = arith.index_cast %scan3A_40 : i32 to index
      %get3A_153 = arith.constant 96 : index
      %get3A_154 = tpu.vector_load %arg9[%get3A_152, %get3A_153] {strides = array<i32>} : memref<32x1024xf32, #tpu.memory_space<vmem>>, vector<1x16xf32>,
      %get3A_155 = vector.shape_cast %get3A_154 : vector<1x16xf32> to vector<16xf32>
      %mul3A_156 = arith.mulf %gather3A_51, %get3A_155 : vector<16xf32>
      %add3A_157 = arith.addf %mul3A_151, %mul3A_156 : vector<16xf32>
      %swap3A_158 = arith.index_cast %scan3A_40 : i32 to index
      %swap3A_159 = arith.constant 96 : index
      %swap3A_160 = tpu.vector_load %arg8[%swap3A_158, %swap3A_159] {strides = array<i32>} : memref<32x1024xf32, #tpu.memory_space<vmem>>, vector<1x16xf32>,
      %swap3A_161 = vector.shape_cast %swap3A_160 : vector<1x16xf32> to vector<16xf32>
      %swap3A_162 = vector.shape_cast %add3A_157 : vector<16xf32> to vector<1x16xf32>
      tpu.vector_store %arg8[%swap3A_158, %swap3A_159], %swap3A_162 {strides = array<i32>} : memref<32x1024xf32, #tpu.memory_space<vmem>>, vector<1x16xf32>,
      %get3A_163 = arith.index_cast %scan3A_40 : i32 to index
      %get3A_164 = arith.constant 112 : index
      %get3A_165 = tpu.vector_load %arg8[%get3A_163, %get3A_164] {strides = array<i32>} : memref<32x1024xf32, #tpu.memory_space<vmem>>, vector<1x16xf32>,
      %get3A_166 = vector.shape_cast %get3A_165 : vector<1x16xf32> to vector<16xf32>
      %mul3A_167 = arith.mulf %gather3A_49, %get3A_166 : vector<16xf32>
      %get3A_168 = arith.index_cast %scan3A_40 : i32 to index
      %get3A_169 = arith.constant 112 : index
      %get3A_170 = tpu.vector_load %arg9[%get3A_168, %get3A_169] {strides = array<i32>} : memref<32x1024xf32, #tpu.memory_space<vmem>>, vector<1x16xf32>,
      %get3A_171 = vector.shape_cast %get3A_170 : vector<1x16xf32> to vector<16xf32>
      %mul3A_172 = arith.mulf %gather3A_51, %get3A_171 : vector<16xf32>
      %add3A_173 = arith.addf %mul3A_167, %mul3A_172 : vector<16xf32>
      %swap3A_174 = arith.index_cast %scan3A_40 : i32 to index
      %swap3A_175 = arith.constant 112 : index
      %swap3A_176 = tpu.vector_load %arg8[%swap3A_174, %swap3A_175] {strides = array<i32>} : memref<32x1024xf32, #tpu.memory_space<vmem>>, vector<1x16xf32>,
      %swap3A_177 = vector.shape_cast %swap3A_176 : vector<1x16xf32> to vector<16xf32>
      %swap3A_178 = vector.shape_cast %add3A_173 : vector<16xf32> to vector<1x16xf32>
      tpu.vector_store %arg8[%swap3A_174, %swap3A_175], %swap3A_178 {strides = array<i32>} : memref<32x1024xf32, #tpu.memory_space<vmem>>, vector<1x16xf32>,
      %get3A_179 = arith.index_cast %scan3A_40 : i32 to index
      %get3A_180 = arith.constant 128 : index
      %get3A_181 = tpu.vector_load %arg8[%get3A_179, %get3A_180] {strides = array<i32>} : memref<32x1024xf32, #tpu.memory_space<vmem>>, vector<1x16xf32>,
      %get3A_182 = vector.shape_cast %get3A_181 : vector<1x16xf32> to vector<16xf32>
      %mul3A_183 = arith.mulf %gather3A_49, %get3A_182 : vector<16xf32>
      %get3A_184 = arith.index_cast %scan3A_40 : i32 to index
      %get3A_185 = arith.constant 128 : index
      %get3A_186 = tpu.vector_load %arg9[%get3A_184, %get3A_185] {strides = array<i32>} : memref<32x1024xf32, #tpu.memory_space<vmem>>, vector<1x16xf32>,
      %get3A_187 = vector.shape_cast %get3A_186 : vector<1x16xf32> to vector<16xf32>
      %mul3A_188 = arith.mulf %gather3A_51, %get3A_187 : vector<16xf32>
      %add3A_189 = arith.addf %mul3A_183, %mul3A_188 : vector<16xf32>
      %swap3A_190 = arith.index_cast %scan3A_40 : i32 to index
      %swap3A_191 = arith.constant 128 : index
      %swap3A_192 = tpu.vector_load %arg8[%swap3A_190, %swap3A_191] {strides = array<i32>} : memref<32x1024xf32, #tpu.memory_space<vmem>>, vector<1x16xf32>,
      %swap3A_193 = vector.shape_cast %swap3A_192 : vector<1x16xf32> to vector<16xf32>
      %swap3A_194 = vector.shape_cast %add3A_189 : vector<16xf32> to vector<1x16xf32>
      tpu.vector_store %arg8[%swap3A_190, %swap3A_191], %swap3A_194 {strides = array<i32>} : memref<32x1024xf32, #tpu.memory_space<vmem>>, vector<1x16xf32>,
      %get3A_195 = arith.index_cast %scan3A_40 : i32 to index
      %get3A_196 = arith.constant 144 : index
      %get3A_197 = tpu.vector_load %arg8[%get3A_195, %get3A_196] {strides = array<i32>} : memref<32x1024xf32, #tpu.memory_space<vmem>>, vector<1x16xf32>,
      %get3A_198 = vector.shape_cast %get3A_197 : vector<1x16xf32> to vector<16xf32>
      %mul3A_199 = arith.mulf %gather3A_49, %get3A_198 : vector<16xf32>
      %get3A_200 = arith.index_cast %scan3A_40 : i32 to index
      %get3A_201 = arith.constant 144 : index
      %get3A_202 = tpu.vector_load %arg9[%get3A_200, %get3A_201] {strides = array<i32>} : memref<32x1024xf32, #tpu.memory_space<vmem>>, vector<1x16xf32>,
      %get3A_203 = vector.shape_cast %get3A_202 : vector<1x16xf32> to vector<16xf32>
      %mul3A_204 = arith.mulf %gather3A_51, %get3A_203 : vector<16xf32>
      %add3A_205 = arith.addf %mul3A_199, %mul3A_204 : vector<16xf32>
      %swap3A_206 = arith.index_cast %scan3A_40 : i32 to index
      %swap3A_207 = arith.constant 144 : index
      %swap3A_208 = tpu.vector_load %arg8[%swap3A_206, %swap3A_207] {strides = array<i32>} : memref<32x1024xf32, #tpu.memory_space<vmem>>, vector<1x16xf32>,
      %swap3A_209 = vector.shape_cast %swap3A_208 : vector<1x16xf32> to vector<16xf32>
      %swap3A_210 = vector.shape_cast %add3A_205 : vector<16xf32> to vector<1x16xf32>
      tpu.vector_store %arg8[%swap3A_206, %swap3A_207], %swap3A_210 {strides = array<i32>} : memref<32x1024xf32, #tpu.memory_space<vmem>>, vector<1x16xf32>,
      %get3A_211 = arith.index_cast %scan3A_40 : i32 to index
      %get3A_212 = arith.constant 160 : index
      %get3A_213 = tpu.vector_load %arg8[%get3A_211, %get3A_212] {strides = array<i32>} : memref<32x1024xf32, #tpu.memory_space<vmem>>, vector<1x16xf32>,
      %get3A_214 = vector.shape_cast %get3A_213 : vector<1x16xf32> to vector<16xf32>
      %mul3A_215 = arith.mulf %gather3A_49, %get3A_214 : vector<16xf32>
      %get3A_216 = arith.index_cast %scan3A_40 : i32 to index
      %get3A_217 = arith.constant 160 : index
      %get3A_218 = tpu.vector_load %arg9[%get3A_216, %get3A_217] {strides = array<i32>} : memref<32x1024xf32, #tpu.memory_space<vmem>>, vector<1x16xf32>,
      %get3A_219 = vector.shape_cast %get3A_218 : vector<1x16xf32> to vector<16xf32>
      %mul3A_220 = arith.mulf %gather3A_51, %get3A_219 : vector<16xf32>
      %add3A_221 = arith.addf %mul3A_215, %mul3A_220 : vector<16xf32>
      %swap3A_222 = arith.index_cast %scan3A_40 : i32 to index
      %swap3A_223 = arith.constant 160 : index
      %swap3A_224 = tpu.vector_load %arg8[%swap3A_222, %swap3A_223] {strides = array<i32>} : memref<32x1024xf32, #tpu.memory_space<vmem>>, vector<1x16xf32>,
      %swap3A_225 = vector.shape_cast %swap3A_224 : vector<1x16xf32> to vector<16xf32>
      %swap3A_226 = vector.shape_cast %add3A_221 : vector<16xf32> to vector<1x16xf32>
      tpu.vector_store %arg8[%swap3A_222, %swap3A_223], %swap3A_226 {strides = array<i32>} : memref<32x1024xf32, #tpu.memory_space<vmem>>, vector<1x16xf32>,
      %get3A_227 = arith.index_cast %scan3A_40 : i32 to index
      %get3A_228 = arith.constant 176 : index
      %get3A_229 = tpu.vector_load %arg8[%get3A_227, %get3A_228] {strides = array<i32>} : memref<32x1024xf32, #tpu.memory_space<vmem>>, vector<1x16xf32>,
      %get3A_230 = vector.shape_cast %get3A_229 : vector<1x16xf32> to vector<16xf32>
      %mul3A_231 = arith.mulf %gather3A_49, %get3A_230 : vector<16xf32>
      %get3A_232 = arith.index_cast %scan3A_40 : i32 to index
      %get3A_233 = arith.constant 176 : index
      %get3A_234 = tpu.vector_load %arg9[%get3A_232, %get3A_233] {strides = array<i32>} : memref<32x1024xf32, #tpu.memory_space<vmem>>, vector<1x16xf32>,
      %get3A_235 = vector.shape_cast %get3A_234 : vector<1x16xf32> to vector<16xf32>
      %mul3A_236 = arith.mulf %gather3A_51, %get3A_235 : vector<16xf32>
      %add3A_237 = arith.addf %mul3A_231, %mul3A_236 : vector<16xf32>
      %swap3A_238 = arith.index_cast %scan3A_40 : i32 to index
      %swap3A_239 = arith.constant 176 : index
      %swap3A_240 = tpu.vector_load %arg8[%swap3A_238, %swap3A_239] {strides = array<i32>} : memref<32x1024xf32, #tpu.memory_space<vmem>>, vector<1x16xf32>,
      %swap3A_241 = vector.shape_cast %swap3A_240 : vector<1x16xf32> to vector<16xf32>
      %swap3A_242 = vector.shape_cast %add3A_237 : vector<16xf32> to vector<1x16xf32>
      tpu.vector_store %arg8[%swap3A_238, %swap3A_239], %swap3A_242 {strides = array<i32>} : memref<32x1024xf32, #tpu.memory_space<vmem>>, vector<1x16xf32>,
      %get3A_243 = arith.index_cast %scan3A_40 : i32 to index
      %get3A_244 = arith.constant 192 : index
      %get3A_245 = tpu.vector_load %arg8[%get3A_243, %get3A_244] {strides = array<i32>} : memref<32x1024xf32, #tpu.memory_space<vmem>>, vector<1x16xf32>,
      %get3A_246 = vector.shape_cast %get3A_245 : vector<1x16xf32> to vector<16xf32>
      %mul3A_247 = arith.mulf %gather3A_49, %get3A_246 : vector<16xf32>
      %get3A_248 = arith.index_cast %scan3A_40 : i32 to index
      %get3A_249 = arith.constant 192 : index
      %get3A_250 = tpu.vector_load %arg9[%get3A_248, %get3A_249] {strides = array<i32>} : memref<32x1024xf32, #tpu.memory_space<vmem>>, vector<1x16xf32>,
      %get3A_251 = vector.shape_cast %get3A_250 : vector<1x16xf32> to vector<16xf32>
      %mul3A_252 = arith.mulf %gather3A_51, %get3A_251 : vector<16xf32>
      %add3A_253 = arith.addf %mul3A_247, %mul3A_252 : vector<16xf32>
      %swap3A_254 = arith.index_cast %scan3A_40 : i32 to index
      %swap3A_255 = arith.constant 192 : index
      %swap3A_256 = tpu.vector_load %arg8[%swap3A_254, %swap3A_255] {strides = array<i32>} : memref<32x1024xf32, #tpu.memory_space<vmem>>, vector<1x16xf32>,
      %swap3A_257 = vector.shape_cast %swap3A_256 : vector<1x16xf32> to vector<16xf32>
      %swap3A_258 = vector.shape_cast %add3A_253 : vector<16xf32> to vector<1x16xf32>
      tpu.vector_store %arg8[%swap3A_254, %swap3A_255], %swap3A_258 {strides = array<i32>} : memref<32x1024xf32, #tpu.memory_space<vmem>>, vector<1x16xf32>,
      %get3A_259 = arith.index_cast %scan3A_40 : i32 to index
      %get3A_260 = arith.constant 208 : index
      %get3A_261 = tpu.vector_load %arg8[%get3A_259, %get3A_260] {strides = array<i32>} : memref<32x1024xf32, #tpu.memory_space<vmem>>, vector<1x16xf32>,
      %get3A_262 = vector.shape_cast %get3A_261 : vector<1x16xf32> to vector<16xf32>
      %mul3A_263 = arith.mulf %gather3A_49, %get3A_262 : vector<16xf32>
      %get3A_264 = arith.index_cast %scan3A_40 : i32 to index
      %get3A_265 = arith.constant 208 : index
      %get3A_266 = tpu.vector_load %arg9[%get3A_264, %get3A_265] {strides = array<i32>} : memref<32x1024xf32, #tpu.memory_space<vmem>>, vector<1x16xf32>,
      %get3A_267 = vector.shape_cast %get3A_266 : vector<1x16xf32> to vector<16xf32>
      %mul3A_268 = arith.mulf %gather3A_51, %get3A_267 : vector<16xf32>
      %add3A_269 = arith.addf %mul3A_263, %mul3A_268 : vector<16xf32>
      %swap3A_270 = arith.index_cast %scan3A_40 : i32 to index
      %swap3A_271 = arith.constant 208 : index
      %swap3A_272 = tpu.vector_load %arg8[%swap3A_270, %swap3A_271] {strides = array<i32>} : memref<32x1024xf32, #tpu.memory_space<vmem>>, vector<1x16xf32>,
      %swap3A_273 = vector.shape_cast %swap3A_272 : vector<1x16xf32> to vector<16xf32>
      %swap3A_274 = vector.shape_cast %add3A_269 : vector<16xf32> to vector<1x16xf32>
      tpu.vector_store %arg8[%swap3A_270, %swap3A_271], %swap3A_274 {strides = array<i32>} : memref<32x1024xf32, #tpu.memory_space<vmem>>, vector<1x16xf32>,
      %get3A_275 = arith.index_cast %scan3A_40 : i32 to index
      %get3A_276 = arith.constant 224 : index
      %get3A_277 = tpu.vector_load %arg8[%get3A_275, %get3A_276] {strides = array<i32>} : memref<32x1024xf32, #tpu.memory_space<vmem>>, vector<1x16xf32>,
      %get3A_278 = vector.shape_cast %get3A_277 : vector<1x16xf32> to vector<16xf32>
      %mul3A_279 = arith.mulf %gather3A_49, %get3A_278 : vector<16xf32>
      %get3A_280 = arith.index_cast %scan3A_40 : i32 to index
      %get3A_281 = arith.constant 224 : index
      %get3A_282 = tpu.vector_load %arg9[%get3A_280, %get3A_281] {strides = array<i32>} : memref<32x1024xf32, #tpu.memory_space<vmem>>, vector<1x16xf32>,
      %get3A_283 = vector.shape_cast %get3A_282 : vector<1x16xf32> to vector<16xf32>
      %mul3A_284 = arith.mulf %gather3A_51, %get3A_283 : vector<16xf32>
      %add3A_285 = arith.addf %mul3A_279, %mul3A_284 : vector<16xf32>
      %swap3A_286 = arith.index_cast %scan3A_40 : i32 to index
      %swap3A_287 = arith.constant 224 : index
      %swap3A_288 = tpu.vector_load %arg8[%swap3A_286, %swap3A_287] {strides = array<i32>} : memref<32x1024xf32, #tpu.memory_space<vmem>>, vector<1x16xf32>,
      %swap3A_289 = vector.shape_cast %swap3A_288 : vector<1x16xf32> to vector<16xf32>
      %swap3A_290 = vector.shape_cast %add3A_285 : vector<16xf32> to vector<1x16xf32>
      tpu.vector_store %arg8[%swap3A_286, %swap3A_287], %swap3A_290 {strides = array<i32>} : memref<32x1024xf32, #tpu.memory_space<vmem>>, vector<1x16xf32>,
      %get3A_291 = arith.index_cast %scan3A_40 : i32 to index
      %get3A_292 = arith.constant 240 : index
      %get3A_293 = tpu.vector_load %arg8[%get3A_291, %get3A_292] {strides = array<i32>} : memref<32x1024xf32, #tpu.memory_space<vmem>>, vector<1x16xf32>,
      %get3A_294 = vector.shape_cast %get3A_293 : vector<1x16xf32> to vector<16xf32>
      %mul3A_295 = arith.mulf %gather3A_49, %get3A_294 : vector<16xf32>
      %get3A_296 = arith.index_cast %scan3A_40 : i32 to index
      %get3A_297 = arith.constant 240 : index
      %get3A_298 = tpu.vector_load %arg9[%get3A_296, %get3A_297] {strides = array<i32>} : memref<32x1024xf32, #tpu.memory_space<vmem>>, vector<1x16xf32>,
      %get3A_299 = vector.shape_cast %get3A_298 : vector<1x16xf32> to vector<16xf32>
      %mul3A_300 = arith.mulf %gather3A_51, %get3A_299 : vector<16xf32>
      %add3A_301 = arith.addf %mul3A_295, %mul3A_300 : vector<16xf32>
      %swap3A_302 = arith.index_cast %scan3A_40 : i32 to index
      %swap3A_303 = arith.constant 240 : index
      %swap3A_304 = tpu.vector_load %arg8[%swap3A_302, %swap3A_303] {strides = array<i32>} : memref<32x1024xf32, #tpu.memory_space<vmem>>, vector<1x16xf32>,
      %swap3A_305 = vector.shape_cast %swap3A_304 : vector<1x16xf32> to vector<16xf32>
      %swap3A_306 = vector.shape_cast %add3A_301 : vector<16xf32> to vector<1x16xf32>
      tpu.vector_store %arg8[%swap3A_302, %swap3A_303], %swap3A_306 {strides = array<i32>} : memref<32x1024xf32, #tpu.memory_space<vmem>>, vector<1x16xf32>,
      %get3A_307 = arith.index_cast %scan3A_40 : i32 to index
      %get3A_308 = arith.constant 256 : index
      %get3A_309 = tpu.vector_load %arg8[%get3A_307, %get3A_308] {strides = array<i32>} : memref<32x1024xf32, #tpu.memory_space<vmem>>, vector<1x16xf32>,
      %get3A_310 = vector.shape_cast %get3A_309 : vector<1x16xf32> to vector<16xf32>
      %mul3A_311 = arith.mulf %gather3A_49, %get3A_310 : vector<16xf32>
      %get3A_312 = arith.index_cast %scan3A_40 : i32 to index
      %get3A_313 = arith.constant 256 : index
      %get3A_314 = tpu.vector_load %arg9[%get3A_312, %get3A_313] {strides = array<i32>} : memref<32x1024xf32, #tpu.memory_space<vmem>>, vector<1x16xf32>,
      %get3A_315 = vector.shape_cast %get3A_314 : vector<1x16xf32> to vector<16xf32>
      %mul3A_316 = arith.mulf %gather3A_51, %get3A_315 : vector<16xf32>
      %add3A_317 = arith.addf %mul3A_311, %mul3A_316 : vector<16xf32>
      %swap3A_318 = arith.index_cast %scan3A_40 : i32 to index
      %swap3A_319 = arith.constant 256 : index
      %swap3A_320 = tpu.vector_load %arg8[%swap3A_318, %swap3A_319] {strides = array<i32>} : memref<32x1024xf32, #tpu.memory_space<vmem>>, vector<1x16xf32>,
      %swap3A_321 = vector.shape_cast %swap3A_320 : vector<1x16xf32> to vector<16xf32>
      %swap3A_322 = vector.shape_cast %add3A_317 : vector<16xf32> to vector<1x16xf32>
      tpu.vector_store %arg8[%swap3A_318, %swap3A_319], %swap3A_322 {strides = array<i32>} : memref<32x1024xf32, #tpu.memory_space<vmem>>, vector<1x16xf32>,
      %get3A_323 = arith.index_cast %scan3A_40 : i32 to index
      %get3A_324 = arith.constant 272 : index
      %get3A_325 = tpu.vector_load %arg8[%get3A_323, %get3A_324] {strides = array<i32>} : memref<32x1024xf32, #tpu.memory_space<vmem>>, vector<1x16xf32>,
      %get3A_326 = vector.shape_cast %get3A_325 : vector<1x16xf32> to vector<16xf32>
      %mul3A_327 = arith.mulf %gather3A_49, %get3A_326 : vector<16xf32>
      %get3A_328 = arith.index_cast %scan3A_40 : i32 to index
      %get3A_329 = arith.constant 272 : index
      %get3A_330 = tpu.vector_load %arg9[%get3A_328, %get3A_329] {strides = array<i32>} : memref<32x1024xf32, #tpu.memory_space<vmem>>, vector<1x16xf32>,
      %get3A_331 = vector.shape_cast %get3A_330 : vector<1x16xf32> to vector<16xf32>
      %mul3A_332 = arith.mulf %gather3A_51, %get3A_331 : vector<16xf32>
      %add3A_333 = arith.addf %mul3A_327, %mul3A_332 : vector<16xf32>
      %swap3A_334 = arith.index_cast %scan3A_40 : i32 to index
      %swap3A_335 = arith.constant 272 : index
      %swap3A_336 = tpu.vector_load %arg8[%swap3A_334, %swap3A_335] {strides = array<i32>} : memref<32x1024xf32, #tpu.memory_space<vmem>>, vector<1x16xf32>,
      %swap3A_337 = vector.shape_cast %swap3A_336 : vector<1x16xf32> to vector<16xf32>
      %swap3A_338 = vector.shape_cast %add3A_333 : vector<16xf32> to vector<1x16xf32>
      tpu.vector_store %arg8[%swap3A_334, %swap3A_335], %swap3A_338 {strides = array<i32>} : memref<32x1024xf32, #tpu.memory_space<vmem>>, vector<1x16xf32>,
      %get3A_339 = arith.index_cast %scan3A_40 : i32 to index
      %get3A_340 = arith.constant 288 : index
      %get3A_341 = tpu.vector_load %arg8[%get3A_339, %get3A_340] {strides = array<i32>} : memref<32x1024xf32, #tpu.memory_space<vmem>>, vector<1x16xf32>,
      %get3A_342 = vector.shape_cast %get3A_341 : vector<1x16xf32> to vector<16xf32>
      %mul3A_343 = arith.mulf %gather3A_49, %get3A_342 : vector<16xf32>
      %get3A_344 = arith.index_cast %scan3A_40 : i32 to index
      %get3A_345 = arith.constant 288 : index
      %get3A_346 = tpu.vector_load %arg9[%get3A_344, %get3A_345] {strides = array<i32>} : memref<32x1024xf32, #tpu.memory_space<vmem>>, vector<1x16xf32>,
      %get3A_347 = vector.shape_cast %get3A_346 : vector<1x16xf32> to vector<16xf32>
      %mul3A_348 = arith.mulf %gather3A_51, %get3A_347 : vector<16xf32>
      %add3A_349 = arith.addf %mul3A_343, %mul3A_348 : vector<16xf32>
      %swap3A_350 = arith.index_cast %scan3A_40 : i32 to index
      %swap3A_351 = arith.constant 288 : index
      %swap3A_352 = tpu.vector_load %arg8[%swap3A_350, %swap3A_351] {strides = array<i32>} : memref<32x1024xf32, #tpu.memory_space<vmem>>, vector<1x16xf32>,
      %swap3A_353 = vector.shape_cast %swap3A_352 : vector<1x16xf32> to vector<16xf32>
      %swap3A_354 = vector.shape_cast %add3A_349 : vector<16xf32> to vector<1x16xf32>
      tpu.vector_store %arg8[%swap3A_350, %swap3A_351], %swap3A_354 {strides = array<i32>} : memref<32x1024xf32, #tpu.memory_space<vmem>>, vector<1x16xf32>,
      %get3A_355 = arith.index_cast %scan3A_40 : i32 to index
      %get3A_356 = arith.constant 304 : index
      %get3A_357 = tpu.vector_load %arg8[%get3A_355, %get3A_356] {strides = array<i32>} : memref<32x1024xf32, #tpu.memory_space<vmem>>, vector<1x16xf32>,
      %get3A_358 = vector.shape_cast %get3A_357 : vector<1x16xf32> to vector<16xf32>
      %mul3A_359 = arith.mulf %gather3A_49, %get3A_358 : vector<16xf32>
      %get3A_360 = arith.index_cast %scan3A_40 : i32 to index
      %get3A_361 = arith.constant 304 : index
      %get3A_362 = tpu.vector_load %arg9[%get3A_360, %get3A_361] {strides = array<i32>} : memref<32x1024xf32, #tpu.memory_space<vmem>>, vector<1x16xf32>,
      %get3A_363 = vector.shape_cast %get3A_362 : vector<1x16xf32> to vector<16xf32>
      %mul3A_364 = arith.mulf %gather3A_51, %get3A_363 : vector<16xf32>
      %add3A_365 = arith.addf %mul3A_359, %mul3A_364 : vector<16xf32>
      %swap3A_366 = arith.index_cast %scan3A_40 : i32 to index
      %swap3A_367 = arith.constant 304 : index
      %swap3A_368 = tpu.vector_load %arg8[%swap3A_366, %swap3A_367] {strides = array<i32>} : memref<32x1024xf32, #tpu.memory_space<vmem>>, vector<1x16xf32>,
      %swap3A_369 = vector.shape_cast %swap3A_368 : vector<1x16xf32> to vector<16xf32>
      %swap3A_370 = vector.shape_cast %add3A_365 : vector<16xf32> to vector<1x16xf32>
      tpu.vector_store %arg8[%swap3A_366, %swap3A_367], %swap3A_370 {strides = array<i32>} : memref<32x1024xf32, #tpu.memory_space<vmem>>, vector<1x16xf32>,
      %get3A_371 = arith.index_cast %scan3A_40 : i32 to index
      %get3A_372 = arith.constant 320 : index
      %get3A_373 = tpu.vector_load %arg8[%get3A_371, %get3A_372] {strides = array<i32>} : memref<32x1024xf32, #tpu.memory_space<vmem>>, vector<1x16xf32>,
      %get3A_374 = vector.shape_cast %get3A_373 : vector<1x16xf32> to vector<16xf32>
      %mul3A_375 = arith.mulf %gather3A_49, %get3A_374 : vector<16xf32>
      %get3A_376 = arith.index_cast %scan3A_40 : i32 to index
      %get3A_377 = arith.constant 320 : index
      %get3A_378 = tpu.vector_load %arg9[%get3A_376, %get3A_377] {strides = array<i32>} : memref<32x1024xf32, #tpu.memory_space<vmem>>, vector<1x16xf32>,
      %get3A_379 = vector.shape_cast %get3A_378 : vector<1x16xf32> to vector<16xf32>
      %mul3A_380 = arith.mulf %gather3A_51, %get3A_379 : vector<16xf32>
      %add3A_381 = arith.addf %mul3A_375, %mul3A_380 : vector<16xf32>
      %swap3A_382 = arith.index_cast %scan3A_40 : i32 to index
      %swap3A_383 = arith.constant 320 : index
      %swap3A_384 = tpu.vector_load %arg8[%swap3A_382, %swap3A_383] {strides = array<i32>} : memref<32x1024xf32, #tpu.memory_space<vmem>>, vector<1x16xf32>,
      %swap3A_385 = vector.shape_cast %swap3A_384 : vector<1x16xf32> to vector<16xf32>
      %swap3A_386 = vector.shape_cast %add3A_381 : vector<16xf32> to vector<1x16xf32>
      tpu.vector_store %arg8[%swap3A_382, %swap3A_383], %swap3A_386 {strides = array<i32>} : memref<32x1024xf32, #tpu.memory_space<vmem>>, vector<1x16xf32>,
      %get3A_387 = arith.index_cast %scan3A_40 : i32 to index
      %get3A_388 = arith.constant 336 : index
      %get3A_389 = tpu.vector_load %arg8[%get3A_387, %get3A_388] {strides = array<i32>} : memref<32x1024xf32, #tpu.memory_space<vmem>>, vector<1x16xf32>,
      %get3A_390 = vector.shape_cast %get3A_389 : vector<1x16xf32> to vector<16xf32>
      %mul3A_391 = arith.mulf %gather3A_49, %get3A_390 : vector<16xf32>
      %get3A_392 = arith.index_cast %scan3A_40 : i32 to index
      %get3A_393 = arith.constant 336 : index
      %get3A_394 = tpu.vector_load %arg9[%get3A_392, %get3A_393] {strides = array<i32>} : memref<32x1024xf32, #tpu.memory_space<vmem>>, vector<1x16xf32>,
      %get3A_395 = vector.shape_cast %get3A_394 : vector<1x16xf32> to vector<16xf32>
      %mul3A_396 = arith.mulf %gather3A_51, %get3A_395 : vector<16xf32>
      %add3A_397 = arith.addf %mul3A_391, %mul3A_396 : vector<16xf32>
      %swap3A_398 = arith.index_cast %scan3A_40 : i32 to index
      %swap3A_399 = arith.constant 336 : index
      %swap3A_400 = tpu.vector_load %arg8[%swap3A_398, %swap3A_399] {strides = array<i32>} : memref<32x1024xf32, #tpu.memory_space<vmem>>, vector<1x16xf32>,
      %swap3A_401 = vector.shape_cast %swap3A_400 : vector<1x16xf32> to vector<16xf32>
      %swap3A_402 = vector.shape_cast %add3A_397 : vector<16xf32> to vector<1x16xf32>
      tpu.vector_store %arg8[%swap3A_398, %swap3A_399], %swap3A_402 {strides = array<i32>} : memref<32x1024xf32, #tpu.memory_space<vmem>>, vector<1x16xf32>,
      %get3A_403 = arith.index_cast %scan3A_40 : i32 to index
      %get3A_404 = arith.constant 352 : index
      %get3A_405 = tpu.vector_load %arg8[%get3A_403, %get3A_404] {strides = array<i32>} : memref<32x1024xf32, #tpu.memory_space<vmem>>, vector<1x16xf32>,
      %get3A_406 = vector.shape_cast %get3A_405 : vector<1x16xf32> to vector<16xf32>
      %mul3A_407 = arith.mulf %gather3A_49, %get3A_406 : vector<16xf32>
      %get3A_408 = arith.index_cast %scan3A_40 : i32 to index
      %get3A_409 = arith.constant 352 : index
      %get3A_410 = tpu.vector_load %arg9[%get3A_408, %get3A_409] {strides = array<i32>} : memref<32x1024xf32, #tpu.memory_space<vmem>>, vector<1x16xf32>,
      %get3A_411 = vector.shape_cast %get3A_410 : vector<1x16xf32> to vector<16xf32>
      %mul3A_412 = arith.mulf %gather3A_51, %get3A_411 : vector<16xf32>
      %add3A_413 = arith.addf %mul3A_407, %mul3A_412 : vector<16xf32>
      %swap3A_414 = arith.index_cast %scan3A_40 : i32 to index
      %swap3A_415 = arith.constant 352 : index
      %swap3A_416 = tpu.vector_load %arg8[%swap3A_414, %swap3A_415] {strides = array<i32>} : memref<32x1024xf32, #tpu.memory_space<vmem>>, vector<1x16xf32>,
      %swap3A_417 = vector.shape_cast %swap3A_416 : vector<1x16xf32> to vector<16xf32>
      %swap3A_418 = vector.shape_cast %add3A_413 : vector<16xf32> to vector<1x16xf32>
      tpu.vector_store %arg8[%swap3A_414, %swap3A_415], %swap3A_418 {strides = array<i32>} : memref<32x1024xf32, #tpu.memory_space<vmem>>, vector<1x16xf32>,
      %get3A_419 = arith.index_cast %scan3A_40 : i32 to index
      %get3A_420 = arith.constant 368 : index
      %get3A_421 = tpu.vector_load %arg8[%get3A_419, %get3A_420] {strides = array<i32>} : memref<32x1024xf32, #tpu.memory_space<vmem>>, vector<1x16xf32>,
      %get3A_422 = vector.shape_cast %get3A_421 : vector<1x16xf32> to vector<16xf32>
      %mul3A_423 = arith.mulf %gather3A_49, %get3A_422 : vector<16xf32>
      %get3A_424 = arith.index_cast %scan3A_40 : i32 to index
      %get3A_425 = arith.constant 368 : index
      %get3A_426 = tpu.vector_load %arg9[%get3A_424, %get3A_425] {strides = array<i32>} : memref<32x1024xf32, #tpu.memory_space<vmem>>, vector<1x16xf32>,
      %get3A_427 = vector.shape_cast %get3A_426 : vector<1x16xf32> to vector<16xf32>
      %mul3A_428 = arith.mulf %gather3A_51, %get3A_427 : vector<16xf32>
      %add3A_429 = arith.addf %mul3A_423, %mul3A_428 : vector<16xf32>
      %swap3A_430 = arith.index_cast %scan3A_40 : i32 to index
      %swap3A_431 = arith.constant 368 : index
      %swap3A_432 = tpu.vector_load %arg8[%swap3A_430, %swap3A_431] {strides = array<i32>} : memref<32x1024xf32, #tpu.memory_space<vmem>>, vector<1x16xf32>,
      %swap3A_433 = vector.shape_cast %swap3A_432 : vector<1x16xf32> to vector<16xf32>
      %swap3A_434 = vector.shape_cast %add3A_429 : vector<16xf32> to vector<1x16xf32>
      tpu.vector_store %arg8[%swap3A_430, %swap3A_431], %swap3A_434 {strides = array<i32>} : memref<32x1024xf32, #tpu.memory_space<vmem>>, vector<1x16xf32>,
      %get3A_435 = arith.index_cast %scan3A_40 : i32 to index
      %get3A_436 = arith.constant 384 : index
      %get3A_437 = tpu.vector_load %arg8[%get3A_435, %get3A_436] {strides = array<i32>} : memref<32x1024xf32, #tpu.memory_space<vmem>>, vector<1x16xf32>,
      %get3A_438 = vector.shape_cast %get3A_437 : vector<1x16xf32> to vector<16xf32>
      %mul3A_439 = arith.mulf %gather3A_49, %get3A_438 : vector<16xf32>
      %get3A_440 = arith.index_cast %scan3A_40 : i32 to index
      %get3A_441 = arith.constant 384 : index
      %get3A_442 = tpu.vector_load %arg9[%get3A_440, %get3A_441] {strides = array<i32>} : memref<32x1024xf32, #tpu.memory_space<vmem>>, vector<1x16xf32>,
      %get3A_443 = vector.shape_cast %get3A_442 : vector<1x16xf32> to vector<16xf32>
      %mul3A_444 = arith.mulf %gather3A_51, %get3A_443 : vector<16xf32>
      %add3A_445 = arith.addf %mul3A_439, %mul3A_444 : vector<16xf32>
      %swap3A_446 = arith.index_cast %scan3A_40 : i32 to index
      %swap3A_447 = arith.constant 384 : index
      %swap3A_448 = tpu.vector_load %arg8[%swap3A_446, %swap3A_447] {strides = array<i32>} : memref<32x1024xf32, #tpu.memory_space<vmem>>, vector<1x16xf32>,
      %swap3A_449 = vector.shape_cast %swap3A_448 : vector<1x16xf32> to vector<16xf32>
      %swap3A_450 = vector.shape_cast %add3A_445 : vector<16xf32> to vector<1x16xf32>
      tpu.vector_store %arg8[%swap3A_446, %swap3A_447], %swap3A_450 {strides = array<i32>} : memref<32x1024xf32, #tpu.memory_space<vmem>>, vector<1x16xf32>,
      %get3A_451 = arith.index_cast %scan3A_40 : i32 to index
      %get3A_452 = arith.constant 400 : index
      %get3A_453 = tpu.vector_load %arg8[%get3A_451, %get3A_452] {strides = array<i32>} : memref<32x1024xf32, #tpu.memory_space<vmem>>, vector<1x16xf32>,
      %get3A_454 = vector.shape_cast %get3A_453 : vector<1x16xf32> to vector<16xf32>
      %mul3A_455 = arith.mulf %gather3A_49, %get3A_454 : vector<16xf32>
      %get3A_456 = arith.index_cast %scan3A_40 : i32 to index
      %get3A_457 = arith.constant 400 : index
      %get3A_458 = tpu.vector_load %arg9[%get3A_456, %get3A_457] {strides = array<i32>} : memref<32x1024xf32, #tpu.memory_space<vmem>>, vector<1x16xf32>,
      %get3A_459 = vector.shape_cast %get3A_458 : vector<1x16xf32> to vector<16xf32>
      %mul3A_460 = arith.mulf %gather3A_51, %get3A_459 : vector<16xf32>
      %add3A_461 = arith.addf %mul3A_455, %mul3A_460 : vector<16xf32>
      %swap3A_462 = arith.index_cast %scan3A_40 : i32 to index
      %swap3A_463 = arith.constant 400 : index
      %swap3A_464 = tpu.vector_load %arg8[%swap3A_462, %swap3A_463] {strides = array<i32>} : memref<32x1024xf32, #tpu.memory_space<vmem>>, vector<1x16xf32>,
      %swap3A_465 = vector.shape_cast %swap3A_464 : vector<1x16xf32> to vector<16xf32>
      %swap3A_466 = vector.shape_cast %add3A_461 : vector<16xf32> to vector<1x16xf32>
      tpu.vector_store %arg8[%swap3A_462, %swap3A_463], %swap3A_466 {strides = array<i32>} : memref<32x1024xf32, #tpu.memory_space<vmem>>, vector<1x16xf32>,
      %get3A_467 = arith.index_cast %scan3A_40 : i32 to index
      %get3A_468 = arith.constant 416 : index
      %get3A_469 = tpu.vector_load %arg8[%get3A_467, %get3A_468] {strides = array<i32>} : memref<32x1024xf32, #tpu.memory_space<vmem>>, vector<1x16xf32>,
      %get3A_470 = vector.shape_cast %get3A_469 : vector<1x16xf32> to vector<16xf32>
      %mul3A_471 = arith.mulf %gather3A_49, %get3A_470 : vector<16xf32>
      %get3A_472 = arith.index_cast %scan3A_40 : i32 to index
      %get3A_473 = arith.constant 416 : index
      %get3A_474 = tpu.vector_load %arg9[%get3A_472, %get3A_473] {strides = array<i32>} : memref<32x1024xf32, #tpu.memory_space<vmem>>, vector<1x16xf32>,
      %get3A_475 = vector.shape_cast %get3A_474 : vector<1x16xf32> to vector<16xf32>
      %mul3A_476 = arith.mulf %gather3A_51, %get3A_475 : vector<16xf32>
      %add3A_477 = arith.addf %mul3A_471, %mul3A_476 : vector<16xf32>
      %swap3A_478 = arith.index_cast %scan3A_40 : i32 to index
      %swap3A_479 = arith.constant 416 : index
      %swap3A_480 = tpu.vector_load %arg8[%swap3A_478, %swap3A_479] {strides = array<i32>} : memref<32x1024xf32, #tpu.memory_space<vmem>>, vector<1x16xf32>,
      %swap3A_481 = vector.shape_cast %swap3A_480 : vector<1x16xf32> to vector<16xf32>
      %swap3A_482 = vector.shape_cast %add3A_477 : vector<16xf32> to vector<1x16xf32>
      tpu.vector_store %arg8[%swap3A_478, %swap3A_479], %swap3A_482 {strides = array<i32>} : memref<32x1024xf32, #tpu.memory_space<vmem>>, vector<1x16xf32>,
      %get3A_483 = arith.index_cast %scan3A_40 : i32 to index
      %get3A_484 = arith.constant 432 : index
      %get3A_485 = tpu.vector_load %arg8[%get3A_483, %get3A_484] {strides = array<i32>} : memref<32x1024xf32, #tpu.memory_space<vmem>>, vector<1x16xf32>,
      %get3A_486 = vector.shape_cast %get3A_485 : vector<1x16xf32> to vector<16xf32>
      %mul3A_487 = arith.mulf %gather3A_49, %get3A_486 : vector<16xf32>
      %get3A_488 = arith.index_cast %scan3A_40 : i32 to index
      %get3A_489 = arith.constant 432 : index
      %get3A_490 = tpu.vector_load %arg9[%get3A_488, %get3A_489] {strides = array<i32>} : memref<32x1024xf32, #tpu.memory_space<vmem>>, vector<1x16xf32>,
      %get3A_491 = vector.shape_cast %get3A_490 : vector<1x16xf32> to vector<16xf32>
      %mul3A_492 = arith.mulf %gather3A_51, %get3A_491 : vector<16xf32>
      %add3A_493 = arith.addf %mul3A_487, %mul3A_492 : vector<16xf32>
      %swap3A_494 = arith.index_cast %scan3A_40 : i32 to index
      %swap3A_495 = arith.constant 432 : index
      %swap3A_496 = tpu.vector_load %arg8[%swap3A_494, %swap3A_495] {strides = array<i32>} : memref<32x1024xf32, #tpu.memory_space<vmem>>, vector<1x16xf32>,
      %swap3A_497 = vector.shape_cast %swap3A_496 : vector<1x16xf32> to vector<16xf32>
      %swap3A_498 = vector.shape_cast %add3A_493 : vector<16xf32> to vector<1x16xf32>
      tpu.vector_store %arg8[%swap3A_494, %swap3A_495], %swap3A_498 {strides = array<i32>} : memref<32x1024xf32, #tpu.memory_space<vmem>>, vector<1x16xf32>,
      %get3A_499 = arith.index_cast %scan3A_40 : i32 to index
      %get3A_500 = arith.constant 448 : index
      %get3A_501 = tpu.vector_load %arg8[%get3A_499, %get3A_500] {strides = array<i32>} : memref<32x1024xf32, #tpu.memory_space<vmem>>, vector<1x16xf32>,
      %get3A_502 = vector.shape_cast %get3A_501 : vector<1x16xf32> to vector<16xf32>
      %mul3A_503 = arith.mulf %gather3A_49, %get3A_502 : vector<16xf32>
      %get3A_504 = arith.index_cast %scan3A_40 : i32 to index
      %get3A_505 = arith.constant 448 : index
      %get3A_506 = tpu.vector_load %arg9[%get3A_504, %get3A_505] {strides = array<i32>} : memref<32x1024xf32, #tpu.memory_space<vmem>>, vector<1x16xf32>,
      %get3A_507 = vector.shape_cast %get3A_506 : vector<1x16xf32> to vector<16xf32>
      %mul3A_508 = arith.mulf %gather3A_51, %get3A_507 : vector<16xf32>
      %add3A_509 = arith.addf %mul3A_503, %mul3A_508 : vector<16xf32>
      %swap3A_510 = arith.index_cast %scan3A_40 : i32 to index
      %swap3A_511 = arith.constant 448 : index
      %swap3A_512 = tpu.vector_load %arg8[%swap3A_510, %swap3A_511] {strides = array<i32>} : memref<32x1024xf32, #tpu.memory_space<vmem>>, vector<1x16xf32>,
      %swap3A_513 = vector.shape_cast %swap3A_512 : vector<1x16xf32> to vector<16xf32>
      %swap3A_514 = vector.shape_cast %add3A_509 : vector<16xf32> to vector<1x16xf32>
      tpu.vector_store %arg8[%swap3A_510, %swap3A_511], %swap3A_514 {strides = array<i32>} : memref<32x1024xf32, #tpu.memory_space<vmem>>, vector<1x16xf32>,
      %get3A_515 = arith.index_cast %scan3A_40 : i32 to index
      %get3A_516 = arith.constant 464 : index
      %get3A_517 = tpu.vector_load %arg8[%get3A_515, %get3A_516] {strides = array<i32>} : memref<32x1024xf32, #tpu.memory_space<vmem>>, vector<1x16xf32>,
      %get3A_518 = vector.shape_cast %get3A_517 : vector<1x16xf32> to vector<16xf32>
      %mul3A_519 = arith.mulf %gather3A_49, %get3A_518 : vector<16xf32>
      %get3A_520 = arith.index_cast %scan3A_40 : i32 to index
      %get3A_521 = arith.constant 464 : index
      %get3A_522 = tpu.vector_load %arg9[%get3A_520, %get3A_521] {strides = array<i32>} : memref<32x1024xf32, #tpu.memory_space<vmem>>, vector<1x16xf32>,
      %get3A_523 = vector.shape_cast %get3A_522 : vector<1x16xf32> to vector<16xf32>
      %mul3A_524 = arith.mulf %gather3A_51, %get3A_523 : vector<16xf32>
      %add3A_525 = arith.addf %mul3A_519, %mul3A_524 : vector<16xf32>
      %swap3A_526 = arith.index_cast %scan3A_40 : i32 to index
      %swap3A_527 = arith.constant 464 : index
      %swap3A_528 = tpu.vector_load %arg8[%swap3A_526, %swap3A_527] {strides = array<i32>} : memref<32x1024xf32, #tpu.memory_space<vmem>>, vector<1x16xf32>,
      %swap3A_529 = vector.shape_cast %swap3A_528 : vector<1x16xf32> to vector<16xf32>
      %swap3A_530 = vector.shape_cast %add3A_525 : vector<16xf32> to vector<1x16xf32>
      tpu.vector_store %arg8[%swap3A_526, %swap3A_527], %swap3A_530 {strides = array<i32>} : memref<32x1024xf32, #tpu.memory_space<vmem>>, vector<1x16xf32>,
      %get3A_531 = arith.index_cast %scan3A_40 : i32 to index
      %get3A_532 = arith.constant 480 : index
      %get3A_533 = tpu.vector_load %arg8[%get3A_531, %get3A_532] {strides = array<i32>} : memref<32x1024xf32, #tpu.memory_space<vmem>>, vector<1x16xf32>,
      %get3A_534 = vector.shape_cast %get3A_533 : vector<1x16xf32> to vector<16xf32>
      %mul3A_535 = arith.mulf %gather3A_49, %get3A_534 : vector<16xf32>
      %get3A_536 = arith.index_cast %scan3A_40 : i32 to index
      %get3A_537 = arith.constant 480 : index
      %get3A_538 = tpu.vector_load %arg9[%get3A_536, %get3A_537] {strides = array<i32>} : memref<32x1024xf32, #tpu.memory_space<vmem>>, vector<1x16xf32>,
      %get3A_539 = vector.shape_cast %get3A_538 : vector<1x16xf32> to vector<16xf32>
      %mul3A_540 = arith.mulf %gather3A_51, %get3A_539 : vector<16xf32>
      %add3A_541 = arith.addf %mul3A_535, %mul3A_540 : vector<16xf32>
      %swap3A_542 = arith.index_cast %scan3A_40 : i32 to index
      %swap3A_543 = arith.constant 480 : index
      %swap3A_544 = tpu.vector_load %arg8[%swap3A_542, %swap3A_543] {strides = array<i32>} : memref<32x1024xf32, #tpu.memory_space<vmem>>, vector<1x16xf32>,
      %swap3A_545 = vector.shape_cast %swap3A_544 : vector<1x16xf32> to vector<16xf32>
      %swap3A_546 = vector.shape_cast %add3A_541 : vector<16xf32> to vector<1x16xf32>
      tpu.vector_store %arg8[%swap3A_542, %swap3A_543], %swap3A_546 {strides = array<i32>} : memref<32x1024xf32, #tpu.memory_space<vmem>>, vector<1x16xf32>,
      %get3A_547 = arith.index_cast %scan3A_40 : i32 to index
      %get3A_548 = arith.constant 496 : index
      %get3A_549 = tpu.vector_load %arg8[%get3A_547, %get3A_548] {strides = array<i32>} : memref<32x1024xf32, #tpu.memory_space<vmem>>, vector<1x16xf32>,
      %get3A_550 = vector.shape_cast %get3A_549 : vector<1x16xf32> to vector<16xf32>
      %mul3A_551 = arith.mulf %gather3A_49, %get3A_550 : vector<16xf32>
      %get3A_552 = arith.index_cast %scan3A_40 : i32 to index
      %get3A_553 = arith.constant 496 : index
      %get3A_554 = tpu.vector_load %arg9[%get3A_552, %get3A_553] {strides = array<i32>} : memref<32x1024xf32, #tpu.memory_space<vmem>>, vector<1x16xf32>,
      %get3A_555 = vector.shape_cast %get3A_554 : vector<1x16xf32> to vector<16xf32>
      %mul3A_556 = arith.mulf %gather3A_51, %get3A_555 : vector<16xf32>
      %add3A_557 = arith.addf %mul3A_551, %mul3A_556 : vector<16xf32>
      %swap3A_558 = arith.index_cast %scan3A_40 : i32 to index
      %swap3A_559 = arith.constant 496 : index
      %swap3A_560 = tpu.vector_load %arg8[%swap3A_558, %swap3A_559] {strides = array<i32>} : memref<32x1024xf32, #tpu.memory_space<vmem>>, vector<1x16xf32>,
      %swap3A_561 = vector.shape_cast %swap3A_560 : vector<1x16xf32> to vector<16xf32>
      %swap3A_562 = vector.shape_cast %add3A_557 : vector<16xf32> to vector<1x16xf32>
      tpu.vector_store %arg8[%swap3A_558, %swap3A_559], %swap3A_562 {strides = array<i32>} : memref<32x1024xf32, #tpu.memory_space<vmem>>, vector<1x16xf32>,
      %get3A_563 = arith.index_cast %scan3A_40 : i32 to index
      %get3A_564 = arith.constant 512 : index
      %get3A_565 = tpu.vector_load %arg8[%get3A_563, %get3A_564] {strides = array<i32>} : memref<32x1024xf32, #tpu.memory_space<vmem>>, vector<1x16xf32>,
      %get3A_566 = vector.shape_cast %get3A_565 : vector<1x16xf32> to vector<16xf32>
      %mul3A_567 = arith.mulf %gather3A_49, %get3A_566 : vector<16xf32>
      %get3A_568 = arith.index_cast %scan3A_40 : i32 to index
      %get3A_569 = arith.constant 512 : index
      %get3A_570 = tpu.vector_load %arg9[%get3A_568, %get3A_569] {strides = array<i32>} : memref<32x1024xf32, #tpu.memory_space<vmem>>, vector<1x16xf32>,
      %get3A_571 = vector.shape_cast %get3A_570 : vector<1x16xf32> to vector<16xf32>
      %mul3A_572 = arith.mulf %gather3A_51, %get3A_571 : vector<16xf32>
      %add3A_573 = arith.addf %mul3A_567, %mul3A_572 : vector<16xf32>
      %swap3A_574 = arith.index_cast %scan3A_40 : i32 to index
      %swap3A_575 = arith.constant 512 : index
      %swap3A_576 = tpu.vector_load %arg8[%swap3A_574, %swap3A_575] {strides = array<i32>} : memref<32x1024xf32, #tpu.memory_space<vmem>>, vector<1x16xf32>,
      %swap3A_577 = vector.shape_cast %swap3A_576 : vector<1x16xf32> to vector<16xf32>
      %swap3A_578 = vector.shape_cast %add3A_573 : vector<16xf32> to vector<1x16xf32>
      tpu.vector_store %arg8[%swap3A_574, %swap3A_575], %swap3A_578 {strides = array<i32>} : memref<32x1024xf32, #tpu.memory_space<vmem>>, vector<1x16xf32>,
      %get3A_579 = arith.index_cast %scan3A_40 : i32 to index
      %get3A_580 = arith.constant 528 : index
      %get3A_581 = tpu.vector_load %arg8[%get3A_579, %get3A_580] {strides = array<i32>} : memref<32x1024xf32, #tpu.memory_space<vmem>>, vector<1x16xf32>,
      %get3A_582 = vector.shape_cast %get3A_581 : vector<1x16xf32> to vector<16xf32>
      %mul3A_583 = arith.mulf %gather3A_49, %get3A_582 : vector<16xf32>
      %get3A_584 = arith.index_cast %scan3A_40 : i32 to index
      %get3A_585 = arith.constant 528 : index
      %get3A_586 = tpu.vector_load %arg9[%get3A_584, %get3A_585] {strides = array<i32>} : memref<32x1024xf32, #tpu.memory_space<vmem>>, vector<1x16xf32>,
      %get3A_587 = vector.shape_cast %get3A_586 : vector<1x16xf32> to vector<16xf32>
      %mul3A_588 = arith.mulf %gather3A_51, %get3A_587 : vector<16xf32>
      %add3A_589 = arith.addf %mul3A_583, %mul3A_588 : vector<16xf32>
      %swap3A_590 = arith.index_cast %scan3A_40 : i32 to index
      %swap3A_591 = arith.constant 528 : index
      %swap3A_592 = tpu.vector_load %arg8[%swap3A_590, %swap3A_591] {strides = array<i32>} : memref<32x1024xf32, #tpu.memory_space<vmem>>, vector<1x16xf32>,
      %swap3A_593 = vector.shape_cast %swap3A_592 : vector<1x16xf32> to vector<16xf32>
      %swap3A_594 = vector.shape_cast %add3A_589 : vector<16xf32> to vector<1x16xf32>
      tpu.vector_store %arg8[%swap3A_590, %swap3A_591], %swap3A_594 {strides = array<i32>} : memref<32x1024xf32, #tpu.memory_space<vmem>>, vector<1x16xf32>,
      %get3A_595 = arith.index_cast %scan3A_40 : i32 to index
      %get3A_596 = arith.constant 544 : index
      %get3A_597 = tpu.vector_load %arg8[%get3A_595, %get3A_596] {strides = array<i32>} : memref<32x1024xf32, #tpu.memory_space<vmem>>, vector<1x16xf32>,
      %get3A_598 = vector.shape_cast %get3A_597 : vector<1x16xf32> to vector<16xf32>
      %mul3A_599 = arith.mulf %gather3A_49, %get3A_598 : vector<16xf32>
      %get3A_600 = arith.index_cast %scan3A_40 : i32 to index
      %get3A_601 = arith.constant 544 : index
      %get3A_602 = tpu.vector_load %arg9[%get3A_600, %get3A_601] {strides = array<i32>} : memref<32x1024xf32, #tpu.memory_space<vmem>>, vector<1x16xf32>,
      %get3A_603 = vector.shape_cast %get3A_602 : vector<1x16xf32> to vector<16xf32>
      %mul3A_604 = arith.mulf %gather3A_51, %get3A_603 : vector<16xf32>
      %add3A_605 = arith.addf %mul3A_599, %mul3A_604 : vector<16xf32>
      %swap3A_606 = arith.index_cast %scan3A_40 : i32 to index
      %swap3A_607 = arith.constant 544 : index
      %swap3A_608 = tpu.vector_load %arg8[%swap3A_606, %swap3A_607] {strides = array<i32>} : memref<32x1024xf32, #tpu.memory_space<vmem>>, vector<1x16xf32>,
      %swap3A_609 = vector.shape_cast %swap3A_608 : vector<1x16xf32> to vector<16xf32>
      %swap3A_610 = vector.shape_cast %add3A_605 : vector<16xf32> to vector<1x16xf32>
      tpu.vector_store %arg8[%swap3A_606, %swap3A_607], %swap3A_610 {strides = array<i32>} : memref<32x1024xf32, #tpu.memory_space<vmem>>, vector<1x16xf32>,
      %get3A_611 = arith.index_cast %scan3A_40 : i32 to index
      %get3A_612 = arith.constant 560 : index
      %get3A_613 = tpu.vector_load %arg8[%get3A_611, %get3A_612] {strides = array<i32>} : memref<32x1024xf32, #tpu.memory_space<vmem>>, vector<1x16xf32>,
      %get3A_614 = vector.shape_cast %get3A_613 : vector<1x16xf32> to vector<16xf32>
      %mul3A_615 = arith.mulf %gather3A_49, %get3A_614 : vector<16xf32>
      %get3A_616 = arith.index_cast %scan3A_40 : i32 to index
      %get3A_617 = arith.constant 560 : index
      %get3A_618 = tpu.vector_load %arg9[%get3A_616, %get3A_617] {strides = array<i32>} : memref<32x1024xf32, #tpu.memory_space<vmem>>, vector<1x16xf32>,
      %get3A_619 = vector.shape_cast %get3A_618 : vector<1x16xf32> to vector<16xf32>
      %mul3A_620 = arith.mulf %gather3A_51, %get3A_619 : vector<16xf32>
      %add3A_621 = arith.addf %mul3A_615, %mul3A_620 : vector<16xf32>
      %swap3A_622 = arith.index_cast %scan3A_40 : i32 to index
      %swap3A_623 = arith.constant 560 : index
      %swap3A_624 = tpu.vector_load %arg8[%swap3A_622, %swap3A_623] {strides = array<i32>} : memref<32x1024xf32, #tpu.memory_space<vmem>>, vector<1x16xf32>,
      %swap3A_625 = vector.shape_cast %swap3A_624 : vector<1x16xf32> to vector<16xf32>
      %swap3A_626 = vector.shape_cast %add3A_621 : vector<16xf32> to vector<1x16xf32>
      tpu.vector_store %arg8[%swap3A_622, %swap3A_623], %swap3A_626 {strides = array<i32>} : memref<32x1024xf32, #tpu.memory_space<vmem>>, vector<1x16xf32>,
      %get3A_627 = arith.index_cast %scan3A_40 : i32 to index
      %get3A_628 = arith.constant 576 : index
      %get3A_629 = tpu.vector_load %arg8[%get3A_627, %get3A_628] {strides = array<i32>} : memref<32x1024xf32, #tpu.memory_space<vmem>>, vector<1x16xf32>,
      %get3A_630 = vector.shape_cast %get3A_629 : vector<1x16xf32> to vector<16xf32>
      %mul3A_631 = arith.mulf %gather3A_49, %get3A_630 : vector<16xf32>
      %get3A_632 = arith.index_cast %scan3A_40 : i32 to index
      %get3A_633 = arith.constant 576 : index
      %get3A_634 = tpu.vector_load %arg9[%get3A_632, %get3A_633] {strides = array<i32>} : memref<32x1024xf32, #tpu.memory_space<vmem>>, vector<1x16xf32>,
      %get3A_635 = vector.shape_cast %get3A_634 : vector<1x16xf32> to vector<16xf32>
      %mul3A_636 = arith.mulf %gather3A_51, %get3A_635 : vector<16xf32>
      %add3A_637 = arith.addf %mul3A_631, %mul3A_636 : vector<16xf32>
      %swap3A_638 = arith.index_cast %scan3A_40 : i32 to index
      %swap3A_639 = arith.constant 576 : index
      %swap3A_640 = tpu.vector_load %arg8[%swap3A_638, %swap3A_639] {strides = array<i32>} : memref<32x1024xf32, #tpu.memory_space<vmem>>, vector<1x16xf32>,
      %swap3A_641 = vector.shape_cast %swap3A_640 : vector<1x16xf32> to vector<16xf32>
      %swap3A_642 = vector.shape_cast %add3A_637 : vector<16xf32> to vector<1x16xf32>
      tpu.vector_store %arg8[%swap3A_638, %swap3A_639], %swap3A_642 {strides = array<i32>} : memref<32x1024xf32, #tpu.memory_space<vmem>>, vector<1x16xf32>,
      %get3A_643 = arith.index_cast %scan3A_40 : i32 to index
      %get3A_644 = arith.constant 592 : index
      %get3A_645 = tpu.vector_load %arg8[%get3A_643, %get3A_644] {strides = array<i32>} : memref<32x1024xf32, #tpu.memory_space<vmem>>, vector<1x16xf32>,
      %get3A_646 = vector.shape_cast %get3A_645 : vector<1x16xf32> to vector<16xf32>
      %mul3A_647 = arith.mulf %gather3A_49, %get3A_646 : vector<16xf32>
      %get3A_648 = arith.index_cast %scan3A_40 : i32 to index
      %get3A_649 = arith.constant 592 : index
      %get3A_650 = tpu.vector_load %arg9[%get3A_648, %get3A_649] {strides = array<i32>} : memref<32x1024xf32, #tpu.memory_space<vmem>>, vector<1x16xf32>,
      %get3A_651 = vector.shape_cast %get3A_650 : vector<1x16xf32> to vector<16xf32>
      %mul3A_652 = arith.mulf %gather3A_51, %get3A_651 : vector<16xf32>
      %add3A_653 = arith.addf %mul3A_647, %mul3A_652 : vector<16xf32>
      %swap3A_654 = arith.index_cast %scan3A_40 : i32 to index
      %swap3A_655 = arith.constant 592 : index
      %swap3A_656 = tpu.vector_load %arg8[%swap3A_654, %swap3A_655] {strides = array<i32>} : memref<32x1024xf32, #tpu.memory_space<vmem>>, vector<1x16xf32>,
      %swap3A_657 = vector.shape_cast %swap3A_656 : vector<1x16xf32> to vector<16xf32>
      %swap3A_658 = vector.shape_cast %add3A_653 : vector<16xf32> to vector<1x16xf32>
      tpu.vector_store %arg8[%swap3A_654, %swap3A_655], %swap3A_658 {strides = array<i32>} : memref<32x1024xf32, #tpu.memory_space<vmem>>, vector<1x16xf32>,
      %get3A_659 = arith.index_cast %scan3A_40 : i32 to index
      %get3A_660 = arith.constant 608 : index
      %get3A_661 = tpu.vector_load %arg8[%get3A_659, %get3A_660] {strides = array<i32>} : memref<32x1024xf32, #tpu.memory_space<vmem>>, vector<1x16xf32>,
      %get3A_662 = vector.shape_cast %get3A_661 : vector<1x16xf32> to vector<16xf32>
      %mul3A_663 = arith.mulf %gather3A_49, %get3A_662 : vector<16xf32>
      %get3A_664 = arith.index_cast %scan3A_40 : i32 to index
      %get3A_665 = arith.constant 608 : index
      %get3A_666 = tpu.vector_load %arg9[%get3A_664, %get3A_665] {strides = array<i32>} : memref<32x1024xf32, #tpu.memory_space<vmem>>, vector<1x16xf32>,
      %get3A_667 = vector.shape_cast %get3A_666 : vector<1x16xf32> to vector<16xf32>
      %mul3A_668 = arith.mulf %gather3A_51, %get3A_667 : vector<16xf32>
      %add3A_669 = arith.addf %mul3A_663, %mul3A_668 : vector<16xf32>
      %swap3A_670 = arith.index_cast %scan3A_40 : i32 to index
      %swap3A_671 = arith.constant 608 : index
      %swap3A_672 = tpu.vector_load %arg8[%swap3A_670, %swap3A_671] {strides = array<i32>} : memref<32x1024xf32, #tpu.memory_space<vmem>>, vector<1x16xf32>,
      %swap3A_673 = vector.shape_cast %swap3A_672 : vector<1x16xf32> to vector<16xf32>
      %swap3A_674 = vector.shape_cast %add3A_669 : vector<16xf32> to vector<1x16xf32>
      tpu.vector_store %arg8[%swap3A_670, %swap3A_671], %swap3A_674 {strides = array<i32>} : memref<32x1024xf32, #tpu.memory_space<vmem>>, vector<1x16xf32>,
      %get3A_675 = arith.index_cast %scan3A_40 : i32 to index
      %get3A_676 = arith.constant 624 : index
      %get3A_677 = tpu.vector_load %arg8[%get3A_675, %get3A_676] {strides = array<i32>} : memref<32x1024xf32, #tpu.memory_space<vmem>>, vector<1x16xf32>,
      %get3A_678 = vector.shape_cast %get3A_677 : vector<1x16xf32> to vector<16xf32>
      %mul3A_679 = arith.mulf %gather3A_49, %get3A_678 : vector<16xf32>
      %get3A_680 = arith.index_cast %scan3A_40 : i32 to index
      %get3A_681 = arith.constant 624 : index
      %get3A_682 = tpu.vector_load %arg9[%get3A_680, %get3A_681] {strides = array<i32>} : memref<32x1024xf32, #tpu.memory_space<vmem>>, vector<1x16xf32>,
      %get3A_683 = vector.shape_cast %get3A_682 : vector<1x16xf32> to vector<16xf32>
      %mul3A_684 = arith.mulf %gather3A_51, %get3A_683 : vector<16xf32>
      %add3A_685 = arith.addf %mul3A_679, %mul3A_684 : vector<16xf32>
      %swap3A_686 = arith.index_cast %scan3A_40 : i32 to index
      %swap3A_687 = arith.constant 624 : index
      %swap3A_688 = tpu.vector_load %arg8[%swap3A_686, %swap3A_687] {strides = array<i32>} : memref<32x1024xf32, #tpu.memory_space<vmem>>, vector<1x16xf32>,
      %swap3A_689 = vector.shape_cast %swap3A_688 : vector<1x16xf32> to vector<16xf32>
      %swap3A_690 = vector.shape_cast %add3A_685 : vector<16xf32> to vector<1x16xf32>
      tpu.vector_store %arg8[%swap3A_686, %swap3A_687], %swap3A_690 {strides = array<i32>} : memref<32x1024xf32, #tpu.memory_space<vmem>>, vector<1x16xf32>,
      %get3A_691 = arith.index_cast %scan3A_40 : i32 to index
      %get3A_692 = arith.constant 640 : index
      %get3A_693 = tpu.vector_load %arg8[%get3A_691, %get3A_692] {strides = array<i32>} : memref<32x1024xf32, #tpu.memory_space<vmem>>, vector<1x16xf32>,
      %get3A_694 = vector.shape_cast %get3A_693 : vector<1x16xf32> to vector<16xf32>
      %mul3A_695 = arith.mulf %gather3A_49, %get3A_694 : vector<16xf32>
      %get3A_696 = arith.index_cast %scan3A_40 : i32 to index
      %get3A_697 = arith.constant 640 : index
      %get3A_698 = tpu.vector_load %arg9[%get3A_696, %get3A_697] {strides = array<i32>} : memref<32x1024xf32, #tpu.memory_space<vmem>>, vector<1x16xf32>,
      %get3A_699 = vector.shape_cast %get3A_698 : vector<1x16xf32> to vector<16xf32>
      %mul3A_700 = arith.mulf %gather3A_51, %get3A_699 : vector<16xf32>
      %add3A_701 = arith.addf %mul3A_695, %mul3A_700 : vector<16xf32>
      %swap3A_702 = arith.index_cast %scan3A_40 : i32 to index
      %swap3A_703 = arith.constant 640 : index
      %swap3A_704 = tpu.vector_load %arg8[%swap3A_702, %swap3A_703] {strides = array<i32>} : memref<32x1024xf32, #tpu.memory_space<vmem>>, vector<1x16xf32>,
      %swap3A_705 = vector.shape_cast %swap3A_704 : vector<1x16xf32> to vector<16xf32>
      %swap3A_706 = vector.shape_cast %add3A_701 : vector<16xf32> to vector<1x16xf32>
      tpu.vector_store %arg8[%swap3A_702, %swap3A_703], %swap3A_706 {strides = array<i32>} : memref<32x1024xf32, #tpu.memory_space<vmem>>, vector<1x16xf32>,
      %get3A_707 = arith.index_cast %scan3A_40 : i32 to index
      %get3A_708 = arith.constant 656 : index
      %get3A_709 = tpu.vector_load %arg8[%get3A_707, %get3A_708] {strides = array<i32>} : memref<32x1024xf32, #tpu.memory_space<vmem>>, vector<1x16xf32>,
      %get3A_710 = vector.shape_cast %get3A_709 : vector<1x16xf32> to vector<16xf32>
      %mul3A_711 = arith.mulf %gather3A_49, %get3A_710 : vector<16xf32>
      %get3A_712 = arith.index_cast %scan3A_40 : i32 to index
      %get3A_713 = arith.constant 656 : index
      %get3A_714 = tpu.vector_load %arg9[%get3A_712, %get3A_713] {strides = array<i32>} : memref<32x1024xf32, #tpu.memory_space<vmem>>, vector<1x16xf32>,
      %get3A_715 = vector.shape_cast %get3A_714 : vector<1x16xf32> to vector<16xf32>
      %mul3A_716 = arith.mulf %gather3A_51, %get3A_715 : vector<16xf32>
      %add3A_717 = arith.addf %mul3A_711, %mul3A_716 : vector<16xf32>
      %swap3A_718 = arith.index_cast %scan3A_40 : i32 to index
      %swap3A_719 = arith.constant 656 : index
      %swap3A_720 = tpu.vector_load %arg8[%swap3A_718, %swap3A_719] {strides = array<i32>} : memref<32x1024xf32, #tpu.memory_space<vmem>>, vector<1x16xf32>,
      %swap3A_721 = vector.shape_cast %swap3A_720 : vector<1x16xf32> to vector<16xf32>
      %swap3A_722 = vector.shape_cast %add3A_717 : vector<16xf32> to vector<1x16xf32>
      tpu.vector_store %arg8[%swap3A_718, %swap3A_719], %swap3A_722 {strides = array<i32>} : memref<32x1024xf32, #tpu.memory_space<vmem>>, vector<1x16xf32>,
      %get3A_723 = arith.index_cast %scan3A_40 : i32 to index
      %get3A_724 = arith.constant 672 : index
      %get3A_725 = tpu.vector_load %arg8[%get3A_723, %get3A_724] {strides = array<i32>} : memref<32x1024xf32, #tpu.memory_space<vmem>>, vector<1x16xf32>,
      %get3A_726 = vector.shape_cast %get3A_725 : vector<1x16xf32> to vector<16xf32>
      %mul3A_727 = arith.mulf %gather3A_49, %get3A_726 : vector<16xf32>
      %get3A_728 = arith.index_cast %scan3A_40 : i32 to index
      %get3A_729 = arith.constant 672 : index
      %get3A_730 = tpu.vector_load %arg9[%get3A_728, %get3A_729] {strides = array<i32>} : memref<32x1024xf32, #tpu.memory_space<vmem>>, vector<1x16xf32>,
      %get3A_731 = vector.shape_cast %get3A_730 : vector<1x16xf32> to vector<16xf32>
      %mul3A_732 = arith.mulf %gather3A_51, %get3A_731 : vector<16xf32>
      %add3A_733 = arith.addf %mul3A_727, %mul3A_732 : vector<16xf32>
      %swap3A_734 = arith.index_cast %scan3A_40 : i32 to index
      %swap3A_735 = arith.constant 672 : index
      %swap3A_736 = tpu.vector_load %arg8[%swap3A_734, %swap3A_735] {strides = array<i32>} : memref<32x1024xf32, #tpu.memory_space<vmem>>, vector<1x16xf32>,
      %swap3A_737 = vector.shape_cast %swap3A_736 : vector<1x16xf32> to vector<16xf32>
      %swap3A_738 = vector.shape_cast %add3A_733 : vector<16xf32> to vector<1x16xf32>
      tpu.vector_store %arg8[%swap3A_734, %swap3A_735], %swap3A_738 {strides = array<i32>} : memref<32x1024xf32, #tpu.memory_space<vmem>>, vector<1x16xf32>,
      %get3A_739 = arith.index_cast %scan3A_40 : i32 to index
      %get3A_740 = arith.constant 688 : index
      %get3A_741 = tpu.vector_load %arg8[%get3A_739, %get3A_740] {strides = array<i32>} : memref<32x1024xf32, #tpu.memory_space<vmem>>, vector<1x16xf32>,
      %get3A_742 = vector.shape_cast %get3A_741 : vector<1x16xf32> to vector<16xf32>
      %mul3A_743 = arith.mulf %gather3A_49, %get3A_742 : vector<16xf32>
      %get3A_744 = arith.index_cast %scan3A_40 : i32 to index
      %get3A_745 = arith.constant 688 : index
      %get3A_746 = tpu.vector_load %arg9[%get3A_744, %get3A_745] {strides = array<i32>} : memref<32x1024xf32, #tpu.memory_space<vmem>>, vector<1x16xf32>,
      %get3A_747 = vector.shape_cast %get3A_746 : vector<1x16xf32> to vector<16xf32>
      %mul3A_748 = arith.mulf %gather3A_51, %get3A_747 : vector<16xf32>
      %add3A_749 = arith.addf %mul3A_743, %mul3A_748 : vector<16xf32>
      %swap3A_750 = arith.index_cast %scan3A_40 : i32 to index
      %swap3A_751 = arith.constant 688 : index
      %swap3A_752 = tpu.vector_load %arg8[%swap3A_750, %swap3A_751] {strides = array<i32>} : memref<32x1024xf32, #tpu.memory_space<vmem>>, vector<1x16xf32>,
      %swap3A_753 = vector.shape_cast %swap3A_752 : vector<1x16xf32> to vector<16xf32>
      %swap3A_754 = vector.shape_cast %add3A_749 : vector<16xf32> to vector<1x16xf32>
      tpu.vector_store %arg8[%swap3A_750, %swap3A_751], %swap3A_754 {strides = array<i32>} : memref<32x1024xf32, #tpu.memory_space<vmem>>, vector<1x16xf32>,
      %get3A_755 = arith.index_cast %scan3A_40 : i32 to index
      %get3A_756 = arith.constant 704 : index
      %get3A_757 = tpu.vector_load %arg8[%get3A_755, %get3A_756] {strides = array<i32>} : memref<32x1024xf32, #tpu.memory_space<vmem>>, vector<1x16xf32>,
      %get3A_758 = vector.shape_cast %get3A_757 : vector<1x16xf32> to vector<16xf32>
      %mul3A_759 = arith.mulf %gather3A_49, %get3A_758 : vector<16xf32>
      %get3A_760 = arith.index_cast %scan3A_40 : i32 to index
      %get3A_761 = arith.constant 704 : index
      %get3A_762 = tpu.vector_load %arg9[%get3A_760, %get3A_761] {strides = array<i32>} : memref<32x1024xf32, #tpu.memory_space<vmem>>, vector<1x16xf32>,
      %get3A_763 = vector.shape_cast %get3A_762 : vector<1x16xf32> to vector<16xf32>
      %mul3A_764 = arith.mulf %gather3A_51, %get3A_763 : vector<16xf32>
      %add3A_765 = arith.addf %mul3A_759, %mul3A_764 : vector<16xf32>
      %swap3A_766 = arith.index_cast %scan3A_40 : i32 to index
      %swap3A_767 = arith.constant 704 : index
      %swap3A_768 = tpu.vector_load %arg8[%swap3A_766, %swap3A_767] {strides = array<i32>} : memref<32x1024xf32, #tpu.memory_space<vmem>>, vector<1x16xf32>,
      %swap3A_769 = vector.shape_cast %swap3A_768 : vector<1x16xf32> to vector<16xf32>
      %swap3A_770 = vector.shape_cast %add3A_765 : vector<16xf32> to vector<1x16xf32>
      tpu.vector_store %arg8[%swap3A_766, %swap3A_767], %swap3A_770 {strides = array<i32>} : memref<32x1024xf32, #tpu.memory_space<vmem>>, vector<1x16xf32>,
      %get3A_771 = arith.index_cast %scan3A_40 : i32 to index
      %get3A_772 = arith.constant 720 : index
      %get3A_773 = tpu.vector_load %arg8[%get3A_771, %get3A_772] {strides = array<i32>} : memref<32x1024xf32, #tpu.memory_space<vmem>>, vector<1x16xf32>,
      %get3A_774 = vector.shape_cast %get3A_773 : vector<1x16xf32> to vector<16xf32>
      %mul3A_775 = arith.mulf %gather3A_49, %get3A_774 : vector<16xf32>
      %get3A_776 = arith.index_cast %scan3A_40 : i32 to index
      %get3A_777 = arith.constant 720 : index
      %get3A_778 = tpu.vector_load %arg9[%get3A_776, %get3A_777] {strides = array<i32>} : memref<32x1024xf32, #tpu.memory_space<vmem>>, vector<1x16xf32>,
      %get3A_779 = vector.shape_cast %get3A_778 : vector<1x16xf32> to vector<16xf32>
      %mul3A_780 = arith.mulf %gather3A_51, %get3A_779 : vector<16xf32>
      %add3A_781 = arith.addf %mul3A_775, %mul3A_780 : vector<16xf32>
      %swap3A_782 = arith.index_cast %scan3A_40 : i32 to index
      %swap3A_783 = arith.constant 720 : index
      %swap3A_784 = tpu.vector_load %arg8[%swap3A_782, %swap3A_783] {strides = array<i32>} : memref<32x1024xf32, #tpu.memory_space<vmem>>, vector<1x16xf32>,
      %swap3A_785 = vector.shape_cast %swap3A_784 : vector<1x16xf32> to vector<16xf32>
      %swap3A_786 = vector.shape_cast %add3A_781 : vector<16xf32> to vector<1x16xf32>
      tpu.vector_store %arg8[%swap3A_782, %swap3A_783], %swap3A_786 {strides = array<i32>} : memref<32x1024xf32, #tpu.memory_space<vmem>>, vector<1x16xf32>,
      %get3A_787 = arith.index_cast %scan3A_40 : i32 to index
      %get3A_788 = arith.constant 736 : index
      %get3A_789 = tpu.vector_load %arg8[%get3A_787, %get3A_788] {strides = array<i32>} : memref<32x1024xf32, #tpu.memory_space<vmem>>, vector<1x16xf32>,
      %get3A_790 = vector.shape_cast %get3A_789 : vector<1x16xf32> to vector<16xf32>
      %mul3A_791 = arith.mulf %gather3A_49, %get3A_790 : vector<16xf32>
      %get3A_792 = arith.index_cast %scan3A_40 : i32 to index
      %get3A_793 = arith.constant 736 : index
      %get3A_794 = tpu.vector_load %arg9[%get3A_792, %get3A_793] {strides = array<i32>} : memref<32x1024xf32, #tpu.memory_space<vmem>>, vector<1x16xf32>,
      %get3A_795 = vector.shape_cast %get3A_794 : vector<1x16xf32> to vector<16xf32>
      %mul3A_796 = arith.mulf %gather3A_51, %get3A_795 : vector<16xf32>
      %add3A_797 = arith.addf %mul3A_791, %mul3A_796 : vector<16xf32>
      %swap3A_798 = arith.index_cast %scan3A_40 : i32 to index
      %swap3A_799 = arith.constant 736 : index
      %swap3A_800 = tpu.vector_load %arg8[%swap3A_798, %swap3A_799] {strides = array<i32>} : memref<32x1024xf32, #tpu.memory_space<vmem>>, vector<1x16xf32>,
      %swap3A_801 = vector.shape_cast %swap3A_800 : vector<1x16xf32> to vector<16xf32>
      %swap3A_802 = vector.shape_cast %add3A_797 : vector<16xf32> to vector<1x16xf32>
      tpu.vector_store %arg8[%swap3A_798, %swap3A_799], %swap3A_802 {strides = array<i32>} : memref<32x1024xf32, #tpu.memory_space<vmem>>, vector<1x16xf32>,
      %get3A_803 = arith.index_cast %scan3A_40 : i32 to index
      %get3A_804 = arith.constant 752 : index
      %get3A_805 = tpu.vector_load %arg8[%get3A_803, %get3A_804] {strides = array<i32>} : memref<32x1024xf32, #tpu.memory_space<vmem>>, vector<1x16xf32>,
      %get3A_806 = vector.shape_cast %get3A_805 : vector<1x16xf32> to vector<16xf32>
      %mul3A_807 = arith.mulf %gather3A_49, %get3A_806 : vector<16xf32>
      %get3A_808 = arith.index_cast %scan3A_40 : i32 to index
      %get3A_809 = arith.constant 752 : index
      %get3A_810 = tpu.vector_load %arg9[%get3A_808, %get3A_809] {strides = array<i32>} : memref<32x1024xf32, #tpu.memory_space<vmem>>, vector<1x16xf32>,
      %get3A_811 = vector.shape_cast %get3A_810 : vector<1x16xf32> to vector<16xf32>
      %mul3A_812 = arith.mulf %gather3A_51, %get3A_811 : vector<16xf32>
      %add3A_813 = arith.addf %mul3A_807, %mul3A_812 : vector<16xf32>
      %swap3A_814 = arith.index_cast %scan3A_40 : i32 to index
      %swap3A_815 = arith.constant 752 : index
      %swap3A_816 = tpu.vector_load %arg8[%swap3A_814, %swap3A_815] {strides = array<i32>} : memref<32x1024xf32, #tpu.memory_space<vmem>>, vector<1x16xf32>,
      %swap3A_817 = vector.shape_cast %swap3A_816 : vector<1x16xf32> to vector<16xf32>
      %swap3A_818 = vector.shape_cast %add3A_813 : vector<16xf32> to vector<1x16xf32>
      tpu.vector_store %arg8[%swap3A_814, %swap3A_815], %swap3A_818 {strides = array<i32>} : memref<32x1024xf32, #tpu.memory_space<vmem>>, vector<1x16xf32>,
      %get3A_819 = arith.index_cast %scan3A_40 : i32 to index
      %get3A_820 = arith.constant 768 : index
      %get3A_821 = tpu.vector_load %arg8[%get3A_819, %get3A_820] {strides = array<i32>} : memref<32x1024xf32, #tpu.memory_space<vmem>>, vector<1x16xf32>,
      %get3A_822 = vector.shape_cast %get3A_821 : vector<1x16xf32> to vector<16xf32>
      %mul3A_823 = arith.mulf %gather3A_49, %get3A_822 : vector<16xf32>
      %get3A_824 = arith.index_cast %scan3A_40 : i32 to index
      %get3A_825 = arith.constant 768 : index
      %get3A_826 = tpu.vector_load %arg9[%get3A_824, %get3A_825] {strides = array<i32>} : memref<32x1024xf32, #tpu.memory_space<vmem>>, vector<1x16xf32>,
      %get3A_827 = vector.shape_cast %get3A_826 : vector<1x16xf32> to vector<16xf32>
      %mul3A_828 = arith.mulf %gather3A_51, %get3A_827 : vector<16xf32>
      %add3A_829 = arith.addf %mul3A_823, %mul3A_828 : vector<16xf32>
      %swap3A_830 = arith.index_cast %scan3A_40 : i32 to index
      %swap3A_831 = arith.constant 768 : index
      %swap3A_832 = tpu.vector_load %arg8[%swap3A_830, %swap3A_831] {strides = array<i32>} : memref<32x1024xf32, #tpu.memory_space<vmem>>, vector<1x16xf32>,
      %swap3A_833 = vector.shape_cast %swap3A_832 : vector<1x16xf32> to vector<16xf32>
      %swap3A_834 = vector.shape_cast %add3A_829 : vector<16xf32> to vector<1x16xf32>
      tpu.vector_store %arg8[%swap3A_830, %swap3A_831], %swap3A_834 {strides = array<i32>} : memref<32x1024xf32, #tpu.memory_space<vmem>>, vector<1x16xf32>,
      %get3A_835 = arith.index_cast %scan3A_40 : i32 to index
      %get3A_836 = arith.constant 784 : index
      %get3A_837 = tpu.vector_load %arg8[%get3A_835, %get3A_836] {strides = array<i32>} : memref<32x1024xf32, #tpu.memory_space<vmem>>, vector<1x16xf32>,
      %get3A_838 = vector.shape_cast %get3A_837 : vector<1x16xf32> to vector<16xf32>
      %mul3A_839 = arith.mulf %gather3A_49, %get3A_838 : vector<16xf32>
      %get3A_840 = arith.index_cast %scan3A_40 : i32 to index
      %get3A_841 = arith.constant 784 : index
      %get3A_842 = tpu.vector_load %arg9[%get3A_840, %get3A_841] {strides = array<i32>} : memref<32x1024xf32, #tpu.memory_space<vmem>>, vector<1x16xf32>,
      %get3A_843 = vector.shape_cast %get3A_842 : vector<1x16xf32> to vector<16xf32>
      %mul3A_844 = arith.mulf %gather3A_51, %get3A_843 : vector<16xf32>
      %add3A_845 = arith.addf %mul3A_839, %mul3A_844 : vector<16xf32>
      %swap3A_846 = arith.index_cast %scan3A_40 : i32 to index
      %swap3A_847 = arith.constant 784 : index
      %swap3A_848 = tpu.vector_load %arg8[%swap3A_846, %swap3A_847] {strides = array<i32>} : memref<32x1024xf32, #tpu.memory_space<vmem>>, vector<1x16xf32>,
      %swap3A_849 = vector.shape_cast %swap3A_848 : vector<1x16xf32> to vector<16xf32>
      %swap3A_850 = vector.shape_cast %add3A_845 : vector<16xf32> to vector<1x16xf32>
      tpu.vector_store %arg8[%swap3A_846, %swap3A_847], %swap3A_850 {strides = array<i32>} : memref<32x1024xf32, #tpu.memory_space<vmem>>, vector<1x16xf32>,
      %get3A_851 = arith.index_cast %scan3A_40 : i32 to index
      %get3A_852 = arith.constant 800 : index
      %get3A_853 = tpu.vector_load %arg8[%get3A_851, %get3A_852] {strides = array<i32>} : memref<32x1024xf32, #tpu.memory_space<vmem>>, vector<1x16xf32>,
      %get3A_854 = vector.shape_cast %get3A_853 : vector<1x16xf32> to vector<16xf32>
      %mul3A_855 = arith.mulf %gather3A_49, %get3A_854 : vector<16xf32>
      %get3A_856 = arith.index_cast %scan3A_40 : i32 to index
      %get3A_857 = arith.constant 800 : index
      %get3A_858 = tpu.vector_load %arg9[%get3A_856, %get3A_857] {strides = array<i32>} : memref<32x1024xf32, #tpu.memory_space<vmem>>, vector<1x16xf32>,
      %get3A_859 = vector.shape_cast %get3A_858 : vector<1x16xf32> to vector<16xf32>
      %mul3A_860 = arith.mulf %gather3A_51, %get3A_859 : vector<16xf32>
      %add3A_861 = arith.addf %mul3A_855, %mul3A_860 : vector<16xf32>
      %swap3A_862 = arith.index_cast %scan3A_40 : i32 to index
      %swap3A_863 = arith.constant 800 : index
      %swap3A_864 = tpu.vector_load %arg8[%swap3A_862, %swap3A_863] {strides = array<i32>} : memref<32x1024xf32, #tpu.memory_space<vmem>>, vector<1x16xf32>,
      %swap3A_865 = vector.shape_cast %swap3A_864 : vector<1x16xf32> to vector<16xf32>
      %swap3A_866 = vector.shape_cast %add3A_861 : vector<16xf32> to vector<1x16xf32>
      tpu.vector_store %arg8[%swap3A_862, %swap3A_863], %swap3A_866 {strides = array<i32>} : memref<32x1024xf32, #tpu.memory_space<vmem>>, vector<1x16xf32>,
      %get3A_867 = arith.index_cast %scan3A_40 : i32 to index
      %get3A_868 = arith.constant 816 : index
      %get3A_869 = tpu.vector_load %arg8[%get3A_867, %get3A_868] {strides = array<i32>} : memref<32x1024xf32, #tpu.memory_space<vmem>>, vector<1x16xf32>,
      %get3A_870 = vector.shape_cast %get3A_869 : vector<1x16xf32> to vector<16xf32>
      %mul3A_871 = arith.mulf %gather3A_49, %get3A_870 : vector<16xf32>
      %get3A_872 = arith.index_cast %scan3A_40 : i32 to index
      %get3A_873 = arith.constant 816 : index
      %get3A_874 = tpu.vector_load %arg9[%get3A_872, %get3A_873] {strides = array<i32>} : memref<32x1024xf32, #tpu.memory_space<vmem>>, vector<1x16xf32>,
      %get3A_875 = vector.shape_cast %get3A_874 : vector<1x16xf32> to vector<16xf32>
      %mul3A_876 = arith.mulf %gather3A_51, %get3A_875 : vector<16xf32>
      %add3A_877 = arith.addf %mul3A_871, %mul3A_876 : vector<16xf32>
      %swap3A_878 = arith.index_cast %scan3A_40 : i32 to index
      %swap3A_879 = arith.constant 816 : index
      %swap3A_880 = tpu.vector_load %arg8[%swap3A_878, %swap3A_879] {strides = array<i32>} : memref<32x1024xf32, #tpu.memory_space<vmem>>, vector<1x16xf32>,
      %swap3A_881 = vector.shape_cast %swap3A_880 : vector<1x16xf32> to vector<16xf32>
      %swap3A_882 = vector.shape_cast %add3A_877 : vector<16xf32> to vector<1x16xf32>
      tpu.vector_store %arg8[%swap3A_878, %swap3A_879], %swap3A_882 {strides = array<i32>} : memref<32x1024xf32, #tpu.memory_space<vmem>>, vector<1x16xf32>,
      %get3A_883 = arith.index_cast %scan3A_40 : i32 to index
      %get3A_884 = arith.constant 832 : index
      %get3A_885 = tpu.vector_load %arg8[%get3A_883, %get3A_884] {strides = array<i32>} : memref<32x1024xf32, #tpu.memory_space<vmem>>, vector<1x16xf32>,
      %get3A_886 = vector.shape_cast %get3A_885 : vector<1x16xf32> to vector<16xf32>
      %mul3A_887 = arith.mulf %gather3A_49, %get3A_886 : vector<16xf32>
      %get3A_888 = arith.index_cast %scan3A_40 : i32 to index
      %get3A_889 = arith.constant 832 : index
      %get3A_890 = tpu.vector_load %arg9[%get3A_888, %get3A_889] {strides = array<i32>} : memref<32x1024xf32, #tpu.memory_space<vmem>>, vector<1x16xf32>,
      %get3A_891 = vector.shape_cast %get3A_890 : vector<1x16xf32> to vector<16xf32>
      %mul3A_892 = arith.mulf %gather3A_51, %get3A_891 : vector<16xf32>
      %add3A_893 = arith.addf %mul3A_887, %mul3A_892 : vector<16xf32>
      %swap3A_894 = arith.index_cast %scan3A_40 : i32 to index
      %swap3A_895 = arith.constant 832 : index
      %swap3A_896 = tpu.vector_load %arg8[%swap3A_894, %swap3A_895] {strides = array<i32>} : memref<32x1024xf32, #tpu.memory_space<vmem>>, vector<1x16xf32>,
      %swap3A_897 = vector.shape_cast %swap3A_896 : vector<1x16xf32> to vector<16xf32>
      %swap3A_898 = vector.shape_cast %add3A_893 : vector<16xf32> to vector<1x16xf32>
      tpu.vector_store %arg8[%swap3A_894, %swap3A_895], %swap3A_898 {strides = array<i32>} : memref<32x1024xf32, #tpu.memory_space<vmem>>, vector<1x16xf32>,
      %get3A_899 = arith.index_cast %scan3A_40 : i32 to index
      %get3A_900 = arith.constant 848 : index
      %get3A_901 = tpu.vector_load %arg8[%get3A_899, %get3A_900] {strides = array<i32>} : memref<32x1024xf32, #tpu.memory_space<vmem>>, vector<1x16xf32>,
      %get3A_902 = vector.shape_cast %get3A_901 : vector<1x16xf32> to vector<16xf32>
      %mul3A_903 = arith.mulf %gather3A_49, %get3A_902 : vector<16xf32>
      %get3A_904 = arith.index_cast %scan3A_40 : i32 to index
      %get3A_905 = arith.constant 848 : index
      %get3A_906 = tpu.vector_load %arg9[%get3A_904, %get3A_905] {strides = array<i32>} : memref<32x1024xf32, #tpu.memory_space<vmem>>, vector<1x16xf32>,
      %get3A_907 = vector.shape_cast %get3A_906 : vector<1x16xf32> to vector<16xf32>
      %mul3A_908 = arith.mulf %gather3A_51, %get3A_907 : vector<16xf32>
      %add3A_909 = arith.addf %mul3A_903, %mul3A_908 : vector<16xf32>
      %swap3A_910 = arith.index_cast %scan3A_40 : i32 to index
      %swap3A_911 = arith.constant 848 : index
      %swap3A_912 = tpu.vector_load %arg8[%swap3A_910, %swap3A_911] {strides = array<i32>} : memref<32x1024xf32, #tpu.memory_space<vmem>>, vector<1x16xf32>,
      %swap3A_913 = vector.shape_cast %swap3A_912 : vector<1x16xf32> to vector<16xf32>
      %swap3A_914 = vector.shape_cast %add3A_909 : vector<16xf32> to vector<1x16xf32>
      tpu.vector_store %arg8[%swap3A_910, %swap3A_911], %swap3A_914 {strides = array<i32>} : memref<32x1024xf32, #tpu.memory_space<vmem>>, vector<1x16xf32>,
      %get3A_915 = arith.index_cast %scan3A_40 : i32 to index
      %get3A_916 = arith.constant 864 : index
      %get3A_917 = tpu.vector_load %arg8[%get3A_915, %get3A_916] {strides = array<i32>} : memref<32x1024xf32, #tpu.memory_space<vmem>>, vector<1x16xf32>,
      %get3A_918 = vector.shape_cast %get3A_917 : vector<1x16xf32> to vector<16xf32>
      %mul3A_919 = arith.mulf %gather3A_49, %get3A_918 : vector<16xf32>
      %get3A_920 = arith.index_cast %scan3A_40 : i32 to index
      %get3A_921 = arith.constant 864 : index
      %get3A_922 = tpu.vector_load %arg9[%get3A_920, %get3A_921] {strides = array<i32>} : memref<32x1024xf32, #tpu.memory_space<vmem>>, vector<1x16xf32>,
      %get3A_923 = vector.shape_cast %get3A_922 : vector<1x16xf32> to vector<16xf32>
      %mul3A_924 = arith.mulf %gather3A_51, %get3A_923 : vector<16xf32>
      %add3A_925 = arith.addf %mul3A_919, %mul3A_924 : vector<16xf32>
      %swap3A_926 = arith.index_cast %scan3A_40 : i32 to index
      %swap3A_927 = arith.constant 864 : index
      %swap3A_928 = tpu.vector_load %arg8[%swap3A_926, %swap3A_927] {strides = array<i32>} : memref<32x1024xf32, #tpu.memory_space<vmem>>, vector<1x16xf32>,
      %swap3A_929 = vector.shape_cast %swap3A_928 : vector<1x16xf32> to vector<16xf32>
      %swap3A_930 = vector.shape_cast %add3A_925 : vector<16xf32> to vector<1x16xf32>
      tpu.vector_store %arg8[%swap3A_926, %swap3A_927], %swap3A_930 {strides = array<i32>} : memref<32x1024xf32, #tpu.memory_space<vmem>>, vector<1x16xf32>,
      %get3A_931 = arith.index_cast %scan3A_40 : i32 to index
      %get3A_932 = arith.constant 880 : index
      %get3A_933 = tpu.vector_load %arg8[%get3A_931, %get3A_932] {strides = array<i32>} : memref<32x1024xf32, #tpu.memory_space<vmem>>, vector<1x16xf32>,
      %get3A_934 = vector.shape_cast %get3A_933 : vector<1x16xf32> to vector<16xf32>
      %mul3A_935 = arith.mulf %gather3A_49, %get3A_934 : vector<16xf32>
      %get3A_936 = arith.index_cast %scan3A_40 : i32 to index
      %get3A_937 = arith.constant 880 : index
      %get3A_938 = tpu.vector_load %arg9[%get3A_936, %get3A_937] {strides = array<i32>} : memref<32x1024xf32, #tpu.memory_space<vmem>>, vector<1x16xf32>,
      %get3A_939 = vector.shape_cast %get3A_938 : vector<1x16xf32> to vector<16xf32>
      %mul3A_940 = arith.mulf %gather3A_51, %get3A_939 : vector<16xf32>
      %add3A_941 = arith.addf %mul3A_935, %mul3A_940 : vector<16xf32>
      %swap3A_942 = arith.index_cast %scan3A_40 : i32 to index
      %swap3A_943 = arith.constant 880 : index
      %swap3A_944 = tpu.vector_load %arg8[%swap3A_942, %swap3A_943] {strides = array<i32>} : memref<32x1024xf32, #tpu.memory_space<vmem>>, vector<1x16xf32>,
      %swap3A_945 = vector.shape_cast %swap3A_944 : vector<1x16xf32> to vector<16xf32>
      %swap3A_946 = vector.shape_cast %add3A_941 : vector<16xf32> to vector<1x16xf32>
      tpu.vector_store %arg8[%swap3A_942, %swap3A_943], %swap3A_946 {strides = array<i32>} : memref<32x1024xf32, #tpu.memory_space<vmem>>, vector<1x16xf32>,
      %get3A_947 = arith.index_cast %scan3A_40 : i32 to index
      %get3A_948 = arith.constant 896 : index
      %get3A_949 = tpu.vector_load %arg8[%get3A_947, %get3A_948] {strides = array<i32>} : memref<32x1024xf32, #tpu.memory_space<vmem>>, vector<1x16xf32>,
      %get3A_950 = vector.shape_cast %get3A_949 : vector<1x16xf32> to vector<16xf32>
      %mul3A_951 = arith.mulf %gather3A_49, %get3A_950 : vector<16xf32>
      %get3A_952 = arith.index_cast %scan3A_40 : i32 to index
      %get3A_953 = arith.constant 896 : index
      %get3A_954 = tpu.vector_load %arg9[%get3A_952, %get3A_953] {strides = array<i32>} : memref<32x1024xf32, #tpu.memory_space<vmem>>, vector<1x16xf32>,
      %get3A_955 = vector.shape_cast %get3A_954 : vector<1x16xf32> to vector<16xf32>
      %mul3A_956 = arith.mulf %gather3A_51, %get3A_955 : vector<16xf32>
      %add3A_957 = arith.addf %mul3A_951, %mul3A_956 : vector<16xf32>
      %swap3A_958 = arith.index_cast %scan3A_40 : i32 to index
      %swap3A_959 = arith.constant 896 : index
      %swap3A_960 = tpu.vector_load %arg8[%swap3A_958, %swap3A_959] {strides = array<i32>} : memref<32x1024xf32, #tpu.memory_space<vmem>>, vector<1x16xf32>,
      %swap3A_961 = vector.shape_cast %swap3A_960 : vector<1x16xf32> to vector<16xf32>
      %swap3A_962 = vector.shape_cast %add3A_957 : vector<16xf32> to vector<1x16xf32>
      tpu.vector_store %arg8[%swap3A_958, %swap3A_959], %swap3A_962 {strides = array<i32>} : memref<32x1024xf32, #tpu.memory_space<vmem>>, vector<1x16xf32>,
      %get3A_963 = arith.index_cast %scan3A_40 : i32 to index
      %get3A_964 = arith.constant 912 : index
      %get3A_965 = tpu.vector_load %arg8[%get3A_963, %get3A_964] {strides = array<i32>} : memref<32x1024xf32, #tpu.memory_space<vmem>>, vector<1x16xf32>,
      %get3A_966 = vector.shape_cast %get3A_965 : vector<1x16xf32> to vector<16xf32>
      %mul3A_967 = arith.mulf %gather3A_49, %get3A_966 : vector<16xf32>
      %get3A_968 = arith.index_cast %scan3A_40 : i32 to index
      %get3A_969 = arith.constant 912 : index
      %get3A_970 = tpu.vector_load %arg9[%get3A_968, %get3A_969] {strides = array<i32>} : memref<32x1024xf32, #tpu.memory_space<vmem>>, vector<1x16xf32>,
      %get3A_971 = vector.shape_cast %get3A_970 : vector<1x16xf32> to vector<16xf32>
      %mul3A_972 = arith.mulf %gather3A_51, %get3A_971 : vector<16xf32>
      %add3A_973 = arith.addf %mul3A_967, %mul3A_972 : vector<16xf32>
      %swap3A_974 = arith.index_cast %scan3A_40 : i32 to index
      %swap3A_975 = arith.constant 912 : index
      %swap3A_976 = tpu.vector_load %arg8[%swap3A_974, %swap3A_975] {strides = array<i32>} : memref<32x1024xf32, #tpu.memory_space<vmem>>, vector<1x16xf32>,
      %swap3A_977 = vector.shape_cast %swap3A_976 : vector<1x16xf32> to vector<16xf32>
      %swap3A_978 = vector.shape_cast %add3A_973 : vector<16xf32> to vector<1x16xf32>
      tpu.vector_store %arg8[%swap3A_974, %swap3A_975], %swap3A_978 {strides = array<i32>} : memref<32x1024xf32, #tpu.memory_space<vmem>>, vector<1x16xf32>,
      %get3A_979 = arith.index_cast %scan3A_40 : i32 to index
      %get3A_980 = arith.constant 928 : index
      %get3A_981 = tpu.vector_load %arg8[%get3A_979, %get3A_980] {strides = array<i32>} : memref<32x1024xf32, #tpu.memory_space<vmem>>, vector<1x16xf32>,
      %get3A_982 = vector.shape_cast %get3A_981 : vector<1x16xf32> to vector<16xf32>
      %mul3A_983 = arith.mulf %gather3A_49, %get3A_982 : vector<16xf32>
      %get3A_984 = arith.index_cast %scan3A_40 : i32 to index
      %get3A_985 = arith.constant 928 : index
      %get3A_986 = tpu.vector_load %arg9[%get3A_984, %get3A_985] {strides = array<i32>} : memref<32x1024xf32, #tpu.memory_space<vmem>>, vector<1x16xf32>,
      %get3A_987 = vector.shape_cast %get3A_986 : vector<1x16xf32> to vector<16xf32>
      %mul3A_988 = arith.mulf %gather3A_51, %get3A_987 : vector<16xf32>
      %add3A_989 = arith.addf %mul3A_983, %mul3A_988 : vector<16xf32>
      %swap3A_990 = arith.index_cast %scan3A_40 : i32 to index
      %swap3A_991 = arith.constant 928 : index
      %swap3A_992 = tpu.vector_load %arg8[%swap3A_990, %swap3A_991] {strides = array<i32>} : memref<32x1024xf32, #tpu.memory_space<vmem>>, vector<1x16xf32>,
      %swap3A_993 = vector.shape_cast %swap3A_992 : vector<1x16xf32> to vector<16xf32>
      %swap3A_994 = vector.shape_cast %add3A_989 : vector<16xf32> to vector<1x16xf32>
      tpu.vector_store %arg8[%swap3A_990, %swap3A_991], %swap3A_994 {strides = array<i32>} : memref<32x1024xf32, #tpu.memory_space<vmem>>, vector<1x16xf32>,
      %get3A_995 = arith.index_cast %scan3A_40 : i32 to index
      %get3A_996 = arith.constant 944 : index
      %get3A_997 = tpu.vector_load %arg8[%get3A_995, %get3A_996] {strides = array<i32>} : memref<32x1024xf32, #tpu.memory_space<vmem>>, vector<1x16xf32>,
      %get3A_998 = vector.shape_cast %get3A_997 : vector<1x16xf32> to vector<16xf32>
      %mul3A_999 = arith.mulf %gather3A_49, %get3A_998 : vector<16xf32>
      %get3A_1000 = arith.index_cast %scan3A_40 : i32 to index
      %get3A_1001 = arith.constant 944 : index
      %get3A_1002 = tpu.vector_load %arg9[%get3A_1000, %get3A_1001] {strides = array<i32>} : memref<32x1024xf32, #tpu.memory_space<vmem>>, vector<1x16xf32>,
      %get3A_1003 = vector.shape_cast %get3A_1002 : vector<1x16xf32> to vector<16xf32>
      %mul3A_1004 = arith.mulf %gather3A_51, %get3A_1003 : vector<16xf32>
      %add3A_1005 = arith.addf %mul3A_999, %mul3A_1004 : vector<16xf32>
      %swap3A_1006 = arith.index_cast %scan3A_40 : i32 to index
      %swap3A_1007 = arith.constant 944 : index
      %swap3A_1008 = tpu.vector_load %arg8[%swap3A_1006, %swap3A_1007] {strides = array<i32>} : memref<32x1024xf32, #tpu.memory_space<vmem>>, vector<1x16xf32>,
      %swap3A_1009 = vector.shape_cast %swap3A_1008 : vector<1x16xf32> to vector<16xf32>
      %swap3A_1010 = vector.shape_cast %add3A_1005 : vector<16xf32> to vector<1x16xf32>
      tpu.vector_store %arg8[%swap3A_1006, %swap3A_1007], %swap3A_1010 {strides = array<i32>} : memref<32x1024xf32, #tpu.memory_space<vmem>>, vector<1x16xf32>,
      %get3A_1011 = arith.index_cast %scan3A_40 : i32 to index
      %get3A_1012 = arith.constant 960 : index
      %get3A_1013 = tpu.vector_load %arg8[%get3A_1011, %get3A_1012] {strides = array<i32>} : memref<32x1024xf32, #tpu.memory_space<vmem>>, vector<1x16xf32>,
      %get3A_1014 = vector.shape_cast %get3A_1013 : vector<1x16xf32> to vector<16xf32>
      %mul3A_1015 = arith.mulf %gather3A_49, %get3A_1014 : vector<16xf32>
      %get3A_1016 = arith.index_cast %scan3A_40 : i32 to index
      %get3A_1017 = arith.constant 960 : index
      %get3A_1018 = tpu.vector_load %arg9[%get3A_1016, %get3A_1017] {strides = array<i32>} : memref<32x1024xf32, #tpu.memory_space<vmem>>, vector<1x16xf32>,
      %get3A_1019 = vector.shape_cast %get3A_1018 : vector<1x16xf32> to vector<16xf32>
      %mul3A_1020 = arith.mulf %gather3A_51, %get3A_1019 : vector<16xf32>
      %add3A_1021 = arith.addf %mul3A_1015, %mul3A_1020 : vector<16xf32>
      %swap3A_1022 = arith.index_cast %scan3A_40 : i32 to index
      %swap3A_1023 = arith.constant 960 : index
      %swap3A_1024 = tpu.vector_load %arg8[%swap3A_1022, %swap3A_1023] {strides = array<i32>} : memref<32x1024xf32, #tpu.memory_space<vmem>>, vector<1x16xf32>,
      %swap3A_1025 = vector.shape_cast %swap3A_1024 : vector<1x16xf32> to vector<16xf32>
      %swap3A_1026 = vector.shape_cast %add3A_1021 : vector<16xf32> to vector<1x16xf32>
      tpu.vector_store %arg8[%swap3A_1022, %swap3A_1023], %swap3A_1026 {strides = array<i32>} : memref<32x1024xf32, #tpu.memory_space<vmem>>, vector<1x16xf32>,
      %get3A_1027 = arith.index_cast %scan3A_40 : i32 to index
      %get3A_1028 = arith.constant 976 : index
      %get3A_1029 = tpu.vector_load %arg8[%get3A_1027, %get3A_1028] {strides = array<i32>} : memref<32x1024xf32, #tpu.memory_space<vmem>>, vector<1x16xf32>,
      %get3A_1030 = vector.shape_cast %get3A_1029 : vector<1x16xf32> to vector<16xf32>
      %mul3A_1031 = arith.mulf %gather3A_49, %get3A_1030 : vector<16xf32>
      %get3A_1032 = arith.index_cast %scan3A_40 : i32 to index
      %get3A_1033 = arith.constant 976 : index
      %get3A_1034 = tpu.vector_load %arg9[%get3A_1032, %get3A_1033] {strides = array<i32>} : memref<32x1024xf32, #tpu.memory_space<vmem>>, vector<1x16xf32>,
      %get3A_1035 = vector.shape_cast %get3A_1034 : vector<1x16xf32> to vector<16xf32>
      %mul3A_1036 = arith.mulf %gather3A_51, %get3A_1035 : vector<16xf32>
      %add3A_1037 = arith.addf %mul3A_1031, %mul3A_1036 : vector<16xf32>
      %swap3A_1038 = arith.index_cast %scan3A_40 : i32 to index
      %swap3A_1039 = arith.constant 976 : index
      %swap3A_1040 = tpu.vector_load %arg8[%swap3A_1038, %swap3A_1039] {strides = array<i32>} : memref<32x1024xf32, #tpu.memory_space<vmem>>, vector<1x16xf32>,
      %swap3A_1041 = vector.shape_cast %swap3A_1040 : vector<1x16xf32> to vector<16xf32>
      %swap3A_1042 = vector.shape_cast %add3A_1037 : vector<16xf32> to vector<1x16xf32>
      tpu.vector_store %arg8[%swap3A_1038, %swap3A_1039], %swap3A_1042 {strides = array<i32>} : memref<32x1024xf32, #tpu.memory_space<vmem>>, vector<1x16xf32>,
      %get3A_1043 = arith.index_cast %scan3A_40 : i32 to index
      %get3A_1044 = arith.constant 992 : index
      %get3A_1045 = tpu.vector_load %arg8[%get3A_1043, %get3A_1044] {strides = array<i32>} : memref<32x1024xf32, #tpu.memory_space<vmem>>, vector<1x16xf32>,
      %get3A_1046 = vector.shape_cast %get3A_1045 : vector<1x16xf32> to vector<16xf32>
      %mul3A_1047 = arith.mulf %gather3A_49, %get3A_1046 : vector<16xf32>
      %get3A_1048 = arith.index_cast %scan3A_40 : i32 to index
      %get3A_1049 = arith.constant 992 : index
      %get3A_1050 = tpu.vector_load %arg9[%get3A_1048, %get3A_1049] {strides = array<i32>} : memref<32x1024xf32, #tpu.memory_space<vmem>>, vector<1x16xf32>,
      %get3A_1051 = vector.shape_cast %get3A_1050 : vector<1x16xf32> to vector<16xf32>
      %mul3A_1052 = arith.mulf %gather3A_51, %get3A_1051 : vector<16xf32>
      %add3A_1053 = arith.addf %mul3A_1047, %mul3A_1052 : vector<16xf32>
      %swap3A_1054 = arith.index_cast %scan3A_40 : i32 to index
      %swap3A_1055 = arith.constant 992 : index
      %swap3A_1056 = tpu.vector_load %arg8[%swap3A_1054, %swap3A_1055] {strides = array<i32>} : memref<32x1024xf32, #tpu.memory_space<vmem>>, vector<1x16xf32>,
      %swap3A_1057 = vector.shape_cast %swap3A_1056 : vector<1x16xf32> to vector<16xf32>
      %swap3A_1058 = vector.shape_cast %add3A_1053 : vector<16xf32> to vector<1x16xf32>
      tpu.vector_store %arg8[%swap3A_1054, %swap3A_1055], %swap3A_1058 {strides = array<i32>} : memref<32x1024xf32, #tpu.memory_space<vmem>>, vector<1x16xf32>,
      %get3A_1059 = arith.index_cast %scan3A_40 : i32 to index
      %get3A_1060 = arith.constant 1008 : index
      %get3A_1061 = tpu.vector_load %arg8[%get3A_1059, %get3A_1060] {strides = array<i32>} : memref<32x1024xf32, #tpu.memory_space<vmem>>, vector<1x16xf32>,
      %get3A_1062 = vector.shape_cast %get3A_1061 : vector<1x16xf32> to vector<16xf32>
      %mul3A_1063 = arith.mulf %gather3A_49, %get3A_1062 : vector<16xf32>
      %get3A_1064 = arith.index_cast %scan3A_40 : i32 to index
      %get3A_1065 = arith.constant 1008 : index
      %get3A_1066 = tpu.vector_load %arg9[%get3A_1064, %get3A_1065] {strides = array<i32>} : memref<32x1024xf32, #tpu.memory_space<vmem>>, vector<1x16xf32>,
      %get3A_1067 = vector.shape_cast %get3A_1066 : vector<1x16xf32> to vector<16xf32>
      %mul3A_1068 = arith.mulf %gather3A_51, %get3A_1067 : vector<16xf32>
      %add3A_1069 = arith.addf %mul3A_1063, %mul3A_1068 : vector<16xf32>
      %swap3A_1070 = arith.index_cast %scan3A_40 : i32 to index
      %swap3A_1071 = arith.constant 1008 : index
      %swap3A_1072 = tpu.vector_load %arg8[%swap3A_1070, %swap3A_1071] {strides = array<i32>} : memref<32x1024xf32, #tpu.memory_space<vmem>>, vector<1x16xf32>,
      %swap3A_1073 = vector.shape_cast %swap3A_1072 : vector<1x16xf32> to vector<16xf32>
      %swap3A_1074 = vector.shape_cast %add3A_1069 : vector<16xf32> to vector<1x16xf32>
      tpu.vector_store %arg8[%swap3A_1070, %swap3A_1071], %swap3A_1074 {strides = array<i32>} : memref<32x1024xf32, #tpu.memory_space<vmem>>, vector<1x16xf32>,
    }
    %scan3A_17 = arith.constant 32 : i32
    %add3A_18 = arith.constant 0 : i32
    %add3A_19 = arith.addi %mul3A_2, %add3A_18 : i32
    "tpu.region"() ({
      %run_scoped3A = tpu.sem_alloc : memref<!tpu.dma_semaphore, #tpu.memory_space<semaphore_mem>>
      %dma_start3A_40 = arith.constant 0 : i32
      %dma_start3A_41 = tpu.memref_slice %arg7[%add3A_19, %dma_start3A_40] : memref<2048x1024xf32, #tpu.memory_space<hbm>> -> memref<32x1024xf32, #tpu.memory_space<hbm>>
      %dma_start3A_42 = arith.constant 0 : i32
      %dma_start3A_43 = tpu.memref_slice %arg7[%add3A_19, %dma_start3A_42] : memref<2048x1024xf32, #tpu.memory_space<hbm>> -> memref<32x1024xf32, #tpu.memory_space<hbm>>
      tpu.enqueue_dma source(%arg8 : memref<32x1024xf32, #tpu.memory_space<vmem>>) target(%dma_start3A_43 : memref<32x1024xf32, #tpu.memory_space<hbm>>) target_semaphore(%run_scoped3A : memref<!tpu.dma_semaphore, #tpu.memory_space<semaphore_mem>>)
      %dma_wait3A_44 = arith.constant 0 : i32
      %dma_wait3A_45 = tpu.memref_slice %arg7[%add3A_19, %dma_wait3A_44] : memref<2048x1024xf32, #tpu.memory_space<hbm>> -> memref<32x1024xf32, #tpu.memory_space<hbm>>
      %dma_wait3A_46 = arith.constant 0 : i32
      %dma_wait3A_47 = tpu.memref_slice %arg7[%add3A_19, %dma_wait3A_46] : memref<2048x1024xf32, #tpu.memory_space<hbm>> -> memref<32x1024xf32, #tpu.memory_space<hbm>>
      tpu.wait_dma2 semaphore(%run_scoped3A : memref<!tpu.dma_semaphore, #tpu.memory_space<semaphore_mem>>) src(%arg8 : memref<32x1024xf32, #tpu.memory_space<vmem>>) dst(%dma_wait3A_47 : memref<32x1024xf32, #tpu.memory_space<hbm>>)
      tpu.yield
    }) : () -> ()
    "tpu.region"() ({
      %run_scoped3A = tpu.sem_alloc : memref<!tpu.dma_semaphore, #tpu.memory_space<semaphore_mem>>
      %dma_start3A_40 = arith.constant 32 : i32
      %dma_start3A_41 = tpu.memref_slice %arg3[%add3A, %dma_start3A_40] : memref<32x64xi32, #tpu.memory_space<hbm>> -> memref<1x32xi32, #tpu.memory_space<hbm>>
      %dma_start3A_42 = tpu.memref_squeeze %dma_start3A_41 : memref<1x32xi32, #tpu.memory_space<hbm>> -> memref<32xi32, #tpu.memory_space<hbm>>
      %dma_start3A_43 = arith.constant 32 : i32
      %dma_start3A_44 = tpu.memref_slice %arg3[%add3A, %dma_start3A_43] : memref<32x64xi32, #tpu.memory_space<hbm>> -> memref<1x32xi32, #tpu.memory_space<hbm>>
      %dma_start3A_45 = tpu.memref_squeeze %dma_start3A_44 : memref<1x32xi32, #tpu.memory_space<hbm>> -> memref<32xi32, #tpu.memory_space<hbm>>
      tpu.enqueue_dma source(%dma_start3A_45 : memref<32xi32, #tpu.memory_space<hbm>>) target(%arg10 : memref<32xi32, #tpu.memory_space<vmem>>) target_semaphore(%run_scoped3A : memref<!tpu.dma_semaphore, #tpu.memory_space<semaphore_mem>>)
      %dma_wait3A_46 = arith.constant 32 : i32
      %dma_wait3A_47 = tpu.memref_slice %arg3[%add3A, %dma_wait3A_46] : memref<32x64xi32, #tpu.memory_space<hbm>> -> memref<1x32xi32, #tpu.memory_space<hbm>>
      %dma_wait3A_48 = tpu.memref_squeeze %dma_wait3A_47 : memref<1x32xi32, #tpu.memory_space<hbm>> -> memref<32xi32, #tpu.memory_space<hbm>>
      %dma_wait3A_49 = arith.constant 32 : i32
      %dma_wait3A_50 = tpu.memref_slice %arg3[%add3A, %dma_wait3A_49] : memref<32x64xi32, #tpu.memory_space<hbm>> -> memref<1x32xi32, #tpu.memory_space<hbm>>
      %dma_wait3A_51 = tpu.memref_squeeze %dma_wait3A_50 : memref<1x32xi32, #tpu.memory_space<hbm>> -> memref<32xi32, #tpu.memory_space<hbm>>
      tpu.wait_dma2 semaphore(%run_scoped3A : memref<!tpu.dma_semaphore, #tpu.memory_space<semaphore_mem>>) src(%dma_wait3A_51 : memref<32xi32, #tpu.memory_space<hbm>>) dst(%arg10 : memref<32xi32, #tpu.memory_space<vmem>>)
      tpu.yield
    }) : () -> ()
    "tpu.region"() ({
      %run_scoped3A = tpu.sem_alloc : memref<!tpu.dma_semaphore, #tpu.memory_space<semaphore_mem>>
      %dma_start3A_40 = arith.constant 32 : i32
      %dma_start3A_41 = tpu.memref_slice %arg4[%add3A, %dma_start3A_40] : memref<32x64xi32, #tpu.memory_space<hbm>> -> memref<1x32xi32, #tpu.memory_space<hbm>>
      %dma_start3A_42 = tpu.memref_squeeze %dma_start3A_41 : memref<1x32xi32, #tpu.memory_space<hbm>> -> memref<32xi32, #tpu.memory_space<hbm>>
      %dma_start3A_43 = arith.constant 32 : i32
      %dma_start3A_44 = tpu.memref_slice %arg4[%add3A, %dma_start3A_43] : memref<32x64xi32, #tpu.memory_space<hbm>> -> memref<1x32xi32, #tpu.memory_space<hbm>>
      %dma_start3A_45 = tpu.memref_squeeze %dma_start3A_44 : memref<1x32xi32, #tpu.memory_space<hbm>> -> memref<32xi32, #tpu.memory_space<hbm>>
      tpu.enqueue_dma source(%dma_start3A_45 : memref<32xi32, #tpu.memory_space<hbm>>) target(%arg11 : memref<32xi32, #tpu.memory_space<vmem>>) target_semaphore(%run_scoped3A : memref<!tpu.dma_semaphore, #tpu.memory_space<semaphore_mem>>)
      %dma_wait3A_46 = arith.constant 32 : i32
      %dma_wait3A_47 = tpu.memref_slice %arg4[%add3A, %dma_wait3A_46] : memref<32x64xi32, #tpu.memory_space<hbm>> -> memref<1x32xi32, #tpu.memory_space<hbm>>
      %dma_wait3A_48 = tpu.memref_squeeze %dma_wait3A_47 : memref<1x32xi32, #tpu.memory_space<hbm>> -> memref<32xi32, #tpu.memory_space<hbm>>
      %dma_wait3A_49 = arith.constant 32 : i32
      %dma_wait3A_50 = tpu.memref_slice %arg4[%add3A, %dma_wait3A_49] : memref<32x64xi32, #tpu.memory_space<hbm>> -> memref<1x32xi32, #tpu.memory_space<hbm>>
      %dma_wait3A_51 = tpu.memref_squeeze %dma_wait3A_50 : memref<1x32xi32, #tpu.memory_space<hbm>> -> memref<32xi32, #tpu.memory_space<hbm>>
      tpu.wait_dma2 semaphore(%run_scoped3A : memref<!tpu.dma_semaphore, #tpu.memory_space<semaphore_mem>>) src(%dma_wait3A_51 : memref<32xi32, #tpu.memory_space<hbm>>) dst(%arg11 : memref<32xi32, #tpu.memory_space<vmem>>)
      tpu.yield
    }) : () -> ()
    "tpu.region"() ({
      %run_scoped3A = tpu.sem_alloc : memref<!tpu.dma_semaphore, #tpu.memory_space<semaphore_mem>>
      %dma_start3A_40 = arith.constant 32 : i32
      %dma_start3A_41 = tpu.memref_slice %arg5[%add3A, %dma_start3A_40] : memref<32x64xf32, #tpu.memory_space<hbm>> -> memref<1x32xf32, #tpu.memory_space<hbm>>
      %dma_start3A_42 = tpu.memref_squeeze %dma_start3A_41 : memref<1x32xf32, #tpu.memory_space<hbm>> -> memref<32xf32, #tpu.memory_space<hbm>>
      %dma_start3A_43 = arith.constant 32 : i32
      %dma_start3A_44 = tpu.memref_slice %arg5[%add3A, %dma_start3A_43] : memref<32x64xf32, #tpu.memory_space<hbm>> -> memref<1x32xf32, #tpu.memory_space<hbm>>
      %dma_start3A_45 = tpu.memref_squeeze %dma_start3A_44 : memref<1x32xf32, #tpu.memory_space<hbm>> -> memref<32xf32, #tpu.memory_space<hbm>>
      tpu.enqueue_dma source(%dma_start3A_45 : memref<32xf32, #tpu.memory_space<hbm>>) target(%arg12 : memref<32xf32, #tpu.memory_space<vmem>>) target_semaphore(%run_scoped3A : memref<!tpu.dma_semaphore, #tpu.memory_space<semaphore_mem>>)
      %dma_wait3A_46 = arith.constant 32 : i32
      %dma_wait3A_47 = tpu.memref_slice %arg5[%add3A, %dma_wait3A_46] : memref<32x64xf32, #tpu.memory_space<hbm>> -> memref<1x32xf32, #tpu.memory_space<hbm>>
      %dma_wait3A_48 = tpu.memref_squeeze %dma_wait3A_47 : memref<1x32xf32, #tpu.memory_space<hbm>> -> memref<32xf32, #tpu.memory_space<hbm>>
      %dma_wait3A_49 = arith.constant 32 : i32
      %dma_wait3A_50 = tpu.memref_slice %arg5[%add3A, %dma_wait3A_49] : memref<32x64xf32, #tpu.memory_space<hbm>> -> memref<1x32xf32, #tpu.memory_space<hbm>>
      %dma_wait3A_51 = tpu.memref_squeeze %dma_wait3A_50 : memref<1x32xf32, #tpu.memory_space<hbm>> -> memref<32xf32, #tpu.memory_space<hbm>>
      tpu.wait_dma2 semaphore(%run_scoped3A : memref<!tpu.dma_semaphore, #tpu.memory_space<semaphore_mem>>) src(%dma_wait3A_51 : memref<32xf32, #tpu.memory_space<hbm>>) dst(%arg12 : memref<32xf32, #tpu.memory_space<vmem>>)
      tpu.yield
    }) : () -> ()
    "tpu.region"() ({
      %run_scoped3A = tpu.sem_alloc : memref<!tpu.dma_semaphore, #tpu.memory_space<semaphore_mem>>
      %dma_start3A_40 = arith.constant 32 : i32
      %dma_start3A_41 = tpu.memref_slice %arg6[%add3A, %dma_start3A_40] : memref<32x64xf32, #tpu.memory_space<hbm>> -> memref<1x32xf32, #tpu.memory_space<hbm>>
      %dma_start3A_42 = tpu.memref_squeeze %dma_start3A_41 : memref<1x32xf32, #tpu.memory_space<hbm>> -> memref<32xf32, #tpu.memory_space<hbm>>
      %dma_start3A_43 = arith.constant 32 : i32
      %dma_start3A_44 = tpu.memref_slice %arg6[%add3A, %dma_start3A_43] : memref<32x64xf32, #tpu.memory_space<hbm>> -> memref<1x32xf32, #tpu.memory_space<hbm>>
      %dma_start3A_45 = tpu.memref_squeeze %dma_start3A_44 : memref<1x32xf32, #tpu.memory_space<hbm>> -> memref<32xf32, #tpu.memory_space<hbm>>
      tpu.enqueue_dma source(%dma_start3A_45 : memref<32xf32, #tpu.memory_space<hbm>>) target(%arg13 : memref<32xf32, #tpu.memory_space<vmem>>) target_semaphore(%run_scoped3A : memref<!tpu.dma_semaphore, #tpu.memory_space<semaphore_mem>>)
      %dma_wait3A_46 = arith.constant 32 : i32
      %dma_wait3A_47 = tpu.memref_slice %arg6[%add3A, %dma_wait3A_46] : memref<32x64xf32, #tpu.memory_space<hbm>> -> memref<1x32xf32, #tpu.memory_space<hbm>>
      %dma_wait3A_48 = tpu.memref_squeeze %dma_wait3A_47 : memref<1x32xf32, #tpu.memory_space<hbm>> -> memref<32xf32, #tpu.memory_space<hbm>>
      %dma_wait3A_49 = arith.constant 32 : i32
      %dma_wait3A_50 = tpu.memref_slice %arg6[%add3A, %dma_wait3A_49] : memref<32x64xf32, #tpu.memory_space<hbm>> -> memref<1x32xf32, #tpu.memory_space<hbm>>
      %dma_wait3A_51 = tpu.memref_squeeze %dma_wait3A_50 : memref<1x32xf32, #tpu.memory_space<hbm>> -> memref<32xf32, #tpu.memory_space<hbm>>
      tpu.wait_dma2 semaphore(%run_scoped3A : memref<!tpu.dma_semaphore, #tpu.memory_space<semaphore_mem>>) src(%dma_wait3A_51 : memref<32xf32, #tpu.memory_space<hbm>>) dst(%arg13 : memref<32xf32, #tpu.memory_space<vmem>>)
      tpu.yield
    }) : () -> ()
    %dma_start3A_20 = arith.constant 0 : i32
    %dma_start3A_21 = arith.constant 0 : i32
    %dma_start3A_22 = tpu.memref_slice %arg2[%dma_start3A_20, %dma_start3A_21] : memref<5888x1024xf32, #tpu.memory_space<hbm>> -> memref<5888x1024xf32, #tpu.memory_space<hbm>>
    tpu.enqueue_indirect_dma source(%dma_start3A_22 : memref<5888x1024xf32, #tpu.memory_space<hbm>>) target(%arg8 : memref<32x1024xf32, #tpu.memory_space<vmem>>) offsets(%arg10 : memref<32xi32, #tpu.memory_space<vmem>>) semaphore(%arg14 : memref<!tpu.dma_semaphore, #tpu.memory_space<semaphore_mem>>)
    %dma_start3A_23 = arith.constant 0 : i32
    %dma_start3A_24 = arith.constant 0 : i32
    %dma_start3A_25 = tpu.memref_slice %arg2[%dma_start3A_23, %dma_start3A_24] : memref<5888x1024xf32, #tpu.memory_space<hbm>> -> memref<5888x1024xf32, #tpu.memory_space<hbm>>
    tpu.enqueue_indirect_dma source(%dma_start3A_25 : memref<5888x1024xf32, #tpu.memory_space<hbm>>) target(%arg9 : memref<32x1024xf32, #tpu.memory_space<vmem>>) offsets(%arg11 : memref<32xi32, #tpu.memory_space<vmem>>) semaphore(%arg15 : memref<!tpu.dma_semaphore, #tpu.memory_space<semaphore_mem>>)
    %dma_wait3A_26 = arith.constant 0 : i32
    %dma_wait3A_27 = arith.constant 0 : i32
    %dma_wait3A_28 = tpu.memref_slice %arg2[%dma_wait3A_26, %dma_wait3A_27] : memref<5888x1024xf32, #tpu.memory_space<hbm>> -> memref<5888x1024xf32, #tpu.memory_space<hbm>>
    tpu.wait_indirect_dma semaphore(%arg14 : memref<!tpu.dma_semaphore, #tpu.memory_space<semaphore_mem>>) src(%dma_wait3A_28 : memref<5888x1024xf32, #tpu.memory_space<hbm>>) dst(%arg8 : memref<32x1024xf32, #tpu.memory_space<vmem>>)
    %dma_wait3A_29 = arith.constant 0 : i32
    %dma_wait3A_30 = arith.constant 0 : i32
    %dma_wait3A_31 = tpu.memref_slice %arg2[%dma_wait3A_29, %dma_wait3A_30] : memref<5888x1024xf32, #tpu.memory_space<hbm>> -> memref<5888x1024xf32, #tpu.memory_space<hbm>>
    tpu.wait_indirect_dma semaphore(%arg15 : memref<!tpu.dma_semaphore, #tpu.memory_space<semaphore_mem>>) src(%dma_wait3A_31 : memref<5888x1024xf32, #tpu.memory_space<hbm>>) dst(%arg9 : memref<32x1024xf32, #tpu.memory_space<vmem>>)
    %scan3A_32 = arith.constant 0 : i32
    %scan3A_33 = arith.constant 0 : i32
    %scan3A_34 = arith.constant 32 : i32
    %scan3A_35 = arith.addi %scan3A_33, %scan3A_34 : i32
    %scan3A_36 = arith.constant 1 : i32
    scf.for %scan3A_40 = %scan3A_33 to %scan3A_35 step %scan3A_36  : i32 {
      %shift_right_logical3A = arith.constant 4 : i32
      %shift_right_logical3A_41 = arith.shrui %scan3A_40, %shift_right_logical3A : i32
      %shift_left3A = arith.constant 4 : i32
      %shift_left3A_42 = arith.shli %shift_right_logical3A_41, %shift_left3A : i32
      %multiple_of3A = tpu.assume_multiple %shift_left3A_42, 16 : i32
      %and3A = arith.constant 15 : i32
      %and3A_43 = arith.andi %scan3A_40, %and3A : i32
      %get3A = arith.index_cast %multiple_of3A : i32 to index
      %get3A_44 = tpu.vector_load %arg12[%get3A] {strides = array<i32>} : memref<32xf32, #tpu.memory_space<vmem>>, vector<16xf32>,
      %get3A_45 = vector.shape_cast %get3A_44 : vector<16xf32> to vector<16xf32>
      %get3A_46 = arith.index_cast %multiple_of3A : i32 to index
      %get3A_47 = tpu.vector_load %arg13[%get3A_46] {strides = array<i32>} : memref<32xf32, #tpu.memory_space<vmem>>, vector<16xf32>,
      %get3A_48 = vector.shape_cast %get3A_47 : vector<16xf32> to vector<16xf32>
      %broadcast_in_dim3A = vector.broadcast %and3A_43 : i32 to vector<16x1xi32>
      %gather3A = vector.shape_cast %broadcast_in_dim3A : vector<16x1xi32> to vector<16xi32>
      %gather3A_49 = tpu.dynamic_gather %get3A_45[%gather3A] in [0] : vector<16xf32>, vector<16xi32> -> vector<16xf32>
      %gather3A_50 = vector.shape_cast %broadcast_in_dim3A : vector<16x1xi32> to vector<16xi32>
      %gather3A_51 = tpu.dynamic_gather %get3A_48[%gather3A_50] in [0] : vector<16xf32>, vector<16xi32> -> vector<16xf32>
      %get3A_52 = arith.index_cast %scan3A_40 : i32 to index
      %get3A_53 = arith.constant 0 : index
      %get3A_54 = tpu.vector_load %arg8[%get3A_52, %get3A_53] {strides = array<i32>} : memref<32x1024xf32, #tpu.memory_space<vmem>>, vector<1x16xf32>,
      %get3A_55 = vector.shape_cast %get3A_54 : vector<1x16xf32> to vector<16xf32>
      %mul3A_56 = arith.mulf %gather3A_49, %get3A_55 : vector<16xf32>
      %get3A_57 = arith.index_cast %scan3A_40 : i32 to index
      %get3A_58 = arith.constant 0 : index
      %get3A_59 = tpu.vector_load %arg9[%get3A_57, %get3A_58] {strides = array<i32>} : memref<32x1024xf32, #tpu.memory_space<vmem>>, vector<1x16xf32>,
      %get3A_60 = vector.shape_cast %get3A_59 : vector<1x16xf32> to vector<16xf32>
      %mul3A_61 = arith.mulf %gather3A_51, %get3A_60 : vector<16xf32>
      %add3A_62 = arith.addf %mul3A_56, %mul3A_61 : vector<16xf32>
      %swap3A = arith.index_cast %scan3A_40 : i32 to index
      %swap3A_63 = arith.constant 0 : index
      %swap3A_64 = tpu.vector_load %arg8[%swap3A, %swap3A_63] {strides = array<i32>} : memref<32x1024xf32, #tpu.memory_space<vmem>>, vector<1x16xf32>,
      %swap3A_65 = vector.shape_cast %swap3A_64 : vector<1x16xf32> to vector<16xf32>
      %swap3A_66 = vector.shape_cast %add3A_62 : vector<16xf32> to vector<1x16xf32>
      tpu.vector_store %arg8[%swap3A, %swap3A_63], %swap3A_66 {strides = array<i32>} : memref<32x1024xf32, #tpu.memory_space<vmem>>, vector<1x16xf32>,
      %get3A_67 = arith.index_cast %scan3A_40 : i32 to index
      %get3A_68 = arith.constant 16 : index
      %get3A_69 = tpu.vector_load %arg8[%get3A_67, %get3A_68] {strides = array<i32>} : memref<32x1024xf32, #tpu.memory_space<vmem>>, vector<1x16xf32>,
      %get3A_70 = vector.shape_cast %get3A_69 : vector<1x16xf32> to vector<16xf32>
      %mul3A_71 = arith.mulf %gather3A_49, %get3A_70 : vector<16xf32>
      %get3A_72 = arith.index_cast %scan3A_40 : i32 to index
      %get3A_73 = arith.constant 16 : index
      %get3A_74 = tpu.vector_load %arg9[%get3A_72, %get3A_73] {strides = array<i32>} : memref<32x1024xf32, #tpu.memory_space<vmem>>, vector<1x16xf32>,
      %get3A_75 = vector.shape_cast %get3A_74 : vector<1x16xf32> to vector<16xf32>
      %mul3A_76 = arith.mulf %gather3A_51, %get3A_75 : vector<16xf32>
      %add3A_77 = arith.addf %mul3A_71, %mul3A_76 : vector<16xf32>
      %swap3A_78 = arith.index_cast %scan3A_40 : i32 to index
      %swap3A_79 = arith.constant 16 : index
      %swap3A_80 = tpu.vector_load %arg8[%swap3A_78, %swap3A_79] {strides = array<i32>} : memref<32x1024xf32, #tpu.memory_space<vmem>>, vector<1x16xf32>,
      %swap3A_81 = vector.shape_cast %swap3A_80 : vector<1x16xf32> to vector<16xf32>
      %swap3A_82 = vector.shape_cast %add3A_77 : vector<16xf32> to vector<1x16xf32>
      tpu.vector_store %arg8[%swap3A_78, %swap3A_79], %swap3A_82 {strides = array<i32>} : memref<32x1024xf32, #tpu.memory_space<vmem>>, vector<1x16xf32>,
      %get3A_83 = arith.index_cast %scan3A_40 : i32 to index
      %get3A_84 = arith.constant 32 : index
      %get3A_85 = tpu.vector_load %arg8[%get3A_83, %get3A_84] {strides = array<i32>} : memref<32x1024xf32, #tpu.memory_space<vmem>>, vector<1x16xf32>,
      %get3A_86 = vector.shape_cast %get3A_85 : vector<1x16xf32> to vector<16xf32>
      %mul3A_87 = arith.mulf %gather3A_49, %get3A_86 : vector<16xf32>
      %get3A_88 = arith.index_cast %scan3A_40 : i32 to index
      %get3A_89 = arith.constant 32 : index
      %get3A_90 = tpu.vector_load %arg9[%get3A_88, %get3A_89] {strides = array<i32>} : memref<32x1024xf32, #tpu.memory_space<vmem>>, vector<1x16xf32>,
      %get3A_91 = vector.shape_cast %get3A_90 : vector<1x16xf32> to vector<16xf32>
      %mul3A_92 = arith.mulf %gather3A_51, %get3A_91 : vector<16xf32>
      %add3A_93 = arith.addf %mul3A_87, %mul3A_92 : vector<16xf32>
      %swap3A_94 = arith.index_cast %scan3A_40 : i32 to index
      %swap3A_95 = arith.constant 32 : index
      %swap3A_96 = tpu.vector_load %arg8[%swap3A_94, %swap3A_95] {strides = array<i32>} : memref<32x1024xf32, #tpu.memory_space<vmem>>, vector<1x16xf32>,
      %swap3A_97 = vector.shape_cast %swap3A_96 : vector<1x16xf32> to vector<16xf32>
      %swap3A_98 = vector.shape_cast %add3A_93 : vector<16xf32> to vector<1x16xf32>
      tpu.vector_store %arg8[%swap3A_94, %swap3A_95], %swap3A_98 {strides = array<i32>} : memref<32x1024xf32, #tpu.memory_space<vmem>>, vector<1x16xf32>,
      %get3A_99 = arith.index_cast %scan3A_40 : i32 to index
      %get3A_100 = arith.constant 48 : index
      %get3A_101 = tpu.vector_load %arg8[%get3A_99, %get3A_100] {strides = array<i32>} : memref<32x1024xf32, #tpu.memory_space<vmem>>, vector<1x16xf32>,
      %get3A_102 = vector.shape_cast %get3A_101 : vector<1x16xf32> to vector<16xf32>
      %mul3A_103 = arith.mulf %gather3A_49, %get3A_102 : vector<16xf32>
      %get3A_104 = arith.index_cast %scan3A_40 : i32 to index
      %get3A_105 = arith.constant 48 : index
      %get3A_106 = tpu.vector_load %arg9[%get3A_104, %get3A_105] {strides = array<i32>} : memref<32x1024xf32, #tpu.memory_space<vmem>>, vector<1x16xf32>,
      %get3A_107 = vector.shape_cast %get3A_106 : vector<1x16xf32> to vector<16xf32>
      %mul3A_108 = arith.mulf %gather3A_51, %get3A_107 : vector<16xf32>
      %add3A_109 = arith.addf %mul3A_103, %mul3A_108 : vector<16xf32>
      %swap3A_110 = arith.index_cast %scan3A_40 : i32 to index
      %swap3A_111 = arith.constant 48 : index
      %swap3A_112 = tpu.vector_load %arg8[%swap3A_110, %swap3A_111] {strides = array<i32>} : memref<32x1024xf32, #tpu.memory_space<vmem>>, vector<1x16xf32>,
      %swap3A_113 = vector.shape_cast %swap3A_112 : vector<1x16xf32> to vector<16xf32>
      %swap3A_114 = vector.shape_cast %add3A_109 : vector<16xf32> to vector<1x16xf32>
      tpu.vector_store %arg8[%swap3A_110, %swap3A_111], %swap3A_114 {strides = array<i32>} : memref<32x1024xf32, #tpu.memory_space<vmem>>, vector<1x16xf32>,
      %get3A_115 = arith.index_cast %scan3A_40 : i32 to index
      %get3A_116 = arith.constant 64 : index
      %get3A_117 = tpu.vector_load %arg8[%get3A_115, %get3A_116] {strides = array<i32>} : memref<32x1024xf32, #tpu.memory_space<vmem>>, vector<1x16xf32>,
      %get3A_118 = vector.shape_cast %get3A_117 : vector<1x16xf32> to vector<16xf32>
      %mul3A_119 = arith.mulf %gather3A_49, %get3A_118 : vector<16xf32>
      %get3A_120 = arith.index_cast %scan3A_40 : i32 to index
      %get3A_121 = arith.constant 64 : index
      %get3A_122 = tpu.vector_load %arg9[%get3A_120, %get3A_121] {strides = array<i32>} : memref<32x1024xf32, #tpu.memory_space<vmem>>, vector<1x16xf32>,
      %get3A_123 = vector.shape_cast %get3A_122 : vector<1x16xf32> to vector<16xf32>
      %mul3A_124 = arith.mulf %gather3A_51, %get3A_123 : vector<16xf32>
      %add3A_125 = arith.addf %mul3A_119, %mul3A_124 : vector<16xf32>
      %swap3A_126 = arith.index_cast %scan3A_40 : i32 to index
      %swap3A_127 = arith.constant 64 : index
      %swap3A_128 = tpu.vector_load %arg8[%swap3A_126, %swap3A_127] {strides = array<i32>} : memref<32x1024xf32, #tpu.memory_space<vmem>>, vector<1x16xf32>,
      %swap3A_129 = vector.shape_cast %swap3A_128 : vector<1x16xf32> to vector<16xf32>
      %swap3A_130 = vector.shape_cast %add3A_125 : vector<16xf32> to vector<1x16xf32>
      tpu.vector_store %arg8[%swap3A_126, %swap3A_127], %swap3A_130 {strides = array<i32>} : memref<32x1024xf32, #tpu.memory_space<vmem>>, vector<1x16xf32>,
      %get3A_131 = arith.index_cast %scan3A_40 : i32 to index
      %get3A_132 = arith.constant 80 : index
      %get3A_133 = tpu.vector_load %arg8[%get3A_131, %get3A_132] {strides = array<i32>} : memref<32x1024xf32, #tpu.memory_space<vmem>>, vector<1x16xf32>,
      %get3A_134 = vector.shape_cast %get3A_133 : vector<1x16xf32> to vector<16xf32>
      %mul3A_135 = arith.mulf %gather3A_49, %get3A_134 : vector<16xf32>
      %get3A_136 = arith.index_cast %scan3A_40 : i32 to index
      %get3A_137 = arith.constant 80 : index
      %get3A_138 = tpu.vector_load %arg9[%get3A_136, %get3A_137] {strides = array<i32>} : memref<32x1024xf32, #tpu.memory_space<vmem>>, vector<1x16xf32>,
      %get3A_139 = vector.shape_cast %get3A_138 : vector<1x16xf32> to vector<16xf32>
      %mul3A_140 = arith.mulf %gather3A_51, %get3A_139 : vector<16xf32>
      %add3A_141 = arith.addf %mul3A_135, %mul3A_140 : vector<16xf32>
      %swap3A_142 = arith.index_cast %scan3A_40 : i32 to index
      %swap3A_143 = arith.constant 80 : index
      %swap3A_144 = tpu.vector_load %arg8[%swap3A_142, %swap3A_143] {strides = array<i32>} : memref<32x1024xf32, #tpu.memory_space<vmem>>, vector<1x16xf32>,
      %swap3A_145 = vector.shape_cast %swap3A_144 : vector<1x16xf32> to vector<16xf32>
      %swap3A_146 = vector.shape_cast %add3A_141 : vector<16xf32> to vector<1x16xf32>
      tpu.vector_store %arg8[%swap3A_142, %swap3A_143], %swap3A_146 {strides = array<i32>} : memref<32x1024xf32, #tpu.memory_space<vmem>>, vector<1x16xf32>,
      %get3A_147 = arith.index_cast %scan3A_40 : i32 to index
      %get3A_148 = arith.constant 96 : index
      %get3A_149 = tpu.vector_load %arg8[%get3A_147, %get3A_148] {strides = array<i32>} : memref<32x1024xf32, #tpu.memory_space<vmem>>, vector<1x16xf32>,
      %get3A_150 = vector.shape_cast %get3A_149 : vector<1x16xf32> to vector<16xf32>
      %mul3A_151 = arith.mulf %gather3A_49, %get3A_150 : vector<16xf32>
      %get3A_152 = arith.index_cast %scan3A_40 : i32 to index
      %get3A_153 = arith.constant 96 : index
      %get3A_154 = tpu.vector_load %arg9[%get3A_152, %get3A_153] {strides = array<i32>} : memref<32x1024xf32, #tpu.memory_space<vmem>>, vector<1x16xf32>,
      %get3A_155 = vector.shape_cast %get3A_154 : vector<1x16xf32> to vector<16xf32>
      %mul3A_156 = arith.mulf %gather3A_51, %get3A_155 : vector<16xf32>
      %add3A_157 = arith.addf %mul3A_151, %mul3A_156 : vector<16xf32>
      %swap3A_158 = arith.index_cast %scan3A_40 : i32 to index
      %swap3A_159 = arith.constant 96 : index
      %swap3A_160 = tpu.vector_load %arg8[%swap3A_158, %swap3A_159] {strides = array<i32>} : memref<32x1024xf32, #tpu.memory_space<vmem>>, vector<1x16xf32>,
      %swap3A_161 = vector.shape_cast %swap3A_160 : vector<1x16xf32> to vector<16xf32>
      %swap3A_162 = vector.shape_cast %add3A_157 : vector<16xf32> to vector<1x16xf32>
      tpu.vector_store %arg8[%swap3A_158, %swap3A_159], %swap3A_162 {strides = array<i32>} : memref<32x1024xf32, #tpu.memory_space<vmem>>, vector<1x16xf32>,
      %get3A_163 = arith.index_cast %scan3A_40 : i32 to index
      %get3A_164 = arith.constant 112 : index
      %get3A_165 = tpu.vector_load %arg8[%get3A_163, %get3A_164] {strides = array<i32>} : memref<32x1024xf32, #tpu.memory_space<vmem>>, vector<1x16xf32>,
      %get3A_166 = vector.shape_cast %get3A_165 : vector<1x16xf32> to vector<16xf32>
      %mul3A_167 = arith.mulf %gather3A_49, %get3A_166 : vector<16xf32>
      %get3A_168 = arith.index_cast %scan3A_40 : i32 to index
      %get3A_169 = arith.constant 112 : index
      %get3A_170 = tpu.vector_load %arg9[%get3A_168, %get3A_169] {strides = array<i32>} : memref<32x1024xf32, #tpu.memory_space<vmem>>, vector<1x16xf32>,
      %get3A_171 = vector.shape_cast %get3A_170 : vector<1x16xf32> to vector<16xf32>
      %mul3A_172 = arith.mulf %gather3A_51, %get3A_171 : vector<16xf32>
      %add3A_173 = arith.addf %mul3A_167, %mul3A_172 : vector<16xf32>
      %swap3A_174 = arith.index_cast %scan3A_40 : i32 to index
      %swap3A_175 = arith.constant 112 : index
      %swap3A_176 = tpu.vector_load %arg8[%swap3A_174, %swap3A_175] {strides = array<i32>} : memref<32x1024xf32, #tpu.memory_space<vmem>>, vector<1x16xf32>,
      %swap3A_177 = vector.shape_cast %swap3A_176 : vector<1x16xf32> to vector<16xf32>
      %swap3A_178 = vector.shape_cast %add3A_173 : vector<16xf32> to vector<1x16xf32>
      tpu.vector_store %arg8[%swap3A_174, %swap3A_175], %swap3A_178 {strides = array<i32>} : memref<32x1024xf32, #tpu.memory_space<vmem>>, vector<1x16xf32>,
      %get3A_179 = arith.index_cast %scan3A_40 : i32 to index
      %get3A_180 = arith.constant 128 : index
      %get3A_181 = tpu.vector_load %arg8[%get3A_179, %get3A_180] {strides = array<i32>} : memref<32x1024xf32, #tpu.memory_space<vmem>>, vector<1x16xf32>,
      %get3A_182 = vector.shape_cast %get3A_181 : vector<1x16xf32> to vector<16xf32>
      %mul3A_183 = arith.mulf %gather3A_49, %get3A_182 : vector<16xf32>
      %get3A_184 = arith.index_cast %scan3A_40 : i32 to index
      %get3A_185 = arith.constant 128 : index
      %get3A_186 = tpu.vector_load %arg9[%get3A_184, %get3A_185] {strides = array<i32>} : memref<32x1024xf32, #tpu.memory_space<vmem>>, vector<1x16xf32>,
      %get3A_187 = vector.shape_cast %get3A_186 : vector<1x16xf32> to vector<16xf32>
      %mul3A_188 = arith.mulf %gather3A_51, %get3A_187 : vector<16xf32>
      %add3A_189 = arith.addf %mul3A_183, %mul3A_188 : vector<16xf32>
      %swap3A_190 = arith.index_cast %scan3A_40 : i32 to index
      %swap3A_191 = arith.constant 128 : index
      %swap3A_192 = tpu.vector_load %arg8[%swap3A_190, %swap3A_191] {strides = array<i32>} : memref<32x1024xf32, #tpu.memory_space<vmem>>, vector<1x16xf32>,
      %swap3A_193 = vector.shape_cast %swap3A_192 : vector<1x16xf32> to vector<16xf32>
      %swap3A_194 = vector.shape_cast %add3A_189 : vector<16xf32> to vector<1x16xf32>
      tpu.vector_store %arg8[%swap3A_190, %swap3A_191], %swap3A_194 {strides = array<i32>} : memref<32x1024xf32, #tpu.memory_space<vmem>>, vector<1x16xf32>,
      %get3A_195 = arith.index_cast %scan3A_40 : i32 to index
      %get3A_196 = arith.constant 144 : index
      %get3A_197 = tpu.vector_load %arg8[%get3A_195, %get3A_196] {strides = array<i32>} : memref<32x1024xf32, #tpu.memory_space<vmem>>, vector<1x16xf32>,
      %get3A_198 = vector.shape_cast %get3A_197 : vector<1x16xf32> to vector<16xf32>
      %mul3A_199 = arith.mulf %gather3A_49, %get3A_198 : vector<16xf32>
      %get3A_200 = arith.index_cast %scan3A_40 : i32 to index
      %get3A_201 = arith.constant 144 : index
      %get3A_202 = tpu.vector_load %arg9[%get3A_200, %get3A_201] {strides = array<i32>} : memref<32x1024xf32, #tpu.memory_space<vmem>>, vector<1x16xf32>,
      %get3A_203 = vector.shape_cast %get3A_202 : vector<1x16xf32> to vector<16xf32>
      %mul3A_204 = arith.mulf %gather3A_51, %get3A_203 : vector<16xf32>
      %add3A_205 = arith.addf %mul3A_199, %mul3A_204 : vector<16xf32>
      %swap3A_206 = arith.index_cast %scan3A_40 : i32 to index
      %swap3A_207 = arith.constant 144 : index
      %swap3A_208 = tpu.vector_load %arg8[%swap3A_206, %swap3A_207] {strides = array<i32>} : memref<32x1024xf32, #tpu.memory_space<vmem>>, vector<1x16xf32>,
      %swap3A_209 = vector.shape_cast %swap3A_208 : vector<1x16xf32> to vector<16xf32>
      %swap3A_210 = vector.shape_cast %add3A_205 : vector<16xf32> to vector<1x16xf32>
      tpu.vector_store %arg8[%swap3A_206, %swap3A_207], %swap3A_210 {strides = array<i32>} : memref<32x1024xf32, #tpu.memory_space<vmem>>, vector<1x16xf32>,
      %get3A_211 = arith.index_cast %scan3A_40 : i32 to index
      %get3A_212 = arith.constant 160 : index
      %get3A_213 = tpu.vector_load %arg8[%get3A_211, %get3A_212] {strides = array<i32>} : memref<32x1024xf32, #tpu.memory_space<vmem>>, vector<1x16xf32>,
      %get3A_214 = vector.shape_cast %get3A_213 : vector<1x16xf32> to vector<16xf32>
      %mul3A_215 = arith.mulf %gather3A_49, %get3A_214 : vector<16xf32>
      %get3A_216 = arith.index_cast %scan3A_40 : i32 to index
      %get3A_217 = arith.constant 160 : index
      %get3A_218 = tpu.vector_load %arg9[%get3A_216, %get3A_217] {strides = array<i32>} : memref<32x1024xf32, #tpu.memory_space<vmem>>, vector<1x16xf32>,
      %get3A_219 = vector.shape_cast %get3A_218 : vector<1x16xf32> to vector<16xf32>
      %mul3A_220 = arith.mulf %gather3A_51, %get3A_219 : vector<16xf32>
      %add3A_221 = arith.addf %mul3A_215, %mul3A_220 : vector<16xf32>
      %swap3A_222 = arith.index_cast %scan3A_40 : i32 to index
      %swap3A_223 = arith.constant 160 : index
      %swap3A_224 = tpu.vector_load %arg8[%swap3A_222, %swap3A_223] {strides = array<i32>} : memref<32x1024xf32, #tpu.memory_space<vmem>>, vector<1x16xf32>,
      %swap3A_225 = vector.shape_cast %swap3A_224 : vector<1x16xf32> to vector<16xf32>
      %swap3A_226 = vector.shape_cast %add3A_221 : vector<16xf32> to vector<1x16xf32>
      tpu.vector_store %arg8[%swap3A_222, %swap3A_223], %swap3A_226 {strides = array<i32>} : memref<32x1024xf32, #tpu.memory_space<vmem>>, vector<1x16xf32>,
      %get3A_227 = arith.index_cast %scan3A_40 : i32 to index
      %get3A_228 = arith.constant 176 : index
      %get3A_229 = tpu.vector_load %arg8[%get3A_227, %get3A_228] {strides = array<i32>} : memref<32x1024xf32, #tpu.memory_space<vmem>>, vector<1x16xf32>,
      %get3A_230 = vector.shape_cast %get3A_229 : vector<1x16xf32> to vector<16xf32>
      %mul3A_231 = arith.mulf %gather3A_49, %get3A_230 : vector<16xf32>
      %get3A_232 = arith.index_cast %scan3A_40 : i32 to index
      %get3A_233 = arith.constant 176 : index
      %get3A_234 = tpu.vector_load %arg9[%get3A_232, %get3A_233] {strides = array<i32>} : memref<32x1024xf32, #tpu.memory_space<vmem>>, vector<1x16xf32>,
      %get3A_235 = vector.shape_cast %get3A_234 : vector<1x16xf32> to vector<16xf32>
      %mul3A_236 = arith.mulf %gather3A_51, %get3A_235 : vector<16xf32>
      %add3A_237 = arith.addf %mul3A_231, %mul3A_236 : vector<16xf32>
      %swap3A_238 = arith.index_cast %scan3A_40 : i32 to index
      %swap3A_239 = arith.constant 176 : index
      %swap3A_240 = tpu.vector_load %arg8[%swap3A_238, %swap3A_239] {strides = array<i32>} : memref<32x1024xf32, #tpu.memory_space<vmem>>, vector<1x16xf32>,
      %swap3A_241 = vector.shape_cast %swap3A_240 : vector<1x16xf32> to vector<16xf32>
      %swap3A_242 = vector.shape_cast %add3A_237 : vector<16xf32> to vector<1x16xf32>
      tpu.vector_store %arg8[%swap3A_238, %swap3A_239], %swap3A_242 {strides = array<i32>} : memref<32x1024xf32, #tpu.memory_space<vmem>>, vector<1x16xf32>,
      %get3A_243 = arith.index_cast %scan3A_40 : i32 to index
      %get3A_244 = arith.constant 192 : index
      %get3A_245 = tpu.vector_load %arg8[%get3A_243, %get3A_244] {strides = array<i32>} : memref<32x1024xf32, #tpu.memory_space<vmem>>, vector<1x16xf32>,
      %get3A_246 = vector.shape_cast %get3A_245 : vector<1x16xf32> to vector<16xf32>
      %mul3A_247 = arith.mulf %gather3A_49, %get3A_246 : vector<16xf32>
      %get3A_248 = arith.index_cast %scan3A_40 : i32 to index
      %get3A_249 = arith.constant 192 : index
      %get3A_250 = tpu.vector_load %arg9[%get3A_248, %get3A_249] {strides = array<i32>} : memref<32x1024xf32, #tpu.memory_space<vmem>>, vector<1x16xf32>,
      %get3A_251 = vector.shape_cast %get3A_250 : vector<1x16xf32> to vector<16xf32>
      %mul3A_252 = arith.mulf %gather3A_51, %get3A_251 : vector<16xf32>
      %add3A_253 = arith.addf %mul3A_247, %mul3A_252 : vector<16xf32>
      %swap3A_254 = arith.index_cast %scan3A_40 : i32 to index
      %swap3A_255 = arith.constant 192 : index
      %swap3A_256 = tpu.vector_load %arg8[%swap3A_254, %swap3A_255] {strides = array<i32>} : memref<32x1024xf32, #tpu.memory_space<vmem>>, vector<1x16xf32>,
      %swap3A_257 = vector.shape_cast %swap3A_256 : vector<1x16xf32> to vector<16xf32>
      %swap3A_258 = vector.shape_cast %add3A_253 : vector<16xf32> to vector<1x16xf32>
      tpu.vector_store %arg8[%swap3A_254, %swap3A_255], %swap3A_258 {strides = array<i32>} : memref<32x1024xf32, #tpu.memory_space<vmem>>, vector<1x16xf32>,
      %get3A_259 = arith.index_cast %scan3A_40 : i32 to index
      %get3A_260 = arith.constant 208 : index
      %get3A_261 = tpu.vector_load %arg8[%get3A_259, %get3A_260] {strides = array<i32>} : memref<32x1024xf32, #tpu.memory_space<vmem>>, vector<1x16xf32>,
      %get3A_262 = vector.shape_cast %get3A_261 : vector<1x16xf32> to vector<16xf32>
      %mul3A_263 = arith.mulf %gather3A_49, %get3A_262 : vector<16xf32>
      %get3A_264 = arith.index_cast %scan3A_40 : i32 to index
      %get3A_265 = arith.constant 208 : index
      %get3A_266 = tpu.vector_load %arg9[%get3A_264, %get3A_265] {strides = array<i32>} : memref<32x1024xf32, #tpu.memory_space<vmem>>, vector<1x16xf32>,
      %get3A_267 = vector.shape_cast %get3A_266 : vector<1x16xf32> to vector<16xf32>
      %mul3A_268 = arith.mulf %gather3A_51, %get3A_267 : vector<16xf32>
      %add3A_269 = arith.addf %mul3A_263, %mul3A_268 : vector<16xf32>
      %swap3A_270 = arith.index_cast %scan3A_40 : i32 to index
      %swap3A_271 = arith.constant 208 : index
      %swap3A_272 = tpu.vector_load %arg8[%swap3A_270, %swap3A_271] {strides = array<i32>} : memref<32x1024xf32, #tpu.memory_space<vmem>>, vector<1x16xf32>,
      %swap3A_273 = vector.shape_cast %swap3A_272 : vector<1x16xf32> to vector<16xf32>
      %swap3A_274 = vector.shape_cast %add3A_269 : vector<16xf32> to vector<1x16xf32>
      tpu.vector_store %arg8[%swap3A_270, %swap3A_271], %swap3A_274 {strides = array<i32>} : memref<32x1024xf32, #tpu.memory_space<vmem>>, vector<1x16xf32>,
      %get3A_275 = arith.index_cast %scan3A_40 : i32 to index
      %get3A_276 = arith.constant 224 : index
      %get3A_277 = tpu.vector_load %arg8[%get3A_275, %get3A_276] {strides = array<i32>} : memref<32x1024xf32, #tpu.memory_space<vmem>>, vector<1x16xf32>,
      %get3A_278 = vector.shape_cast %get3A_277 : vector<1x16xf32> to vector<16xf32>
      %mul3A_279 = arith.mulf %gather3A_49, %get3A_278 : vector<16xf32>
      %get3A_280 = arith.index_cast %scan3A_40 : i32 to index
      %get3A_281 = arith.constant 224 : index
      %get3A_282 = tpu.vector_load %arg9[%get3A_280, %get3A_281] {strides = array<i32>} : memref<32x1024xf32, #tpu.memory_space<vmem>>, vector<1x16xf32>,
      %get3A_283 = vector.shape_cast %get3A_282 : vector<1x16xf32> to vector<16xf32>
      %mul3A_284 = arith.mulf %gather3A_51, %get3A_283 : vector<16xf32>
      %add3A_285 = arith.addf %mul3A_279, %mul3A_284 : vector<16xf32>
      %swap3A_286 = arith.index_cast %scan3A_40 : i32 to index
      %swap3A_287 = arith.constant 224 : index
      %swap3A_288 = tpu.vector_load %arg8[%swap3A_286, %swap3A_287] {strides = array<i32>} : memref<32x1024xf32, #tpu.memory_space<vmem>>, vector<1x16xf32>,
      %swap3A_289 = vector.shape_cast %swap3A_288 : vector<1x16xf32> to vector<16xf32>
      %swap3A_290 = vector.shape_cast %add3A_285 : vector<16xf32> to vector<1x16xf32>
      tpu.vector_store %arg8[%swap3A_286, %swap3A_287], %swap3A_290 {strides = array<i32>} : memref<32x1024xf32, #tpu.memory_space<vmem>>, vector<1x16xf32>,
      %get3A_291 = arith.index_cast %scan3A_40 : i32 to index
      %get3A_292 = arith.constant 240 : index
      %get3A_293 = tpu.vector_load %arg8[%get3A_291, %get3A_292] {strides = array<i32>} : memref<32x1024xf32, #tpu.memory_space<vmem>>, vector<1x16xf32>,
      %get3A_294 = vector.shape_cast %get3A_293 : vector<1x16xf32> to vector<16xf32>
      %mul3A_295 = arith.mulf %gather3A_49, %get3A_294 : vector<16xf32>
      %get3A_296 = arith.index_cast %scan3A_40 : i32 to index
      %get3A_297 = arith.constant 240 : index
      %get3A_298 = tpu.vector_load %arg9[%get3A_296, %get3A_297] {strides = array<i32>} : memref<32x1024xf32, #tpu.memory_space<vmem>>, vector<1x16xf32>,
      %get3A_299 = vector.shape_cast %get3A_298 : vector<1x16xf32> to vector<16xf32>
      %mul3A_300 = arith.mulf %gather3A_51, %get3A_299 : vector<16xf32>
      %add3A_301 = arith.addf %mul3A_295, %mul3A_300 : vector<16xf32>
      %swap3A_302 = arith.index_cast %scan3A_40 : i32 to index
      %swap3A_303 = arith.constant 240 : index
      %swap3A_304 = tpu.vector_load %arg8[%swap3A_302, %swap3A_303] {strides = array<i32>} : memref<32x1024xf32, #tpu.memory_space<vmem>>, vector<1x16xf32>,
      %swap3A_305 = vector.shape_cast %swap3A_304 : vector<1x16xf32> to vector<16xf32>
      %swap3A_306 = vector.shape_cast %add3A_301 : vector<16xf32> to vector<1x16xf32>
      tpu.vector_store %arg8[%swap3A_302, %swap3A_303], %swap3A_306 {strides = array<i32>} : memref<32x1024xf32, #tpu.memory_space<vmem>>, vector<1x16xf32>,
      %get3A_307 = arith.index_cast %scan3A_40 : i32 to index
      %get3A_308 = arith.constant 256 : index
      %get3A_309 = tpu.vector_load %arg8[%get3A_307, %get3A_308] {strides = array<i32>} : memref<32x1024xf32, #tpu.memory_space<vmem>>, vector<1x16xf32>,
      %get3A_310 = vector.shape_cast %get3A_309 : vector<1x16xf32> to vector<16xf32>
      %mul3A_311 = arith.mulf %gather3A_49, %get3A_310 : vector<16xf32>
      %get3A_312 = arith.index_cast %scan3A_40 : i32 to index
      %get3A_313 = arith.constant 256 : index
      %get3A_314 = tpu.vector_load %arg9[%get3A_312, %get3A_313] {strides = array<i32>} : memref<32x1024xf32, #tpu.memory_space<vmem>>, vector<1x16xf32>,
      %get3A_315 = vector.shape_cast %get3A_314 : vector<1x16xf32> to vector<16xf32>
      %mul3A_316 = arith.mulf %gather3A_51, %get3A_315 : vector<16xf32>
      %add3A_317 = arith.addf %mul3A_311, %mul3A_316 : vector<16xf32>
      %swap3A_318 = arith.index_cast %scan3A_40 : i32 to index
      %swap3A_319 = arith.constant 256 : index
      %swap3A_320 = tpu.vector_load %arg8[%swap3A_318, %swap3A_319] {strides = array<i32>} : memref<32x1024xf32, #tpu.memory_space<vmem>>, vector<1x16xf32>,
      %swap3A_321 = vector.shape_cast %swap3A_320 : vector<1x16xf32> to vector<16xf32>
      %swap3A_322 = vector.shape_cast %add3A_317 : vector<16xf32> to vector<1x16xf32>
      tpu.vector_store %arg8[%swap3A_318, %swap3A_319], %swap3A_322 {strides = array<i32>} : memref<32x1024xf32, #tpu.memory_space<vmem>>, vector<1x16xf32>,
      %get3A_323 = arith.index_cast %scan3A_40 : i32 to index
      %get3A_324 = arith.constant 272 : index
      %get3A_325 = tpu.vector_load %arg8[%get3A_323, %get3A_324] {strides = array<i32>} : memref<32x1024xf32, #tpu.memory_space<vmem>>, vector<1x16xf32>,
      %get3A_326 = vector.shape_cast %get3A_325 : vector<1x16xf32> to vector<16xf32>
      %mul3A_327 = arith.mulf %gather3A_49, %get3A_326 : vector<16xf32>
      %get3A_328 = arith.index_cast %scan3A_40 : i32 to index
      %get3A_329 = arith.constant 272 : index
      %get3A_330 = tpu.vector_load %arg9[%get3A_328, %get3A_329] {strides = array<i32>} : memref<32x1024xf32, #tpu.memory_space<vmem>>, vector<1x16xf32>,
      %get3A_331 = vector.shape_cast %get3A_330 : vector<1x16xf32> to vector<16xf32>
      %mul3A_332 = arith.mulf %gather3A_51, %get3A_331 : vector<16xf32>
      %add3A_333 = arith.addf %mul3A_327, %mul3A_332 : vector<16xf32>
      %swap3A_334 = arith.index_cast %scan3A_40 : i32 to index
      %swap3A_335 = arith.constant 272 : index
      %swap3A_336 = tpu.vector_load %arg8[%swap3A_334, %swap3A_335] {strides = array<i32>} : memref<32x1024xf32, #tpu.memory_space<vmem>>, vector<1x16xf32>,
      %swap3A_337 = vector.shape_cast %swap3A_336 : vector<1x16xf32> to vector<16xf32>
      %swap3A_338 = vector.shape_cast %add3A_333 : vector<16xf32> to vector<1x16xf32>
      tpu.vector_store %arg8[%swap3A_334, %swap3A_335], %swap3A_338 {strides = array<i32>} : memref<32x1024xf32, #tpu.memory_space<vmem>>, vector<1x16xf32>,
      %get3A_339 = arith.index_cast %scan3A_40 : i32 to index
      %get3A_340 = arith.constant 288 : index
      %get3A_341 = tpu.vector_load %arg8[%get3A_339, %get3A_340] {strides = array<i32>} : memref<32x1024xf32, #tpu.memory_space<vmem>>, vector<1x16xf32>,
      %get3A_342 = vector.shape_cast %get3A_341 : vector<1x16xf32> to vector<16xf32>
      %mul3A_343 = arith.mulf %gather3A_49, %get3A_342 : vector<16xf32>
      %get3A_344 = arith.index_cast %scan3A_40 : i32 to index
      %get3A_345 = arith.constant 288 : index
      %get3A_346 = tpu.vector_load %arg9[%get3A_344, %get3A_345] {strides = array<i32>} : memref<32x1024xf32, #tpu.memory_space<vmem>>, vector<1x16xf32>,
      %get3A_347 = vector.shape_cast %get3A_346 : vector<1x16xf32> to vector<16xf32>
      %mul3A_348 = arith.mulf %gather3A_51, %get3A_347 : vector<16xf32>
      %add3A_349 = arith.addf %mul3A_343, %mul3A_348 : vector<16xf32>
      %swap3A_350 = arith.index_cast %scan3A_40 : i32 to index
      %swap3A_351 = arith.constant 288 : index
      %swap3A_352 = tpu.vector_load %arg8[%swap3A_350, %swap3A_351] {strides = array<i32>} : memref<32x1024xf32, #tpu.memory_space<vmem>>, vector<1x16xf32>,
      %swap3A_353 = vector.shape_cast %swap3A_352 : vector<1x16xf32> to vector<16xf32>
      %swap3A_354 = vector.shape_cast %add3A_349 : vector<16xf32> to vector<1x16xf32>
      tpu.vector_store %arg8[%swap3A_350, %swap3A_351], %swap3A_354 {strides = array<i32>} : memref<32x1024xf32, #tpu.memory_space<vmem>>, vector<1x16xf32>,
      %get3A_355 = arith.index_cast %scan3A_40 : i32 to index
      %get3A_356 = arith.constant 304 : index
      %get3A_357 = tpu.vector_load %arg8[%get3A_355, %get3A_356] {strides = array<i32>} : memref<32x1024xf32, #tpu.memory_space<vmem>>, vector<1x16xf32>,
      %get3A_358 = vector.shape_cast %get3A_357 : vector<1x16xf32> to vector<16xf32>
      %mul3A_359 = arith.mulf %gather3A_49, %get3A_358 : vector<16xf32>
      %get3A_360 = arith.index_cast %scan3A_40 : i32 to index
      %get3A_361 = arith.constant 304 : index
      %get3A_362 = tpu.vector_load %arg9[%get3A_360, %get3A_361] {strides = array<i32>} : memref<32x1024xf32, #tpu.memory_space<vmem>>, vector<1x16xf32>,
      %get3A_363 = vector.shape_cast %get3A_362 : vector<1x16xf32> to vector<16xf32>
      %mul3A_364 = arith.mulf %gather3A_51, %get3A_363 : vector<16xf32>
      %add3A_365 = arith.addf %mul3A_359, %mul3A_364 : vector<16xf32>
      %swap3A_366 = arith.index_cast %scan3A_40 : i32 to index
      %swap3A_367 = arith.constant 304 : index
      %swap3A_368 = tpu.vector_load %arg8[%swap3A_366, %swap3A_367] {strides = array<i32>} : memref<32x1024xf32, #tpu.memory_space<vmem>>, vector<1x16xf32>,
      %swap3A_369 = vector.shape_cast %swap3A_368 : vector<1x16xf32> to vector<16xf32>
      %swap3A_370 = vector.shape_cast %add3A_365 : vector<16xf32> to vector<1x16xf32>
      tpu.vector_store %arg8[%swap3A_366, %swap3A_367], %swap3A_370 {strides = array<i32>} : memref<32x1024xf32, #tpu.memory_space<vmem>>, vector<1x16xf32>,
      %get3A_371 = arith.index_cast %scan3A_40 : i32 to index
      %get3A_372 = arith.constant 320 : index
      %get3A_373 = tpu.vector_load %arg8[%get3A_371, %get3A_372] {strides = array<i32>} : memref<32x1024xf32, #tpu.memory_space<vmem>>, vector<1x16xf32>,
      %get3A_374 = vector.shape_cast %get3A_373 : vector<1x16xf32> to vector<16xf32>
      %mul3A_375 = arith.mulf %gather3A_49, %get3A_374 : vector<16xf32>
      %get3A_376 = arith.index_cast %scan3A_40 : i32 to index
      %get3A_377 = arith.constant 320 : index
      %get3A_378 = tpu.vector_load %arg9[%get3A_376, %get3A_377] {strides = array<i32>} : memref<32x1024xf32, #tpu.memory_space<vmem>>, vector<1x16xf32>,
      %get3A_379 = vector.shape_cast %get3A_378 : vector<1x16xf32> to vector<16xf32>
      %mul3A_380 = arith.mulf %gather3A_51, %get3A_379 : vector<16xf32>
      %add3A_381 = arith.addf %mul3A_375, %mul3A_380 : vector<16xf32>
      %swap3A_382 = arith.index_cast %scan3A_40 : i32 to index
      %swap3A_383 = arith.constant 320 : index
      %swap3A_384 = tpu.vector_load %arg8[%swap3A_382, %swap3A_383] {strides = array<i32>} : memref<32x1024xf32, #tpu.memory_space<vmem>>, vector<1x16xf32>,
      %swap3A_385 = vector.shape_cast %swap3A_384 : vector<1x16xf32> to vector<16xf32>
      %swap3A_386 = vector.shape_cast %add3A_381 : vector<16xf32> to vector<1x16xf32>
      tpu.vector_store %arg8[%swap3A_382, %swap3A_383], %swap3A_386 {strides = array<i32>} : memref<32x1024xf32, #tpu.memory_space<vmem>>, vector<1x16xf32>,
      %get3A_387 = arith.index_cast %scan3A_40 : i32 to index
      %get3A_388 = arith.constant 336 : index
      %get3A_389 = tpu.vector_load %arg8[%get3A_387, %get3A_388] {strides = array<i32>} : memref<32x1024xf32, #tpu.memory_space<vmem>>, vector<1x16xf32>,
      %get3A_390 = vector.shape_cast %get3A_389 : vector<1x16xf32> to vector<16xf32>
      %mul3A_391 = arith.mulf %gather3A_49, %get3A_390 : vector<16xf32>
      %get3A_392 = arith.index_cast %scan3A_40 : i32 to index
      %get3A_393 = arith.constant 336 : index
      %get3A_394 = tpu.vector_load %arg9[%get3A_392, %get3A_393] {strides = array<i32>} : memref<32x1024xf32, #tpu.memory_space<vmem>>, vector<1x16xf32>,
      %get3A_395 = vector.shape_cast %get3A_394 : vector<1x16xf32> to vector<16xf32>
      %mul3A_396 = arith.mulf %gather3A_51, %get3A_395 : vector<16xf32>
      %add3A_397 = arith.addf %mul3A_391, %mul3A_396 : vector<16xf32>
      %swap3A_398 = arith.index_cast %scan3A_40 : i32 to index
      %swap3A_399 = arith.constant 336 : index
      %swap3A_400 = tpu.vector_load %arg8[%swap3A_398, %swap3A_399] {strides = array<i32>} : memref<32x1024xf32, #tpu.memory_space<vmem>>, vector<1x16xf32>,
      %swap3A_401 = vector.shape_cast %swap3A_400 : vector<1x16xf32> to vector<16xf32>
      %swap3A_402 = vector.shape_cast %add3A_397 : vector<16xf32> to vector<1x16xf32>
      tpu.vector_store %arg8[%swap3A_398, %swap3A_399], %swap3A_402 {strides = array<i32>} : memref<32x1024xf32, #tpu.memory_space<vmem>>, vector<1x16xf32>,
      %get3A_403 = arith.index_cast %scan3A_40 : i32 to index
      %get3A_404 = arith.constant 352 : index
      %get3A_405 = tpu.vector_load %arg8[%get3A_403, %get3A_404] {strides = array<i32>} : memref<32x1024xf32, #tpu.memory_space<vmem>>, vector<1x16xf32>,
      %get3A_406 = vector.shape_cast %get3A_405 : vector<1x16xf32> to vector<16xf32>
      %mul3A_407 = arith.mulf %gather3A_49, %get3A_406 : vector<16xf32>
      %get3A_408 = arith.index_cast %scan3A_40 : i32 to index
      %get3A_409 = arith.constant 352 : index
      %get3A_410 = tpu.vector_load %arg9[%get3A_408, %get3A_409] {strides = array<i32>} : memref<32x1024xf32, #tpu.memory_space<vmem>>, vector<1x16xf32>,
      %get3A_411 = vector.shape_cast %get3A_410 : vector<1x16xf32> to vector<16xf32>
      %mul3A_412 = arith.mulf %gather3A_51, %get3A_411 : vector<16xf32>
      %add3A_413 = arith.addf %mul3A_407, %mul3A_412 : vector<16xf32>
      %swap3A_414 = arith.index_cast %scan3A_40 : i32 to index
      %swap3A_415 = arith.constant 352 : index
      %swap3A_416 = tpu.vector_load %arg8[%swap3A_414, %swap3A_415] {strides = array<i32>} : memref<32x1024xf32, #tpu.memory_space<vmem>>, vector<1x16xf32>,
      %swap3A_417 = vector.shape_cast %swap3A_416 : vector<1x16xf32> to vector<16xf32>
      %swap3A_418 = vector.shape_cast %add3A_413 : vector<16xf32> to vector<1x16xf32>
      tpu.vector_store %arg8[%swap3A_414, %swap3A_415], %swap3A_418 {strides = array<i32>} : memref<32x1024xf32, #tpu.memory_space<vmem>>, vector<1x16xf32>,
      %get3A_419 = arith.index_cast %scan3A_40 : i32 to index
      %get3A_420 = arith.constant 368 : index
      %get3A_421 = tpu.vector_load %arg8[%get3A_419, %get3A_420] {strides = array<i32>} : memref<32x1024xf32, #tpu.memory_space<vmem>>, vector<1x16xf32>,
      %get3A_422 = vector.shape_cast %get3A_421 : vector<1x16xf32> to vector<16xf32>
      %mul3A_423 = arith.mulf %gather3A_49, %get3A_422 : vector<16xf32>
      %get3A_424 = arith.index_cast %scan3A_40 : i32 to index
      %get3A_425 = arith.constant 368 : index
      %get3A_426 = tpu.vector_load %arg9[%get3A_424, %get3A_425] {strides = array<i32>} : memref<32x1024xf32, #tpu.memory_space<vmem>>, vector<1x16xf32>,
      %get3A_427 = vector.shape_cast %get3A_426 : vector<1x16xf32> to vector<16xf32>
      %mul3A_428 = arith.mulf %gather3A_51, %get3A_427 : vector<16xf32>
      %add3A_429 = arith.addf %mul3A_423, %mul3A_428 : vector<16xf32>
      %swap3A_430 = arith.index_cast %scan3A_40 : i32 to index
      %swap3A_431 = arith.constant 368 : index
      %swap3A_432 = tpu.vector_load %arg8[%swap3A_430, %swap3A_431] {strides = array<i32>} : memref<32x1024xf32, #tpu.memory_space<vmem>>, vector<1x16xf32>,
      %swap3A_433 = vector.shape_cast %swap3A_432 : vector<1x16xf32> to vector<16xf32>
      %swap3A_434 = vector.shape_cast %add3A_429 : vector<16xf32> to vector<1x16xf32>
      tpu.vector_store %arg8[%swap3A_430, %swap3A_431], %swap3A_434 {strides = array<i32>} : memref<32x1024xf32, #tpu.memory_space<vmem>>, vector<1x16xf32>,
      %get3A_435 = arith.index_cast %scan3A_40 : i32 to index
      %get3A_436 = arith.constant 384 : index
      %get3A_437 = tpu.vector_load %arg8[%get3A_435, %get3A_436] {strides = array<i32>} : memref<32x1024xf32, #tpu.memory_space<vmem>>, vector<1x16xf32>,
      %get3A_438 = vector.shape_cast %get3A_437 : vector<1x16xf32> to vector<16xf32>
      %mul3A_439 = arith.mulf %gather3A_49, %get3A_438 : vector<16xf32>
      %get3A_440 = arith.index_cast %scan3A_40 : i32 to index
      %get3A_441 = arith.constant 384 : index
      %get3A_442 = tpu.vector_load %arg9[%get3A_440, %get3A_441] {strides = array<i32>} : memref<32x1024xf32, #tpu.memory_space<vmem>>, vector<1x16xf32>,
      %get3A_443 = vector.shape_cast %get3A_442 : vector<1x16xf32> to vector<16xf32>
      %mul3A_444 = arith.mulf %gather3A_51, %get3A_443 : vector<16xf32>
      %add3A_445 = arith.addf %mul3A_439, %mul3A_444 : vector<16xf32>
      %swap3A_446 = arith.index_cast %scan3A_40 : i32 to index
      %swap3A_447 = arith.constant 384 : index
      %swap3A_448 = tpu.vector_load %arg8[%swap3A_446, %swap3A_447] {strides = array<i32>} : memref<32x1024xf32, #tpu.memory_space<vmem>>, vector<1x16xf32>,
      %swap3A_449 = vector.shape_cast %swap3A_448 : vector<1x16xf32> to vector<16xf32>
      %swap3A_450 = vector.shape_cast %add3A_445 : vector<16xf32> to vector<1x16xf32>
      tpu.vector_store %arg8[%swap3A_446, %swap3A_447], %swap3A_450 {strides = array<i32>} : memref<32x1024xf32, #tpu.memory_space<vmem>>, vector<1x16xf32>,
      %get3A_451 = arith.index_cast %scan3A_40 : i32 to index
      %get3A_452 = arith.constant 400 : index
      %get3A_453 = tpu.vector_load %arg8[%get3A_451, %get3A_452] {strides = array<i32>} : memref<32x1024xf32, #tpu.memory_space<vmem>>, vector<1x16xf32>,
      %get3A_454 = vector.shape_cast %get3A_453 : vector<1x16xf32> to vector<16xf32>
      %mul3A_455 = arith.mulf %gather3A_49, %get3A_454 : vector<16xf32>
      %get3A_456 = arith.index_cast %scan3A_40 : i32 to index
      %get3A_457 = arith.constant 400 : index
      %get3A_458 = tpu.vector_load %arg9[%get3A_456, %get3A_457] {strides = array<i32>} : memref<32x1024xf32, #tpu.memory_space<vmem>>, vector<1x16xf32>,
      %get3A_459 = vector.shape_cast %get3A_458 : vector<1x16xf32> to vector<16xf32>
      %mul3A_460 = arith.mulf %gather3A_51, %get3A_459 : vector<16xf32>
      %add3A_461 = arith.addf %mul3A_455, %mul3A_460 : vector<16xf32>
      %swap3A_462 = arith.index_cast %scan3A_40 : i32 to index
      %swap3A_463 = arith.constant 400 : index
      %swap3A_464 = tpu.vector_load %arg8[%swap3A_462, %swap3A_463] {strides = array<i32>} : memref<32x1024xf32, #tpu.memory_space<vmem>>, vector<1x16xf32>,
      %swap3A_465 = vector.shape_cast %swap3A_464 : vector<1x16xf32> to vector<16xf32>
      %swap3A_466 = vector.shape_cast %add3A_461 : vector<16xf32> to vector<1x16xf32>
      tpu.vector_store %arg8[%swap3A_462, %swap3A_463], %swap3A_466 {strides = array<i32>} : memref<32x1024xf32, #tpu.memory_space<vmem>>, vector<1x16xf32>,
      %get3A_467 = arith.index_cast %scan3A_40 : i32 to index
      %get3A_468 = arith.constant 416 : index
      %get3A_469 = tpu.vector_load %arg8[%get3A_467, %get3A_468] {strides = array<i32>} : memref<32x1024xf32, #tpu.memory_space<vmem>>, vector<1x16xf32>,
      %get3A_470 = vector.shape_cast %get3A_469 : vector<1x16xf32> to vector<16xf32>
      %mul3A_471 = arith.mulf %gather3A_49, %get3A_470 : vector<16xf32>
      %get3A_472 = arith.index_cast %scan3A_40 : i32 to index
      %get3A_473 = arith.constant 416 : index
      %get3A_474 = tpu.vector_load %arg9[%get3A_472, %get3A_473] {strides = array<i32>} : memref<32x1024xf32, #tpu.memory_space<vmem>>, vector<1x16xf32>,
      %get3A_475 = vector.shape_cast %get3A_474 : vector<1x16xf32> to vector<16xf32>
      %mul3A_476 = arith.mulf %gather3A_51, %get3A_475 : vector<16xf32>
      %add3A_477 = arith.addf %mul3A_471, %mul3A_476 : vector<16xf32>
      %swap3A_478 = arith.index_cast %scan3A_40 : i32 to index
      %swap3A_479 = arith.constant 416 : index
      %swap3A_480 = tpu.vector_load %arg8[%swap3A_478, %swap3A_479] {strides = array<i32>} : memref<32x1024xf32, #tpu.memory_space<vmem>>, vector<1x16xf32>,
      %swap3A_481 = vector.shape_cast %swap3A_480 : vector<1x16xf32> to vector<16xf32>
      %swap3A_482 = vector.shape_cast %add3A_477 : vector<16xf32> to vector<1x16xf32>
      tpu.vector_store %arg8[%swap3A_478, %swap3A_479], %swap3A_482 {strides = array<i32>} : memref<32x1024xf32, #tpu.memory_space<vmem>>, vector<1x16xf32>,
      %get3A_483 = arith.index_cast %scan3A_40 : i32 to index
      %get3A_484 = arith.constant 432 : index
      %get3A_485 = tpu.vector_load %arg8[%get3A_483, %get3A_484] {strides = array<i32>} : memref<32x1024xf32, #tpu.memory_space<vmem>>, vector<1x16xf32>,
      %get3A_486 = vector.shape_cast %get3A_485 : vector<1x16xf32> to vector<16xf32>
      %mul3A_487 = arith.mulf %gather3A_49, %get3A_486 : vector<16xf32>
      %get3A_488 = arith.index_cast %scan3A_40 : i32 to index
      %get3A_489 = arith.constant 432 : index
      %get3A_490 = tpu.vector_load %arg9[%get3A_488, %get3A_489] {strides = array<i32>} : memref<32x1024xf32, #tpu.memory_space<vmem>>, vector<1x16xf32>,
      %get3A_491 = vector.shape_cast %get3A_490 : vector<1x16xf32> to vector<16xf32>
      %mul3A_492 = arith.mulf %gather3A_51, %get3A_491 : vector<16xf32>
      %add3A_493 = arith.addf %mul3A_487, %mul3A_492 : vector<16xf32>
      %swap3A_494 = arith.index_cast %scan3A_40 : i32 to index
      %swap3A_495 = arith.constant 432 : index
      %swap3A_496 = tpu.vector_load %arg8[%swap3A_494, %swap3A_495] {strides = array<i32>} : memref<32x1024xf32, #tpu.memory_space<vmem>>, vector<1x16xf32>,
      %swap3A_497 = vector.shape_cast %swap3A_496 : vector<1x16xf32> to vector<16xf32>
      %swap3A_498 = vector.shape_cast %add3A_493 : vector<16xf32> to vector<1x16xf32>
      tpu.vector_store %arg8[%swap3A_494, %swap3A_495], %swap3A_498 {strides = array<i32>} : memref<32x1024xf32, #tpu.memory_space<vmem>>, vector<1x16xf32>,
      %get3A_499 = arith.index_cast %scan3A_40 : i32 to index
      %get3A_500 = arith.constant 448 : index
      %get3A_501 = tpu.vector_load %arg8[%get3A_499, %get3A_500] {strides = array<i32>} : memref<32x1024xf32, #tpu.memory_space<vmem>>, vector<1x16xf32>,
      %get3A_502 = vector.shape_cast %get3A_501 : vector<1x16xf32> to vector<16xf32>
      %mul3A_503 = arith.mulf %gather3A_49, %get3A_502 : vector<16xf32>
      %get3A_504 = arith.index_cast %scan3A_40 : i32 to index
      %get3A_505 = arith.constant 448 : index
      %get3A_506 = tpu.vector_load %arg9[%get3A_504, %get3A_505] {strides = array<i32>} : memref<32x1024xf32, #tpu.memory_space<vmem>>, vector<1x16xf32>,
      %get3A_507 = vector.shape_cast %get3A_506 : vector<1x16xf32> to vector<16xf32>
      %mul3A_508 = arith.mulf %gather3A_51, %get3A_507 : vector<16xf32>
      %add3A_509 = arith.addf %mul3A_503, %mul3A_508 : vector<16xf32>
      %swap3A_510 = arith.index_cast %scan3A_40 : i32 to index
      %swap3A_511 = arith.constant 448 : index
      %swap3A_512 = tpu.vector_load %arg8[%swap3A_510, %swap3A_511] {strides = array<i32>} : memref<32x1024xf32, #tpu.memory_space<vmem>>, vector<1x16xf32>,
      %swap3A_513 = vector.shape_cast %swap3A_512 : vector<1x16xf32> to vector<16xf32>
      %swap3A_514 = vector.shape_cast %add3A_509 : vector<16xf32> to vector<1x16xf32>
      tpu.vector_store %arg8[%swap3A_510, %swap3A_511], %swap3A_514 {strides = array<i32>} : memref<32x1024xf32, #tpu.memory_space<vmem>>, vector<1x16xf32>,
      %get3A_515 = arith.index_cast %scan3A_40 : i32 to index
      %get3A_516 = arith.constant 464 : index
      %get3A_517 = tpu.vector_load %arg8[%get3A_515, %get3A_516] {strides = array<i32>} : memref<32x1024xf32, #tpu.memory_space<vmem>>, vector<1x16xf32>,
      %get3A_518 = vector.shape_cast %get3A_517 : vector<1x16xf32> to vector<16xf32>
      %mul3A_519 = arith.mulf %gather3A_49, %get3A_518 : vector<16xf32>
      %get3A_520 = arith.index_cast %scan3A_40 : i32 to index
      %get3A_521 = arith.constant 464 : index
      %get3A_522 = tpu.vector_load %arg9[%get3A_520, %get3A_521] {strides = array<i32>} : memref<32x1024xf32, #tpu.memory_space<vmem>>, vector<1x16xf32>,
      %get3A_523 = vector.shape_cast %get3A_522 : vector<1x16xf32> to vector<16xf32>
      %mul3A_524 = arith.mulf %gather3A_51, %get3A_523 : vector<16xf32>
      %add3A_525 = arith.addf %mul3A_519, %mul3A_524 : vector<16xf32>
      %swap3A_526 = arith.index_cast %scan3A_40 : i32 to index
      %swap3A_527 = arith.constant 464 : index
      %swap3A_528 = tpu.vector_load %arg8[%swap3A_526, %swap3A_527] {strides = array<i32>} : memref<32x1024xf32, #tpu.memory_space<vmem>>, vector<1x16xf32>,
      %swap3A_529 = vector.shape_cast %swap3A_528 : vector<1x16xf32> to vector<16xf32>
      %swap3A_530 = vector.shape_cast %add3A_525 : vector<16xf32> to vector<1x16xf32>
      tpu.vector_store %arg8[%swap3A_526, %swap3A_527], %swap3A_530 {strides = array<i32>} : memref<32x1024xf32, #tpu.memory_space<vmem>>, vector<1x16xf32>,
      %get3A_531 = arith.index_cast %scan3A_40 : i32 to index
      %get3A_532 = arith.constant 480 : index
      %get3A_533 = tpu.vector_load %arg8[%get3A_531, %get3A_532] {strides = array<i32>} : memref<32x1024xf32, #tpu.memory_space<vmem>>, vector<1x16xf32>,
      %get3A_534 = vector.shape_cast %get3A_533 : vector<1x16xf32> to vector<16xf32>
      %mul3A_535 = arith.mulf %gather3A_49, %get3A_534 : vector<16xf32>
      %get3A_536 = arith.index_cast %scan3A_40 : i32 to index
      %get3A_537 = arith.constant 480 : index
      %get3A_538 = tpu.vector_load %arg9[%get3A_536, %get3A_537] {strides = array<i32>} : memref<32x1024xf32, #tpu.memory_space<vmem>>, vector<1x16xf32>,
      %get3A_539 = vector.shape_cast %get3A_538 : vector<1x16xf32> to vector<16xf32>
      %mul3A_540 = arith.mulf %gather3A_51, %get3A_539 : vector<16xf32>
      %add3A_541 = arith.addf %mul3A_535, %mul3A_540 : vector<16xf32>
      %swap3A_542 = arith.index_cast %scan3A_40 : i32 to index
      %swap3A_543 = arith.constant 480 : index
      %swap3A_544 = tpu.vector_load %arg8[%swap3A_542, %swap3A_543] {strides = array<i32>} : memref<32x1024xf32, #tpu.memory_space<vmem>>, vector<1x16xf32>,
      %swap3A_545 = vector.shape_cast %swap3A_544 : vector<1x16xf32> to vector<16xf32>
      %swap3A_546 = vector.shape_cast %add3A_541 : vector<16xf32> to vector<1x16xf32>
      tpu.vector_store %arg8[%swap3A_542, %swap3A_543], %swap3A_546 {strides = array<i32>} : memref<32x1024xf32, #tpu.memory_space<vmem>>, vector<1x16xf32>,
      %get3A_547 = arith.index_cast %scan3A_40 : i32 to index
      %get3A_548 = arith.constant 496 : index
      %get3A_549 = tpu.vector_load %arg8[%get3A_547, %get3A_548] {strides = array<i32>} : memref<32x1024xf32, #tpu.memory_space<vmem>>, vector<1x16xf32>,
      %get3A_550 = vector.shape_cast %get3A_549 : vector<1x16xf32> to vector<16xf32>
      %mul3A_551 = arith.mulf %gather3A_49, %get3A_550 : vector<16xf32>
      %get3A_552 = arith.index_cast %scan3A_40 : i32 to index
      %get3A_553 = arith.constant 496 : index
      %get3A_554 = tpu.vector_load %arg9[%get3A_552, %get3A_553] {strides = array<i32>} : memref<32x1024xf32, #tpu.memory_space<vmem>>, vector<1x16xf32>,
      %get3A_555 = vector.shape_cast %get3A_554 : vector<1x16xf32> to vector<16xf32>
      %mul3A_556 = arith.mulf %gather3A_51, %get3A_555 : vector<16xf32>
      %add3A_557 = arith.addf %mul3A_551, %mul3A_556 : vector<16xf32>
      %swap3A_558 = arith.index_cast %scan3A_40 : i32 to index
      %swap3A_559 = arith.constant 496 : index
      %swap3A_560 = tpu.vector_load %arg8[%swap3A_558, %swap3A_559] {strides = array<i32>} : memref<32x1024xf32, #tpu.memory_space<vmem>>, vector<1x16xf32>,
      %swap3A_561 = vector.shape_cast %swap3A_560 : vector<1x16xf32> to vector<16xf32>
      %swap3A_562 = vector.shape_cast %add3A_557 : vector<16xf32> to vector<1x16xf32>
      tpu.vector_store %arg8[%swap3A_558, %swap3A_559], %swap3A_562 {strides = array<i32>} : memref<32x1024xf32, #tpu.memory_space<vmem>>, vector<1x16xf32>,
      %get3A_563 = arith.index_cast %scan3A_40 : i32 to index
      %get3A_564 = arith.constant 512 : index
      %get3A_565 = tpu.vector_load %arg8[%get3A_563, %get3A_564] {strides = array<i32>} : memref<32x1024xf32, #tpu.memory_space<vmem>>, vector<1x16xf32>,
      %get3A_566 = vector.shape_cast %get3A_565 : vector<1x16xf32> to vector<16xf32>
      %mul3A_567 = arith.mulf %gather3A_49, %get3A_566 : vector<16xf32>
      %get3A_568 = arith.index_cast %scan3A_40 : i32 to index
      %get3A_569 = arith.constant 512 : index
      %get3A_570 = tpu.vector_load %arg9[%get3A_568, %get3A_569] {strides = array<i32>} : memref<32x1024xf32, #tpu.memory_space<vmem>>, vector<1x16xf32>,
      %get3A_571 = vector.shape_cast %get3A_570 : vector<1x16xf32> to vector<16xf32>
      %mul3A_572 = arith.mulf %gather3A_51, %get3A_571 : vector<16xf32>
      %add3A_573 = arith.addf %mul3A_567, %mul3A_572 : vector<16xf32>
      %swap3A_574 = arith.index_cast %scan3A_40 : i32 to index
      %swap3A_575 = arith.constant 512 : index
      %swap3A_576 = tpu.vector_load %arg8[%swap3A_574, %swap3A_575] {strides = array<i32>} : memref<32x1024xf32, #tpu.memory_space<vmem>>, vector<1x16xf32>,
      %swap3A_577 = vector.shape_cast %swap3A_576 : vector<1x16xf32> to vector<16xf32>
      %swap3A_578 = vector.shape_cast %add3A_573 : vector<16xf32> to vector<1x16xf32>
      tpu.vector_store %arg8[%swap3A_574, %swap3A_575], %swap3A_578 {strides = array<i32>} : memref<32x1024xf32, #tpu.memory_space<vmem>>, vector<1x16xf32>,
      %get3A_579 = arith.index_cast %scan3A_40 : i32 to index
      %get3A_580 = arith.constant 528 : index
      %get3A_581 = tpu.vector_load %arg8[%get3A_579, %get3A_580] {strides = array<i32>} : memref<32x1024xf32, #tpu.memory_space<vmem>>, vector<1x16xf32>,
      %get3A_582 = vector.shape_cast %get3A_581 : vector<1x16xf32> to vector<16xf32>
      %mul3A_583 = arith.mulf %gather3A_49, %get3A_582 : vector<16xf32>
      %get3A_584 = arith.index_cast %scan3A_40 : i32 to index
      %get3A_585 = arith.constant 528 : index
      %get3A_586 = tpu.vector_load %arg9[%get3A_584, %get3A_585] {strides = array<i32>} : memref<32x1024xf32, #tpu.memory_space<vmem>>, vector<1x16xf32>,
      %get3A_587 = vector.shape_cast %get3A_586 : vector<1x16xf32> to vector<16xf32>
      %mul3A_588 = arith.mulf %gather3A_51, %get3A_587 : vector<16xf32>
      %add3A_589 = arith.addf %mul3A_583, %mul3A_588 : vector<16xf32>
      %swap3A_590 = arith.index_cast %scan3A_40 : i32 to index
      %swap3A_591 = arith.constant 528 : index
      %swap3A_592 = tpu.vector_load %arg8[%swap3A_590, %swap3A_591] {strides = array<i32>} : memref<32x1024xf32, #tpu.memory_space<vmem>>, vector<1x16xf32>,
      %swap3A_593 = vector.shape_cast %swap3A_592 : vector<1x16xf32> to vector<16xf32>
      %swap3A_594 = vector.shape_cast %add3A_589 : vector<16xf32> to vector<1x16xf32>
      tpu.vector_store %arg8[%swap3A_590, %swap3A_591], %swap3A_594 {strides = array<i32>} : memref<32x1024xf32, #tpu.memory_space<vmem>>, vector<1x16xf32>,
      %get3A_595 = arith.index_cast %scan3A_40 : i32 to index
      %get3A_596 = arith.constant 544 : index
      %get3A_597 = tpu.vector_load %arg8[%get3A_595, %get3A_596] {strides = array<i32>} : memref<32x1024xf32, #tpu.memory_space<vmem>>, vector<1x16xf32>,
      %get3A_598 = vector.shape_cast %get3A_597 : vector<1x16xf32> to vector<16xf32>
      %mul3A_599 = arith.mulf %gather3A_49, %get3A_598 : vector<16xf32>
      %get3A_600 = arith.index_cast %scan3A_40 : i32 to index
      %get3A_601 = arith.constant 544 : index
      %get3A_602 = tpu.vector_load %arg9[%get3A_600, %get3A_601] {strides = array<i32>} : memref<32x1024xf32, #tpu.memory_space<vmem>>, vector<1x16xf32>,
      %get3A_603 = vector.shape_cast %get3A_602 : vector<1x16xf32> to vector<16xf32>
      %mul3A_604 = arith.mulf %gather3A_51, %get3A_603 : vector<16xf32>
      %add3A_605 = arith.addf %mul3A_599, %mul3A_604 : vector<16xf32>
      %swap3A_606 = arith.index_cast %scan3A_40 : i32 to index
      %swap3A_607 = arith.constant 544 : index
      %swap3A_608 = tpu.vector_load %arg8[%swap3A_606, %swap3A_607] {strides = array<i32>} : memref<32x1024xf32, #tpu.memory_space<vmem>>, vector<1x16xf32>,
      %swap3A_609 = vector.shape_cast %swap3A_608 : vector<1x16xf32> to vector<16xf32>
      %swap3A_610 = vector.shape_cast %add3A_605 : vector<16xf32> to vector<1x16xf32>
      tpu.vector_store %arg8[%swap3A_606, %swap3A_607], %swap3A_610 {strides = array<i32>} : memref<32x1024xf32, #tpu.memory_space<vmem>>, vector<1x16xf32>,
      %get3A_611 = arith.index_cast %scan3A_40 : i32 to index
      %get3A_612 = arith.constant 560 : index
      %get3A_613 = tpu.vector_load %arg8[%get3A_611, %get3A_612] {strides = array<i32>} : memref<32x1024xf32, #tpu.memory_space<vmem>>, vector<1x16xf32>,
      %get3A_614 = vector.shape_cast %get3A_613 : vector<1x16xf32> to vector<16xf32>
      %mul3A_615 = arith.mulf %gather3A_49, %get3A_614 : vector<16xf32>
      %get3A_616 = arith.index_cast %scan3A_40 : i32 to index
      %get3A_617 = arith.constant 560 : index
      %get3A_618 = tpu.vector_load %arg9[%get3A_616, %get3A_617] {strides = array<i32>} : memref<32x1024xf32, #tpu.memory_space<vmem>>, vector<1x16xf32>,
      %get3A_619 = vector.shape_cast %get3A_618 : vector<1x16xf32> to vector<16xf32>
      %mul3A_620 = arith.mulf %gather3A_51, %get3A_619 : vector<16xf32>
      %add3A_621 = arith.addf %mul3A_615, %mul3A_620 : vector<16xf32>
      %swap3A_622 = arith.index_cast %scan3A_40 : i32 to index
      %swap3A_623 = arith.constant 560 : index
      %swap3A_624 = tpu.vector_load %arg8[%swap3A_622, %swap3A_623] {strides = array<i32>} : memref<32x1024xf32, #tpu.memory_space<vmem>>, vector<1x16xf32>,
      %swap3A_625 = vector.shape_cast %swap3A_624 : vector<1x16xf32> to vector<16xf32>
      %swap3A_626 = vector.shape_cast %add3A_621 : vector<16xf32> to vector<1x16xf32>
      tpu.vector_store %arg8[%swap3A_622, %swap3A_623], %swap3A_626 {strides = array<i32>} : memref<32x1024xf32, #tpu.memory_space<vmem>>, vector<1x16xf32>,
      %get3A_627 = arith.index_cast %scan3A_40 : i32 to index
      %get3A_628 = arith.constant 576 : index
      %get3A_629 = tpu.vector_load %arg8[%get3A_627, %get3A_628] {strides = array<i32>} : memref<32x1024xf32, #tpu.memory_space<vmem>>, vector<1x16xf32>,
      %get3A_630 = vector.shape_cast %get3A_629 : vector<1x16xf32> to vector<16xf32>
      %mul3A_631 = arith.mulf %gather3A_49, %get3A_630 : vector<16xf32>
      %get3A_632 = arith.index_cast %scan3A_40 : i32 to index
      %get3A_633 = arith.constant 576 : index
      %get3A_634 = tpu.vector_load %arg9[%get3A_632, %get3A_633] {strides = array<i32>} : memref<32x1024xf32, #tpu.memory_space<vmem>>, vector<1x16xf32>,
      %get3A_635 = vector.shape_cast %get3A_634 : vector<1x16xf32> to vector<16xf32>
      %mul3A_636 = arith.mulf %gather3A_51, %get3A_635 : vector<16xf32>
      %add3A_637 = arith.addf %mul3A_631, %mul3A_636 : vector<16xf32>
      %swap3A_638 = arith.index_cast %scan3A_40 : i32 to index
      %swap3A_639 = arith.constant 576 : index
      %swap3A_640 = tpu.vector_load %arg8[%swap3A_638, %swap3A_639] {strides = array<i32>} : memref<32x1024xf32, #tpu.memory_space<vmem>>, vector<1x16xf32>,
      %swap3A_641 = vector.shape_cast %swap3A_640 : vector<1x16xf32> to vector<16xf32>
      %swap3A_642 = vector.shape_cast %add3A_637 : vector<16xf32> to vector<1x16xf32>
      tpu.vector_store %arg8[%swap3A_638, %swap3A_639], %swap3A_642 {strides = array<i32>} : memref<32x1024xf32, #tpu.memory_space<vmem>>, vector<1x16xf32>,
      %get3A_643 = arith.index_cast %scan3A_40 : i32 to index
      %get3A_644 = arith.constant 592 : index
      %get3A_645 = tpu.vector_load %arg8[%get3A_643, %get3A_644] {strides = array<i32>} : memref<32x1024xf32, #tpu.memory_space<vmem>>, vector<1x16xf32>,
      %get3A_646 = vector.shape_cast %get3A_645 : vector<1x16xf32> to vector<16xf32>
      %mul3A_647 = arith.mulf %gather3A_49, %get3A_646 : vector<16xf32>
      %get3A_648 = arith.index_cast %scan3A_40 : i32 to index
      %get3A_649 = arith.constant 592 : index
      %get3A_650 = tpu.vector_load %arg9[%get3A_648, %get3A_649] {strides = array<i32>} : memref<32x1024xf32, #tpu.memory_space<vmem>>, vector<1x16xf32>,
      %get3A_651 = vector.shape_cast %get3A_650 : vector<1x16xf32> to vector<16xf32>
      %mul3A_652 = arith.mulf %gather3A_51, %get3A_651 : vector<16xf32>
      %add3A_653 = arith.addf %mul3A_647, %mul3A_652 : vector<16xf32>
      %swap3A_654 = arith.index_cast %scan3A_40 : i32 to index
      %swap3A_655 = arith.constant 592 : index
      %swap3A_656 = tpu.vector_load %arg8[%swap3A_654, %swap3A_655] {strides = array<i32>} : memref<32x1024xf32, #tpu.memory_space<vmem>>, vector<1x16xf32>,
      %swap3A_657 = vector.shape_cast %swap3A_656 : vector<1x16xf32> to vector<16xf32>
      %swap3A_658 = vector.shape_cast %add3A_653 : vector<16xf32> to vector<1x16xf32>
      tpu.vector_store %arg8[%swap3A_654, %swap3A_655], %swap3A_658 {strides = array<i32>} : memref<32x1024xf32, #tpu.memory_space<vmem>>, vector<1x16xf32>,
      %get3A_659 = arith.index_cast %scan3A_40 : i32 to index
      %get3A_660 = arith.constant 608 : index
      %get3A_661 = tpu.vector_load %arg8[%get3A_659, %get3A_660] {strides = array<i32>} : memref<32x1024xf32, #tpu.memory_space<vmem>>, vector<1x16xf32>,
      %get3A_662 = vector.shape_cast %get3A_661 : vector<1x16xf32> to vector<16xf32>
      %mul3A_663 = arith.mulf %gather3A_49, %get3A_662 : vector<16xf32>
      %get3A_664 = arith.index_cast %scan3A_40 : i32 to index
      %get3A_665 = arith.constant 608 : index
      %get3A_666 = tpu.vector_load %arg9[%get3A_664, %get3A_665] {strides = array<i32>} : memref<32x1024xf32, #tpu.memory_space<vmem>>, vector<1x16xf32>,
      %get3A_667 = vector.shape_cast %get3A_666 : vector<1x16xf32> to vector<16xf32>
      %mul3A_668 = arith.mulf %gather3A_51, %get3A_667 : vector<16xf32>
      %add3A_669 = arith.addf %mul3A_663, %mul3A_668 : vector<16xf32>
      %swap3A_670 = arith.index_cast %scan3A_40 : i32 to index
      %swap3A_671 = arith.constant 608 : index
      %swap3A_672 = tpu.vector_load %arg8[%swap3A_670, %swap3A_671] {strides = array<i32>} : memref<32x1024xf32, #tpu.memory_space<vmem>>, vector<1x16xf32>,
      %swap3A_673 = vector.shape_cast %swap3A_672 : vector<1x16xf32> to vector<16xf32>
      %swap3A_674 = vector.shape_cast %add3A_669 : vector<16xf32> to vector<1x16xf32>
      tpu.vector_store %arg8[%swap3A_670, %swap3A_671], %swap3A_674 {strides = array<i32>} : memref<32x1024xf32, #tpu.memory_space<vmem>>, vector<1x16xf32>,
      %get3A_675 = arith.index_cast %scan3A_40 : i32 to index
      %get3A_676 = arith.constant 624 : index
      %get3A_677 = tpu.vector_load %arg8[%get3A_675, %get3A_676] {strides = array<i32>} : memref<32x1024xf32, #tpu.memory_space<vmem>>, vector<1x16xf32>,
      %get3A_678 = vector.shape_cast %get3A_677 : vector<1x16xf32> to vector<16xf32>
      %mul3A_679 = arith.mulf %gather3A_49, %get3A_678 : vector<16xf32>
      %get3A_680 = arith.index_cast %scan3A_40 : i32 to index
      %get3A_681 = arith.constant 624 : index
      %get3A_682 = tpu.vector_load %arg9[%get3A_680, %get3A_681] {strides = array<i32>} : memref<32x1024xf32, #tpu.memory_space<vmem>>, vector<1x16xf32>,
      %get3A_683 = vector.shape_cast %get3A_682 : vector<1x16xf32> to vector<16xf32>
      %mul3A_684 = arith.mulf %gather3A_51, %get3A_683 : vector<16xf32>
      %add3A_685 = arith.addf %mul3A_679, %mul3A_684 : vector<16xf32>
      %swap3A_686 = arith.index_cast %scan3A_40 : i32 to index
      %swap3A_687 = arith.constant 624 : index
      %swap3A_688 = tpu.vector_load %arg8[%swap3A_686, %swap3A_687] {strides = array<i32>} : memref<32x1024xf32, #tpu.memory_space<vmem>>, vector<1x16xf32>,
      %swap3A_689 = vector.shape_cast %swap3A_688 : vector<1x16xf32> to vector<16xf32>
      %swap3A_690 = vector.shape_cast %add3A_685 : vector<16xf32> to vector<1x16xf32>
      tpu.vector_store %arg8[%swap3A_686, %swap3A_687], %swap3A_690 {strides = array<i32>} : memref<32x1024xf32, #tpu.memory_space<vmem>>, vector<1x16xf32>,
      %get3A_691 = arith.index_cast %scan3A_40 : i32 to index
      %get3A_692 = arith.constant 640 : index
      %get3A_693 = tpu.vector_load %arg8[%get3A_691, %get3A_692] {strides = array<i32>} : memref<32x1024xf32, #tpu.memory_space<vmem>>, vector<1x16xf32>,
      %get3A_694 = vector.shape_cast %get3A_693 : vector<1x16xf32> to vector<16xf32>
      %mul3A_695 = arith.mulf %gather3A_49, %get3A_694 : vector<16xf32>
      %get3A_696 = arith.index_cast %scan3A_40 : i32 to index
      %get3A_697 = arith.constant 640 : index
      %get3A_698 = tpu.vector_load %arg9[%get3A_696, %get3A_697] {strides = array<i32>} : memref<32x1024xf32, #tpu.memory_space<vmem>>, vector<1x16xf32>,
      %get3A_699 = vector.shape_cast %get3A_698 : vector<1x16xf32> to vector<16xf32>
      %mul3A_700 = arith.mulf %gather3A_51, %get3A_699 : vector<16xf32>
      %add3A_701 = arith.addf %mul3A_695, %mul3A_700 : vector<16xf32>
      %swap3A_702 = arith.index_cast %scan3A_40 : i32 to index
      %swap3A_703 = arith.constant 640 : index
      %swap3A_704 = tpu.vector_load %arg8[%swap3A_702, %swap3A_703] {strides = array<i32>} : memref<32x1024xf32, #tpu.memory_space<vmem>>, vector<1x16xf32>,
      %swap3A_705 = vector.shape_cast %swap3A_704 : vector<1x16xf32> to vector<16xf32>
      %swap3A_706 = vector.shape_cast %add3A_701 : vector<16xf32> to vector<1x16xf32>
      tpu.vector_store %arg8[%swap3A_702, %swap3A_703], %swap3A_706 {strides = array<i32>} : memref<32x1024xf32, #tpu.memory_space<vmem>>, vector<1x16xf32>,
      %get3A_707 = arith.index_cast %scan3A_40 : i32 to index
      %get3A_708 = arith.constant 656 : index
      %get3A_709 = tpu.vector_load %arg8[%get3A_707, %get3A_708] {strides = array<i32>} : memref<32x1024xf32, #tpu.memory_space<vmem>>, vector<1x16xf32>,
      %get3A_710 = vector.shape_cast %get3A_709 : vector<1x16xf32> to vector<16xf32>
      %mul3A_711 = arith.mulf %gather3A_49, %get3A_710 : vector<16xf32>
      %get3A_712 = arith.index_cast %scan3A_40 : i32 to index
      %get3A_713 = arith.constant 656 : index
      %get3A_714 = tpu.vector_load %arg9[%get3A_712, %get3A_713] {strides = array<i32>} : memref<32x1024xf32, #tpu.memory_space<vmem>>, vector<1x16xf32>,
      %get3A_715 = vector.shape_cast %get3A_714 : vector<1x16xf32> to vector<16xf32>
      %mul3A_716 = arith.mulf %gather3A_51, %get3A_715 : vector<16xf32>
      %add3A_717 = arith.addf %mul3A_711, %mul3A_716 : vector<16xf32>
      %swap3A_718 = arith.index_cast %scan3A_40 : i32 to index
      %swap3A_719 = arith.constant 656 : index
      %swap3A_720 = tpu.vector_load %arg8[%swap3A_718, %swap3A_719] {strides = array<i32>} : memref<32x1024xf32, #tpu.memory_space<vmem>>, vector<1x16xf32>,
      %swap3A_721 = vector.shape_cast %swap3A_720 : vector<1x16xf32> to vector<16xf32>
      %swap3A_722 = vector.shape_cast %add3A_717 : vector<16xf32> to vector<1x16xf32>
      tpu.vector_store %arg8[%swap3A_718, %swap3A_719], %swap3A_722 {strides = array<i32>} : memref<32x1024xf32, #tpu.memory_space<vmem>>, vector<1x16xf32>,
      %get3A_723 = arith.index_cast %scan3A_40 : i32 to index
      %get3A_724 = arith.constant 672 : index
      %get3A_725 = tpu.vector_load %arg8[%get3A_723, %get3A_724] {strides = array<i32>} : memref<32x1024xf32, #tpu.memory_space<vmem>>, vector<1x16xf32>,
      %get3A_726 = vector.shape_cast %get3A_725 : vector<1x16xf32> to vector<16xf32>
      %mul3A_727 = arith.mulf %gather3A_49, %get3A_726 : vector<16xf32>
      %get3A_728 = arith.index_cast %scan3A_40 : i32 to index
      %get3A_729 = arith.constant 672 : index
      %get3A_730 = tpu.vector_load %arg9[%get3A_728, %get3A_729] {strides = array<i32>} : memref<32x1024xf32, #tpu.memory_space<vmem>>, vector<1x16xf32>,
      %get3A_731 = vector.shape_cast %get3A_730 : vector<1x16xf32> to vector<16xf32>
      %mul3A_732 = arith.mulf %gather3A_51, %get3A_731 : vector<16xf32>
      %add3A_733 = arith.addf %mul3A_727, %mul3A_732 : vector<16xf32>
      %swap3A_734 = arith.index_cast %scan3A_40 : i32 to index
      %swap3A_735 = arith.constant 672 : index
      %swap3A_736 = tpu.vector_load %arg8[%swap3A_734, %swap3A_735] {strides = array<i32>} : memref<32x1024xf32, #tpu.memory_space<vmem>>, vector<1x16xf32>,
      %swap3A_737 = vector.shape_cast %swap3A_736 : vector<1x16xf32> to vector<16xf32>
      %swap3A_738 = vector.shape_cast %add3A_733 : vector<16xf32> to vector<1x16xf32>
      tpu.vector_store %arg8[%swap3A_734, %swap3A_735], %swap3A_738 {strides = array<i32>} : memref<32x1024xf32, #tpu.memory_space<vmem>>, vector<1x16xf32>,
      %get3A_739 = arith.index_cast %scan3A_40 : i32 to index
      %get3A_740 = arith.constant 688 : index
      %get3A_741 = tpu.vector_load %arg8[%get3A_739, %get3A_740] {strides = array<i32>} : memref<32x1024xf32, #tpu.memory_space<vmem>>, vector<1x16xf32>,
      %get3A_742 = vector.shape_cast %get3A_741 : vector<1x16xf32> to vector<16xf32>
      %mul3A_743 = arith.mulf %gather3A_49, %get3A_742 : vector<16xf32>
      %get3A_744 = arith.index_cast %scan3A_40 : i32 to index
      %get3A_745 = arith.constant 688 : index
      %get3A_746 = tpu.vector_load %arg9[%get3A_744, %get3A_745] {strides = array<i32>} : memref<32x1024xf32, #tpu.memory_space<vmem>>, vector<1x16xf32>,
      %get3A_747 = vector.shape_cast %get3A_746 : vector<1x16xf32> to vector<16xf32>
      %mul3A_748 = arith.mulf %gather3A_51, %get3A_747 : vector<16xf32>
      %add3A_749 = arith.addf %mul3A_743, %mul3A_748 : vector<16xf32>
      %swap3A_750 = arith.index_cast %scan3A_40 : i32 to index
      %swap3A_751 = arith.constant 688 : index
      %swap3A_752 = tpu.vector_load %arg8[%swap3A_750, %swap3A_751] {strides = array<i32>} : memref<32x1024xf32, #tpu.memory_space<vmem>>, vector<1x16xf32>,
      %swap3A_753 = vector.shape_cast %swap3A_752 : vector<1x16xf32> to vector<16xf32>
      %swap3A_754 = vector.shape_cast %add3A_749 : vector<16xf32> to vector<1x16xf32>
      tpu.vector_store %arg8[%swap3A_750, %swap3A_751], %swap3A_754 {strides = array<i32>} : memref<32x1024xf32, #tpu.memory_space<vmem>>, vector<1x16xf32>,
      %get3A_755 = arith.index_cast %scan3A_40 : i32 to index
      %get3A_756 = arith.constant 704 : index
      %get3A_757 = tpu.vector_load %arg8[%get3A_755, %get3A_756] {strides = array<i32>} : memref<32x1024xf32, #tpu.memory_space<vmem>>, vector<1x16xf32>,
      %get3A_758 = vector.shape_cast %get3A_757 : vector<1x16xf32> to vector<16xf32>
      %mul3A_759 = arith.mulf %gather3A_49, %get3A_758 : vector<16xf32>
      %get3A_760 = arith.index_cast %scan3A_40 : i32 to index
      %get3A_761 = arith.constant 704 : index
      %get3A_762 = tpu.vector_load %arg9[%get3A_760, %get3A_761] {strides = array<i32>} : memref<32x1024xf32, #tpu.memory_space<vmem>>, vector<1x16xf32>,
      %get3A_763 = vector.shape_cast %get3A_762 : vector<1x16xf32> to vector<16xf32>
      %mul3A_764 = arith.mulf %gather3A_51, %get3A_763 : vector<16xf32>
      %add3A_765 = arith.addf %mul3A_759, %mul3A_764 : vector<16xf32>
      %swap3A_766 = arith.index_cast %scan3A_40 : i32 to index
      %swap3A_767 = arith.constant 704 : index
      %swap3A_768 = tpu.vector_load %arg8[%swap3A_766, %swap3A_767] {strides = array<i32>} : memref<32x1024xf32, #tpu.memory_space<vmem>>, vector<1x16xf32>,
      %swap3A_769 = vector.shape_cast %swap3A_768 : vector<1x16xf32> to vector<16xf32>
      %swap3A_770 = vector.shape_cast %add3A_765 : vector<16xf32> to vector<1x16xf32>
      tpu.vector_store %arg8[%swap3A_766, %swap3A_767], %swap3A_770 {strides = array<i32>} : memref<32x1024xf32, #tpu.memory_space<vmem>>, vector<1x16xf32>,
      %get3A_771 = arith.index_cast %scan3A_40 : i32 to index
      %get3A_772 = arith.constant 720 : index
      %get3A_773 = tpu.vector_load %arg8[%get3A_771, %get3A_772] {strides = array<i32>} : memref<32x1024xf32, #tpu.memory_space<vmem>>, vector<1x16xf32>,
      %get3A_774 = vector.shape_cast %get3A_773 : vector<1x16xf32> to vector<16xf32>
      %mul3A_775 = arith.mulf %gather3A_49, %get3A_774 : vector<16xf32>
      %get3A_776 = arith.index_cast %scan3A_40 : i32 to index
      %get3A_777 = arith.constant 720 : index
      %get3A_778 = tpu.vector_load %arg9[%get3A_776, %get3A_777] {strides = array<i32>} : memref<32x1024xf32, #tpu.memory_space<vmem>>, vector<1x16xf32>,
      %get3A_779 = vector.shape_cast %get3A_778 : vector<1x16xf32> to vector<16xf32>
      %mul3A_780 = arith.mulf %gather3A_51, %get3A_779 : vector<16xf32>
      %add3A_781 = arith.addf %mul3A_775, %mul3A_780 : vector<16xf32>
      %swap3A_782 = arith.index_cast %scan3A_40 : i32 to index
      %swap3A_783 = arith.constant 720 : index
      %swap3A_784 = tpu.vector_load %arg8[%swap3A_782, %swap3A_783] {strides = array<i32>} : memref<32x1024xf32, #tpu.memory_space<vmem>>, vector<1x16xf32>,
      %swap3A_785 = vector.shape_cast %swap3A_784 : vector<1x16xf32> to vector<16xf32>
      %swap3A_786 = vector.shape_cast %add3A_781 : vector<16xf32> to vector<1x16xf32>
      tpu.vector_store %arg8[%swap3A_782, %swap3A_783], %swap3A_786 {strides = array<i32>} : memref<32x1024xf32, #tpu.memory_space<vmem>>, vector<1x16xf32>,
      %get3A_787 = arith.index_cast %scan3A_40 : i32 to index
      %get3A_788 = arith.constant 736 : index
      %get3A_789 = tpu.vector_load %arg8[%get3A_787, %get3A_788] {strides = array<i32>} : memref<32x1024xf32, #tpu.memory_space<vmem>>, vector<1x16xf32>,
      %get3A_790 = vector.shape_cast %get3A_789 : vector<1x16xf32> to vector<16xf32>
      %mul3A_791 = arith.mulf %gather3A_49, %get3A_790 : vector<16xf32>
      %get3A_792 = arith.index_cast %scan3A_40 : i32 to index
      %get3A_793 = arith.constant 736 : index
      %get3A_794 = tpu.vector_load %arg9[%get3A_792, %get3A_793] {strides = array<i32>} : memref<32x1024xf32, #tpu.memory_space<vmem>>, vector<1x16xf32>,
      %get3A_795 = vector.shape_cast %get3A_794 : vector<1x16xf32> to vector<16xf32>
      %mul3A_796 = arith.mulf %gather3A_51, %get3A_795 : vector<16xf32>
      %add3A_797 = arith.addf %mul3A_791, %mul3A_796 : vector<16xf32>
      %swap3A_798 = arith.index_cast %scan3A_40 : i32 to index
      %swap3A_799 = arith.constant 736 : index
      %swap3A_800 = tpu.vector_load %arg8[%swap3A_798, %swap3A_799] {strides = array<i32>} : memref<32x1024xf32, #tpu.memory_space<vmem>>, vector<1x16xf32>,
      %swap3A_801 = vector.shape_cast %swap3A_800 : vector<1x16xf32> to vector<16xf32>
      %swap3A_802 = vector.shape_cast %add3A_797 : vector<16xf32> to vector<1x16xf32>
      tpu.vector_store %arg8[%swap3A_798, %swap3A_799], %swap3A_802 {strides = array<i32>} : memref<32x1024xf32, #tpu.memory_space<vmem>>, vector<1x16xf32>,
      %get3A_803 = arith.index_cast %scan3A_40 : i32 to index
      %get3A_804 = arith.constant 752 : index
      %get3A_805 = tpu.vector_load %arg8[%get3A_803, %get3A_804] {strides = array<i32>} : memref<32x1024xf32, #tpu.memory_space<vmem>>, vector<1x16xf32>,
      %get3A_806 = vector.shape_cast %get3A_805 : vector<1x16xf32> to vector<16xf32>
      %mul3A_807 = arith.mulf %gather3A_49, %get3A_806 : vector<16xf32>
      %get3A_808 = arith.index_cast %scan3A_40 : i32 to index
      %get3A_809 = arith.constant 752 : index
      %get3A_810 = tpu.vector_load %arg9[%get3A_808, %get3A_809] {strides = array<i32>} : memref<32x1024xf32, #tpu.memory_space<vmem>>, vector<1x16xf32>,
      %get3A_811 = vector.shape_cast %get3A_810 : vector<1x16xf32> to vector<16xf32>
      %mul3A_812 = arith.mulf %gather3A_51, %get3A_811 : vector<16xf32>
      %add3A_813 = arith.addf %mul3A_807, %mul3A_812 : vector<16xf32>
      %swap3A_814 = arith.index_cast %scan3A_40 : i32 to index
      %swap3A_815 = arith.constant 752 : index
      %swap3A_816 = tpu.vector_load %arg8[%swap3A_814, %swap3A_815] {strides = array<i32>} : memref<32x1024xf32, #tpu.memory_space<vmem>>, vector<1x16xf32>,
      %swap3A_817 = vector.shape_cast %swap3A_816 : vector<1x16xf32> to vector<16xf32>
      %swap3A_818 = vector.shape_cast %add3A_813 : vector<16xf32> to vector<1x16xf32>
      tpu.vector_store %arg8[%swap3A_814, %swap3A_815], %swap3A_818 {strides = array<i32>} : memref<32x1024xf32, #tpu.memory_space<vmem>>, vector<1x16xf32>,
      %get3A_819 = arith.index_cast %scan3A_40 : i32 to index
      %get3A_820 = arith.constant 768 : index
      %get3A_821 = tpu.vector_load %arg8[%get3A_819, %get3A_820] {strides = array<i32>} : memref<32x1024xf32, #tpu.memory_space<vmem>>, vector<1x16xf32>,
      %get3A_822 = vector.shape_cast %get3A_821 : vector<1x16xf32> to vector<16xf32>
      %mul3A_823 = arith.mulf %gather3A_49, %get3A_822 : vector<16xf32>
      %get3A_824 = arith.index_cast %scan3A_40 : i32 to index
      %get3A_825 = arith.constant 768 : index
      %get3A_826 = tpu.vector_load %arg9[%get3A_824, %get3A_825] {strides = array<i32>} : memref<32x1024xf32, #tpu.memory_space<vmem>>, vector<1x16xf32>,
      %get3A_827 = vector.shape_cast %get3A_826 : vector<1x16xf32> to vector<16xf32>
      %mul3A_828 = arith.mulf %gather3A_51, %get3A_827 : vector<16xf32>
      %add3A_829 = arith.addf %mul3A_823, %mul3A_828 : vector<16xf32>
      %swap3A_830 = arith.index_cast %scan3A_40 : i32 to index
      %swap3A_831 = arith.constant 768 : index
      %swap3A_832 = tpu.vector_load %arg8[%swap3A_830, %swap3A_831] {strides = array<i32>} : memref<32x1024xf32, #tpu.memory_space<vmem>>, vector<1x16xf32>,
      %swap3A_833 = vector.shape_cast %swap3A_832 : vector<1x16xf32> to vector<16xf32>
      %swap3A_834 = vector.shape_cast %add3A_829 : vector<16xf32> to vector<1x16xf32>
      tpu.vector_store %arg8[%swap3A_830, %swap3A_831], %swap3A_834 {strides = array<i32>} : memref<32x1024xf32, #tpu.memory_space<vmem>>, vector<1x16xf32>,
      %get3A_835 = arith.index_cast %scan3A_40 : i32 to index
      %get3A_836 = arith.constant 784 : index
      %get3A_837 = tpu.vector_load %arg8[%get3A_835, %get3A_836] {strides = array<i32>} : memref<32x1024xf32, #tpu.memory_space<vmem>>, vector<1x16xf32>,
      %get3A_838 = vector.shape_cast %get3A_837 : vector<1x16xf32> to vector<16xf32>
      %mul3A_839 = arith.mulf %gather3A_49, %get3A_838 : vector<16xf32>
      %get3A_840 = arith.index_cast %scan3A_40 : i32 to index
      %get3A_841 = arith.constant 784 : index
      %get3A_842 = tpu.vector_load %arg9[%get3A_840, %get3A_841] {strides = array<i32>} : memref<32x1024xf32, #tpu.memory_space<vmem>>, vector<1x16xf32>,
      %get3A_843 = vector.shape_cast %get3A_842 : vector<1x16xf32> to vector<16xf32>
      %mul3A_844 = arith.mulf %gather3A_51, %get3A_843 : vector<16xf32>
      %add3A_845 = arith.addf %mul3A_839, %mul3A_844 : vector<16xf32>
      %swap3A_846 = arith.index_cast %scan3A_40 : i32 to index
      %swap3A_847 = arith.constant 784 : index
      %swap3A_848 = tpu.vector_load %arg8[%swap3A_846, %swap3A_847] {strides = array<i32>} : memref<32x1024xf32, #tpu.memory_space<vmem>>, vector<1x16xf32>,
      %swap3A_849 = vector.shape_cast %swap3A_848 : vector<1x16xf32> to vector<16xf32>
      %swap3A_850 = vector.shape_cast %add3A_845 : vector<16xf32> to vector<1x16xf32>
      tpu.vector_store %arg8[%swap3A_846, %swap3A_847], %swap3A_850 {strides = array<i32>} : memref<32x1024xf32, #tpu.memory_space<vmem>>, vector<1x16xf32>,
      %get3A_851 = arith.index_cast %scan3A_40 : i32 to index
      %get3A_852 = arith.constant 800 : index
      %get3A_853 = tpu.vector_load %arg8[%get3A_851, %get3A_852] {strides = array<i32>} : memref<32x1024xf32, #tpu.memory_space<vmem>>, vector<1x16xf32>,
      %get3A_854 = vector.shape_cast %get3A_853 : vector<1x16xf32> to vector<16xf32>
      %mul3A_855 = arith.mulf %gather3A_49, %get3A_854 : vector<16xf32>
      %get3A_856 = arith.index_cast %scan3A_40 : i32 to index
      %get3A_857 = arith.constant 800 : index
      %get3A_858 = tpu.vector_load %arg9[%get3A_856, %get3A_857] {strides = array<i32>} : memref<32x1024xf32, #tpu.memory_space<vmem>>, vector<1x16xf32>,
      %get3A_859 = vector.shape_cast %get3A_858 : vector<1x16xf32> to vector<16xf32>
      %mul3A_860 = arith.mulf %gather3A_51, %get3A_859 : vector<16xf32>
      %add3A_861 = arith.addf %mul3A_855, %mul3A_860 : vector<16xf32>
      %swap3A_862 = arith.index_cast %scan3A_40 : i32 to index
      %swap3A_863 = arith.constant 800 : index
      %swap3A_864 = tpu.vector_load %arg8[%swap3A_862, %swap3A_863] {strides = array<i32>} : memref<32x1024xf32, #tpu.memory_space<vmem>>, vector<1x16xf32>,
      %swap3A_865 = vector.shape_cast %swap3A_864 : vector<1x16xf32> to vector<16xf32>
      %swap3A_866 = vector.shape_cast %add3A_861 : vector<16xf32> to vector<1x16xf32>
      tpu.vector_store %arg8[%swap3A_862, %swap3A_863], %swap3A_866 {strides = array<i32>} : memref<32x1024xf32, #tpu.memory_space<vmem>>, vector<1x16xf32>,
      %get3A_867 = arith.index_cast %scan3A_40 : i32 to index
      %get3A_868 = arith.constant 816 : index
      %get3A_869 = tpu.vector_load %arg8[%get3A_867, %get3A_868] {strides = array<i32>} : memref<32x1024xf32, #tpu.memory_space<vmem>>, vector<1x16xf32>,
      %get3A_870 = vector.shape_cast %get3A_869 : vector<1x16xf32> to vector<16xf32>
      %mul3A_871 = arith.mulf %gather3A_49, %get3A_870 : vector<16xf32>
      %get3A_872 = arith.index_cast %scan3A_40 : i32 to index
      %get3A_873 = arith.constant 816 : index
      %get3A_874 = tpu.vector_load %arg9[%get3A_872, %get3A_873] {strides = array<i32>} : memref<32x1024xf32, #tpu.memory_space<vmem>>, vector<1x16xf32>,
      %get3A_875 = vector.shape_cast %get3A_874 : vector<1x16xf32> to vector<16xf32>
      %mul3A_876 = arith.mulf %gather3A_51, %get3A_875 : vector<16xf32>
      %add3A_877 = arith.addf %mul3A_871, %mul3A_876 : vector<16xf32>
      %swap3A_878 = arith.index_cast %scan3A_40 : i32 to index
      %swap3A_879 = arith.constant 816 : index
      %swap3A_880 = tpu.vector_load %arg8[%swap3A_878, %swap3A_879] {strides = array<i32>} : memref<32x1024xf32, #tpu.memory_space<vmem>>, vector<1x16xf32>,
      %swap3A_881 = vector.shape_cast %swap3A_880 : vector<1x16xf32> to vector<16xf32>
      %swap3A_882 = vector.shape_cast %add3A_877 : vector<16xf32> to vector<1x16xf32>
      tpu.vector_store %arg8[%swap3A_878, %swap3A_879], %swap3A_882 {strides = array<i32>} : memref<32x1024xf32, #tpu.memory_space<vmem>>, vector<1x16xf32>,
      %get3A_883 = arith.index_cast %scan3A_40 : i32 to index
      %get3A_884 = arith.constant 832 : index
      %get3A_885 = tpu.vector_load %arg8[%get3A_883, %get3A_884] {strides = array<i32>} : memref<32x1024xf32, #tpu.memory_space<vmem>>, vector<1x16xf32>,
      %get3A_886 = vector.shape_cast %get3A_885 : vector<1x16xf32> to vector<16xf32>
      %mul3A_887 = arith.mulf %gather3A_49, %get3A_886 : vector<16xf32>
      %get3A_888 = arith.index_cast %scan3A_40 : i32 to index
      %get3A_889 = arith.constant 832 : index
      %get3A_890 = tpu.vector_load %arg9[%get3A_888, %get3A_889] {strides = array<i32>} : memref<32x1024xf32, #tpu.memory_space<vmem>>, vector<1x16xf32>,
      %get3A_891 = vector.shape_cast %get3A_890 : vector<1x16xf32> to vector<16xf32>
      %mul3A_892 = arith.mulf %gather3A_51, %get3A_891 : vector<16xf32>
      %add3A_893 = arith.addf %mul3A_887, %mul3A_892 : vector<16xf32>
      %swap3A_894 = arith.index_cast %scan3A_40 : i32 to index
      %swap3A_895 = arith.constant 832 : index
      %swap3A_896 = tpu.vector_load %arg8[%swap3A_894, %swap3A_895] {strides = array<i32>} : memref<32x1024xf32, #tpu.memory_space<vmem>>, vector<1x16xf32>,
      %swap3A_897 = vector.shape_cast %swap3A_896 : vector<1x16xf32> to vector<16xf32>
      %swap3A_898 = vector.shape_cast %add3A_893 : vector<16xf32> to vector<1x16xf32>
      tpu.vector_store %arg8[%swap3A_894, %swap3A_895], %swap3A_898 {strides = array<i32>} : memref<32x1024xf32, #tpu.memory_space<vmem>>, vector<1x16xf32>,
      %get3A_899 = arith.index_cast %scan3A_40 : i32 to index
      %get3A_900 = arith.constant 848 : index
      %get3A_901 = tpu.vector_load %arg8[%get3A_899, %get3A_900] {strides = array<i32>} : memref<32x1024xf32, #tpu.memory_space<vmem>>, vector<1x16xf32>,
      %get3A_902 = vector.shape_cast %get3A_901 : vector<1x16xf32> to vector<16xf32>
      %mul3A_903 = arith.mulf %gather3A_49, %get3A_902 : vector<16xf32>
      %get3A_904 = arith.index_cast %scan3A_40 : i32 to index
      %get3A_905 = arith.constant 848 : index
      %get3A_906 = tpu.vector_load %arg9[%get3A_904, %get3A_905] {strides = array<i32>} : memref<32x1024xf32, #tpu.memory_space<vmem>>, vector<1x16xf32>,
      %get3A_907 = vector.shape_cast %get3A_906 : vector<1x16xf32> to vector<16xf32>
      %mul3A_908 = arith.mulf %gather3A_51, %get3A_907 : vector<16xf32>
      %add3A_909 = arith.addf %mul3A_903, %mul3A_908 : vector<16xf32>
      %swap3A_910 = arith.index_cast %scan3A_40 : i32 to index
      %swap3A_911 = arith.constant 848 : index
      %swap3A_912 = tpu.vector_load %arg8[%swap3A_910, %swap3A_911] {strides = array<i32>} : memref<32x1024xf32, #tpu.memory_space<vmem>>, vector<1x16xf32>,
      %swap3A_913 = vector.shape_cast %swap3A_912 : vector<1x16xf32> to vector<16xf32>
      %swap3A_914 = vector.shape_cast %add3A_909 : vector<16xf32> to vector<1x16xf32>
      tpu.vector_store %arg8[%swap3A_910, %swap3A_911], %swap3A_914 {strides = array<i32>} : memref<32x1024xf32, #tpu.memory_space<vmem>>, vector<1x16xf32>,
      %get3A_915 = arith.index_cast %scan3A_40 : i32 to index
      %get3A_916 = arith.constant 864 : index
      %get3A_917 = tpu.vector_load %arg8[%get3A_915, %get3A_916] {strides = array<i32>} : memref<32x1024xf32, #tpu.memory_space<vmem>>, vector<1x16xf32>,
      %get3A_918 = vector.shape_cast %get3A_917 : vector<1x16xf32> to vector<16xf32>
      %mul3A_919 = arith.mulf %gather3A_49, %get3A_918 : vector<16xf32>
      %get3A_920 = arith.index_cast %scan3A_40 : i32 to index
      %get3A_921 = arith.constant 864 : index
      %get3A_922 = tpu.vector_load %arg9[%get3A_920, %get3A_921] {strides = array<i32>} : memref<32x1024xf32, #tpu.memory_space<vmem>>, vector<1x16xf32>,
      %get3A_923 = vector.shape_cast %get3A_922 : vector<1x16xf32> to vector<16xf32>
      %mul3A_924 = arith.mulf %gather3A_51, %get3A_923 : vector<16xf32>
      %add3A_925 = arith.addf %mul3A_919, %mul3A_924 : vector<16xf32>
      %swap3A_926 = arith.index_cast %scan3A_40 : i32 to index
      %swap3A_927 = arith.constant 864 : index
      %swap3A_928 = tpu.vector_load %arg8[%swap3A_926, %swap3A_927] {strides = array<i32>} : memref<32x1024xf32, #tpu.memory_space<vmem>>, vector<1x16xf32>,
      %swap3A_929 = vector.shape_cast %swap3A_928 : vector<1x16xf32> to vector<16xf32>
      %swap3A_930 = vector.shape_cast %add3A_925 : vector<16xf32> to vector<1x16xf32>
      tpu.vector_store %arg8[%swap3A_926, %swap3A_927], %swap3A_930 {strides = array<i32>} : memref<32x1024xf32, #tpu.memory_space<vmem>>, vector<1x16xf32>,
      %get3A_931 = arith.index_cast %scan3A_40 : i32 to index
      %get3A_932 = arith.constant 880 : index
      %get3A_933 = tpu.vector_load %arg8[%get3A_931, %get3A_932] {strides = array<i32>} : memref<32x1024xf32, #tpu.memory_space<vmem>>, vector<1x16xf32>,
      %get3A_934 = vector.shape_cast %get3A_933 : vector<1x16xf32> to vector<16xf32>
      %mul3A_935 = arith.mulf %gather3A_49, %get3A_934 : vector<16xf32>
      %get3A_936 = arith.index_cast %scan3A_40 : i32 to index
      %get3A_937 = arith.constant 880 : index
      %get3A_938 = tpu.vector_load %arg9[%get3A_936, %get3A_937] {strides = array<i32>} : memref<32x1024xf32, #tpu.memory_space<vmem>>, vector<1x16xf32>,
      %get3A_939 = vector.shape_cast %get3A_938 : vector<1x16xf32> to vector<16xf32>
      %mul3A_940 = arith.mulf %gather3A_51, %get3A_939 : vector<16xf32>
      %add3A_941 = arith.addf %mul3A_935, %mul3A_940 : vector<16xf32>
      %swap3A_942 = arith.index_cast %scan3A_40 : i32 to index
      %swap3A_943 = arith.constant 880 : index
      %swap3A_944 = tpu.vector_load %arg8[%swap3A_942, %swap3A_943] {strides = array<i32>} : memref<32x1024xf32, #tpu.memory_space<vmem>>, vector<1x16xf32>,
      %swap3A_945 = vector.shape_cast %swap3A_944 : vector<1x16xf32> to vector<16xf32>
      %swap3A_946 = vector.shape_cast %add3A_941 : vector<16xf32> to vector<1x16xf32>
      tpu.vector_store %arg8[%swap3A_942, %swap3A_943], %swap3A_946 {strides = array<i32>} : memref<32x1024xf32, #tpu.memory_space<vmem>>, vector<1x16xf32>,
      %get3A_947 = arith.index_cast %scan3A_40 : i32 to index
      %get3A_948 = arith.constant 896 : index
      %get3A_949 = tpu.vector_load %arg8[%get3A_947, %get3A_948] {strides = array<i32>} : memref<32x1024xf32, #tpu.memory_space<vmem>>, vector<1x16xf32>,
      %get3A_950 = vector.shape_cast %get3A_949 : vector<1x16xf32> to vector<16xf32>
      %mul3A_951 = arith.mulf %gather3A_49, %get3A_950 : vector<16xf32>
      %get3A_952 = arith.index_cast %scan3A_40 : i32 to index
      %get3A_953 = arith.constant 896 : index
      %get3A_954 = tpu.vector_load %arg9[%get3A_952, %get3A_953] {strides = array<i32>} : memref<32x1024xf32, #tpu.memory_space<vmem>>, vector<1x16xf32>,
      %get3A_955 = vector.shape_cast %get3A_954 : vector<1x16xf32> to vector<16xf32>
      %mul3A_956 = arith.mulf %gather3A_51, %get3A_955 : vector<16xf32>
      %add3A_957 = arith.addf %mul3A_951, %mul3A_956 : vector<16xf32>
      %swap3A_958 = arith.index_cast %scan3A_40 : i32 to index
      %swap3A_959 = arith.constant 896 : index
      %swap3A_960 = tpu.vector_load %arg8[%swap3A_958, %swap3A_959] {strides = array<i32>} : memref<32x1024xf32, #tpu.memory_space<vmem>>, vector<1x16xf32>,
      %swap3A_961 = vector.shape_cast %swap3A_960 : vector<1x16xf32> to vector<16xf32>
      %swap3A_962 = vector.shape_cast %add3A_957 : vector<16xf32> to vector<1x16xf32>
      tpu.vector_store %arg8[%swap3A_958, %swap3A_959], %swap3A_962 {strides = array<i32>} : memref<32x1024xf32, #tpu.memory_space<vmem>>, vector<1x16xf32>,
      %get3A_963 = arith.index_cast %scan3A_40 : i32 to index
      %get3A_964 = arith.constant 912 : index
      %get3A_965 = tpu.vector_load %arg8[%get3A_963, %get3A_964] {strides = array<i32>} : memref<32x1024xf32, #tpu.memory_space<vmem>>, vector<1x16xf32>,
      %get3A_966 = vector.shape_cast %get3A_965 : vector<1x16xf32> to vector<16xf32>
      %mul3A_967 = arith.mulf %gather3A_49, %get3A_966 : vector<16xf32>
      %get3A_968 = arith.index_cast %scan3A_40 : i32 to index
      %get3A_969 = arith.constant 912 : index
      %get3A_970 = tpu.vector_load %arg9[%get3A_968, %get3A_969] {strides = array<i32>} : memref<32x1024xf32, #tpu.memory_space<vmem>>, vector<1x16xf32>,
      %get3A_971 = vector.shape_cast %get3A_970 : vector<1x16xf32> to vector<16xf32>
      %mul3A_972 = arith.mulf %gather3A_51, %get3A_971 : vector<16xf32>
      %add3A_973 = arith.addf %mul3A_967, %mul3A_972 : vector<16xf32>
      %swap3A_974 = arith.index_cast %scan3A_40 : i32 to index
      %swap3A_975 = arith.constant 912 : index
      %swap3A_976 = tpu.vector_load %arg8[%swap3A_974, %swap3A_975] {strides = array<i32>} : memref<32x1024xf32, #tpu.memory_space<vmem>>, vector<1x16xf32>,
      %swap3A_977 = vector.shape_cast %swap3A_976 : vector<1x16xf32> to vector<16xf32>
      %swap3A_978 = vector.shape_cast %add3A_973 : vector<16xf32> to vector<1x16xf32>
      tpu.vector_store %arg8[%swap3A_974, %swap3A_975], %swap3A_978 {strides = array<i32>} : memref<32x1024xf32, #tpu.memory_space<vmem>>, vector<1x16xf32>,
      %get3A_979 = arith.index_cast %scan3A_40 : i32 to index
      %get3A_980 = arith.constant 928 : index
      %get3A_981 = tpu.vector_load %arg8[%get3A_979, %get3A_980] {strides = array<i32>} : memref<32x1024xf32, #tpu.memory_space<vmem>>, vector<1x16xf32>,
      %get3A_982 = vector.shape_cast %get3A_981 : vector<1x16xf32> to vector<16xf32>
      %mul3A_983 = arith.mulf %gather3A_49, %get3A_982 : vector<16xf32>
      %get3A_984 = arith.index_cast %scan3A_40 : i32 to index
      %get3A_985 = arith.constant 928 : index
      %get3A_986 = tpu.vector_load %arg9[%get3A_984, %get3A_985] {strides = array<i32>} : memref<32x1024xf32, #tpu.memory_space<vmem>>, vector<1x16xf32>,
      %get3A_987 = vector.shape_cast %get3A_986 : vector<1x16xf32> to vector<16xf32>
      %mul3A_988 = arith.mulf %gather3A_51, %get3A_987 : vector<16xf32>
      %add3A_989 = arith.addf %mul3A_983, %mul3A_988 : vector<16xf32>
      %swap3A_990 = arith.index_cast %scan3A_40 : i32 to index
      %swap3A_991 = arith.constant 928 : index
      %swap3A_992 = tpu.vector_load %arg8[%swap3A_990, %swap3A_991] {strides = array<i32>} : memref<32x1024xf32, #tpu.memory_space<vmem>>, vector<1x16xf32>,
      %swap3A_993 = vector.shape_cast %swap3A_992 : vector<1x16xf32> to vector<16xf32>
      %swap3A_994 = vector.shape_cast %add3A_989 : vector<16xf32> to vector<1x16xf32>
      tpu.vector_store %arg8[%swap3A_990, %swap3A_991], %swap3A_994 {strides = array<i32>} : memref<32x1024xf32, #tpu.memory_space<vmem>>, vector<1x16xf32>,
      %get3A_995 = arith.index_cast %scan3A_40 : i32 to index
      %get3A_996 = arith.constant 944 : index
      %get3A_997 = tpu.vector_load %arg8[%get3A_995, %get3A_996] {strides = array<i32>} : memref<32x1024xf32, #tpu.memory_space<vmem>>, vector<1x16xf32>,
      %get3A_998 = vector.shape_cast %get3A_997 : vector<1x16xf32> to vector<16xf32>
      %mul3A_999 = arith.mulf %gather3A_49, %get3A_998 : vector<16xf32>
      %get3A_1000 = arith.index_cast %scan3A_40 : i32 to index
      %get3A_1001 = arith.constant 944 : index
      %get3A_1002 = tpu.vector_load %arg9[%get3A_1000, %get3A_1001] {strides = array<i32>} : memref<32x1024xf32, #tpu.memory_space<vmem>>, vector<1x16xf32>,
      %get3A_1003 = vector.shape_cast %get3A_1002 : vector<1x16xf32> to vector<16xf32>
      %mul3A_1004 = arith.mulf %gather3A_51, %get3A_1003 : vector<16xf32>
      %add3A_1005 = arith.addf %mul3A_999, %mul3A_1004 : vector<16xf32>
      %swap3A_1006 = arith.index_cast %scan3A_40 : i32 to index
      %swap3A_1007 = arith.constant 944 : index
      %swap3A_1008 = tpu.vector_load %arg8[%swap3A_1006, %swap3A_1007] {strides = array<i32>} : memref<32x1024xf32, #tpu.memory_space<vmem>>, vector<1x16xf32>,
      %swap3A_1009 = vector.shape_cast %swap3A_1008 : vector<1x16xf32> to vector<16xf32>
      %swap3A_1010 = vector.shape_cast %add3A_1005 : vector<16xf32> to vector<1x16xf32>
      tpu.vector_store %arg8[%swap3A_1006, %swap3A_1007], %swap3A_1010 {strides = array<i32>} : memref<32x1024xf32, #tpu.memory_space<vmem>>, vector<1x16xf32>,
      %get3A_1011 = arith.index_cast %scan3A_40 : i32 to index
      %get3A_1012 = arith.constant 960 : index
      %get3A_1013 = tpu.vector_load %arg8[%get3A_1011, %get3A_1012] {strides = array<i32>} : memref<32x1024xf32, #tpu.memory_space<vmem>>, vector<1x16xf32>,
      %get3A_1014 = vector.shape_cast %get3A_1013 : vector<1x16xf32> to vector<16xf32>
      %mul3A_1015 = arith.mulf %gather3A_49, %get3A_1014 : vector<16xf32>
      %get3A_1016 = arith.index_cast %scan3A_40 : i32 to index
      %get3A_1017 = arith.constant 960 : index
      %get3A_1018 = tpu.vector_load %arg9[%get3A_1016, %get3A_1017] {strides = array<i32>} : memref<32x1024xf32, #tpu.memory_space<vmem>>, vector<1x16xf32>,
      %get3A_1019 = vector.shape_cast %get3A_1018 : vector<1x16xf32> to vector<16xf32>
      %mul3A_1020 = arith.mulf %gather3A_51, %get3A_1019 : vector<16xf32>
      %add3A_1021 = arith.addf %mul3A_1015, %mul3A_1020 : vector<16xf32>
      %swap3A_1022 = arith.index_cast %scan3A_40 : i32 to index
      %swap3A_1023 = arith.constant 960 : index
      %swap3A_1024 = tpu.vector_load %arg8[%swap3A_1022, %swap3A_1023] {strides = array<i32>} : memref<32x1024xf32, #tpu.memory_space<vmem>>, vector<1x16xf32>,
      %swap3A_1025 = vector.shape_cast %swap3A_1024 : vector<1x16xf32> to vector<16xf32>
      %swap3A_1026 = vector.shape_cast %add3A_1021 : vector<16xf32> to vector<1x16xf32>
      tpu.vector_store %arg8[%swap3A_1022, %swap3A_1023], %swap3A_1026 {strides = array<i32>} : memref<32x1024xf32, #tpu.memory_space<vmem>>, vector<1x16xf32>,
      %get3A_1027 = arith.index_cast %scan3A_40 : i32 to index
      %get3A_1028 = arith.constant 976 : index
      %get3A_1029 = tpu.vector_load %arg8[%get3A_1027, %get3A_1028] {strides = array<i32>} : memref<32x1024xf32, #tpu.memory_space<vmem>>, vector<1x16xf32>,
      %get3A_1030 = vector.shape_cast %get3A_1029 : vector<1x16xf32> to vector<16xf32>
      %mul3A_1031 = arith.mulf %gather3A_49, %get3A_1030 : vector<16xf32>
      %get3A_1032 = arith.index_cast %scan3A_40 : i32 to index
      %get3A_1033 = arith.constant 976 : index
      %get3A_1034 = tpu.vector_load %arg9[%get3A_1032, %get3A_1033] {strides = array<i32>} : memref<32x1024xf32, #tpu.memory_space<vmem>>, vector<1x16xf32>,
      %get3A_1035 = vector.shape_cast %get3A_1034 : vector<1x16xf32> to vector<16xf32>
      %mul3A_1036 = arith.mulf %gather3A_51, %get3A_1035 : vector<16xf32>
      %add3A_1037 = arith.addf %mul3A_1031, %mul3A_1036 : vector<16xf32>
      %swap3A_1038 = arith.index_cast %scan3A_40 : i32 to index
      %swap3A_1039 = arith.constant 976 : index
      %swap3A_1040 = tpu.vector_load %arg8[%swap3A_1038, %swap3A_1039] {strides = array<i32>} : memref<32x1024xf32, #tpu.memory_space<vmem>>, vector<1x16xf32>,
      %swap3A_1041 = vector.shape_cast %swap3A_1040 : vector<1x16xf32> to vector<16xf32>
      %swap3A_1042 = vector.shape_cast %add3A_1037 : vector<16xf32> to vector<1x16xf32>
      tpu.vector_store %arg8[%swap3A_1038, %swap3A_1039], %swap3A_1042 {strides = array<i32>} : memref<32x1024xf32, #tpu.memory_space<vmem>>, vector<1x16xf32>,
      %get3A_1043 = arith.index_cast %scan3A_40 : i32 to index
      %get3A_1044 = arith.constant 992 : index
      %get3A_1045 = tpu.vector_load %arg8[%get3A_1043, %get3A_1044] {strides = array<i32>} : memref<32x1024xf32, #tpu.memory_space<vmem>>, vector<1x16xf32>,
      %get3A_1046 = vector.shape_cast %get3A_1045 : vector<1x16xf32> to vector<16xf32>
      %mul3A_1047 = arith.mulf %gather3A_49, %get3A_1046 : vector<16xf32>
      %get3A_1048 = arith.index_cast %scan3A_40 : i32 to index
      %get3A_1049 = arith.constant 992 : index
      %get3A_1050 = tpu.vector_load %arg9[%get3A_1048, %get3A_1049] {strides = array<i32>} : memref<32x1024xf32, #tpu.memory_space<vmem>>, vector<1x16xf32>,
      %get3A_1051 = vector.shape_cast %get3A_1050 : vector<1x16xf32> to vector<16xf32>
      %mul3A_1052 = arith.mulf %gather3A_51, %get3A_1051 : vector<16xf32>
      %add3A_1053 = arith.addf %mul3A_1047, %mul3A_1052 : vector<16xf32>
      %swap3A_1054 = arith.index_cast %scan3A_40 : i32 to index
      %swap3A_1055 = arith.constant 992 : index
      %swap3A_1056 = tpu.vector_load %arg8[%swap3A_1054, %swap3A_1055] {strides = array<i32>} : memref<32x1024xf32, #tpu.memory_space<vmem>>, vector<1x16xf32>,
      %swap3A_1057 = vector.shape_cast %swap3A_1056 : vector<1x16xf32> to vector<16xf32>
      %swap3A_1058 = vector.shape_cast %add3A_1053 : vector<16xf32> to vector<1x16xf32>
      tpu.vector_store %arg8[%swap3A_1054, %swap3A_1055], %swap3A_1058 {strides = array<i32>} : memref<32x1024xf32, #tpu.memory_space<vmem>>, vector<1x16xf32>,
      %get3A_1059 = arith.index_cast %scan3A_40 : i32 to index
      %get3A_1060 = arith.constant 1008 : index
      %get3A_1061 = tpu.vector_load %arg8[%get3A_1059, %get3A_1060] {strides = array<i32>} : memref<32x1024xf32, #tpu.memory_space<vmem>>, vector<1x16xf32>,
      %get3A_1062 = vector.shape_cast %get3A_1061 : vector<1x16xf32> to vector<16xf32>
      %mul3A_1063 = arith.mulf %gather3A_49, %get3A_1062 : vector<16xf32>
      %get3A_1064 = arith.index_cast %scan3A_40 : i32 to index
      %get3A_1065 = arith.constant 1008 : index
      %get3A_1066 = tpu.vector_load %arg9[%get3A_1064, %get3A_1065] {strides = array<i32>} : memref<32x1024xf32, #tpu.memory_space<vmem>>, vector<1x16xf32>,
      %get3A_1067 = vector.shape_cast %get3A_1066 : vector<1x16xf32> to vector<16xf32>
      %mul3A_1068 = arith.mulf %gather3A_51, %get3A_1067 : vector<16xf32>
      %add3A_1069 = arith.addf %mul3A_1063, %mul3A_1068 : vector<16xf32>
      %swap3A_1070 = arith.index_cast %scan3A_40 : i32 to index
      %swap3A_1071 = arith.constant 1008 : index
      %swap3A_1072 = tpu.vector_load %arg8[%swap3A_1070, %swap3A_1071] {strides = array<i32>} : memref<32x1024xf32, #tpu.memory_space<vmem>>, vector<1x16xf32>,
      %swap3A_1073 = vector.shape_cast %swap3A_1072 : vector<1x16xf32> to vector<16xf32>
      %swap3A_1074 = vector.shape_cast %add3A_1069 : vector<16xf32> to vector<1x16xf32>
      tpu.vector_store %arg8[%swap3A_1070, %swap3A_1071], %swap3A_1074 {strides = array<i32>} : memref<32x1024xf32, #tpu.memory_space<vmem>>, vector<1x16xf32>,
    }
    %scan3A_37 = arith.constant 32 : i32
    %add3A_38 = arith.constant 32 : i32
    %add3A_39 = arith.addi %mul3A_2, %add3A_38 : i32
    "tpu.region"() ({
      %run_scoped3A = tpu.sem_alloc : memref<!tpu.dma_semaphore, #tpu.memory_space<semaphore_mem>>
      %dma_start3A_40 = arith.constant 0 : i32
      %dma_start3A_41 = tpu.memref_slice %arg7[%add3A_39, %dma_start3A_40] : memref<2048x1024xf32, #tpu.memory_space<hbm>> -> memref<32x1024xf32, #tpu.memory_space<hbm>>
      %dma_start3A_42 = arith.constant 0 : i32
      %dma_start3A_43 = tpu.memref_slice %arg7[%add3A_39, %dma_start3A_42] : memref<2048x1024xf32, #tpu.memory_space<hbm>> -> memref<32x1024xf32, #tpu.memory_space<hbm>>
      tpu.enqueue_dma source(%arg8 : memref<32x1024xf32, #tpu.memory_space<vmem>>) target(%dma_start3A_43 : memref<32x1024xf32, #tpu.memory_space<hbm>>) target_semaphore(%run_scoped3A : memref<!tpu.dma_semaphore, #tpu.memory_space<semaphore_mem>>)
      %dma_wait3A_44 = arith.constant 0 : i32
      %dma_wait3A_45 = tpu.memref_slice %arg7[%add3A_39, %dma_wait3A_44] : memref<2048x1024xf32, #tpu.memory_space<hbm>> -> memref<32x1024xf32, #tpu.memory_space<hbm>>
      %dma_wait3A_46 = arith.constant 0 : i32
      %dma_wait3A_47 = tpu.memref_slice %arg7[%add3A_39, %dma_wait3A_46] : memref<2048x1024xf32, #tpu.memory_space<hbm>> -> memref<32x1024xf32, #tpu.memory_space<hbm>>
      tpu.wait_dma2 semaphore(%run_scoped3A : memref<!tpu.dma_semaphore, #tpu.memory_space<semaphore_mem>>) src(%arg8 : memref<32x1024xf32, #tpu.memory_space<vmem>>) dst(%dma_wait3A_47 : memref<32x1024xf32, #tpu.memory_space<hbm>>)
      tpu.yield
    }) : () -> ()
    return
  }
}

#map = affine_map<(d0, d1) -> (0, 0)>
module attributes {stable_mosaic.version = 14 : i64} {
  func.func @_dispatch_body(%arg0: i32, %arg1: i32, %arg2: memref<2048x1024xf32, #tpu.memory_space<hbm>>, %arg3: memref<32x64xi32, #tpu.memory_space<hbm>>, %arg4: memref<32x64xi32, #tpu.memory_space<hbm>>, %arg5: memref<5888x1024xf32, #tpu.memory_space<hbm>>, %arg6: memref<64x1024xf32, #tpu.memory_space<vmem>>, %arg7: memref<64xi32, #tpu.memory_space<vmem>>, %arg8: memref<64xi32, #tpu.memory_space<vmem>>, %arg9: memref<!tpu.dma_semaphore, #tpu.memory_space<semaphore_mem>>, %arg10: memref<!tpu.dma_semaphore, #tpu.memory_space<semaphore_mem>>) attributes {dimension_semantics = [#tpu.dimension_semantics<core_parallel>, #tpu.dimension_semantics<subcore_parallel>], iteration_bounds = array<i64: 2, 16>, scalar_prefetch = 0 : i64, scratch_operands = 5 : i64, tpu.core_type = #tpu.core_type<sc_vector_subcore>, window_params = [{transform_indices = #map}, {transform_indices = #map}, {transform_indices = #map}, {transform_indices = #map}]} {
    %mul3A = arith.constant 2 : i32
    %mul3A_0 = arith.muli %arg1, %mul3A : i32
    %add3A = arith.addi %mul3A_0, %arg0 : i32
    %mul3A_1 = arith.constant 64 : i32
    %mul3A_2 = arith.muli %add3A, %mul3A_1 : i32
    %dma_start3A = arith.constant 0 : i32
    %dma_start3A_3 = tpu.memref_slice %arg2[%mul3A_2, %dma_start3A] : memref<2048x1024xf32, #tpu.memory_space<hbm>> -> memref<64x1024xf32, #tpu.memory_space<hbm>>
    %dma_start3A_4 = arith.constant 0 : i32
    %dma_start3A_5 = tpu.memref_slice %arg2[%mul3A_2, %dma_start3A_4] : memref<2048x1024xf32, #tpu.memory_space<hbm>> -> memref<64x1024xf32, #tpu.memory_space<hbm>>
    tpu.enqueue_dma source(%dma_start3A_5 : memref<64x1024xf32, #tpu.memory_space<hbm>>) target(%arg6 : memref<64x1024xf32, #tpu.memory_space<vmem>>) target_semaphore(%arg9 : memref<!tpu.dma_semaphore, #tpu.memory_space<semaphore_mem>>)
    "tpu.region"() ({
      %run_scoped3A = tpu.sem_alloc : memref<!tpu.dma_semaphore, #tpu.memory_space<semaphore_mem>>
      %dma_start3A_21 = arith.constant 0 : i32
      %dma_start3A_22 = tpu.memref_slice %arg3[%add3A, %dma_start3A_21] : memref<32x64xi32, #tpu.memory_space<hbm>> -> memref<1x64xi32, #tpu.memory_space<hbm>>
      %dma_start3A_23 = tpu.memref_squeeze %dma_start3A_22 : memref<1x64xi32, #tpu.memory_space<hbm>> -> memref<64xi32, #tpu.memory_space<hbm>>
      %dma_start3A_24 = arith.constant 0 : i32
      %dma_start3A_25 = tpu.memref_slice %arg3[%add3A, %dma_start3A_24] : memref<32x64xi32, #tpu.memory_space<hbm>> -> memref<1x64xi32, #tpu.memory_space<hbm>>
      %dma_start3A_26 = tpu.memref_squeeze %dma_start3A_25 : memref<1x64xi32, #tpu.memory_space<hbm>> -> memref<64xi32, #tpu.memory_space<hbm>>
      tpu.enqueue_dma source(%dma_start3A_26 : memref<64xi32, #tpu.memory_space<hbm>>) target(%arg7 : memref<64xi32, #tpu.memory_space<vmem>>) target_semaphore(%run_scoped3A : memref<!tpu.dma_semaphore, #tpu.memory_space<semaphore_mem>>)
      %dma_wait3A_27 = arith.constant 0 : i32
      %dma_wait3A_28 = tpu.memref_slice %arg3[%add3A, %dma_wait3A_27] : memref<32x64xi32, #tpu.memory_space<hbm>> -> memref<1x64xi32, #tpu.memory_space<hbm>>
      %dma_wait3A_29 = tpu.memref_squeeze %dma_wait3A_28 : memref<1x64xi32, #tpu.memory_space<hbm>> -> memref<64xi32, #tpu.memory_space<hbm>>
      %dma_wait3A_30 = arith.constant 0 : i32
      %dma_wait3A_31 = tpu.memref_slice %arg3[%add3A, %dma_wait3A_30] : memref<32x64xi32, #tpu.memory_space<hbm>> -> memref<1x64xi32, #tpu.memory_space<hbm>>
      %dma_wait3A_32 = tpu.memref_squeeze %dma_wait3A_31 : memref<1x64xi32, #tpu.memory_space<hbm>> -> memref<64xi32, #tpu.memory_space<hbm>>
      tpu.wait_dma2 semaphore(%run_scoped3A : memref<!tpu.dma_semaphore, #tpu.memory_space<semaphore_mem>>) src(%dma_wait3A_32 : memref<64xi32, #tpu.memory_space<hbm>>) dst(%arg7 : memref<64xi32, #tpu.memory_space<vmem>>)
      tpu.yield
    }) : () -> ()
    "tpu.region"() ({
      %run_scoped3A = tpu.sem_alloc : memref<!tpu.dma_semaphore, #tpu.memory_space<semaphore_mem>>
      %dma_start3A_21 = arith.constant 0 : i32
      %dma_start3A_22 = tpu.memref_slice %arg4[%add3A, %dma_start3A_21] : memref<32x64xi32, #tpu.memory_space<hbm>> -> memref<1x64xi32, #tpu.memory_space<hbm>>
      %dma_start3A_23 = tpu.memref_squeeze %dma_start3A_22 : memref<1x64xi32, #tpu.memory_space<hbm>> -> memref<64xi32, #tpu.memory_space<hbm>>
      %dma_start3A_24 = arith.constant 0 : i32
      %dma_start3A_25 = tpu.memref_slice %arg4[%add3A, %dma_start3A_24] : memref<32x64xi32, #tpu.memory_space<hbm>> -> memref<1x64xi32, #tpu.memory_space<hbm>>
      %dma_start3A_26 = tpu.memref_squeeze %dma_start3A_25 : memref<1x64xi32, #tpu.memory_space<hbm>> -> memref<64xi32, #tpu.memory_space<hbm>>
      tpu.enqueue_dma source(%dma_start3A_26 : memref<64xi32, #tpu.memory_space<hbm>>) target(%arg8 : memref<64xi32, #tpu.memory_space<vmem>>) target_semaphore(%run_scoped3A : memref<!tpu.dma_semaphore, #tpu.memory_space<semaphore_mem>>)
      %dma_wait3A_27 = arith.constant 0 : i32
      %dma_wait3A_28 = tpu.memref_slice %arg4[%add3A, %dma_wait3A_27] : memref<32x64xi32, #tpu.memory_space<hbm>> -> memref<1x64xi32, #tpu.memory_space<hbm>>
      %dma_wait3A_29 = tpu.memref_squeeze %dma_wait3A_28 : memref<1x64xi32, #tpu.memory_space<hbm>> -> memref<64xi32, #tpu.memory_space<hbm>>
      %dma_wait3A_30 = arith.constant 0 : i32
      %dma_wait3A_31 = tpu.memref_slice %arg4[%add3A, %dma_wait3A_30] : memref<32x64xi32, #tpu.memory_space<hbm>> -> memref<1x64xi32, #tpu.memory_space<hbm>>
      %dma_wait3A_32 = tpu.memref_squeeze %dma_wait3A_31 : memref<1x64xi32, #tpu.memory_space<hbm>> -> memref<64xi32, #tpu.memory_space<hbm>>
      tpu.wait_dma2 semaphore(%run_scoped3A : memref<!tpu.dma_semaphore, #tpu.memory_space<semaphore_mem>>) src(%dma_wait3A_32 : memref<64xi32, #tpu.memory_space<hbm>>) dst(%arg8 : memref<64xi32, #tpu.memory_space<vmem>>)
      tpu.yield
    }) : () -> ()
    %dma_wait3A = arith.constant 0 : i32
    %dma_wait3A_6 = tpu.memref_slice %arg2[%mul3A_2, %dma_wait3A] : memref<2048x1024xf32, #tpu.memory_space<hbm>> -> memref<64x1024xf32, #tpu.memory_space<hbm>>
    %dma_wait3A_7 = arith.constant 0 : i32
    %dma_wait3A_8 = tpu.memref_slice %arg2[%mul3A_2, %dma_wait3A_7] : memref<2048x1024xf32, #tpu.memory_space<hbm>> -> memref<64x1024xf32, #tpu.memory_space<hbm>>
    tpu.wait_dma2 semaphore(%arg9 : memref<!tpu.dma_semaphore, #tpu.memory_space<semaphore_mem>>) src(%dma_wait3A_8 : memref<64x1024xf32, #tpu.memory_space<hbm>>) dst(%arg6 : memref<64x1024xf32, #tpu.memory_space<vmem>>)
    %dma_start3A_9 = arith.constant 0 : i32
    %dma_start3A_10 = arith.constant 0 : i32
    %dma_start3A_11 = tpu.memref_slice %arg5[%dma_start3A_9, %dma_start3A_10] : memref<5888x1024xf32, #tpu.memory_space<hbm>> -> memref<5888x1024xf32, #tpu.memory_space<hbm>>
    tpu.enqueue_indirect_dma source(%arg6 : memref<64x1024xf32, #tpu.memory_space<vmem>>) target(%dma_start3A_11 : memref<5888x1024xf32, #tpu.memory_space<hbm>>) offsets(%arg7 : memref<64xi32, #tpu.memory_space<vmem>>) semaphore(%arg9 : memref<!tpu.dma_semaphore, #tpu.memory_space<semaphore_mem>>)
    %dma_start3A_12 = arith.constant 0 : i32
    %dma_start3A_13 = arith.constant 0 : i32
    %dma_start3A_14 = tpu.memref_slice %arg5[%dma_start3A_12, %dma_start3A_13] : memref<5888x1024xf32, #tpu.memory_space<hbm>> -> memref<5888x1024xf32, #tpu.memory_space<hbm>>
    tpu.enqueue_indirect_dma source(%arg6 : memref<64x1024xf32, #tpu.memory_space<vmem>>) target(%dma_start3A_14 : memref<5888x1024xf32, #tpu.memory_space<hbm>>) offsets(%arg8 : memref<64xi32, #tpu.memory_space<vmem>>) semaphore(%arg10 : memref<!tpu.dma_semaphore, #tpu.memory_space<semaphore_mem>>)
    %dma_wait3A_15 = arith.constant 0 : i32
    %dma_wait3A_16 = arith.constant 0 : i32
    %dma_wait3A_17 = tpu.memref_slice %arg5[%dma_wait3A_15, %dma_wait3A_16] : memref<5888x1024xf32, #tpu.memory_space<hbm>> -> memref<5888x1024xf32, #tpu.memory_space<hbm>>
    tpu.wait_indirect_dma semaphore(%arg9 : memref<!tpu.dma_semaphore, #tpu.memory_space<semaphore_mem>>) src(%arg6 : memref<64x1024xf32, #tpu.memory_space<vmem>>) dst(%dma_wait3A_17 : memref<5888x1024xf32, #tpu.memory_space<hbm>>)
    %dma_wait3A_18 = arith.constant 0 : i32
    %dma_wait3A_19 = arith.constant 0 : i32
    %dma_wait3A_20 = tpu.memref_slice %arg5[%dma_wait3A_18, %dma_wait3A_19] : memref<5888x1024xf32, #tpu.memory_space<hbm>> -> memref<5888x1024xf32, #tpu.memory_space<hbm>>
    tpu.wait_indirect_dma semaphore(%arg10 : memref<!tpu.dma_semaphore, #tpu.memory_space<semaphore_mem>>) src(%arg6 : memref<64x1024xf32, #tpu.memory_space<vmem>>) dst(%dma_wait3A_20 : memref<5888x1024xf32, #tpu.memory_space<hbm>>)
    return
  }
}

module attributes {stable_mosaic.version = 14 : i64} {
  func.func @_gating_body(%arg0: memref<2048x8xf32, #tpu.memory_space<vmem>>, %arg1: memref<2048x1xi32, #tpu.memory_space<vmem>>, %arg2: memref<2048x1xi32, #tpu.memory_space<vmem>>, %arg3: memref<2048x1xf32, #tpu.memory_space<vmem>>, %arg4: memref<2048x1xf32, #tpu.memory_space<vmem>>, %arg5: memref<64x1xi32, #tpu.memory_space<vmem>>) attributes {dimension_semantics = [], scalar_prefetch = 0 : i64, scratch_operands = 0 : i64, tpu.core_type = #tpu.core_type<tc>} {
    %get3A = arith.constant 0 : index
    %get3A_0 = arith.constant 0 : index
    %get3A_1 = vector.load %arg0[%get3A, %get3A_0] : memref<2048x8xf32, #tpu.memory_space<vmem>>, vector<2048x8xf32>
    %reduce_max3A = arith.constant dense<0xFF800000> : vector<2048xf32>
    %reduce_max3A_2 = vector.multi_reduction <maximumf>, %get3A_1, %reduce_max3A [1] : vector<2048x8xf32> to vector<2048xf32>
    %broadcast_in_dim3A = vector.shape_cast %reduce_max3A_2 : vector<2048xf32> to vector<2048x1xf32>
    %sub3A = vector.broadcast %broadcast_in_dim3A : vector<2048x1xf32> to vector<2048x8xf32>
    %sub3A_3 = arith.subf %get3A_1, %sub3A : vector<2048x8xf32>
    %exp3A = math.exp %sub3A_3 : vector<2048x8xf32>
    %reduce_sum3A = arith.constant dense<0.000000e+00> : vector<2048xf32>
    %reduce_sum3A_4 = vector.multi_reduction <add>, %exp3A, %reduce_sum3A [1] : vector<2048x8xf32> to vector<2048xf32>
    %broadcast_in_dim3A_5 = vector.shape_cast %reduce_sum3A_4 : vector<2048xf32> to vector<2048x1xf32>
    %div3A = vector.broadcast %broadcast_in_dim3A_5 : vector<2048x1xf32> to vector<2048x8xf32>
    %div3A_6 = arith.divf %exp3A, %div3A : vector<2048x8xf32>
    %iota3A = tpu.iota {dimensions = array<i32: 1>} : vector<2048x8xi32>
    %reduce_max3A_7 = arith.constant dense<0xFF800000> : vector<2048xf32>
    %reduce_max3A_8 = vector.multi_reduction <maximumf>, %div3A_6, %reduce_max3A_7 [1] : vector<2048x8xf32> to vector<2048xf32>
    %broadcast_in_dim3A_9 = vector.shape_cast %reduce_max3A_8 : vector<2048xf32> to vector<2048x1xf32>
    %eq3A = vector.broadcast %broadcast_in_dim3A_9 : vector<2048x1xf32> to vector<2048x8xf32>
    %eq3A_10 = arith.cmpf oeq, %div3A_6, %eq3A : vector<2048x8xf32>
    %jit3A = arith.constant 8 : i32
    %broadcast_in_dim3A_11 = vector.broadcast %jit3A : i32 to vector<2048x8xi32>
    %select_n3A = arith.select %eq3A_10, %iota3A, %broadcast_in_dim3A_11 : vector<2048x8xi1>, vector<2048x8xi32>
    %reduce_min3A = arith.constant dense<2147483647> : vector<2048xi32>
    %reduce_min3A_12 = vector.multi_reduction <minsi>, %select_n3A, %reduce_min3A [1] : vector<2048x8xi32> to vector<2048xi32>
    %broadcast_in_dim3A_13 = vector.shape_cast %reduce_min3A_12 : vector<2048xi32> to vector<2048x1xi32>
    %eq3A_14 = vector.broadcast %broadcast_in_dim3A_13 : vector<2048x1xi32> to vector<2048x8xi32>
    %eq3A_15 = arith.cmpi eq, %iota3A, %eq3A_14 : vector<2048x8xi32>
    %jit3A_16 = arith.constant -1.000000e+00 : f32
    %broadcast_in_dim3A_17 = vector.broadcast %jit3A_16 : f32 to vector<2048x8xf32>
    %select_n3A_18 = arith.select %eq3A_15, %broadcast_in_dim3A_17, %div3A_6 : vector<2048x8xi1>, vector<2048x8xf32>
    %reduce_max3A_19 = arith.constant dense<0xFF800000> : vector<2048xf32>
    %reduce_max3A_20 = vector.multi_reduction <maximumf>, %select_n3A_18, %reduce_max3A_19 [1] : vector<2048x8xf32> to vector<2048xf32>
    %broadcast_in_dim3A_21 = vector.shape_cast %reduce_max3A_20 : vector<2048xf32> to vector<2048x1xf32>
    %eq3A_22 = vector.broadcast %broadcast_in_dim3A_21 : vector<2048x1xf32> to vector<2048x8xf32>
    %eq3A_23 = arith.cmpf oeq, %select_n3A_18, %eq3A_22 : vector<2048x8xf32>
    %jit3A_24 = arith.constant 8 : i32
    %broadcast_in_dim3A_25 = vector.broadcast %jit3A_24 : i32 to vector<2048x8xi32>
    %select_n3A_26 = arith.select %eq3A_23, %iota3A, %broadcast_in_dim3A_25 : vector<2048x8xi1>, vector<2048x8xi32>
    %reduce_min3A_27 = arith.constant dense<2147483647> : vector<2048xi32>
    %reduce_min3A_28 = vector.multi_reduction <minsi>, %select_n3A_26, %reduce_min3A_27 [1] : vector<2048x8xi32> to vector<2048xi32>
    %broadcast_in_dim3A_29 = vector.shape_cast %reduce_min3A_28 : vector<2048xi32> to vector<2048x1xi32>
    %eq3A_30 = vector.broadcast %broadcast_in_dim3A_29 : vector<2048x1xi32> to vector<2048x8xi32>
    %eq3A_31 = arith.cmpi eq, %iota3A, %eq3A_30 : vector<2048x8xi32>
    %swap3A = arith.constant 0 : index
    %swap3A_32 = arith.constant 0 : index
    %swap3A_33 = vector.load %arg3[%swap3A, %swap3A_32] : memref<2048x1xf32, #tpu.memory_space<vmem>>, vector<2048x1xf32>
    tpu.vector_store %arg3[%swap3A, %swap3A_32], %broadcast_in_dim3A_9 {strides = array<i32>} : memref<2048x1xf32, #tpu.memory_space<vmem>>, vector<2048x1xf32>,
    %swap3A_34 = arith.constant 0 : index
    %swap3A_35 = arith.constant 0 : index
    %swap3A_36 = vector.load %arg4[%swap3A_34, %swap3A_35] : memref<2048x1xf32, #tpu.memory_space<vmem>>, vector<2048x1xf32>
    tpu.vector_store %arg4[%swap3A_34, %swap3A_35], %broadcast_in_dim3A_21 {strides = array<i32>} : memref<2048x1xf32, #tpu.memory_space<vmem>>, vector<2048x1xf32>,
    %or3A = arith.ori %eq3A_15, %eq3A_31 : vector<2048x8xi1>
    %convert_element_type3A = arith.extui %or3A : vector<2048x8xi1> to vector<2048x8xi32>
    %convert_element_type3A_37 = arith.sitofp %convert_element_type3A : vector<2048x8xi32> to vector<2048x8xf32>
    %iota3A_38 = tpu.iota {dimensions = array<i32: 1>} : vector<128x128xi32>
    %iota3A_39 = tpu.iota {dimensions = array<i32: 0>} : vector<128x128xi32>
    %lt3A = arith.cmpi slt, %iota3A_38, %iota3A_39 : vector<128x128xi32>
    %convert_element_type3A_40 = arith.extui %lt3A : vector<128x128xi1> to vector<128x128xi32>
    %convert_element_type3A_41 = arith.sitofp %convert_element_type3A_40 : vector<128x128xi32> to vector<128x128xf32>
    %broadcast_in_dim3A_42 = arith.constant 1.000000e+00 : f32
    %broadcast_in_dim3A_43 = vector.broadcast %broadcast_in_dim3A_42 : f32 to vector<1x128xf32>
    %broadcast_in_dim3A_44 = arith.constant 0.000000e+00 : f32
    %broadcast_in_dim3A_45 = vector.broadcast %broadcast_in_dim3A_44 : f32 to vector<1x8xf32>
    %slice3A = vector.extract_strided_slice %convert_element_type3A_37 {offsets = [0, 0], sizes = [128, 8], strides = [1, 1]} : vector<2048x8xf32> to vector<128x8xf32>
    %dot_general3A = arith.constant dense<0.000000e+00> : vector<128x8xf32>
    %dot_general3A_46 = tpu.matmul %convert_element_type3A_41, %slice3A, %dot_general3A {dimension_numbers = #tpu.dot_dimension_numbers<[1], [0], [0], [1], [0, 0, 1, 1], [], []>, transpose_lhs_hint = false} : vector<128x128xf32>, vector<128x8xf32>, vector<128x8xf32> -> vector<128x8xf32>
    %add3A = vector.broadcast %broadcast_in_dim3A_45 : vector<1x8xf32> to vector<128x8xf32>
    %add3A_47 = arith.addf %dot_general3A_46, %add3A : vector<128x8xf32>
    %dot_general3A_48 = arith.constant dense<0.000000e+00> : vector<1x8xf32>
    %dot_general3A_49 = tpu.matmul %broadcast_in_dim3A_43, %slice3A, %dot_general3A_48 {dimension_numbers = #tpu.dot_dimension_numbers<[1], [0], [0], [1], [0, 0, 1, 1], [], []>, transpose_lhs_hint = false} : vector<1x128xf32>, vector<128x8xf32>, vector<1x8xf32> -> vector<1x8xf32>
    %add3A_50 = arith.addf %broadcast_in_dim3A_45, %dot_general3A_49 : vector<1x8xf32>
    %slice3A_51 = vector.extract_strided_slice %convert_element_type3A_37 {offsets = [128, 0], sizes = [128, 8], strides = [1, 1]} : vector<2048x8xf32> to vector<128x8xf32>
    %dot_general3A_52 = arith.constant dense<0.000000e+00> : vector<128x8xf32>
    %dot_general3A_53 = tpu.matmul %convert_element_type3A_41, %slice3A_51, %dot_general3A_52 {dimension_numbers = #tpu.dot_dimension_numbers<[1], [0], [0], [1], [0, 0, 1, 1], [], []>, transpose_lhs_hint = false} : vector<128x128xf32>, vector<128x8xf32>, vector<128x8xf32> -> vector<128x8xf32>
    %add3A_54 = vector.broadcast %add3A_50 : vector<1x8xf32> to vector<128x8xf32>
    %add3A_55 = arith.addf %dot_general3A_53, %add3A_54 : vector<128x8xf32>
    %dot_general3A_56 = arith.constant dense<0.000000e+00> : vector<1x8xf32>
    %dot_general3A_57 = tpu.matmul %broadcast_in_dim3A_43, %slice3A_51, %dot_general3A_56 {dimension_numbers = #tpu.dot_dimension_numbers<[1], [0], [0], [1], [0, 0, 1, 1], [], []>, transpose_lhs_hint = false} : vector<1x128xf32>, vector<128x8xf32>, vector<1x8xf32> -> vector<1x8xf32>
    %add3A_58 = arith.addf %add3A_50, %dot_general3A_57 : vector<1x8xf32>
    %slice3A_59 = vector.extract_strided_slice %convert_element_type3A_37 {offsets = [256, 0], sizes = [128, 8], strides = [1, 1]} : vector<2048x8xf32> to vector<128x8xf32>
    %dot_general3A_60 = arith.constant dense<0.000000e+00> : vector<128x8xf32>
    %dot_general3A_61 = tpu.matmul %convert_element_type3A_41, %slice3A_59, %dot_general3A_60 {dimension_numbers = #tpu.dot_dimension_numbers<[1], [0], [0], [1], [0, 0, 1, 1], [], []>, transpose_lhs_hint = false} : vector<128x128xf32>, vector<128x8xf32>, vector<128x8xf32> -> vector<128x8xf32>
    %add3A_62 = vector.broadcast %add3A_58 : vector<1x8xf32> to vector<128x8xf32>
    %add3A_63 = arith.addf %dot_general3A_61, %add3A_62 : vector<128x8xf32>
    %dot_general3A_64 = arith.constant dense<0.000000e+00> : vector<1x8xf32>
    %dot_general3A_65 = tpu.matmul %broadcast_in_dim3A_43, %slice3A_59, %dot_general3A_64 {dimension_numbers = #tpu.dot_dimension_numbers<[1], [0], [0], [1], [0, 0, 1, 1], [], []>, transpose_lhs_hint = false} : vector<1x128xf32>, vector<128x8xf32>, vector<1x8xf32> -> vector<1x8xf32>
    %add3A_66 = arith.addf %add3A_58, %dot_general3A_65 : vector<1x8xf32>
    %slice3A_67 = vector.extract_strided_slice %convert_element_type3A_37 {offsets = [384, 0], sizes = [128, 8], strides = [1, 1]} : vector<2048x8xf32> to vector<128x8xf32>
    %dot_general3A_68 = arith.constant dense<0.000000e+00> : vector<128x8xf32>
    %dot_general3A_69 = tpu.matmul %convert_element_type3A_41, %slice3A_67, %dot_general3A_68 {dimension_numbers = #tpu.dot_dimension_numbers<[1], [0], [0], [1], [0, 0, 1, 1], [], []>, transpose_lhs_hint = false} : vector<128x128xf32>, vector<128x8xf32>, vector<128x8xf32> -> vector<128x8xf32>
    %add3A_70 = vector.broadcast %add3A_66 : vector<1x8xf32> to vector<128x8xf32>
    %add3A_71 = arith.addf %dot_general3A_69, %add3A_70 : vector<128x8xf32>
    %dot_general3A_72 = arith.constant dense<0.000000e+00> : vector<1x8xf32>
    %dot_general3A_73 = tpu.matmul %broadcast_in_dim3A_43, %slice3A_67, %dot_general3A_72 {dimension_numbers = #tpu.dot_dimension_numbers<[1], [0], [0], [1], [0, 0, 1, 1], [], []>, transpose_lhs_hint = false} : vector<1x128xf32>, vector<128x8xf32>, vector<1x8xf32> -> vector<1x8xf32>
    %add3A_74 = arith.addf %add3A_66, %dot_general3A_73 : vector<1x8xf32>
    %slice3A_75 = vector.extract_strided_slice %convert_element_type3A_37 {offsets = [512, 0], sizes = [128, 8], strides = [1, 1]} : vector<2048x8xf32> to vector<128x8xf32>
    %dot_general3A_76 = arith.constant dense<0.000000e+00> : vector<128x8xf32>
    %dot_general3A_77 = tpu.matmul %convert_element_type3A_41, %slice3A_75, %dot_general3A_76 {dimension_numbers = #tpu.dot_dimension_numbers<[1], [0], [0], [1], [0, 0, 1, 1], [], []>, transpose_lhs_hint = false} : vector<128x128xf32>, vector<128x8xf32>, vector<128x8xf32> -> vector<128x8xf32>
    %add3A_78 = vector.broadcast %add3A_74 : vector<1x8xf32> to vector<128x8xf32>
    %add3A_79 = arith.addf %dot_general3A_77, %add3A_78 : vector<128x8xf32>
    %dot_general3A_80 = arith.constant dense<0.000000e+00> : vector<1x8xf32>
    %dot_general3A_81 = tpu.matmul %broadcast_in_dim3A_43, %slice3A_75, %dot_general3A_80 {dimension_numbers = #tpu.dot_dimension_numbers<[1], [0], [0], [1], [0, 0, 1, 1], [], []>, transpose_lhs_hint = false} : vector<1x128xf32>, vector<128x8xf32>, vector<1x8xf32> -> vector<1x8xf32>
    %add3A_82 = arith.addf %add3A_74, %dot_general3A_81 : vector<1x8xf32>
    %slice3A_83 = vector.extract_strided_slice %convert_element_type3A_37 {offsets = [640, 0], sizes = [128, 8], strides = [1, 1]} : vector<2048x8xf32> to vector<128x8xf32>
    %dot_general3A_84 = arith.constant dense<0.000000e+00> : vector<128x8xf32>
    %dot_general3A_85 = tpu.matmul %convert_element_type3A_41, %slice3A_83, %dot_general3A_84 {dimension_numbers = #tpu.dot_dimension_numbers<[1], [0], [0], [1], [0, 0, 1, 1], [], []>, transpose_lhs_hint = false} : vector<128x128xf32>, vector<128x8xf32>, vector<128x8xf32> -> vector<128x8xf32>
    %add3A_86 = vector.broadcast %add3A_82 : vector<1x8xf32> to vector<128x8xf32>
    %add3A_87 = arith.addf %dot_general3A_85, %add3A_86 : vector<128x8xf32>
    %dot_general3A_88 = arith.constant dense<0.000000e+00> : vector<1x8xf32>
    %dot_general3A_89 = tpu.matmul %broadcast_in_dim3A_43, %slice3A_83, %dot_general3A_88 {dimension_numbers = #tpu.dot_dimension_numbers<[1], [0], [0], [1], [0, 0, 1, 1], [], []>, transpose_lhs_hint = false} : vector<1x128xf32>, vector<128x8xf32>, vector<1x8xf32> -> vector<1x8xf32>
    %add3A_90 = arith.addf %add3A_82, %dot_general3A_89 : vector<1x8xf32>
    %slice3A_91 = vector.extract_strided_slice %convert_element_type3A_37 {offsets = [768, 0], sizes = [128, 8], strides = [1, 1]} : vector<2048x8xf32> to vector<128x8xf32>
    %dot_general3A_92 = arith.constant dense<0.000000e+00> : vector<128x8xf32>
    %dot_general3A_93 = tpu.matmul %convert_element_type3A_41, %slice3A_91, %dot_general3A_92 {dimension_numbers = #tpu.dot_dimension_numbers<[1], [0], [0], [1], [0, 0, 1, 1], [], []>, transpose_lhs_hint = false} : vector<128x128xf32>, vector<128x8xf32>, vector<128x8xf32> -> vector<128x8xf32>
    %add3A_94 = vector.broadcast %add3A_90 : vector<1x8xf32> to vector<128x8xf32>
    %add3A_95 = arith.addf %dot_general3A_93, %add3A_94 : vector<128x8xf32>
    %dot_general3A_96 = arith.constant dense<0.000000e+00> : vector<1x8xf32>
    %dot_general3A_97 = tpu.matmul %broadcast_in_dim3A_43, %slice3A_91, %dot_general3A_96 {dimension_numbers = #tpu.dot_dimension_numbers<[1], [0], [0], [1], [0, 0, 1, 1], [], []>, transpose_lhs_hint = false} : vector<1x128xf32>, vector<128x8xf32>, vector<1x8xf32> -> vector<1x8xf32>
    %add3A_98 = arith.addf %add3A_90, %dot_general3A_97 : vector<1x8xf32>
    %slice3A_99 = vector.extract_strided_slice %convert_element_type3A_37 {offsets = [896, 0], sizes = [128, 8], strides = [1, 1]} : vector<2048x8xf32> to vector<128x8xf32>
    %dot_general3A_100 = arith.constant dense<0.000000e+00> : vector<128x8xf32>
    %dot_general3A_101 = tpu.matmul %convert_element_type3A_41, %slice3A_99, %dot_general3A_100 {dimension_numbers = #tpu.dot_dimension_numbers<[1], [0], [0], [1], [0, 0, 1, 1], [], []>, transpose_lhs_hint = false} : vector<128x128xf32>, vector<128x8xf32>, vector<128x8xf32> -> vector<128x8xf32>
    %add3A_102 = vector.broadcast %add3A_98 : vector<1x8xf32> to vector<128x8xf32>
    %add3A_103 = arith.addf %dot_general3A_101, %add3A_102 : vector<128x8xf32>
    %dot_general3A_104 = arith.constant dense<0.000000e+00> : vector<1x8xf32>
    %dot_general3A_105 = tpu.matmul %broadcast_in_dim3A_43, %slice3A_99, %dot_general3A_104 {dimension_numbers = #tpu.dot_dimension_numbers<[1], [0], [0], [1], [0, 0, 1, 1], [], []>, transpose_lhs_hint = false} : vector<1x128xf32>, vector<128x8xf32>, vector<1x8xf32> -> vector<1x8xf32>
    %add3A_106 = arith.addf %add3A_98, %dot_general3A_105 : vector<1x8xf32>
    %slice3A_107 = vector.extract_strided_slice %convert_element_type3A_37 {offsets = [1024, 0], sizes = [128, 8], strides = [1, 1]} : vector<2048x8xf32> to vector<128x8xf32>
    %dot_general3A_108 = arith.constant dense<0.000000e+00> : vector<128x8xf32>
    %dot_general3A_109 = tpu.matmul %convert_element_type3A_41, %slice3A_107, %dot_general3A_108 {dimension_numbers = #tpu.dot_dimension_numbers<[1], [0], [0], [1], [0, 0, 1, 1], [], []>, transpose_lhs_hint = false} : vector<128x128xf32>, vector<128x8xf32>, vector<128x8xf32> -> vector<128x8xf32>
    %add3A_110 = vector.broadcast %add3A_106 : vector<1x8xf32> to vector<128x8xf32>
    %add3A_111 = arith.addf %dot_general3A_109, %add3A_110 : vector<128x8xf32>
    %dot_general3A_112 = arith.constant dense<0.000000e+00> : vector<1x8xf32>
    %dot_general3A_113 = tpu.matmul %broadcast_in_dim3A_43, %slice3A_107, %dot_general3A_112 {dimension_numbers = #tpu.dot_dimension_numbers<[1], [0], [0], [1], [0, 0, 1, 1], [], []>, transpose_lhs_hint = false} : vector<1x128xf32>, vector<128x8xf32>, vector<1x8xf32> -> vector<1x8xf32>
    %add3A_114 = arith.addf %add3A_106, %dot_general3A_113 : vector<1x8xf32>
    %slice3A_115 = vector.extract_strided_slice %convert_element_type3A_37 {offsets = [1152, 0], sizes = [128, 8], strides = [1, 1]} : vector<2048x8xf32> to vector<128x8xf32>
    %dot_general3A_116 = arith.constant dense<0.000000e+00> : vector<128x8xf32>
    %dot_general3A_117 = tpu.matmul %convert_element_type3A_41, %slice3A_115, %dot_general3A_116 {dimension_numbers = #tpu.dot_dimension_numbers<[1], [0], [0], [1], [0, 0, 1, 1], [], []>, transpose_lhs_hint = false} : vector<128x128xf32>, vector<128x8xf32>, vector<128x8xf32> -> vector<128x8xf32>
    %add3A_118 = vector.broadcast %add3A_114 : vector<1x8xf32> to vector<128x8xf32>
    %add3A_119 = arith.addf %dot_general3A_117, %add3A_118 : vector<128x8xf32>
    %dot_general3A_120 = arith.constant dense<0.000000e+00> : vector<1x8xf32>
    %dot_general3A_121 = tpu.matmul %broadcast_in_dim3A_43, %slice3A_115, %dot_general3A_120 {dimension_numbers = #tpu.dot_dimension_numbers<[1], [0], [0], [1], [0, 0, 1, 1], [], []>, transpose_lhs_hint = false} : vector<1x128xf32>, vector<128x8xf32>, vector<1x8xf32> -> vector<1x8xf32>
    %add3A_122 = arith.addf %add3A_114, %dot_general3A_121 : vector<1x8xf32>
    %slice3A_123 = vector.extract_strided_slice %convert_element_type3A_37 {offsets = [1280, 0], sizes = [128, 8], strides = [1, 1]} : vector<2048x8xf32> to vector<128x8xf32>
    %dot_general3A_124 = arith.constant dense<0.000000e+00> : vector<128x8xf32>
    %dot_general3A_125 = tpu.matmul %convert_element_type3A_41, %slice3A_123, %dot_general3A_124 {dimension_numbers = #tpu.dot_dimension_numbers<[1], [0], [0], [1], [0, 0, 1, 1], [], []>, transpose_lhs_hint = false} : vector<128x128xf32>, vector<128x8xf32>, vector<128x8xf32> -> vector<128x8xf32>
    %add3A_126 = vector.broadcast %add3A_122 : vector<1x8xf32> to vector<128x8xf32>
    %add3A_127 = arith.addf %dot_general3A_125, %add3A_126 : vector<128x8xf32>
    %dot_general3A_128 = arith.constant dense<0.000000e+00> : vector<1x8xf32>
    %dot_general3A_129 = tpu.matmul %broadcast_in_dim3A_43, %slice3A_123, %dot_general3A_128 {dimension_numbers = #tpu.dot_dimension_numbers<[1], [0], [0], [1], [0, 0, 1, 1], [], []>, transpose_lhs_hint = false} : vector<1x128xf32>, vector<128x8xf32>, vector<1x8xf32> -> vector<1x8xf32>
    %add3A_130 = arith.addf %add3A_122, %dot_general3A_129 : vector<1x8xf32>
    %slice3A_131 = vector.extract_strided_slice %convert_element_type3A_37 {offsets = [1408, 0], sizes = [128, 8], strides = [1, 1]} : vector<2048x8xf32> to vector<128x8xf32>
    %dot_general3A_132 = arith.constant dense<0.000000e+00> : vector<128x8xf32>
    %dot_general3A_133 = tpu.matmul %convert_element_type3A_41, %slice3A_131, %dot_general3A_132 {dimension_numbers = #tpu.dot_dimension_numbers<[1], [0], [0], [1], [0, 0, 1, 1], [], []>, transpose_lhs_hint = false} : vector<128x128xf32>, vector<128x8xf32>, vector<128x8xf32> -> vector<128x8xf32>
    %add3A_134 = vector.broadcast %add3A_130 : vector<1x8xf32> to vector<128x8xf32>
    %add3A_135 = arith.addf %dot_general3A_133, %add3A_134 : vector<128x8xf32>
    %dot_general3A_136 = arith.constant dense<0.000000e+00> : vector<1x8xf32>
    %dot_general3A_137 = tpu.matmul %broadcast_in_dim3A_43, %slice3A_131, %dot_general3A_136 {dimension_numbers = #tpu.dot_dimension_numbers<[1], [0], [0], [1], [0, 0, 1, 1], [], []>, transpose_lhs_hint = false} : vector<1x128xf32>, vector<128x8xf32>, vector<1x8xf32> -> vector<1x8xf32>
    %add3A_138 = arith.addf %add3A_130, %dot_general3A_137 : vector<1x8xf32>
    %slice3A_139 = vector.extract_strided_slice %convert_element_type3A_37 {offsets = [1536, 0], sizes = [128, 8], strides = [1, 1]} : vector<2048x8xf32> to vector<128x8xf32>
    %dot_general3A_140 = arith.constant dense<0.000000e+00> : vector<128x8xf32>
    %dot_general3A_141 = tpu.matmul %convert_element_type3A_41, %slice3A_139, %dot_general3A_140 {dimension_numbers = #tpu.dot_dimension_numbers<[1], [0], [0], [1], [0, 0, 1, 1], [], []>, transpose_lhs_hint = false} : vector<128x128xf32>, vector<128x8xf32>, vector<128x8xf32> -> vector<128x8xf32>
    %add3A_142 = vector.broadcast %add3A_138 : vector<1x8xf32> to vector<128x8xf32>
    %add3A_143 = arith.addf %dot_general3A_141, %add3A_142 : vector<128x8xf32>
    %dot_general3A_144 = arith.constant dense<0.000000e+00> : vector<1x8xf32>
    %dot_general3A_145 = tpu.matmul %broadcast_in_dim3A_43, %slice3A_139, %dot_general3A_144 {dimension_numbers = #tpu.dot_dimension_numbers<[1], [0], [0], [1], [0, 0, 1, 1], [], []>, transpose_lhs_hint = false} : vector<1x128xf32>, vector<128x8xf32>, vector<1x8xf32> -> vector<1x8xf32>
    %add3A_146 = arith.addf %add3A_138, %dot_general3A_145 : vector<1x8xf32>
    %slice3A_147 = vector.extract_strided_slice %convert_element_type3A_37 {offsets = [1664, 0], sizes = [128, 8], strides = [1, 1]} : vector<2048x8xf32> to vector<128x8xf32>
    %dot_general3A_148 = arith.constant dense<0.000000e+00> : vector<128x8xf32>
    %dot_general3A_149 = tpu.matmul %convert_element_type3A_41, %slice3A_147, %dot_general3A_148 {dimension_numbers = #tpu.dot_dimension_numbers<[1], [0], [0], [1], [0, 0, 1, 1], [], []>, transpose_lhs_hint = false} : vector<128x128xf32>, vector<128x8xf32>, vector<128x8xf32> -> vector<128x8xf32>
    %add3A_150 = vector.broadcast %add3A_146 : vector<1x8xf32> to vector<128x8xf32>
    %add3A_151 = arith.addf %dot_general3A_149, %add3A_150 : vector<128x8xf32>
    %dot_general3A_152 = arith.constant dense<0.000000e+00> : vector<1x8xf32>
    %dot_general3A_153 = tpu.matmul %broadcast_in_dim3A_43, %slice3A_147, %dot_general3A_152 {dimension_numbers = #tpu.dot_dimension_numbers<[1], [0], [0], [1], [0, 0, 1, 1], [], []>, transpose_lhs_hint = false} : vector<1x128xf32>, vector<128x8xf32>, vector<1x8xf32> -> vector<1x8xf32>
    %add3A_154 = arith.addf %add3A_146, %dot_general3A_153 : vector<1x8xf32>
    %slice3A_155 = vector.extract_strided_slice %convert_element_type3A_37 {offsets = [1792, 0], sizes = [128, 8], strides = [1, 1]} : vector<2048x8xf32> to vector<128x8xf32>
    %dot_general3A_156 = arith.constant dense<0.000000e+00> : vector<128x8xf32>
    %dot_general3A_157 = tpu.matmul %convert_element_type3A_41, %slice3A_155, %dot_general3A_156 {dimension_numbers = #tpu.dot_dimension_numbers<[1], [0], [0], [1], [0, 0, 1, 1], [], []>, transpose_lhs_hint = false} : vector<128x128xf32>, vector<128x8xf32>, vector<128x8xf32> -> vector<128x8xf32>
    %add3A_158 = vector.broadcast %add3A_154 : vector<1x8xf32> to vector<128x8xf32>
    %add3A_159 = arith.addf %dot_general3A_157, %add3A_158 : vector<128x8xf32>
    %dot_general3A_160 = arith.constant dense<0.000000e+00> : vector<1x8xf32>
    %dot_general3A_161 = tpu.matmul %broadcast_in_dim3A_43, %slice3A_155, %dot_general3A_160 {dimension_numbers = #tpu.dot_dimension_numbers<[1], [0], [0], [1], [0, 0, 1, 1], [], []>, transpose_lhs_hint = false} : vector<1x128xf32>, vector<128x8xf32>, vector<1x8xf32> -> vector<1x8xf32>
    %add3A_162 = arith.addf %add3A_154, %dot_general3A_161 : vector<1x8xf32>
    %slice3A_163 = vector.extract_strided_slice %convert_element_type3A_37 {offsets = [1920, 0], sizes = [128, 8], strides = [1, 1]} : vector<2048x8xf32> to vector<128x8xf32>
    %dot_general3A_164 = arith.constant dense<0.000000e+00> : vector<128x8xf32>
    %dot_general3A_165 = tpu.matmul %convert_element_type3A_41, %slice3A_163, %dot_general3A_164 {dimension_numbers = #tpu.dot_dimension_numbers<[1], [0], [0], [1], [0, 0, 1, 1], [], []>, transpose_lhs_hint = false} : vector<128x128xf32>, vector<128x8xf32>, vector<128x8xf32> -> vector<128x8xf32>
    %add3A_166 = vector.broadcast %add3A_162 : vector<1x8xf32> to vector<128x8xf32>
    %add3A_167 = arith.addf %dot_general3A_165, %add3A_166 : vector<128x8xf32>
    %dot_general3A_168 = arith.constant dense<0.000000e+00> : vector<1x8xf32>
    %dot_general3A_169 = tpu.matmul %broadcast_in_dim3A_43, %slice3A_163, %dot_general3A_168 {dimension_numbers = #tpu.dot_dimension_numbers<[1], [0], [0], [1], [0, 0, 1, 1], [], []>, transpose_lhs_hint = false} : vector<1x128xf32>, vector<128x8xf32>, vector<1x8xf32> -> vector<1x8xf32>
    %add3A_170 = arith.addf %add3A_162, %dot_general3A_169 : vector<1x8xf32>
    %concatenate3A = tpu.concatenate %add3A_47, %add3A_55, %add3A_63, %add3A_71, %add3A_79, %add3A_87, %add3A_95, %add3A_103, %add3A_111, %add3A_119, %add3A_127, %add3A_135, %add3A_143, %add3A_151, %add3A_159, %add3A_167 in 0 : vector<128x8xf32>, vector<128x8xf32>, vector<128x8xf32>, vector<128x8xf32>, vector<128x8xf32>, vector<128x8xf32>, vector<128x8xf32>, vector<128x8xf32>, vector<128x8xf32>, vector<128x8xf32>, vector<128x8xf32>, vector<128x8xf32>, vector<128x8xf32>, vector<128x8xf32>, vector<128x8xf32>, vector<128x8xf32> -> vector<2048x8xf32>
    %convert_element_type3A_171 = arith.fptosi %add3A_170 : vector<1x8xf32> to vector<1x8xi32>
    %add3A_172 = arith.constant 255 : i32
    %add3A_173 = vector.broadcast %add3A_172 : i32 to vector<1x8xi32>
    %add3A_174 = arith.addi %convert_element_type3A_171, %add3A_173 : vector<1x8xi32>
    %shift_right_logical3A = arith.constant 8 : i32
    %shift_right_logical3A_175 = vector.broadcast %shift_right_logical3A : i32 to vector<1x8xi32>
    %shift_right_logical3A_176 = arith.shrui %add3A_174, %shift_right_logical3A_175 : vector<1x8xi32>
    %shift_left3A = arith.constant 8 : i32
    %shift_left3A_177 = vector.broadcast %shift_left3A : i32 to vector<1x8xi32>
    %shift_left3A_178 = arith.shli %shift_right_logical3A_176, %shift_left3A_177 : vector<1x8xi32>
    %convert_element_type3A_179 = arith.sitofp %shift_left3A_178 : vector<1x8xi32> to vector<1x8xf32>
    %iota3A_180 = tpu.iota {dimensions = array<i32: 0>} : vector<8x8xi32>
    %iota3A_181 = tpu.iota {dimensions = array<i32: 1>} : vector<8x8xi32>
    %lt3A_182 = arith.cmpi slt, %iota3A_180, %iota3A_181 : vector<8x8xi32>
    %convert_element_type3A_183 = arith.extui %lt3A_182 : vector<8x8xi1> to vector<8x8xi32>
    %convert_element_type3A_184 = arith.sitofp %convert_element_type3A_183 : vector<8x8xi32> to vector<8x8xf32>
    %dot_general3A_185 = arith.constant dense<0.000000e+00> : vector<1x8xf32>
    %dot_general3A_186 = tpu.matmul %convert_element_type3A_179, %convert_element_type3A_184, %dot_general3A_185 {dimension_numbers = #tpu.dot_dimension_numbers<[1], [0], [0], [1], [0, 0, 1, 1], [], []>, precision = #tpu.contract_precision<fp32>, transpose_lhs_hint = false} : vector<1x8xf32>, vector<8x8xf32>, vector<1x8xf32> -> vector<1x8xf32>
    %add3A_187 = vector.broadcast %dot_general3A_186 : vector<1x8xf32> to vector<2048x8xf32>
    %add3A_188 = arith.addf %add3A_187, %concatenate3A : vector<2048x8xf32>
    %jit3A_189 = arith.constant 0.000000e+00 : f32
    %broadcast_in_dim3A_190 = vector.broadcast %jit3A_189 : f32 to vector<2048x8xf32>
    %select_n3A_191 = arith.select %eq3A_15, %add3A_188, %broadcast_in_dim3A_190 : vector<2048x8xi1>, vector<2048x8xf32>
    %reduce_sum3A_192 = arith.constant dense<0.000000e+00> : vector<2048xf32>
    %reduce_sum3A_193 = vector.multi_reduction <add>, %select_n3A_191, %reduce_sum3A_192 [1] : vector<2048x8xf32> to vector<2048xf32>
    %broadcast_in_dim3A_194 = vector.shape_cast %reduce_sum3A_193 : vector<2048xf32> to vector<2048x1xf32>
    %convert_element_type3A_195 = arith.fptosi %broadcast_in_dim3A_194 : vector<2048x1xf32> to vector<2048x1xi32>
    %swap3A_196 = arith.constant 0 : index
    %swap3A_197 = arith.constant 0 : index
    %swap3A_198 = vector.load %arg1[%swap3A_196, %swap3A_197] : memref<2048x1xi32, #tpu.memory_space<vmem>>, vector<2048x1xi32>
    tpu.vector_store %arg1[%swap3A_196, %swap3A_197], %convert_element_type3A_195 {strides = array<i32>} : memref<2048x1xi32, #tpu.memory_space<vmem>>, vector<2048x1xi32>,
    %jit3A_199 = arith.constant 0.000000e+00 : f32
    %broadcast_in_dim3A_200 = vector.broadcast %jit3A_199 : f32 to vector<2048x8xf32>
    %select_n3A_201 = arith.select %eq3A_31, %add3A_188, %broadcast_in_dim3A_200 : vector<2048x8xi1>, vector<2048x8xf32>
    %reduce_sum3A_202 = arith.constant dense<0.000000e+00> : vector<2048xf32>
    %reduce_sum3A_203 = vector.multi_reduction <add>, %select_n3A_201, %reduce_sum3A_202 [1] : vector<2048x8xf32> to vector<2048xf32>
    %broadcast_in_dim3A_204 = vector.shape_cast %reduce_sum3A_203 : vector<2048xf32> to vector<2048x1xf32>
    %convert_element_type3A_205 = arith.fptosi %broadcast_in_dim3A_204 : vector<2048x1xf32> to vector<2048x1xi32>
    %swap3A_206 = arith.constant 0 : index
    %swap3A_207 = arith.constant 0 : index
    %swap3A_208 = vector.load %arg2[%swap3A_206, %swap3A_207] : memref<2048x1xi32, #tpu.memory_space<vmem>>, vector<2048x1xi32>
    tpu.vector_store %arg2[%swap3A_206, %swap3A_207], %convert_element_type3A_205 {strides = array<i32>} : memref<2048x1xi32, #tpu.memory_space<vmem>>, vector<2048x1xi32>,
    %add3A_209 = arith.addf %dot_general3A_186, %convert_element_type3A_179 : vector<1x8xf32>
    %iota3A_210 = tpu.iota {dimensions = array<i32: 0>} : vector<64x8xi32>
    %mul3A = arith.constant 256 : i32
    %mul3A_211 = vector.broadcast %mul3A : i32 to vector<64x8xi32>
    %mul3A_212 = arith.muli %iota3A_210, %mul3A_211 : vector<64x8xi32>
    %convert_element_type3A_213 = arith.sitofp %mul3A_212 : vector<64x8xi32> to vector<64x8xf32>
    %ge3A = vector.broadcast %add3A_209 : vector<1x8xf32> to vector<64x8xf32>
    %ge3A_214 = arith.cmpf oge, %convert_element_type3A_213, %ge3A : vector<64x8xf32>
    %convert_element_type3A_215 = arith.extui %ge3A_214 : vector<64x8xi1> to vector<64x8xi32>
    %reduce_sum3A_216 = arith.constant dense<0> : vector<64xi32>
    %reduce_sum3A_217 = vector.multi_reduction <add>, %convert_element_type3A_215, %reduce_sum3A_216 [1] : vector<64x8xi32> to vector<64xi32>
    %broadcast_in_dim3A_218 = vector.shape_cast %reduce_sum3A_217 : vector<64xi32> to vector<64x1xi32>
    %swap3A_219 = arith.constant 0 : index
    %swap3A_220 = arith.constant 0 : index
    %swap3A_221 = vector.load %arg5[%swap3A_219, %swap3A_220] : memref<64x1xi32, #tpu.memory_space<vmem>>, vector<64x1xi32>
    tpu.vector_store %arg5[%swap3A_219, %swap3A_220], %broadcast_in_dim3A_218 {strides = array<i32>} : memref<64x1xi32, #tpu.memory_space<vmem>>, vector<64x1xi32>,
    return
  }
}

module attributes {stable_mosaic.version = 14 : i64} {
  func.func @_grouped_body(%arg0: i32, %arg1: memref<23xi32, #tpu.memory_space<smem>>, %arg2: memref<256x1024xf32, #tpu.memory_space<vmem>>, %arg3: memref<1x512x1024xf32, #tpu.memory_space<vmem>>, %arg4: memref<1x1024x512xf32, #tpu.memory_space<vmem>>, %arg5: memref<1x512x1024xf32, #tpu.memory_space<vmem>>, %arg6: memref<256x1024xf32, #tpu.memory_space<vmem>>) attributes {dimension_semantics = [#tpu.dimension_semantics<arbitrary>], iteration_bounds = array<i64: 23>, scalar_prefetch = 1 : i64, scratch_operands = 0 : i64, tpu.core_type = #tpu.core_type<tc>, window_params = [{transform_indices = @transform_0, window_bounds = array<i64: 256, 1024>}, {transform_indices = @transform_1, window_bounds = array<i64: 1, 512, 1024>}, {transform_indices = @transform_2, window_bounds = array<i64: 1, 1024, 512>}, {transform_indices = @transform_3, window_bounds = array<i64: 1, 512, 1024>}, {transform_indices = @transform_4, window_bounds = array<i64: 256, 1024>}]} {
    %get3A = arith.constant 0 : index
    %get3A_0 = arith.constant 0 : index
    %get3A_1 = vector.load %arg2[%get3A, %get3A_0] : memref<256x1024xf32, #tpu.memory_space<vmem>>, vector<256x1024xf32>
    %get3A_2 = arith.constant 0 : index
    %get3A_3 = arith.constant 0 : index
    %get3A_4 = arith.constant 0 : index
    %get3A_5 = vector.load %arg3[%get3A_2, %get3A_3, %get3A_4] : memref<1x512x1024xf32, #tpu.memory_space<vmem>>, vector<1x512x1024xf32>
    %get3A_6 = vector.shape_cast %get3A_5 : vector<1x512x1024xf32> to vector<512x1024xf32>
    %dot_general3A = arith.constant dense<0.000000e+00> : vector<256x512xf32>
    %dot_general3A_7 = tpu.matmul %get3A_1, %get3A_6, %dot_general3A {dimension_numbers = #tpu.dot_dimension_numbers<[1], [1], [0], [0], [0, 0, 1, 0], [], []>, transpose_lhs_hint = false} : vector<256x1024xf32>, vector<512x1024xf32>, vector<256x512xf32> -> vector<256x512xf32>
    %get3A_8 = arith.constant 0 : index
    %get3A_9 = arith.constant 0 : index
    %get3A_10 = arith.constant 0 : index
    %get3A_11 = vector.load %arg5[%get3A_8, %get3A_9, %get3A_10] : memref<1x512x1024xf32, #tpu.memory_space<vmem>>, vector<1x512x1024xf32>
    %get3A_12 = vector.shape_cast %get3A_11 : vector<1x512x1024xf32> to vector<512x1024xf32>
    %dot_general3A_13 = arith.constant dense<0.000000e+00> : vector<256x512xf32>
    %dot_general3A_14 = tpu.matmul %get3A_1, %get3A_12, %dot_general3A_13 {dimension_numbers = #tpu.dot_dimension_numbers<[1], [1], [0], [0], [0, 0, 1, 0], [], []>, transpose_lhs_hint = false} : vector<256x1024xf32>, vector<512x1024xf32>, vector<256x512xf32> -> vector<256x512xf32>
    %logistic3A = arith.negf %dot_general3A_7 : vector<256x512xf32>
    %logistic3A_15 = math.exp %logistic3A : vector<256x512xf32>
    %logistic3A_16 = arith.constant 1.000000e+00 : f32
    %logistic3A_17 = vector.broadcast %logistic3A_16 : f32 to vector<256x512xf32>
    %logistic3A_18 = arith.addf %logistic3A_17, %logistic3A_15 : vector<256x512xf32>
    %logistic3A_19 = arith.divf %logistic3A_17, %logistic3A_18 : vector<256x512xf32>
    %mul3A = arith.mulf %dot_general3A_7, %logistic3A_19 : vector<256x512xf32>
    %mul3A_20 = arith.mulf %mul3A, %dot_general3A_14 : vector<256x512xf32>
    %get3A_21 = arith.constant 0 : index
    %get3A_22 = arith.constant 0 : index
    %get3A_23 = arith.constant 0 : index
    %get3A_24 = vector.load %arg4[%get3A_21, %get3A_22, %get3A_23] : memref<1x1024x512xf32, #tpu.memory_space<vmem>>, vector<1x1024x512xf32>
    %get3A_25 = vector.shape_cast %get3A_24 : vector<1x1024x512xf32> to vector<1024x512xf32>
    %dot_general3A_26 = arith.constant dense<0.000000e+00> : vector<256x1024xf32>
    %dot_general3A_27 = tpu.matmul %mul3A_20, %get3A_25, %dot_general3A_26 {dimension_numbers = #tpu.dot_dimension_numbers<[1], [1], [0], [0], [0, 0, 1, 0], [], []>, transpose_lhs_hint = false} : vector<256x512xf32>, vector<1024x512xf32>, vector<256x1024xf32> -> vector<256x1024xf32>
    %swap3A = arith.constant 0 : index
    %swap3A_28 = arith.constant 0 : index
    %swap3A_29 = vector.load %arg6[%swap3A, %swap3A_28] : memref<256x1024xf32, #tpu.memory_space<vmem>>, vector<256x1024xf32>
    tpu.vector_store %arg6[%swap3A, %swap3A_28], %dot_general3A_27 {strides = array<i32>} : memref<256x1024xf32, #tpu.memory_space<vmem>>, vector<256x1024xf32>,
    return
  }
  func.func @transform_0(%arg0: i32, %arg1: memref<23xi32, #tpu.memory_space<smem>>) -> (i32, i32) {
    %c0_i32 = arith.constant 0 : i32
    %c0_i32_0 = arith.constant 0 : i32
    return %arg0, %c0_i32 : i32, i32
  }
  func.func @transform_1(%arg0: i32, %arg1: memref<23xi32, #tpu.memory_space<smem>>) -> (i32, i32, i32) {
    %get3A = arith.index_cast %arg0 : i32 to index
    %get3A_0 = memref.load %arg1[%get3A] : memref<23xi32, #tpu.memory_space<smem>>
    %min3A = arith.constant 7 : i32
    %min3A_1 = arith.minsi %get3A_0, %min3A : i32
    %c0_i32 = arith.constant 0 : i32
    %c0_i32_2 = arith.constant 0 : i32
    %c0_i32_3 = arith.constant 0 : i32
    return %min3A_1, %c0_i32, %c0_i32_2 : i32, i32, i32
  }
  func.func @transform_2(%arg0: i32, %arg1: memref<23xi32, #tpu.memory_space<smem>>) -> (i32, i32, i32) {
    %get3A = arith.index_cast %arg0 : i32 to index
    %get3A_0 = memref.load %arg1[%get3A] : memref<23xi32, #tpu.memory_space<smem>>
    %min3A = arith.constant 7 : i32
    %min3A_1 = arith.minsi %get3A_0, %min3A : i32
    %c0_i32 = arith.constant 0 : i32
    %c0_i32_2 = arith.constant 0 : i32
    %c0_i32_3 = arith.constant 0 : i32
    return %min3A_1, %c0_i32, %c0_i32_2 : i32, i32, i32
  }
  func.func @transform_3(%arg0: i32, %arg1: memref<23xi32, #tpu.memory_space<smem>>) -> (i32, i32, i32) {
    %get3A = arith.index_cast %arg0 : i32 to index
    %get3A_0 = memref.load %arg1[%get3A] : memref<23xi32, #tpu.memory_space<smem>>
    %min3A = arith.constant 7 : i32
    %min3A_1 = arith.minsi %get3A_0, %min3A : i32
    %c0_i32 = arith.constant 0 : i32
    %c0_i32_2 = arith.constant 0 : i32
    %c0_i32_3 = arith.constant 0 : i32
    return %min3A_1, %c0_i32, %c0_i32_2 : i32, i32, i32
  }
  func.func @transform_4(%arg0: i32, %arg1: memref<23xi32, #tpu.memory_space<smem>>) -> (i32, i32) {
    %c0_i32 = arith.constant 0 : i32
    %c0_i32_0 = arith.constant 0 : i32
    return %arg0, %c0_i32 : i32, i32
  }
}

module attributes {stable_mosaic.version = 14 : i64} {
  func.func @_shared_body(%arg0: i32, %arg1: memref<256x1024xf32, #tpu.memory_space<vmem>>, %arg2: memref<256x1024xf32, #tpu.memory_space<vmem>>, %arg3: memref<1024x1024xf32, #tpu.memory_space<vmem>>, %arg4: memref<1024x1024xf32, #tpu.memory_space<vmem>>, %arg5: memref<1024x1024xf32, #tpu.memory_space<vmem>>, %arg6: memref<256x1024xf32, #tpu.memory_space<vmem>>) attributes {dimension_semantics = [#tpu.dimension_semantics<arbitrary>], iteration_bounds = array<i64: 8>, scalar_prefetch = 0 : i64, scratch_operands = 0 : i64, tpu.core_type = #tpu.core_type<tc>, window_params = [{transform_indices = @transform_0, window_bounds = array<i64: 256, 1024>}, {transform_indices = @transform_1, window_bounds = array<i64: 256, 1024>}, {pipeline_mode = #tpu.pipeline_mode<synchronous>, transform_indices = @transform_2, window_bounds = array<i64: 1024, 1024>}, {pipeline_mode = #tpu.pipeline_mode<synchronous>, transform_indices = @transform_3, window_bounds = array<i64: 1024, 1024>}, {pipeline_mode = #tpu.pipeline_mode<synchronous>, transform_indices = @transform_4, window_bounds = array<i64: 1024, 1024>}, {transform_indices = @transform_5, window_bounds = array<i64: 256, 1024>}]} {
    %get3A = arith.constant 0 : index
    %get3A_0 = arith.constant 0 : index
    %get3A_1 = vector.load %arg1[%get3A, %get3A_0] : memref<256x1024xf32, #tpu.memory_space<vmem>>, vector<256x1024xf32>
    %get3A_2 = arith.constant 0 : index
    %get3A_3 = arith.constant 0 : index
    %get3A_4 = vector.load %arg3[%get3A_2, %get3A_3] : memref<1024x1024xf32, #tpu.memory_space<vmem>>, vector<1024x1024xf32>
    %dot_general3A = arith.constant dense<0.000000e+00> : vector<256x1024xf32>
    %dot_general3A_5 = tpu.matmul %get3A_1, %get3A_4, %dot_general3A {dimension_numbers = #tpu.dot_dimension_numbers<[1], [1], [0], [0], [0, 0, 1, 0], [], []>, transpose_lhs_hint = false} : vector<256x1024xf32>, vector<1024x1024xf32>, vector<256x1024xf32> -> vector<256x1024xf32>
    %get3A_6 = arith.constant 0 : index
    %get3A_7 = arith.constant 0 : index
    %get3A_8 = vector.load %arg5[%get3A_6, %get3A_7] : memref<1024x1024xf32, #tpu.memory_space<vmem>>, vector<1024x1024xf32>
    %dot_general3A_9 = arith.constant dense<0.000000e+00> : vector<256x1024xf32>
    %dot_general3A_10 = tpu.matmul %get3A_1, %get3A_8, %dot_general3A_9 {dimension_numbers = #tpu.dot_dimension_numbers<[1], [1], [0], [0], [0, 0, 1, 0], [], []>, transpose_lhs_hint = false} : vector<256x1024xf32>, vector<1024x1024xf32>, vector<256x1024xf32> -> vector<256x1024xf32>
    %logistic3A = arith.negf %dot_general3A_5 : vector<256x1024xf32>
    %logistic3A_11 = math.exp %logistic3A : vector<256x1024xf32>
    %logistic3A_12 = arith.constant 1.000000e+00 : f32
    %logistic3A_13 = vector.broadcast %logistic3A_12 : f32 to vector<256x1024xf32>
    %logistic3A_14 = arith.addf %logistic3A_13, %logistic3A_11 : vector<256x1024xf32>
    %logistic3A_15 = arith.divf %logistic3A_13, %logistic3A_14 : vector<256x1024xf32>
    %mul3A = arith.mulf %dot_general3A_5, %logistic3A_15 : vector<256x1024xf32>
    %mul3A_16 = arith.mulf %mul3A, %dot_general3A_10 : vector<256x1024xf32>
    %get3A_17 = arith.constant 0 : index
    %get3A_18 = arith.constant 0 : index
    %get3A_19 = vector.load %arg2[%get3A_17, %get3A_18] : memref<256x1024xf32, #tpu.memory_space<vmem>>, vector<256x1024xf32>
    %get3A_20 = arith.constant 0 : index
    %get3A_21 = arith.constant 0 : index
    %get3A_22 = vector.load %arg4[%get3A_20, %get3A_21] : memref<1024x1024xf32, #tpu.memory_space<vmem>>, vector<1024x1024xf32>
    %dot_general3A_23 = arith.constant dense<0.000000e+00> : vector<256x1024xf32>
    %dot_general3A_24 = tpu.matmul %mul3A_16, %get3A_22, %dot_general3A_23 {dimension_numbers = #tpu.dot_dimension_numbers<[1], [1], [0], [0], [0, 0, 1, 0], [], []>, transpose_lhs_hint = false} : vector<256x1024xf32>, vector<1024x1024xf32>, vector<256x1024xf32> -> vector<256x1024xf32>
    %add3A = arith.addf %get3A_19, %dot_general3A_24 : vector<256x1024xf32>
    %swap3A = arith.constant 0 : index
    %swap3A_25 = arith.constant 0 : index
    %swap3A_26 = vector.load %arg6[%swap3A, %swap3A_25] : memref<256x1024xf32, #tpu.memory_space<vmem>>, vector<256x1024xf32>
    tpu.vector_store %arg6[%swap3A, %swap3A_25], %add3A {strides = array<i32>} : memref<256x1024xf32, #tpu.memory_space<vmem>>, vector<256x1024xf32>,
    return
  }
  func.func @transform_0(%arg0: i32) -> (i32, i32) {
    %c0_i32 = arith.constant 0 : i32
    %c0_i32_0 = arith.constant 0 : i32
    return %arg0, %c0_i32 : i32, i32
  }
  func.func @transform_1(%arg0: i32) -> (i32, i32) {
    %c0_i32 = arith.constant 0 : i32
    %c0_i32_0 = arith.constant 0 : i32
    return %arg0, %c0_i32 : i32, i32
  }
  func.func @transform_2(%arg0: i32) -> (i32, i32) {
    %c0_i32 = arith.constant 0 : i32
    %c0_i32_0 = arith.constant 0 : i32
    %c0_i32_1 = arith.constant 0 : i32
    return %c0_i32, %c0_i32_0 : i32, i32
  }
  func.func @transform_3(%arg0: i32) -> (i32, i32) {
    %c0_i32 = arith.constant 0 : i32
    %c0_i32_0 = arith.constant 0 : i32
    %c0_i32_1 = arith.constant 0 : i32
    return %c0_i32, %c0_i32_0 : i32, i32
  }
  func.func @transform_4(%arg0: i32) -> (i32, i32) {
    %c0_i32 = arith.constant 0 : i32
    %c0_i32_0 = arith.constant 0 : i32
    %c0_i32_1 = arith.constant 0 : i32
    return %c0_i32, %c0_i32_0 : i32, i32
  }
  func.func @transform_5(%arg0: i32) -> (i32, i32) {
    %c0_i32 = arith.constant 0 : i32
    %c0_i32_0 = arith.constant 0 : i32
    return %arg0, %c0_i32 : i32, i32
  }
}

</mosaic_0001>

<sc_bundles>
// kernel: kernel.10.cloned.1.call-start
scs
__scs_entry_jumppad:
0x0: {  	(pc) =	sbr.rel $0x88, $3  }
0x1: {  	(tag) =	ssettag $0x0;
	lr =	simm.s32 $0x1  }
0x2: {  	[smem:$0x3F99] =	sst lr;
	_ =	strace $0xD0000000  }
0x3: {  	_ = 	snop  }
0x4: {  	_ = 	snop  }
0x5: {  	_ = 	snop  }
0x6: {  	_ = 	snop  }
0x7: {  	_ = 	snop  }
__scs_overlays_trampoline_lowered:
0x8: {  	[smem:$0x3FA8] =	sst s0  }
0x9: {  	[smem:$0x3FA9] =	sst s1  }
0xa: {  	[smem:$0x3FAA] =	sst s2  }
0xb: {  	[smem:$0x3FAB] =	sst s3  }
0xc: {  	[smem:$0x3FAC] =	sst s4  }
0xd: {  	[smem:$0x3FAD] =	sst s5  }
0xe: {  	[smem:$0x3FAE] =	sst s6  }
0xf: {  	[smem:$0x3FAF] =	sst s7  }
0x10: {  	[smem:$0x3FB0] =	sst s8  }
0x11: {  	[smem:$0x3FB1] =	sst s9;
	s0 =	simm.s32 @!p0 $0x0  }
0x12: {  	s1 =	sld [smem:$0x3F97];
	s0 =	simm.s32 @p0 $0x1  }
0x13: {  	[smem:$0x3FB2] =	sst s0;
	s0 =	simm.s32 @!p1 $0x0  }
0x14: {  	s2 =	sld [smem:$0x3F96];
	s0 =	simm.s32 @p1 $0x1  }
0x15: {  	[smem:$0x3FB3] =	sst s0;
	s0 =	simm.s32 @!p2 $0x0  }
0x16: {  	s3 =	sld [smem:$0x3FDB];
	s0 =	simm.s32 @p2 $0x1  }
0x17: {  	s4 =	simm.s32 $0x1BF5;
	[smem:$0x3FB5] =	sst s0  }
0x18: {  	s0 =	sld [smem:$0x3F98];
	_ =	swait.ge [sflag:s4], $0x0  }
0x19: {  	s7 =	sld [smem:$0x3F99]  }
0x1a: {  	s8 =	sadd.s32 $0xFFFFE003, lr  }
0x1b: {  	s9 =	sadd.s32 $0xFFFFFEF7, lr;
	s5 =	simm.s32 $0xFFFFFFFF;
	p2 =	slt.u32 s8, $0xFFFFF086  }
0x1c: {  	p1 =	slt.u32 s9, $0xF7A;
	s5 =	simm.s32 @!p2 $0x0  }
0x1d: {  	s5 =	simm.s32 @p1 $0x1;
	p0 =	seq.s32 s7, s2  }
0x1e: {  	s7 =	smul.u32 @!p0 $0xF7A, s2;
	p2 =	seq.s32 @!p0 s5, $0x0  }
0x1f: {  	s9 =	smul.u32 $0xF7A, s1;
	s8 =	simm.s32 @!p0 $0x1BF5;
	p2 =	por !p2, p0  }
0x20: {  	[sflag:s8] =	ssyncset.s32 @!p0 $0xFFFFF086;
	s6 =	sadd.s32 @!p0 s3, s7;
	s7 =	simm.s32 @!p0 $0x108  }
0x21: {  	s3 =	sadd.s32 s3, s9;
	s6 =	sadd.s32 @!p0 $0x88, s6;
	s7 =	simm.s32 @p2 $0x1082  }
0x22: {  	[simem:s7], [sflag:s8] =	dma.local @!p0 [hbm:s6], $0xF7A  }
0x23: {  	s9 =	sor.u32 $0xD0000000, s2;
	s6 =	simm.s32 $0x108;
	_ =	swait.ge @!p0 [sflag:s8], $0x0  }
0x24: {  	s3 =	sadd.s32 $0x88, s3;
	s6 =	simm.s32 @!p1 $0x1082;
	[sflag:s4] =	ssyncset.s32 $0xFFFFF086  }
0x25: {  	[simem:s6], [sflag:s4] =	dma.local [hbm:s3], $0xF7A  }
0x26: {  	[smem:$0x3F99] =	sst s1;
	(tag) =	ssettag s2;
	_ =	strace s9  }
0x27: {  	s1 =	sld [smem:$0x3FA9]  }
0x28: {  	s2 =	sld [smem:$0x3FAA]  }
0x29: {  	s4 =	sld [smem:$0x3FAC]  }
0x2a: {  	p0 =	seq.s32 s5, $0x0;
	s5 =	sld [smem:$0x3FAD]  }
0x2b: {  	s6 =	sld [smem:$0x3FAE]  }
0x2c: {  	s7 =	sld [smem:$0x3FAF]  }
0x2d: {  	s3 =	simm.s32 $0x108;
	s8 =	sld [smem:$0x3FB0]  }
0x2e: {  	s3 =	simm.s32 @!p0 $0x1082;
	s9 =	sld [smem:$0x3FB1]  }
0x2f: {  	lr =	sadd.s32 s0, s3;
	s0 =	sld [smem:$0x3FA8]  }
0x30: {  	s3 =	sld [smem:$0x3FAB]  }
0x31: {  	[smem:$0x3FB4] =	sst s10  }
0x32: {  	s10 =	sld [smem:$0x3FB2];
	_ =	sdelay $0x3  }
0x33: {  	p0 =	seq.s32 s10, $0x1;
	s10 =	sld [smem:$0x3FB4];
	_ =	sdelay $0x3  }
0x34: {  	[smem:$0x3FB4] =	sst s10  }
0x35: {  	s10 =	sld [smem:$0x3FB3];
	_ =	sdelay $0x3  }
0x36: {  	p1 =	seq.s32 s10, $0x1;
	s10 =	sld [smem:$0x3FB4];
	_ =	sdelay $0x3  }
0x37: {  	[smem:$0x3FB4] =	sst s10  }
0x38: {  	s10 =	sld [smem:$0x3FB5]  }
0x39: {  	_ = 	snop;
	(pc) =	sbr.ind lr, $3  }
0x3a: {  	_ = 	snop  }
0x3b: {  	_ = 	snop  }
0x3c: {  	p2 =	seq.s32 s10, $0x1;
	s10 =	sld [smem:$0x3FB4]  }
0x3d: {  	_ =	shalt  }
0x3e: {  	_ =	shalt  }
0x3f: {  	_ =	shalt  }
0x40: {  	_ =	shalt  }
0x41: {  	_ =	shalt  }
0x42: {  	_ =	shalt  }
0x43: {  	_ =	shalt  }
0x44: {  	_ =	shalt  }
0x45: {  	_ =	shalt  }
0x46: {  	_ =	shalt  }
0x47: {  	_ =	shalt  }
0x48: {  	_ =	shalt  }
0x49: {  	_ =	shalt  }
0x4a: {  	_ =	shalt  }
0x4b: {  	_ =	shalt  }
0x4c: {  	_ =	shalt  }
0x4d: {  	_ =	shalt  }
0x4e: {  	_ =	shalt  }
0x4f: {  	_ =	shalt  }
0x50: {  	_ =	shalt  }
0x51: {  	_ =	shalt  }
0x52: {  	_ =	shalt  }
0x53: {  	_ =	shalt  }
0x54: {  	_ =	shalt  }
0x55: {  	_ =	shalt  }
0x56: {  	_ =	shalt  }
0x57: {  	_ =	shalt  }
0x58: {  	_ =	shalt  }
0x59: {  	_ =	shalt  }
0x5a: {  	_ =	shalt  }
0x5b: {  	_ =	shalt  }
0x5c: {  	_ =	shalt  }
0x5d: {  	_ =	shalt  }
0x5e: {  	_ =	shalt  }
0x5f: {  	_ =	shalt  }
0x60: {  	_ =	shalt  }
0x61: {  	_ =	shalt  }
0x62: {  	_ =	shalt  }
0x63: {  	_ =	shalt  }
0x64: {  	_ =	shalt  }
0x65: {  	_ =	shalt  }
0x66: {  	_ =	shalt  }
0x67: {  	_ =	shalt  }
0x68: {  	_ =	shalt  }
0x69: {  	_ =	shalt  }
0x6a: {  	_ =	shalt  }
0x6b: {  	_ =	shalt  }
0x6c: {  	_ =	shalt  }
0x6d: {  	_ =	shalt  }
0x6e: {  	_ =	shalt  }
0x6f: {  	_ =	shalt  }
0x70: {  	_ =	shalt  }
0x71: {  	_ =	shalt  }
0x72: {  	_ =	shalt  }
0x73: {  	_ =	shalt  }
0x74: {  	_ =	shalt  }
0x75: {  	_ =	shalt  }
0x76: {  	_ =	shalt  }
0x77: {  	_ =	shalt  }
0x78: {  	_ =	shalt  }
0x79: {  	_ =	shalt  }
0x7a: {  	_ =	shalt  }
0x7b: {  	_ =	shalt  }
0x7c: {  	_ =	shalt  }
0x7d: {  	_ =	shalt  }
0x7e: {  	_ =	shalt  }
0x7f: {  	_ =	shalt  }
0x80: {  	_ =	shalt  }
0x81: {  	_ =	shalt  }
0x82: {  	_ =	shalt  }
0x83: {  	_ =	shalt  }
0x84: {  	_ =	shalt  }
0x85: {  	_ =	shalt  }
0x86: {  	_ =	shalt  }
0x87: {  	_ =	shalt  }
.Lfunc_end0:
.L_simem_size_0:
called_computation.1_lowered:
.L_overlay_start_0:
0x88: {  	s2 =	sld [smem:$0x3FD9]  }
0x89: {  	s3 =	sld [smem:$0x3FFE];
	_ =	sdelay $0x1  }
0x8a: {  	s1 =	srdreg.scid  }
0x8b: {  	s0 =	sand.u32 $0x1, s1  }
0x8c: {  	s17 =	sshll.u32 s0, $0xA;
	s2 =	sadd.s32 s3, s2  }
0x8d: {  	s2 =	sadd.s32 s2, s17  }
0x8e: {  	[smem:$0x3FC0] =	sst s2  }
0x8f: {  	_ = 	snop  }
0x90: {  	s2 =	sld [smem:$0x3FD0];
	(tm) =	ssettm $0x1  }
0x91: {  	s18 =	sld [smem:$0x3FFB];
	_ =	sdelay $0x3  }
0x92: {  	_ =	strace s18  }
0x93: {  	s3 =	sld [smem:$0x3FFC];
	_ =	sdelay $0x3  }
0x94: {  	_ =	strace s3  }
0x95: {  	s3 =	sld [smem:$0x3FFD];
	_ =	sdelay $0x3  }
0x96: {  	_ =	strace s3  }
0x97: {  	_ =	strace $0x8FFFFFFF  }
0x98: {  	s19 =	sld [smem:$0x3FDB];
	_ =	sdelay $0x1  }
0x99: {  	s4 =	simm.s32 $_scs_section_size  }
0x9a: {  	s5 =	simm.s32 $_size__tile_overlayer_lowered;
	s6 =	simm.s32 $_tile_overlayer_lowered  }
0x9b: {  	s22 =	simm.s32 $0x1BFF;
	s21 =	sshll.u32 s6, $0x1;
	s3 =	sadd.s32 s4, s19  }
0x9c: {  	s7 =	simm.s32 $0x0;
	s20 =	sshll.u32 s5, $0x1;
	s5 =	sadd.s32 s21, s3  }
0x9d: {  	[timem:s7], [sflag:s22] =	dma.local [hbm:s5], s20  }
0x9e: {  	_ =	swait.ge [sflag:s22], s20  }
0x9f: {  	s4 =	ssub.s32 $0x0, s20;
	[sflag:s22] =	ssyncset.done $0x0  }
0xa0: {  	[sflag:s22] =	ssyncadd.s32 s4;
	_ =	sdelay $0x1  }
0xa1: {  	s23 =	simm.s32 $0x1B8B  }
0xa2: {  	_ =	swait.ge [sflag:s23], $0x1  }
0xa3: {  	[sflag:s23] =	ssyncset.done $0x0  }
0xa4: {  	s25 =	simm.s32 $0x1B8E;
	s24 =	sld [smem:$0x3FFE];
	[sflag:s23] =	ssyncadd.s32 $0xFFFFFFFF  }
0xa5: {  	s26 =	simm.s32 $execute0_lowered;
	[smem:$0x3FD2] =	sst s25  }
0xa6: {  	s5 =	sshll.u32 s26, $0x1;
	_ =	strace $0x80000049;
	[dreg:$0x1] =	wrdreg $0xFFFFFFFF  }
0xa7: {  	s28 =	simm.s32 $_size_execute0_lowered;
	s3 =	sadd.s32 s3, s5;
	[dreg:$0x0] =	wrdreg $0x0  }
0xa8: {  	s5 =	sshll.u32 s28, $0x1;
	[dreg:$0x2] =	wrdreg s3  }
0xa9: {  	[dreg:$0x3] =	wrdreg s5  }
0xaa: {  	[dreg:$0x4] =	wrdreg $0xC0  }
0xab: {  	_ =	task [dreg:s7], $0x5FFFF  }
0xac: {  	[dreg:$0x1] =	wrdreg $0xFFFFFFFF  }
0xad: {  	[dreg:$0x0] =	wrdreg $0x60  }
0xae: {  	[dreg:$0x2] =	wrdreg s24  }
0xaf: {  	[dreg:$0x3] =	wrdreg s2  }
0xb0: {  	[dreg:$0x4] =	wrdreg $0x9  }
0xb1: {  	_ =	task.clear_ibuf [dreg:s7], $0x5FFFF;
	_ =	strace $0x90000049  }
0xb2: {  	s29 =	simm.s32 $0x9;
	_ =	strace $0x8000004B  }
0xb3: {  	_ =	swait.ge [sflag:s29], $0x1  }
0xb4: {  	[sflag:s29] =	ssyncadd.s32 $0xFFFFFFFF  }
0xb5: {  	_ =	strace $0x9000004B  }
0xb6: {  	_ =	sfence  }
0xb7: {  	s30 =	sld [smem:$0x0];
	_ =	sdelay $0x2  }
0xb8: {  	s31 =	sshll.u32 s1, $0xD;
	s1 =	sshrl.u32 s1, $0x2  }
0xb9: {  	s3 =	sand.u32 $0x4000, s31;
	s1 =	sadd.s32 s1, s30  }
0xba: {  	s0 =	sor.u32 s3, s0;
	s1 =	sshll.u32 s1, $0x11  }
0xbb: {  	s0 =	sor.u32 s1, s0  }
0xbc: {  	s0 =	sadd.s32 $0x8F2B, s0  }
0xbd: {  	[sflag:s0] =	ssyncadd.remote.s32 $0x1  }
0xbe: {  	_ =	sfence.sel $0xFFFF  }
0xbf: {  	[dreg:$0x0] =	wrdreg $0xFFFFFFFF;
	(pc) =	sbr.abs _section_cstart, $3  }
0xc0: {  	[dreg:$0x1] =	wrdreg $0xFFFFFFFF  }
0xc1: {  	_ =	task.clear_ibuf [dreg:s7], $0x2FFFF;
	_ =	strace $0x9FFFFFFF  }
0xc2: {  	(tm) =	ssettm $0x7FFFFFFF  }
0xc3: {  	_ =	shalt  }
tec
execute0_lowered:
.L_overlay_start_1:
0x0: {  	(tag) =	ssettag $0x1  }
0x1: {  	s0 =	rddreg [dreg:$0x0]  }
0x2: {  	s2 =	rddreg [dreg:$0x1]  }
0x3: {  	s1 =	simm.s32 $0x0;
	s4 =	srdreg.scid;
	s6 =	stileid.u32  }
0x4: {  	s28 =	simm.s32 $0xC000;
	s29 =	simm.s32 $0xC800;
	s30 =	simm.s32 $0xD800  }
0x5: {  	s13 =	simm.s32 $0xE000;
	s31 =	simm.s32 $0xE800;
	s14 =	simm.s32 $0xF000  }
0x6: {  	s15 =	simm.s32 $0x1;
	s16 =	simm.s32 $0x0;
	[smem:$0x7FF] =	sst s1  }
0x7: {  	s3 =	sadd.s32 $0xB9600, s0;
	s4 =	sand.u32 $0x1, s4;
	s6 =	sshll.u32 s6, $0x1  }
0x8: {  	s5 =	sadd.s32 $0x1000, s0;
	s7 =	sadd.s32 $0xB9400, s0;
	s6 =	sor.u32 s4, s6  }
0x9: {  	s11 =	sadd.s32 $0xB9200, s0;
	s8 =	sshll.u32 s6, $0xD;
	s6 =	sshll.u32 s6, $0x4  }
0xa: {  	s10 =	sadd.s32 $0xB9900, s0;
	_ =	strace $0x8000004A;
	s17 =	sadd.s32 s2, s6  }
0xb: {  	s4 =	ssub.s32 $0x2, s4;
	s18 =	sadd.s32 s5, s6;
	[dreg:$0x3] =	wrdreg s17  }
0xc: {  	s9 =	sshrl.u32 s4, $0x1;
	s19 =	sadd.s32 s7, s6;
	[dreg:$0x4] =	wrdreg s18  }
0xd: {  	s12 =	sadd.s32 s8, s0;
	s20 =	sadd.s32 s11, s6;
	[dreg:$0x5] =	wrdreg s19  }
0xe: {  	s22 =	sor.u32 $0x4, s6;
	[dreg:$0x6] =	wrdreg s20;
	s21 =	sadd.s32 $0x1200, s12  }
0xf: {  	s4 =	ssub.s32 s4, s9;
	s2 =	sadd.s32 s2, s22;
	[dreg:$0x7] =	wrdreg s21  }
0x10: {  	s8 =	sadd.s32 $0xB9700, s0;
	s23 =	sadd.s32 s5, s22;
	[dreg:$0x8] =	wrdreg s2  }
0x11: {  	s9 =	sadd.s32 $0xB9800, s0;
	s24 =	sadd.s32 s7, s22;
	[dreg:$0x9] =	wrdreg s23  }
0x12: {  	s0 =	sadd.s32 s11, s22;
	s25 =	sadd.s32 $0x2200, s12;
	[dreg:$0xa] =	wrdreg s24  }
0x13: {  	v2 =	vlaneseq.u32;
	s26 =	smax.u32 s4, $0x1;
	s19 =	simm.s32 $0x3;
	[dreg:$0xb] =	wrdreg s0  }
0x14: {  	v0 =	vand.u32 $0x7, v2;
	v1 =	vshrl.u32 v2, $0x3;
	s22 =	simm.s32 $0x8800;
	s7 =	simm.s32 $0x9000;
	[dreg:$0xc] =	wrdreg s25  }
0x15: {  	v63 =	vor.u32 $0x8, v2;
	[tilespmem:$0x1FFD0] =	vst v0;
	v62 =	vmul.u32 $0x8, v1;
	s11 =	simm.s32 $0xB800;
	s12 =	simm.s32 $0xD000;
	[dreg:$0xd] =	wrdreg s26  }
0x16: {  	[tilespmem:$0x1FFF0] =	vst v63;
	s23 =	simm.s32 $0x9800;
	s24 =	simm.s32 $0xA000;
	s25 =	simm.s32 $0xA800  }
0x17: {  	vm0 =	vmmov $0xffff;
	[tilespmem:$0x1FFE0] =	vst v62;
	s26 =	simm.s32 $0xB000;
	s0 =	simm.s32 $0xF800;
	s2 =	simm.s32 $0x2  }
.LBB2_1:
0x18: {  	s4 =	rddreg [dreg:$0x3];
	s5 =	simm.s32 $0x10000  }
0x19: {  	[tilespmem:s5], [sflag:$0x3] =	stream.linear.gather [hbm4b:s4+s1], $0x20, $0x38;
	[tilespmem:$0x10200] =	vst v63  }
0x1a: {  	_ =	swait.ge [sflag:s19], $0x20  }
0x1b: {  	[sflag:s19] =	ssyncset.done $0x0  }
0x1c: {  	s18 =	simm.s32 $0x10080;
	s17 =	rddreg [dreg:$0x4];
	[sflag:s19] =	ssyncadd.s32 $0xFFFFFFE0  }
0x1d: {  	[tilespmem:s18], [sflag:$0x3] =	stream.linear.gather [hbm4b:s17+s1], $0x20, $0x38;
	[tilespmem:$0x10200] =	vst v63  }
0x1e: {  	_ =	swait.ge [sflag:s19], $0x20  }
0x1f: {  	[sflag:s19] =	ssyncset.done $0x0  }
0x20: {  	s21 =	simm.s32 $0x10100;
	s20 =	rddreg [dreg:$0x5];
	[sflag:s19] =	ssyncadd.s32 $0xFFFFFFE0  }
0x21: {  	[tilespmem:s21], [sflag:$0x3] =	stream.linear.gather [hbm4b:s20+s1], $0x20, $0x38;
	[tilespmem:$0x10200] =	vst v63  }
0x22: {  	_ =	swait.ge [sflag:s19], $0x20  }
0x23: {  	[sflag:s19] =	ssyncset.done $0x0  }
0x24: {  	s6 =	simm.s32 $0x10180;
	s5 =	rddreg [dreg:$0x6];
	[sflag:s19] =	ssyncadd.s32 $0xFFFFFFE0  }
0x25: {  	[tilespmem:s6], [sflag:$0x3] =	stream.linear.gather [hbm4b:s5+s1], $0x20, $0x38;
	[tilespmem:$0x10200] =	vst v63  }
0x26: {  	_ =	swait.ge [sflag:s19], $0x20  }
0x27: {  	[sflag:s19] =	ssyncset.done $0x0  }
0x28: {  	[sflag:s19] =	ssyncadd.s32 $0xFFFFFFE0  }
0x29: {  	v3 =	vld [tilespmem:$0x10000];
	_ =	sdelay $0x2  }
0x2a: {  	v0 =	vld [tilespmem:$0x1FFD0];
	_ =	sdelay $0x1  }
0x2b: {  	v1 =	vld [tilespmem:$0x1FFE0];
	v4 =	vshll.u32 v3, $0x3  }
0x2c: {  	v3 =	vand.u32 $0x7, v3;
	v4 =	vand.u32 $0xFFFFFFC0, v4  }
0x2d: {  	v3 =	vor.u32 v3, v4  }
0x2e: {  	v4 =	vperm.xlane v3, v0;
	_ =	sdelay $0x1  }
0x2f: {  	v4 =	vadd.s32 v1, v4  }
0x30: {  	v2 =	vld [tilespmem:$0x1FFF0];
	_ =	sdelay $0x3  }
0x31: {  	[tilespmem:s1], [sflag:$0x1] =	stream.indirect_vreg.gather [hbm4b:s3+s1], $0x80, v4, vm0, $0xb8;
	[tilespmem:$0x10200] =	vst v63  }
0x32: {  	s17 =	simm.s32 $0x800;
	v3 =	vperm.xlane v3, v2  }
0x33: {  	[tilespmem:s17], [sflag:$0x1] =	stream.indirect_vreg.gather [hbm4b:s8+s1], $0x80, v4, vm0, $0xb8;
	[tilespmem:$0x10200] =	vst v63  }
0x34: {  	s18 =	simm.s32 $0x1000;
	v3 =	vadd.s32 v1, v3  }
0x35: {  	[tilespmem:s18], [sflag:$0x1] =	stream.indirect_vreg.gather [hbm4b:s9+s1], $0x80, v4, vm0, $0xb8;
	[tilespmem:$0x10200] =	vst v63  }
0x36: {  	s20 =	simm.s32 $0x1800  }
0x37: {  	[tilespmem:s20], [sflag:$0x1] =	stream.indirect_vreg.gather [hbm4b:s10+s1], $0x80, v4, vm0, $0xb8;
	[tilespmem:$0x10200] =	vst v63  }
0x38: {  	s21 =	simm.s32 $0x2000  }
0x39: {  	[tilespmem:s21], [sflag:$0x1] =	stream.indirect_vreg.gather [hbm4b:s3+s1], $0x80, v3, vm0, $0xb8;
	[tilespmem:$0x10200] =	vst v63  }
0x3a: {  	s5 =	simm.s32 $0x2800  }
0x3b: {  	[tilespmem:s5], [sflag:$0x1] =	stream.indirect_vreg.gather [hbm4b:s8+s1], $0x80, v3, vm0, $0xb8;
	[tilespmem:$0x10200] =	vst v63  }
0x3c: {  	s6 =	simm.s32 $0x3000  }
0x3d: {  	[tilespmem:s6], [sflag:$0x1] =	stream.indirect_vreg.gather [hbm4b:s9+s1], $0x80, v3, vm0, $0xb8;
	[tilespmem:$0x10200] =	vst v63  }
0x3e: {  	s17 =	simm.s32 $0x3800  }
0x3f: {  	[tilespmem:s17], [sflag:$0x1] =	stream.indirect_vreg.gather [hbm4b:s10+s1], $0x80, v3, vm0, $0xb8;
	[tilespmem:$0x10200] =	vst v63  }
0x40: {  	v3 =	vld [tilespmem:$0x10010];
	_ =	sdelay $0x4  }
0x41: {  	v61 =	vshll.u32 v3, $0x3  }
0x42: {  	v3 =	vand.u32 $0x7, v3;
	v4 =	vand.u32 $0xFFFFFFC0, v61  }
0x43: {  	v3 =	vor.u32 v3, v4  }
0x44: {  	v4 =	vperm.xlane v3, v0;
	_ =	sdelay $0x1  }
0x45: {  	v4 =	vadd.s32 v1, v4;
	_ =	sdelay $0x3  }
0x46: {  	s18 =	simm.s32 $0x4000  }
0x47: {  	[tilespmem:s18], [sflag:$0x1] =	stream.indirect_vreg.gather [hbm4b:s3+s1], $0x80, v4, vm0, $0xb8;
	[tilespmem:$0x10200] =	vst v63  }
0x48: {  	s20 =	simm.s32 $0x4800;
	v3 =	vperm.xlane v3, v2  }
0x49: {  	[tilespmem:s20], [sflag:$0x1] =	stream.indirect_vreg.gather [hbm4b:s8+s1], $0x80, v4, vm0, $0xb8;
	[tilespmem:$0x10200] =	vst v63  }
0x4a: {  	s21 =	simm.s32 $0x5000;
	v3 =	vadd.s32 v1, v3  }
0x4b: {  	[tilespmem:s21], [sflag:$0x1] =	stream.indirect_vreg.gather [hbm4b:s9+s1], $0x80, v4, vm0, $0xb8;
	[tilespmem:$0x10200] =	vst v63  }
0x4c: {  	s5 =	simm.s32 $0x5800  }
0x4d: {  	[tilespmem:s5], [sflag:$0x1] =	stream.indirect_vreg.gather [hbm4b:s10+s1], $0x80, v4, vm0, $0xb8;
	[tilespmem:$0x10200] =	vst v63  }
0x4e: {  	s6 =	simm.s32 $0x6000  }
0x4f: {  	[tilespmem:s6], [sflag:$0x1] =	stream.indirect_vreg.gather [hbm4b:s3+s1], $0x80, v3, vm0, $0xb8;
	[tilespmem:$0x10200] =	vst v63  }
0x50: {  	s17 =	simm.s32 $0x6800  }
0x51: {  	[tilespmem:s17], [sflag:$0x1] =	stream.indirect_vreg.gather [hbm4b:s8+s1], $0x80, v3, vm0, $0xb8;
	[tilespmem:$0x10200] =	vst v63  }
0x52: {  	s18 =	simm.s32 $0x7000  }
0x53: {  	[tilespmem:s18], [sflag:$0x1] =	stream.indirect_vreg.gather [hbm4b:s9+s1], $0x80, v3, vm0, $0xb8;
	[tilespmem:$0x10200] =	vst v63  }
0x54: {  	s20 =	simm.s32 $0x7800  }
0x55: {  	[tilespmem:s20], [sflag:$0x1] =	stream.indirect_vreg.gather [hbm4b:s10+s1], $0x80, v3, vm0, $0xb8;
	[tilespmem:$0x10200] =	vst v63  }
0x56: {  	v3 =	vld [tilespmem:$0x10080];
	_ =	sdelay $0x4  }
0x57: {  	v62 =	vshll.u32 v3, $0x3  }
0x58: {  	v3 =	vand.u32 $0x7, v3;
	v4 =	vand.u32 $0xFFFFFFC0, v62  }
0x59: {  	v3 =	vor.u32 v3, v4  }
0x5a: {  	v4 =	vperm.xlane v3, v0;
	_ =	sdelay $0x1  }
0x5b: {  	v4 =	vadd.s32 v1, v4;
	_ =	sdelay $0x3  }
0x5c: {  	s21 =	simm.s32 $0x8000  }
0x5d: {  	[tilespmem:s21], [sflag:$0x2] =	stream.indirect_vreg.gather [hbm4b:s3+s1], $0x80, v4, vm0, $0xb8;
	[tilespmem:$0x10200] =	vst v63  }
0x5e: {  	v3 =	vperm.xlane v3, v2  }
0x5f: {  	[tilespmem:s22], [sflag:$0x2] =	stream.indirect_vreg.gather [hbm4b:s8+s1], $0x80, v4, vm0, $0xb8;
	[tilespmem:$0x10200] =	vst v63  }
0x60: {  	v3 =	vadd.s32 v1, v3  }
0x61: {  	[tilespmem:s7], [sflag:$0x2] =	stream.indirect_vreg.gather [hbm4b:s9+s1], $0x80, v4, vm0, $0xb8;
	[tilespmem:$0x10200] =	vst v63  }
0x62: {  	_ = 	snop  }
0x63: {  	[tilespmem:s23], [sflag:$0x2] =	stream.indirect_vreg.gather [hbm4b:s10+s1], $0x80, v4, vm0, $0xb8;
	[tilespmem:$0x10200] =	vst v63  }
0x64: {  	_ = 	snop  }
0x65: {  	[tilespmem:s24], [sflag:$0x2] =	stream.indirect_vreg.gather [hbm4b:s3+s1], $0x80, v3, vm0, $0xb8;
	[tilespmem:$0x10200] =	vst v63  }
0x66: {  	_ = 	snop  }
0x67: {  	[tilespmem:s25], [sflag:$0x2] =	stream.indirect_vreg.gather [hbm4b:s8+s1], $0x80, v3, vm0, $0xb8;
	[tilespmem:$0x10200] =	vst v63  }
0x68: {  	_ = 	snop  }
0x69: {  	[tilespmem:s26], [sflag:$0x2] =	stream.indirect_vreg.gather [hbm4b:s9+s1], $0x80, v3, vm0, $0xb8;
	[tilespmem:$0x10200] =	vst v63  }
0x6a: {  	_ = 	snop  }
0x6b: {  	[tilespmem:s11], [sflag:$0x2] =	stream.indirect_vreg.gather [hbm4b:s10+s1], $0x80, v3, vm0, $0xb8;
	[tilespmem:$0x10200] =	vst v63  }
0x6c: {  	v3 =	vld [tilespmem:$0x10090];
	_ =	sdelay $0x4  }
0x6d: {  	v63 =	vshll.u32 v3, $0x3  }
0x6e: {  	v3 =	vand.u32 $0x7, v3;
	v4 =	vand.u32 $0xFFFFFFC0, v63  }
0x6f: {  	v3 =	vor.u32 v3, v4  }
0x70: {  	v4 =	vperm.xlane v3, v0;
	_ =	sdelay $0x1  }
0x71: {  	v4 =	vadd.s32 v1, v4;
	_ =	sdelay $0x4  }
0x72: {  	[tilespmem:s28], [sflag:$0x2] =	stream.indirect_vreg.gather [hbm4b:s3+s1], $0x80, v4, vm0, $0xb8;
	[tilespmem:$0x10200] =	vst v63  }
0x73: {  	v3 =	vperm.xlane v3, v2  }
0x74: {  	[tilespmem:s29], [sflag:$0x2] =	stream.indirect_vreg.gather [hbm4b:s8+s1], $0x80, v4, vm0, $0xb8;
	[tilespmem:$0x10200] =	vst v63  }
0x75: {  	v3 =	vadd.s32 v1, v3  }
0x76: {  	[tilespmem:s12], [sflag:$0x2] =	stream.indirect_vreg.gather [hbm4b:s9+s1], $0x80, v4, vm0, $0xb8;
	[tilespmem:$0x10200] =	vst v63  }
0x77: {  	_ = 	snop  }
0x78: {  	[tilespmem:s30], [sflag:$0x2] =	stream.indirect_vreg.gather [hbm4b:s10+s1], $0x80, v4, vm0, $0xb8;
	[tilespmem:$0x10200] =	vst v63  }
0x79: {  	_ = 	snop  }
0x7a: {  	[tilespmem:s13], [sflag:$0x2] =	stream.indirect_vreg.gather [hbm4b:s3+s1], $0x80, v3, vm0, $0xb8;
	[tilespmem:$0x10200] =	vst v63  }
0x7b: {  	_ = 	snop  }
0x7c: {  	[tilespmem:s31], [sflag:$0x2] =	stream.indirect_vreg.gather [hbm4b:s8+s1], $0x80, v3, vm0, $0xb8;
	[tilespmem:$0x10200] =	vst v63  }
0x7d: {  	_ = 	snop  }
0x7e: {  	[tilespmem:s14], [sflag:$0x2] =	stream.indirect_vreg.gather [hbm4b:s9+s1], $0x80, v3, vm0, $0xb8;
	[tilespmem:$0x10200] =	vst v63  }
0x7f: {  	_ = 	snop  }
0x80: {  	[tilespmem:s0], [sflag:$0x2] =	stream.indirect_vreg.gather [hbm4b:s10+s1], $0x80, v3, vm0, $0xb8;
	[tilespmem:$0x10200] =	vst v63  }
0x81: {  	_ =	swait.ge [sflag:s15], $0x8000  }
0x82: {  	[sflag:s15] =	ssyncset.done $0x0  }
0x83: {  	[sflag:s15] =	ssyncadd.s32 $0xFFFF8000  }
0x84: {  	_ =	swait.ge [sflag:s2], $0x8000  }
0x85: {  	s4 =	simm.s32 $0x0;
	s17 =	simm.s32 $0x0;
	[sflag:s2] =	ssyncset.done $0x0  }
0x86: {  	s18 =	simm.s32 $0x0;
	s20 =	simm.s32 $0x0;
	[sflag:s2] =	ssyncadd.s32 $0xFFFF8000  }
.LBB2_2:
0x87: {  	s5 =	sand.u32 $0x10, s20  }
0x88: {  	s21 =	sand.u32 $0x6000, s17;
	s6 =	sand.u32 $0x380, s4;
	v3 =	vld [tilespmem:s5+$0x10100]  }
0x89: {  	v4 =	vld [tilespmem:s5+$0x10180];
	s5 =	sor.u32 s6, s21  }
0x8a: {  	v7 =	vld [tilespmem:s5+$0x0]  }
0x8b: {  	v9 =	vld [tilespmem:s5+$0x8000]  }
0x8c: {  	v12 =	vld [tilespmem:s5+$0x10]  }
0x8d: {  	v13 =	vld [tilespmem:s5+$0x8010]  }
0x8e: {  	v18 =	vld [tilespmem:s5+$0x20]  }
0x8f: {  	v19 =	vld [tilespmem:s5+$0x8020]  }
0x90: {  	v22 =	vld [tilespmem:s5+$0x30]  }
0x91: {  	v25 =	vld [tilespmem:s5+$0x8030]  }
0x92: {  	v28 =	vld [tilespmem:s5+$0x40]  }
0x93: {  	v29 =	vld [tilespmem:s5+$0x8040]  }
0x94: {  	v30 =	vld [tilespmem:s5+$0x50]  }
0x95: {  	v31 =	vld [tilespmem:s5+$0x8050]  }
0x96: {  	v32 =	vld [tilespmem:s5+$0x60]  }
0x97: {  	v33 =	vld [tilespmem:s5+$0x8060]  }
0x98: {  	v34 =	vld [tilespmem:s5+$0x70]  }
0x99: {  	v35 =	vld [tilespmem:s5+$0x8070]  }
0x9a: {  	v36 =	vld [tilespmem:s5+$0x400]  }
0x9b: {  	v37 =	vld [tilespmem:s5+$0x8400]  }
0x9c: {  	v38 =	vld [tilespmem:s5+$0x410]  }
0x9d: {  	v39 =	vld [tilespmem:s5+$0x8410]  }
0x9e: {  	v40 =	vld [tilespmem:s5+$0x420]  }
0x9f: {  	v41 =	vld [tilespmem:s5+$0x8420]  }
0xa0: {  	v42 =	vld [tilespmem:s5+$0x430]  }
0xa1: {  	v43 =	vld [tilespmem:s5+$0x8430]  }
0xa2: {  	v44 =	vld [tilespmem:s5+$0x440]  }
0xa3: {  	v45 =	vld [tilespmem:s5+$0x8440]  }
0xa4: {  	v46 =	vld [tilespmem:s5+$0x450]  }
0xa5: {  	v47 =	vld [tilespmem:s5+$0x8450]  }
0xa6: {  	v48 =	vld [tilespmem:s5+$0x460]  }
0xa7: {  	v49 =	vld [tilespmem:s5+$0x8460]  }
0xa8: {  	v50 =	vld [tilespmem:s5+$0x470]  }
0xa9: {  	v51 =	vld [tilespmem:s5+$0x8470]  }
0xaa: {  	v52 =	vld [tilespmem:s5+$0x800]  }
0xab: {  	v53 =	vld [tilespmem:s5+$0x8800]  }
0xac: {  	v54 =	vld [tilespmem:s5+$0x810]  }
0xad: {  	v55 =	vld [tilespmem:s5+$0x8810]  }
0xae: {  	v56 =	vld [tilespmem:s5+$0x820]  }
0xaf: {  	v57 =	vld [tilespmem:s5+$0x8820]  }
0xb0: {  	v58 =	vld [tilespmem:s5+$0x830]  }
0xb1: {  	v59 =	vld [tilespmem:s5+$0x8830]  }
0xb2: {  	v60 =	vld [tilespmem:s5+$0x840]  }
0xb3: {  	v61 =	vld [tilespmem:s5+$0x8840]  }
0xb4: {  	v62 =	vld [tilespmem:s5+$0x850]  }
0xb5: {  	v63 =	vld [tilespmem:s5+$0x8850]  }
0xb6: {  	v6 =	vld [tilespmem:s5+$0x860]  }
0xb7: {  	v2 =	vld [tilespmem:s5+$0x8860]  }
0xb8: {  	v26 =	vld [tilespmem:s5+$0x870]  }
0xb9: {  	v27 =	vld [tilespmem:s5+$0x8870]  }
0xba: {  	v23 =	vld [tilespmem:s5+$0xC00]  }
0xbb: {  	v24 =	vld [tilespmem:s5+$0x8C00]  }
0xbc: {  	v20 =	vld [tilespmem:s5+$0xC10]  }
0xbd: {  	v21 =	vld [tilespmem:s5+$0x8C10]  }
0xbe: {  	v16 =	vld [tilespmem:s5+$0xC20]  }
0xbf: {  	v17 =	vld [tilespmem:s5+$0x8C20]  }
0xc0: {  	v14 =	vld [tilespmem:s5+$0xC30]  }
0xc1: {  	s21 =	sand.u32 $0xF, s20;
	v0 =	vld [tilespmem:s5+$0xC50]  }
0xc2: {  	v15 =	vld [tilespmem:s5+$0x8C30];
	v5 =	vmov s21  }
0xc3: {  	v8 =	vld [tilespmem:s5+$0xC40];
	v3 =	vperm.xlane v3, v5  }
0xc4: {  	v10 =	vld [tilespmem:s5+$0x8C40];
	v4 =	vperm.xlane v4, v5  }
0xc5: {  	v11 =	vld [tilespmem:s5+$0x8C50];
	v1 =	vmul.f32 v7, v3  }
0xc6: {  	v5 =	vld [tilespmem:s5+$0xC60];
	[tilespmem:$0x1FFC0] =	vst v0;
	v0 =	vmul.f32 v9, v4;
	v12 =	vmul.f32 v12, v3  }
0xc7: {  	v9 =	vld [tilespmem:s5+$0x8C60];
	v13 =	vmul.f32 v13, v4;
	v18 =	vmul.f32 v18, v3  }
0xc8: {  	v7 =	vld [tilespmem:s5+$0xC70];
	v19 =	vmul.f32 v19, v4;
	v22 =	vmul.f32 v22, v3  }
0xc9: {  	v25 =	vmul.f32 v25, v4;
	v28 =	vmul.f32 v28, v3;
	v1 =	vadd.f32 v0, v1;
	v0 =	vld [tilespmem:s5+$0x8C70]  }
0xca: {  	v29 =	vmul.f32 v29, v4;
	v33 =	vmul.f32 v33, v4;
	v12 =	vadd.f32 v13, v12;
	v13 =	vld [tilespmem:s5+$0x1000]  }
0xcb: {  	v37 =	vmul.f32 v37, v4;
	v6 =	vmul.f32 v6, v3;
	[tilespmem:s5+$0x0] =	vst v1;
	v1 =	vadd.f32 v19, v18;
	v18 =	vld [tilespmem:s5+$0x9000]  }
0xcc: {  	v2 =	vmul.f32 v2, v4;
	v26 =	vmul.f32 v26, v3;
	v19 =	vld [tilespmem:s5+$0x1010]  }
0xcd: {  	[tilespmem:s5+$0x10] =	vst v12;
	v12 =	vadd.f32 v25, v22;
	v25 =	vmul.f32 v30, v3;
	v30 =	vmul.f32 v31, v4;
	v22 =	vld [tilespmem:s5+$0x9010]  }
0xce: {  	v31 =	vmul.f32 v35, v4;
	v35 =	vld [tilespmem:s5+$0x1040];
	[tilespmem:s5+$0x20] =	vst v1;
	v1 =	vadd.f32 v29, v28;
	v28 =	vmul.f32 v32, v3  }
0xcf: {  	v27 =	vmul.f32 v27, v4;
	[tilespmem:s5+$0x30] =	vst v12;
	v12 =	vadd.f32 v30, v25;
	v30 =	vmul.f32 v34, v3;
	v25 =	vld [tilespmem:s5+$0x1020]  }
0xd0: {  	v7 =	vmul.f32 v7, v3;
	v29 =	vmul.f32 v36, v3;
	v34 =	vld [tilespmem:s5+$0x9030];
	[tilespmem:s5+$0x40] =	vst v1;
	v1 =	vadd.f32 v33, v28  }
0xd1: {  	v32 =	vmul.f32 v8, v3;
	v8 =	vld [tilespmem:s5+$0x9440];
	v0 =	vmul.f32 v0, v4;
	[tilespmem:s5+$0x50] =	vst v12;
	v12 =	vadd.f32 v31, v30  }
0xd2: {  	v36 =	vmul.f32 v39, v4;
	v28 =	vld [tilespmem:s5+$0x9020];
	v30 =	vmul.f32 v38, v3;
	v37 =	vadd.f32 v37, v29;
	[tilespmem:s5+$0x60] =	vst v1  }
0xd3: {  	v39 =	vmul.f32 v41, v4;
	v33 =	vld [tilespmem:s5+$0x1030];
	v38 =	vmul.f32 v40, v3;
	v0 =	vadd.f32 v0, v7;
	[tilespmem:s5+$0x70] =	vst v12  }
0xd4: {  	v41 =	vmul.f32 v43, v4;
	v40 =	vmul.f32 v42, v3;
	v29 =	vld [tilespmem:s5+$0x9410];
	v12 =	vadd.f32 v36, v30;
	[tilespmem:s5+$0x400] =	vst v37  }
0xd5: {  	v43 =	vmul.f32 v44, v3;
	v44 =	vmul.f32 v45, v4;
	v42 =	vadd.f32 v39, v38;
	v36 =	vld [tilespmem:s5+$0x9040];
	[tilespmem:s5+$0xC70] =	vst v0  }
0xd6: {  	v45 =	vadd.f32 v41, v40;
	v40 =	vmul.f32 v46, v3;
	v41 =	vmul.f32 v47, v4;
	v37 =	vld [tilespmem:s5+$0x1050];
	[tilespmem:s5+$0x410] =	vst v12  }
0xd7: {  	v38 =	vld [tilespmem:s5+$0x9050];
	v46 =	vmul.f32 v50, v3;
	v47 =	vmul.f32 v51, v4;
	[tilespmem:s5+$0x420] =	vst v42;
	v42 =	vadd.f32 v44, v43  }
0xd8: {  	v14 =	vmul.f32 v14, v3;
	v15 =	vmul.f32 v15, v4;
	v39 =	vld [tilespmem:s5+$0x1060];
	[tilespmem:s5+$0x430] =	vst v45;
	v45 =	vadd.f32 v41, v40  }
0xd9: {  	v30 =	vld [tilespmem:s5+$0x1420];
	v43 =	vmul.f32 v48, v3;
	v44 =	vmul.f32 v49, v4;
	v51 =	vadd.f32 v47, v46;
	[tilespmem:s5+$0x440] =	vst v42  }
0xda: {  	v50 =	vmul.f32 v53, v4;
	v49 =	vmul.f32 v52, v3;
	v40 =	vld [tilespmem:s5+$0x9060];
	v47 =	vadd.f32 v15, v14;
	[tilespmem:s5+$0x450] =	vst v45  }
0xdb: {  	v53 =	vmul.f32 v55, v4;
	v52 =	vmul.f32 v54, v3;
	v41 =	vld [tilespmem:s5+$0x1070];
	v48 =	vadd.f32 v44, v43;
	[tilespmem:s5+$0x470] =	vst v51  }
0xdc: {  	v55 =	vmul.f32 v56, v3;
	v56 =	vmul.f32 v57, v4;
	v14 =	vld [tilespmem:s5+$0x1450];
	v54 =	vadd.f32 v50, v49;
	[tilespmem:s5+$0xC30] =	vst v47  }
0xdd: {  	v20 =	vmul.f32 v20, v3;
	v46 =	vmul.f32 v10, v4;
	v10 =	vld [tilespmem:s5+$0x1460];
	v57 =	vadd.f32 v53, v52;
	[tilespmem:s5+$0x460] =	vst v48  }
0xde: {  	v21 =	vmul.f32 v21, v4;
	v15 =	vld [tilespmem:s5+$0x1800];
	v49 =	vmul.f32 v59, v4;
	v50 =	vadd.f32 v56, v55;
	[tilespmem:s5+$0x800] =	vst v54  }
0xdf: {  	v42 =	vld [tilespmem:s5+$0x9070];
	v51 =	vmul.f32 v60, v3;
	v52 =	vmul.f32 v61, v4;
	v61 =	vadd.f32 v27, v26;
	[tilespmem:s5+$0x810] =	vst v57  }
0xe0: {  	v43 =	vld [tilespmem:s5+$0x1400];
	v55 =	vmul.f32 v63, v4;
	v59 =	vmul.f32 v23, v3;
	v27 =	vadd.f32 v21, v20;
	[tilespmem:s5+$0x820] =	vst v50  }
0xe1: {  	v44 =	vld [tilespmem:s5+$0x9400];
	v60 =	vmul.f32 v24, v4;
	v63 =	vmul.f32 v16, v3;
	v56 =	vadd.f32 v52, v51;
	[tilespmem:s5+$0x870] =	vst v61  }
0xe2: {  	v45 =	vld [tilespmem:s5+$0x1410];
	v26 =	vmul.f32 v17, v4;
	v48 =	vmul.f32 v58, v3;
	v58 =	vadd.f32 v2, v6;
	[tilespmem:s5+$0xC10] =	vst v27  }
0xe3: {  	v23 =	vld [tilespmem:s5+$0x9420];
	v54 =	vmul.f32 v62, v3;
	v62 =	vadd.f32 v60, v59;
	[tilespmem:s5+$0x840] =	vst v56  }
0xe4: {  	v24 =	vld [tilespmem:s5+$0x1430];
	v31 =	vadd.f32 v26, v63;
	[tilespmem:s5+$0x860] =	vst v58  }
0xe5: {  	v16 =	vld [tilespmem:s5+$0x9430];
	v50 =	vmul.f32 v5, v3;
	v53 =	vadd.f32 v49, v48;
	[tilespmem:s5+$0xC00] =	vst v62  }
0xe6: {  	v17 =	vld [tilespmem:s5+$0x1440];
	v59 =	vmul.f32 v25, v3;
	v60 =	vmul.f32 v28, v4;
	v57 =	vadd.f32 v55, v54;
	[tilespmem:s5+$0xC20] =	vst v31  }
0xe7: {  	v20 =	vld [tilespmem:s5+$0x9810];
	v27 =	vmul.f32 v37, v3;
	v28 =	vmul.f32 v38, v4;
	v49 =	vadd.f32 v46, v32;
	[tilespmem:s5+$0x830] =	vst v53  }
0xe8: {  	v51 =	vmul.f32 v9, v4;
	v6 =	vld [tilespmem:s5+$0x9450];
	v63 =	vmul.f32 v34, v4;
	v21 =	vadd.f32 v60, v59;
	[tilespmem:s5+$0x850] =	vst v57  }
0xe9: {  	v37 =	vld [tilespmem:s5+$0x1820];
	v54 =	vmul.f32 v13, v3;
	v55 =	vmul.f32 v18, v4;
	v34 =	vadd.f32 v28, v27;
	[tilespmem:s5+$0xC40] =	vst v49  }
0xea: {  	v48 =	vld [tilespmem:$0x1FFC0];
	v56 =	vmul.f32 v19, v3;
	v62 =	vmul.f32 v33, v3;
	v53 =	vadd.f32 v51, v50;
	[tilespmem:s5+$0x1020] =	vst v21  }
0xeb: {  	v13 =	vld [tilespmem:s5+$0x9470];
	v32 =	vmul.f32 v39, v3;
	v33 =	vmul.f32 v40, v4;
	v58 =	vadd.f32 v55, v54;
	[tilespmem:s5+$0x1050] =	vst v34  }
0xec: {  	v18 =	vld [tilespmem:s5+$0x9800];
	v39 =	vmul.f32 v43, v3;
	v40 =	vmul.f32 v44, v4;
	v26 =	vadd.f32 v63, v62;
	[tilespmem:s5+$0xC60] =	vst v53  }
0xed: {  	v19 =	vld [tilespmem:s5+$0x1810];
	v43 =	vmul.f32 v45, v3;
	v44 =	vmul.f32 v29, v4;
	v38 =	vadd.f32 v33, v32;
	[tilespmem:s5+$0x1000] =	vst v58  }
0xee: {  	v59 =	vld [tilespmem:s5+$0x9850];
	v57 =	vmul.f32 v22, v4;
	v46 =	vadd.f32 v40, v39;
	[tilespmem:s5+$0x1030] =	vst v26  }
0xef: {  	v25 =	vmul.f32 v36, v4;
	v27 =	vld [tilespmem:s5+$0x9860];
	v22 =	vmul.f32 v35, v3;
	v50 =	vadd.f32 v44, v43;
	[tilespmem:s5+$0x1060] =	vst v38  }
0xf0: {  	v36 =	vmul.f32 v42, v4;
	v45 =	vld [tilespmem:s5+$0x1830];
	v35 =	vmul.f32 v41, v3;
	v61 =	vadd.f32 v57, v56;
	[tilespmem:s5+$0x1400] =	vst v46  }
0xf1: {  	v41 =	vld [tilespmem:s5+$0x9820];
	v54 =	vmul.f32 v17, v3;
	v55 =	vmul.f32 v8, v4;
	v31 =	vadd.f32 v25, v22;
	[tilespmem:s5+$0x1410] =	vst v50  }
0xf2: {  	v49 =	vld [tilespmem:s5+$0x9830];
	v6 =	vmul.f32 v6, v4;
	v42 =	vadd.f32 v36, v35;
	v58 =	vmul.f32 v14, v3;
	[tilespmem:s5+$0x1010] =	vst v61  }
0xf3: {  	v11 =	vmul.f32 v11, v4;
	v63 =	vld [tilespmem:s5+$0x1860];
	v60 =	vadd.f32 v55, v54;
	v12 =	vmul.f32 v48, v3;
	[tilespmem:s5+$0x1040] =	vst v31  }
0xf4: {  	v47 =	vmul.f32 v30, v3;
	v39 =	vld [tilespmem:s5+$0x9840];
	v48 =	vmul.f32 v23, v4;
	[tilespmem:s5+$0x1070] =	vst v42;
	v17 =	vadd.f32 v6, v58  }
0xf5: {  	v29 =	vmul.f32 v15, v3;
	v56 =	vld [tilespmem:s5+$0x1850];
	v30 =	vmul.f32 v18, v4;
	[tilespmem:s5+$0x1440] =	vst v60;
	v52 =	vadd.f32 v11, v12  }
0xf6: {  	v34 =	vmul.f32 v20, v4;
	v35 =	vld [tilespmem:s5+$0x9870];
	v33 =	vmul.f32 v19, v3;
	v53 =	vadd.f32 v48, v47;
	[tilespmem:s5+$0x1450] =	vst v17  }
0xf7: {  	v37 =	vmul.f32 v37, v3;
	v31 =	vld [tilespmem:s5+$0x1870];
	v36 =	vadd.f32 v30, v29;
	v38 =	vmul.f32 v41, v4;
	[tilespmem:s5+$0xC50] =	vst v52  }
0xf8: {  	v11 =	vld [tilespmem:s5+$0x9460];
	v40 =	vadd.f32 v34, v33;
	v41 =	vmul.f32 v45, v3;
	v42 =	vmul.f32 v49, v4;
	[tilespmem:s5+$0x1420] =	vst v53  }
0xf9: {  	v51 =	vmul.f32 v24, v3;
	v12 =	vld [tilespmem:s5+$0x1470];
	v52 =	vmul.f32 v16, v4;
	[tilespmem:s5+$0x1800] =	vst v36;
	v43 =	vadd.f32 v38, v37  }
0xfa: {  	v45 =	vmul.f32 v59, v4;
	v16 =	vld [tilespmem:s5+$0x1840];
	v44 =	vmul.f32 v56, v3;
	[tilespmem:s5+$0x1810] =	vst v40;
	v46 =	vadd.f32 v42, v41  }
0xfb: {  	v47 =	vmul.f32 v63, v3;
	v48 =	vmul.f32 v27, v4;
	v57 =	vadd.f32 v52, v51;
	[tilespmem:s5+$0x1820] =	vst v43  }
0xfc: {  	v49 =	vadd.f32 v45, v44;
	v50 =	vmul.f32 v31, v3;
	v51 =	vmul.f32 v35, v4;
	[tilespmem:s5+$0x1830] =	vst v46  }
0xfd: {  	v61 =	vmul.f32 v10, v3;
	v52 =	vadd.f32 v48, v47;
	v62 =	vmul.f32 v11, v4;
	[tilespmem:s5+$0x1430] =	vst v57  }
0xfe: {  	v26 =	vmul.f32 v13, v4;
	v24 =	vmul.f32 v12, v3;
	[tilespmem:s5+$0x1850] =	vst v49;
	v55 =	vadd.f32 v51, v50  }
0xff: {  	s21 =	sand.u32 $0x7, s18;
	v54 =	vmul.f32 v39, v4;
	[tilespmem:s5+$0x1860] =	vst v52;
	v28 =	vadd.f32 v62, v61;
	v53 =	vmul.f32 v16, v3  }
0x100: {  	s6 =	sshll.u32 s21, $0x7;
	v32 =	vadd.f32 v26, v24;
	[tilespmem:s5+$0x1870] =	vst v55  }
0x101: {  	s6 =	sadd.s32 s6, s17;
	[tilespmem:s5+$0x1460] =	vst v28;
	v56 =	vadd.f32 v54, v53  }
0x102: {  	s21 =	sor.u32 $0x1C00, s6;
	[tilespmem:s5+$0x1470] =	vst v32  }
0x103: {  	v0 =	vld [tilespmem:s21+$0x0];
	[tilespmem:s5+$0x1840] =	vst v56  }
0x104: {  	v1 =	vld [tilespmem:s21+$0x8000];
	_ =	sdelay $0x4  }
0x105: {  	v0 =	vmul.f32 v0, v3;
	v1 =	vmul.f32 v1, v4;
	_ =	sdelay $0x1  }
0x106: {  	v0 =	vadd.f32 v1, v0;
	_ =	sdelay $0x1  }
0x107: {  	[tilespmem:s21+$0x0] =	vst v0;
	s21 =	sor.u32 $0x1C10, s6  }
0x108: {  	v0 =	vld [tilespmem:s21+$0x0]  }
0x109: {  	v57 =	vld [tilespmem:s21+$0x8000];
	_ =	sdelay $0x4  }
0x10a: {  	v0 =	vmul.f32 v0, v3;
	v1 =	vmul.f32 v57, v4;
	_ =	sdelay $0x1  }
0x10b: {  	v0 =	vadd.f32 v1, v0;
	_ =	sdelay $0x1  }
0x10c: {  	[tilespmem:s21+$0x0] =	vst v0;
	s21 =	sor.u32 $0x1C20, s6  }
0x10d: {  	v0 =	vld [tilespmem:s21+$0x0]  }
0x10e: {  	v58 =	vld [tilespmem:s21+$0x8000];
	_ =	sdelay $0x4  }
0x10f: {  	v0 =	vmul.f32 v0, v3;
	v1 =	vmul.f32 v58, v4;
	_ =	sdelay $0x1  }
0x110: {  	v0 =	vadd.f32 v1, v0;
	_ =	sdelay $0x1  }
0x111: {  	[tilespmem:s21+$0x0] =	vst v0;
	s21 =	sor.u32 $0x1C30, s6  }
0x112: {  	v0 =	vld [tilespmem:s21+$0x0]  }
0x113: {  	v59 =	vld [tilespmem:s21+$0x8000];
	_ =	sdelay $0x4  }
0x114: {  	v0 =	vmul.f32 v0, v3;
	v1 =	vmul.f32 v59, v4;
	_ =	sdelay $0x1  }
0x115: {  	v0 =	vadd.f32 v1, v0;
	_ =	sdelay $0x1  }
0x116: {  	[tilespmem:s21+$0x0] =	vst v0;
	s21 =	sor.u32 $0x1C40, s6  }
0x117: {  	v0 =	vld [tilespmem:s21+$0x0]  }
0x118: {  	v60 =	vld [tilespmem:s21+$0x8000];
	_ =	sdelay $0x4  }
0x119: {  	v0 =	vmul.f32 v0, v3;
	v1 =	vmul.f32 v60, v4;
	_ =	sdelay $0x1  }
0x11a: {  	v0 =	vadd.f32 v1, v0;
	_ =	sdelay $0x1  }
0x11b: {  	[tilespmem:s21+$0x0] =	vst v0;
	s21 =	sor.u32 $0x1C50, s6  }
0x11c: {  	v0 =	vld [tilespmem:s21+$0x0]  }
0x11d: {  	v61 =	vld [tilespmem:s21+$0x8000];
	_ =	sdelay $0x4  }
0x11e: {  	v0 =	vmul.f32 v0, v3;
	v1 =	vmul.f32 v61, v4;
	_ =	sdelay $0x1  }
0x11f: {  	v0 =	vadd.f32 v1, v0;
	_ =	sdelay $0x1  }
0x120: {  	[tilespmem:s21+$0x0] =	vst v0;
	s21 =	sor.u32 $0x1C60, s6  }
0x121: {  	v0 =	vld [tilespmem:s21+$0x0]  }
0x122: {  	v62 =	vld [tilespmem:s21+$0x8000];
	_ =	sdelay $0x4  }
0x123: {  	v0 =	vmul.f32 v0, v3;
	v1 =	vmul.f32 v62, v4;
	_ =	sdelay $0x1  }
0x124: {  	v0 =	vadd.f32 v1, v0;
	_ =	sdelay $0x1  }
0x125: {  	[tilespmem:s21+$0x0] =	vst v0;
	s21 =	sor.u32 $0x1C70, s6  }
0x126: {  	v0 =	vld [tilespmem:s21+$0x0]  }
0x127: {  	v63 =	vld [tilespmem:s21+$0x8000];
	_ =	sdelay $0x3  }
0x128: {  	p0 =	sne.s32 s20, $0x1F  }
.Ltmp0:
0x129: {  	v0 =	vmul.f32 v0, v3;
	v1 =	vmul.f32 v63, v4;
	(pc) =	sbr.rel @p0 .LBB2_2-.Ltmp0, $4  }
0x12a: {  	_ = 	snop  }
0x12b: {  	v0 =	vadd.f32 v1, v0  }
0x12c: {  	s4 =	sadd.s32 $0x80, s4  }
0x12d: {  	s20 =	sadd.s32 $0x1, s20;
	s18 =	sadd.s32 $0x1, s18;
	s17 =	sadd.s32 $0x400, s17;
	[tilespmem:s21+$0x0] =	vst v0  }
0x12e: {  	s18 =	simm.s32 $0x0;
	s4 =	rddreg [dreg:$0x7]  }
0x12f: {  	[hbm4b:s4+s18] =	stream.linear.scatter [tilespmem:s18], [sflag:$0x3], $0x8000, $0x38;
	[tilespmem:$0x10200] =	vst v63  }
0x130: {  	_ =	swait.ge [sflag:s19], $0x8000  }
0x131: {  	[sflag:s19] =	ssyncset.done $0x0  }
0x132: {  	s5 =	simm.s32 $0x10000;
	s17 =	rddreg [dreg:$0x8];
	[sflag:s19] =	ssyncadd.s32 $0xFFFF8000  }
0x133: {  	[tilespmem:s5], [sflag:$0x3] =	stream.linear.gather [hbm4b:s17+s18], $0x20, $0x38;
	[tilespmem:$0x10200] =	vst v63  }
0x134: {  	_ =	swait.ge [sflag:s19], $0x20  }
0x135: {  	[sflag:s19] =	ssyncset.done $0x0  }
0x136: {  	s21 =	simm.s32 $0x10080;
	s20 =	rddreg [dreg:$0x9];
	[sflag:s19] =	ssyncadd.s32 $0xFFFFFFE0  }
0x137: {  	[tilespmem:s21], [sflag:$0x3] =	stream.linear.gather [hbm4b:s20+s18], $0x20, $0x38;
	[tilespmem:$0x10200] =	vst v63  }
0x138: {  	_ =	swait.ge [sflag:s19], $0x20  }
0x139: {  	[sflag:s19] =	ssyncset.done $0x0  }
0x13a: {  	s6 =	simm.s32 $0x10100;
	s5 =	rddreg [dreg:$0xa];
	[sflag:s19] =	ssyncadd.s32 $0xFFFFFFE0  }
0x13b: {  	[tilespmem:s6], [sflag:$0x3] =	stream.linear.gather [hbm4b:s5+s18], $0x20, $0x38;
	[tilespmem:$0x10200] =	vst v63  }
0x13c: {  	_ =	swait.ge [sflag:s19], $0x20  }
0x13d: {  	[sflag:s19] =	ssyncset.done $0x0  }
0x13e: {  	s20 =	simm.s32 $0x10180;
	s17 =	rddreg [dreg:$0xb];
	[sflag:s19] =	ssyncadd.s32 $0xFFFFFFE0  }
0x13f: {  	[tilespmem:s20], [sflag:$0x3] =	stream.linear.gather [hbm4b:s17+s18], $0x20, $0x38;
	[tilespmem:$0x10200] =	vst v63  }
0x140: {  	_ =	swait.ge [sflag:s19], $0x20  }
0x141: {  	[sflag:s19] =	ssyncset.done $0x0  }
0x142: {  	[sflag:s19] =	ssyncadd.s32 $0xFFFFFFE0  }
0x143: {  	v0 =	vld [tilespmem:$0x10000];
	_ =	sdelay $0x2  }
0x144: {  	v2 =	vld [tilespmem:$0x1FFD0];
	_ =	sdelay $0x1  }
0x145: {  	v3 =	vld [tilespmem:$0x1FFE0];
	v1 =	vshll.u32 v0, $0x3  }
0x146: {  	v0 =	vand.u32 $0x7, v0;
	v1 =	vand.u32 $0xFFFFFFC0, v1  }
0x147: {  	v0 =	vor.u32 v0, v1  }
0x148: {  	v1 =	vperm.xlane v0, v2;
	_ =	sdelay $0x1  }
0x149: {  	v1 =	vadd.s32 v3, v1  }
0x14a: {  	v4 =	vld [tilespmem:$0x1FFF0];
	_ =	sdelay $0x3  }
0x14b: {  	[tilespmem:s18], [sflag:$0x1] =	stream.indirect_vreg.gather [hbm4b:s3+s18], $0x80, v1, vm0, $0xb8;
	[tilespmem:$0x10200] =	vst v63  }
0x14c: {  	s21 =	simm.s32 $0x800;
	v0 =	vperm.xlane v0, v4  }
0x14d: {  	[tilespmem:s21], [sflag:$0x1] =	stream.indirect_vreg.gather [hbm4b:s8+s18], $0x80, v1, vm0, $0xb8;
	[tilespmem:$0x10200] =	vst v63  }
0x14e: {  	s5 =	simm.s32 $0x1000;
	v0 =	vadd.s32 v3, v0  }
0x14f: {  	[tilespmem:s5], [sflag:$0x1] =	stream.indirect_vreg.gather [hbm4b:s9+s18], $0x80, v1, vm0, $0xb8;
	[tilespmem:$0x10200] =	vst v63  }
0x150: {  	s6 =	simm.s32 $0x1800  }
0x151: {  	[tilespmem:s6], [sflag:$0x1] =	stream.indirect_vreg.gather [hbm4b:s10+s18], $0x80, v1, vm0, $0xb8;
	[tilespmem:$0x10200] =	vst v63  }
0x152: {  	s17 =	simm.s32 $0x2000  }
0x153: {  	[tilespmem:s17], [sflag:$0x1] =	stream.indirect_vreg.gather [hbm4b:s3+s18], $0x80, v0, vm0, $0xb8;
	[tilespmem:$0x10200] =	vst v63  }
0x154: {  	s20 =	simm.s32 $0x2800  }
0x155: {  	[tilespmem:s20], [sflag:$0x1] =	stream.indirect_vreg.gather [hbm4b:s8+s18], $0x80, v0, vm0, $0xb8;
	[tilespmem:$0x10200] =	vst v63  }
0x156: {  	s21 =	simm.s32 $0x3000  }
0x157: {  	[tilespmem:s21], [sflag:$0x1] =	stream.indirect_vreg.gather [hbm4b:s9+s18], $0x80, v0, vm0, $0xb8;
	[tilespmem:$0x10200] =	vst v63  }
0x158: {  	s5 =	simm.s32 $0x3800  }
0x159: {  	[tilespmem:s5], [sflag:$0x1] =	stream.indirect_vreg.gather [hbm4b:s10+s18], $0x80, v0, vm0, $0xb8;
	[tilespmem:$0x10200] =	vst v63  }
0x15a: {  	v0 =	vld [tilespmem:$0x10010];
	_ =	sdelay $0x4  }
0x15b: {  	v61 =	vshll.u32 v0, $0x3  }
0x15c: {  	v0 =	vand.u32 $0x7, v0;
	v1 =	vand.u32 $0xFFFFFFC0, v61  }
0x15d: {  	v0 =	vor.u32 v0, v1  }
0x15e: {  	v1 =	vperm.xlane v0, v2;
	_ =	sdelay $0x1  }
0x15f: {  	v1 =	vadd.s32 v3, v1;
	_ =	sdelay $0x3  }
0x160: {  	s6 =	simm.s32 $0x4000  }
0x161: {  	[tilespmem:s6], [sflag:$0x1] =	stream.indirect_vreg.gather [hbm4b:s3+s18], $0x80, v1, vm0, $0xb8;
	[tilespmem:$0x10200] =	vst v63  }
0x162: {  	s17 =	simm.s32 $0x4800;
	v0 =	vperm.xlane v0, v4  }
0x163: {  	[tilespmem:s17], [sflag:$0x1] =	stream.indirect_vreg.gather [hbm4b:s8+s18], $0x80, v1, vm0, $0xb8;
	[tilespmem:$0x10200] =	vst v63  }
0x164: {  	s20 =	simm.s32 $0x5000;
	v0 =	vadd.s32 v3, v0  }
0x165: {  	[tilespmem:s20], [sflag:$0x1] =	stream.indirect_vreg.gather [hbm4b:s9+s18], $0x80, v1, vm0, $0xb8;
	[tilespmem:$0x10200] =	vst v63  }
0x166: {  	s21 =	simm.s32 $0x5800  }
0x167: {  	[tilespmem:s21], [sflag:$0x1] =	stream.indirect_vreg.gather [hbm4b:s10+s18], $0x80, v1, vm0, $0xb8;
	[tilespmem:$0x10200] =	vst v63  }
0x168: {  	s5 =	simm.s32 $0x6000  }
0x169: {  	[tilespmem:s5], [sflag:$0x1] =	stream.indirect_vreg.gather [hbm4b:s3+s18], $0x80, v0, vm0, $0xb8;
	[tilespmem:$0x10200] =	vst v63  }
0x16a: {  	s6 =	simm.s32 $0x6800  }
0x16b: {  	[tilespmem:s6], [sflag:$0x1] =	stream.indirect_vreg.gather [hbm4b:s8+s18], $0x80, v0, vm0, $0xb8;
	[tilespmem:$0x10200] =	vst v63  }
0x16c: {  	s17 =	simm.s32 $0x7000  }
0x16d: {  	[tilespmem:s17], [sflag:$0x1] =	stream.indirect_vreg.gather [hbm4b:s9+s18], $0x80, v0, vm0, $0xb8;
	[tilespmem:$0x10200] =	vst v63  }
0x16e: {  	s20 =	simm.s32 $0x7800  }
0x16f: {  	[tilespmem:s20], [sflag:$0x1] =	stream.indirect_vreg.gather [hbm4b:s10+s18], $0x80, v0, vm0, $0xb8;
	[tilespmem:$0x10200] =	vst v63  }
0x170: {  	v0 =	vld [tilespmem:$0x10080];
	_ =	sdelay $0x4  }
0x171: {  	v62 =	vshll.u32 v0, $0x3  }
0x172: {  	v0 =	vand.u32 $0x7, v0;
	v1 =	vand.u32 $0xFFFFFFC0, v62  }
0x173: {  	v0 =	vor.u32 v0, v1  }
0x174: {  	v1 =	vperm.xlane v0, v2;
	_ =	sdelay $0x1  }
0x175: {  	v1 =	vadd.s32 v3, v1;
	_ =	sdelay $0x3  }
0x176: {  	s21 =	simm.s32 $0x8000  }
0x177: {  	[tilespmem:s21], [sflag:$0x2] =	stream.indirect_vreg.gather [hbm4b:s3+s18], $0x80, v1, vm0, $0xb8;
	[tilespmem:$0x10200] =	vst v63  }
0x178: {  	v0 =	vperm.xlane v0, v4  }
0x179: {  	[tilespmem:s22], [sflag:$0x2] =	stream.indirect_vreg.gather [hbm4b:s8+s18], $0x80, v1, vm0, $0xb8;
	[tilespmem:$0x10200] =	vst v63  }
0x17a: {  	v0 =	vadd.s32 v3, v0  }
0x17b: {  	[tilespmem:s7], [sflag:$0x2] =	stream.indirect_vreg.gather [hbm4b:s9+s18], $0x80, v1, vm0, $0xb8;
	[tilespmem:$0x10200] =	vst v63  }
0x17c: {  	_ = 	snop  }
0x17d: {  	[tilespmem:s23], [sflag:$0x2] =	stream.indirect_vreg.gather [hbm4b:s10+s18], $0x80, v1, vm0, $0xb8;
	[tilespmem:$0x10200] =	vst v63  }
0x17e: {  	_ = 	snop  }
0x17f: {  	[tilespmem:s24], [sflag:$0x2] =	stream.indirect_vreg.gather [hbm4b:s3+s18], $0x80, v0, vm0, $0xb8;
	[tilespmem:$0x10200] =	vst v63  }
0x180: {  	_ = 	snop  }
0x181: {  	[tilespmem:s25], [sflag:$0x2] =	stream.indirect_vreg.gather [hbm4b:s8+s18], $0x80, v0, vm0, $0xb8;
	[tilespmem:$0x10200] =	vst v63  }
0x182: {  	_ = 	snop  }
0x183: {  	[tilespmem:s26], [sflag:$0x2] =	stream.indirect_vreg.gather [hbm4b:s9+s18], $0x80, v0, vm0, $0xb8;
	[tilespmem:$0x10200] =	vst v63  }
0x184: {  	_ = 	snop  }
0x185: {  	[tilespmem:s11], [sflag:$0x2] =	stream.indirect_vreg.gather [hbm4b:s10+s18], $0x80, v0, vm0, $0xb8;
	[tilespmem:$0x10200] =	vst v63  }
0x186: {  	v0 =	vld [tilespmem:$0x10090];
	_ =	sdelay $0x4  }
0x187: {  	v63 =	vshll.u32 v0, $0x3  }
0x188: {  	v0 =	vand.u32 $0x7, v0;
	v1 =	vand.u32 $0xFFFFFFC0, v63  }
0x189: {  	v0 =	vor.u32 v0, v1  }
0x18a: {  	v1 =	vperm.xlane v0, v2;
	_ =	sdelay $0x1  }
0x18b: {  	v1 =	vadd.s32 v3, v1;
	_ =	sdelay $0x4  }
0x18c: {  	[tilespmem:s28], [sflag:$0x2] =	stream.indirect_vreg.gather [hbm4b:s3+s18], $0x80, v1, vm0, $0xb8;
	[tilespmem:$0x10200] =	vst v63  }
0x18d: {  	v0 =	vperm.xlane v0, v4  }
0x18e: {  	[tilespmem:s29], [sflag:$0x2] =	stream.indirect_vreg.gather [hbm4b:s8+s18], $0x80, v1, vm0, $0xb8;
	[tilespmem:$0x10200] =	vst v63  }
0x18f: {  	v0 =	vadd.s32 v3, v0  }
0x190: {  	[tilespmem:s12], [sflag:$0x2] =	stream.indirect_vreg.gather [hbm4b:s9+s18], $0x80, v1, vm0, $0xb8;
	[tilespmem:$0x10200] =	vst v63  }
0x191: {  	_ = 	snop  }
0x192: {  	[tilespmem:s30], [sflag:$0x2] =	stream.indirect_vreg.gather [hbm4b:s10+s18], $0x80, v1, vm0, $0xb8;
	[tilespmem:$0x10200] =	vst v63  }
0x193: {  	_ = 	snop  }
0x194: {  	[tilespmem:s13], [sflag:$0x2] =	stream.indirect_vreg.gather [hbm4b:s3+s18], $0x80, v0, vm0, $0xb8;
	[tilespmem:$0x10200] =	vst v63  }
0x195: {  	_ = 	snop  }
0x196: {  	[tilespmem:s31], [sflag:$0x2] =	stream.indirect_vreg.gather [hbm4b:s8+s18], $0x80, v0, vm0, $0xb8;
	[tilespmem:$0x10200] =	vst v63  }
0x197: {  	_ = 	snop  }
0x198: {  	[tilespmem:s14], [sflag:$0x2] =	stream.indirect_vreg.gather [hbm4b:s9+s18], $0x80, v0, vm0, $0xb8;
	[tilespmem:$0x10200] =	vst v63  }
0x199: {  	_ = 	snop  }
0x19a: {  	[tilespmem:s0], [sflag:$0x2] =	stream.indirect_vreg.gather [hbm4b:s10+s18], $0x80, v0, vm0, $0xb8;
	[tilespmem:$0x10200] =	vst v63  }
0x19b: {  	_ =	swait.ge [sflag:s15], $0x8000  }
0x19c: {  	[sflag:s15] =	ssyncset.done $0x0  }
0x19d: {  	[sflag:s15] =	ssyncadd.s32 $0xFFFF8000  }
0x19e: {  	_ =	swait.ge [sflag:s2], $0x8000  }
0x19f: {  	s4 =	simm.s32 $0x0;
	[sflag:s2] =	ssyncset.done $0x0  }
0x1a0: {  	s17 =	simm.s32 $0x0;
	s20 =	simm.s32 $0x0;
	[sflag:s2] =	ssyncadd.s32 $0xFFFF8000  }
.LBB2_4:
0x1a1: {  	s5 =	sand.u32 $0x10, s20  }
0x1a2: {  	s6 =	sand.u32 $0x6000, s17;
	s21 =	sand.u32 $0x380, s4;
	v0 =	vld [tilespmem:s5+$0x10100]  }
0x1a3: {  	v1 =	vld [tilespmem:s5+$0x10180];
	s5 =	sor.u32 s21, s6  }
0x1a4: {  	v2 =	vld [tilespmem:s5+$0x0]  }
0x1a5: {  	v7 =	vld [tilespmem:s5+$0x8000]  }
0x1a6: {  	v12 =	vld [tilespmem:s5+$0x10]  }
0x1a7: {  	v13 =	vld [tilespmem:s5+$0x8010]  }
0x1a8: {  	v18 =	vld [tilespmem:s5+$0x20]  }
0x1a9: {  	v19 =	vld [tilespmem:s5+$0x8020]  }
0x1aa: {  	v22 =	vld [tilespmem:s5+$0x30]  }
0x1ab: {  	v25 =	vld [tilespmem:s5+$0x8030]  }
0x1ac: {  	v28 =	vld [tilespmem:s5+$0x40]  }
0x1ad: {  	v29 =	vld [tilespmem:s5+$0x8040]  }
0x1ae: {  	v30 =	vld [tilespmem:s5+$0x50]  }
0x1af: {  	v31 =	vld [tilespmem:s5+$0x8050]  }
0x1b0: {  	v32 =	vld [tilespmem:s5+$0x60]  }
0x1b1: {  	v33 =	vld [tilespmem:s5+$0x8060]  }
0x1b2: {  	v34 =	vld [tilespmem:s5+$0x70]  }
0x1b3: {  	v35 =	vld [tilespmem:s5+$0x8070]  }
0x1b4: {  	v36 =	vld [tilespmem:s5+$0x400]  }
0x1b5: {  	v37 =	vld [tilespmem:s5+$0x8400]  }
0x1b6: {  	v38 =	vld [tilespmem:s5+$0x410]  }
0x1b7: {  	v39 =	vld [tilespmem:s5+$0x8410]  }
0x1b8: {  	v40 =	vld [tilespmem:s5+$0x420]  }
0x1b9: {  	v41 =	vld [tilespmem:s5+$0x8420]  }
0x1ba: {  	v42 =	vld [tilespmem:s5+$0x430]  }
0x1bb: {  	v43 =	vld [tilespmem:s5+$0x8430]  }
0x1bc: {  	v44 =	vld [tilespmem:s5+$0x440]  }
0x1bd: {  	v45 =	vld [tilespmem:s5+$0x8440]  }
0x1be: {  	v46 =	vld [tilespmem:s5+$0x450]  }
0x1bf: {  	v47 =	vld [tilespmem:s5+$0x8450]  }
0x1c0: {  	v48 =	vld [tilespmem:s5+$0x460]  }
0x1c1: {  	v49 =	vld [tilespmem:s5+$0x8460]  }
0x1c2: {  	v50 =	vld [tilespmem:s5+$0x470]  }
0x1c3: {  	v51 =	vld [tilespmem:s5+$0x8470]  }
0x1c4: {  	v52 =	vld [tilespmem:s5+$0x800]  }
0x1c5: {  	v53 =	vld [tilespmem:s5+$0x8800]  }
0x1c6: {  	v54 =	vld [tilespmem:s5+$0x810]  }
0x1c7: {  	v55 =	vld [tilespmem:s5+$0x8810]  }
0x1c8: {  	v56 =	vld [tilespmem:s5+$0x820]  }
0x1c9: {  	v57 =	vld [tilespmem:s5+$0x8820]  }
0x1ca: {  	v58 =	vld [tilespmem:s5+$0x830]  }
0x1cb: {  	v59 =	vld [tilespmem:s5+$0x8830]  }
0x1cc: {  	v60 =	vld [tilespmem:s5+$0x840]  }
0x1cd: {  	v61 =	vld [tilespmem:s5+$0x8840]  }
0x1ce: {  	v62 =	vld [tilespmem:s5+$0x850]  }
0x1cf: {  	v63 =	vld [tilespmem:s5+$0x8850]  }
0x1d0: {  	v5 =	vld [tilespmem:s5+$0x860]  }
0x1d1: {  	v6 =	vld [tilespmem:s5+$0x8860]  }
0x1d2: {  	v26 =	vld [tilespmem:s5+$0x870]  }
0x1d3: {  	v27 =	vld [tilespmem:s5+$0x8870]  }
0x1d4: {  	v23 =	vld [tilespmem:s5+$0xC00]  }
0x1d5: {  	v24 =	vld [tilespmem:s5+$0x8C00]  }
0x1d6: {  	v20 =	vld [tilespmem:s5+$0xC10]  }
0x1d7: {  	v3 =	vld [tilespmem:s5+$0xC50]  }
0x1d8: {  	v21 =	vld [tilespmem:s5+$0x8C10]  }
0x1d9: {  	v16 =	vld [tilespmem:s5+$0xC20]  }
0x1da: {  	s21 =	sand.u32 $0xF, s20;
	v17 =	vld [tilespmem:s5+$0x8C20]  }
0x1db: {  	v14 =	vld [tilespmem:s5+$0xC30];
	v4 =	vmov s21  }
0x1dc: {  	v9 =	vld [tilespmem:s5+$0xC60];
	[tilespmem:$0x1FFA0] =	vst v3;
	v3 =	vperm.xlane v0, v4;
	v4 =	vperm.xlane v1, v4  }
0x1dd: {  	v15 =	vld [tilespmem:s5+$0x8C30]  }
0x1de: {  	v8 =	vld [tilespmem:s5+$0xC40];
	v1 =	vmul.f32 v2, v3;
	v2 =	vmul.f32 v7, v4  }
0x1df: {  	v10 =	vld [tilespmem:s5+$0x8C40];
	v0 =	vmul.f32 v12, v3;
	v13 =	vmul.f32 v13, v4  }
0x1e0: {  	v11 =	vld [tilespmem:s5+$0x8C50];
	v36 =	vmul.f32 v36, v3;
	v37 =	vmul.f32 v37, v4  }
0x1e1: {  	[tilespmem:$0x1FFB0] =	vst v9;
	v9 =	vld [tilespmem:s5+$0x8C60];
	v20 =	vmul.f32 v20, v3;
	v21 =	vmul.f32 v21, v4  }
0x1e2: {  	v7 =	vld [tilespmem:s5+$0xC70];
	v14 =	vmul.f32 v14, v3;
	v15 =	vmul.f32 v15, v4  }
0x1e3: {  	v12 =	vld [tilespmem:s5+$0x8C70];
	v1 =	vadd.f32 v2, v1;
	v2 =	vmul.f32 v18, v3;
	v18 =	vmul.f32 v19, v4  }
0x1e4: {  	v0 =	vadd.f32 v13, v0;
	v19 =	vmul.f32 v22, v3;
	v22 =	vmul.f32 v25, v4;
	v13 =	vld [tilespmem:s5+$0x1000]  }
0x1e5: {  	v25 =	vmul.f32 v29, v4;
	v29 =	vmul.f32 v31, v4;
	v31 =	vadd.f32 v15, v14;
	v14 =	vld [tilespmem:s5+$0x1450]  }
0x1e6: {  	v15 =	vld [tilespmem:s5+$0x9470]  }
0x1e7: {  	v36 =	vadd.f32 v37, v36;
	v21 =	vadd.f32 v21, v20;
	v20 =	vld [tilespmem:s5+$0x1810];
	[tilespmem:s5+$0x0] =	vst v1  }
0x1e8: {  	v1 =	vadd.f32 v18, v2;
	v18 =	vld [tilespmem:s5+$0x9000];
	[tilespmem:s5+$0x10] =	vst v0  }
0x1e9: {  	v34 =	vmul.f32 v34, v3;
	v0 =	vadd.f32 v22, v19;
	v19 =	vld [tilespmem:s5+$0x1010];
	[tilespmem:s5+$0x400] =	vst v36  }
0x1ea: {  	v35 =	vmul.f32 v35, v4;
	v2 =	vmul.f32 v28, v3;
	v22 =	vld [tilespmem:s5+$0x9010];
	[tilespmem:s5+$0xC10] =	vst v21  }
0x1eb: {  	v39 =	vmul.f32 v39, v4;
	v28 =	vmul.f32 v30, v3;
	v36 =	vld [tilespmem:s5+$0x1050];
	[tilespmem:s5+$0xC30] =	vst v31  }
0x1ec: {  	v46 =	vmul.f32 v46, v3;
	v26 =	vmul.f32 v26, v3;
	v21 =	vld [tilespmem:s5+$0x9810];
	[tilespmem:s5+$0x20] =	vst v1;
	v1 =	vadd.f32 v25, v2  }
0x1ed: {  	v30 =	vmul.f32 v33, v4;
	v2 =	vmul.f32 v32, v3;
	[tilespmem:s5+$0x30] =	vst v0;
	v33 =	vadd.f32 v29, v28;
	v25 =	vld [tilespmem:s5+$0x1020]  }
0x1ee: {  	v27 =	vmul.f32 v27, v4;
	v28 =	vld [tilespmem:s5+$0x9020];
	v0 =	vadd.f32 v35, v34;
	v29 =	vmul.f32 v38, v3;
	[tilespmem:s5+$0x40] =	vst v1  }
0x1ef: {  	v37 =	vmul.f32 v40, v3;
	v32 =	vld [tilespmem:s5+$0x1030];
	v38 =	vmul.f32 v41, v4;
	v1 =	vadd.f32 v30, v2;
	[tilespmem:s5+$0x50] =	vst v33  }
0x1f0: {  	v40 =	vmul.f32 v42, v3;
	v41 =	vmul.f32 v43, v4;
	v34 =	vld [tilespmem:s5+$0x1040];
	[tilespmem:s5+$0x70] =	vst v0;
	v39 =	vadd.f32 v39, v29  }
0x1f1: {  	v43 =	vmul.f32 v44, v3;
	v44 =	vmul.f32 v45, v4;
	v35 =	vld [tilespmem:s5+$0x9040];
	v42 =	vadd.f32 v38, v37;
	[tilespmem:s5+$0x60] =	vst v1  }
0x1f2: {  	v11 =	vmul.f32 v11, v4;
	v33 =	vld [tilespmem:s5+$0x9030];
	v45 =	vadd.f32 v41, v40;
	v40 =	vmul.f32 v47, v4;
	[tilespmem:s5+$0x410] =	vst v39  }
0x1f3: {  	v41 =	vadd.f32 v44, v43;
	v43 =	vmul.f32 v49, v4;
	v37 =	vld [tilespmem:s5+$0x9050];
	[tilespmem:s5+$0x420] =	vst v42;
	v42 =	vmul.f32 v48, v3  }
0x1f4: {  	v38 =	vld [tilespmem:s5+$0x1060];
	[tilespmem:s5+$0x430] =	vst v45;
	v44 =	vadd.f32 v40, v46;
	v45 =	vmul.f32 v50, v3;
	v46 =	vmul.f32 v51, v4  }
0x1f5: {  	v49 =	vmul.f32 v53, v4;
	v29 =	vld [tilespmem:s5+$0x1420];
	[tilespmem:s5+$0x440] =	vst v41;
	v48 =	vmul.f32 v52, v3;
	v47 =	vadd.f32 v43, v42  }
0x1f6: {  	v39 =	vld [tilespmem:s5+$0x9060];
	v51 =	vmul.f32 v54, v3;
	v52 =	vmul.f32 v55, v4;
	[tilespmem:s5+$0x450] =	vst v44;
	v50 =	vadd.f32 v46, v45  }
0x1f7: {  	v40 =	vld [tilespmem:s5+$0x1070];
	v54 =	vmul.f32 v56, v3;
	v55 =	vmul.f32 v57, v4;
	v53 =	vadd.f32 v49, v48;
	[tilespmem:s5+$0x460] =	vst v47  }
0x1f8: {  	v7 =	vmul.f32 v7, v3;
	v30 =	vmul.f32 v10, v4;
	v41 =	vld [tilespmem:s5+$0x9070];
	v56 =	vadd.f32 v52, v51;
	[tilespmem:s5+$0x470] =	vst v50  }
0x1f9: {  	v57 =	vmul.f32 v58, v3;
	v58 =	vmul.f32 v59, v4;
	v42 =	vld [tilespmem:s5+$0x1400];
	v59 =	vadd.f32 v55, v54;
	[tilespmem:s5+$0x800] =	vst v53  }
0x1fa: {  	v48 =	vmul.f32 v60, v3;
	v49 =	vmul.f32 v61, v4;
	v43 =	vld [tilespmem:s5+$0x9400];
	v60 =	vadd.f32 v27, v26;
	[tilespmem:s5+$0x810] =	vst v56  }
0x1fb: {  	v51 =	vmul.f32 v62, v3;
	v52 =	vmul.f32 v63, v4;
	v44 =	vld [tilespmem:s5+$0x1410];
	v50 =	vadd.f32 v58, v57;
	[tilespmem:s5+$0x820] =	vst v59  }
0x1fc: {  	v54 =	vmul.f32 v5, v3;
	v55 =	vmul.f32 v6, v4;
	v6 =	vld [tilespmem:s5+$0x9410];
	v53 =	vadd.f32 v49, v48;
	[tilespmem:s5+$0x870] =	vst v60  }
0x1fd: {  	v62 =	vmul.f32 v16, v3;
	v63 =	vmul.f32 v17, v4;
	v16 =	vld [tilespmem:s5+$0x9430];
	v56 =	vadd.f32 v52, v51;
	[tilespmem:s5+$0x830] =	vst v50  }
0x1fe: {  	v17 =	vld [tilespmem:s5+$0x1440];
	v27 =	vmul.f32 v8, v3;
	v57 =	vadd.f32 v55, v54;
	v58 =	vmul.f32 v23, v3;
	[tilespmem:s5+$0x840] =	vst v53  }
0x1ff: {  	v8 =	vld [tilespmem:s5+$0x9440];
	v59 =	vmul.f32 v24, v4;
	v26 =	vadd.f32 v63, v62;
	v48 =	vmul.f32 v9, v4;
	[tilespmem:s5+$0x850] =	vst v56  }
0x200: {  	v45 =	vld [tilespmem:$0x1FFA0];
	v46 =	vadd.f32 v30, v27;
	v52 =	vmul.f32 v13, v3;
	[tilespmem:s5+$0x860] =	vst v57;
	v50 =	vmul.f32 v12, v4  }
0x201: {  	v23 =	vld [tilespmem:s5+$0x9420];
	v55 =	vmul.f32 v19, v3;
	v61 =	vadd.f32 v59, v58;
	[tilespmem:s5+$0xC20] =	vst v26;
	v53 =	vmul.f32 v18, v4  }
0x202: {  	v24 =	vld [tilespmem:s5+$0x1430];
	v62 =	vmul.f32 v33, v4;
	[tilespmem:s5+$0xC40] =	vst v46;
	v56 =	vmul.f32 v22, v4;
	v54 =	vadd.f32 v50, v7  }
0x203: {  	v47 =	vld [tilespmem:$0x1FFB0];
	v58 =	vmul.f32 v25, v3;
	v59 =	vmul.f32 v28, v4;
	[tilespmem:s5+$0xC00] =	vst v61;
	v57 =	vadd.f32 v53, v52  }
0x204: {  	v9 =	vld [tilespmem:s5+$0x9450];
	v25 =	vmul.f32 v34, v3;
	v26 =	vmul.f32 v35, v4;
	v60 =	vadd.f32 v56, v55;
	[tilespmem:s5+$0xC70] =	vst v54  }
0x205: {  	v13 =	vld [tilespmem:s5+$0x1470];
	v30 =	vmul.f32 v37, v4;
	v28 =	vmul.f32 v36, v3;
	v63 =	vadd.f32 v59, v58;
	[tilespmem:s5+$0x1000] =	vst v57  }
0x206: {  	v19 =	vld [tilespmem:s5+$0x9800];
	v35 =	vmul.f32 v40, v3;
	v36 =	vmul.f32 v41, v4;
	v31 =	vadd.f32 v26, v25;
	[tilespmem:s5+$0x1010] =	vst v60  }
0x207: {  	v37 =	vld [tilespmem:s5+$0x1820];
	v33 =	vmul.f32 v39, v4;
	v10 =	vmul.f32 v45, v3;
	v34 =	vadd.f32 v30, v28;
	[tilespmem:s5+$0x1020] =	vst v63  }
0x208: {  	v12 =	vld [tilespmem:s5+$0x9460];
	v39 =	vmul.f32 v42, v3;
	v40 =	vmul.f32 v43, v4;
	v42 =	vadd.f32 v36, v35;
	[tilespmem:s5+$0x1040] =	vst v31  }
0x209: {  	v18 =	vld [tilespmem:s5+$0x1800];
	v61 =	vmul.f32 v32, v3;
	v49 =	vadd.f32 v11, v10;
	[tilespmem:s5+$0x1050] =	vst v34  }
0x20a: {  	v41 =	vld [tilespmem:s5+$0x9820];
	v32 =	vmul.f32 v38, v3;
	v45 =	vadd.f32 v40, v39;
	[tilespmem:s5+$0x1070] =	vst v42  }
0x20b: {  	v43 =	vmul.f32 v44, v3;
	v44 =	vld [tilespmem:s5+$0x1830];
	v2 =	vmul.f32 v47, v3;
	v27 =	vadd.f32 v62, v61;
	[tilespmem:s5+$0xC50] =	vst v49  }
0x20c: {  	v46 =	vmul.f32 v29, v3;
	v6 =	vmul.f32 v6, v4;
	v55 =	vld [tilespmem:s5+$0x1850];
	v38 =	vadd.f32 v33, v32;
	[tilespmem:s5+$0x1400] =	vst v45  }
0x20d: {  	v59 =	vld [tilespmem:s5+$0x9850];
	v26 =	vmul.f32 v15, v4;
	v47 =	vmul.f32 v23, v4;
	v51 =	vadd.f32 v48, v2;
	[tilespmem:s5+$0x1030] =	vst v27  }
0x20e: {  	v35 =	vld [tilespmem:s5+$0x9870];
	v50 =	vmul.f32 v24, v3;
	v24 =	vmul.f32 v13, v3;
	v49 =	vadd.f32 v6, v43;
	[tilespmem:s5+$0x1060] =	vst v38  }
0x20f: {  	v53 =	vmul.f32 v17, v3;
	v11 =	vld [tilespmem:s5+$0x1460];
	v54 =	vmul.f32 v8, v4;
	v52 =	vadd.f32 v47, v46;
	[tilespmem:s5+$0xC60] =	vst v51  }
0x210: {  	v58 =	vmul.f32 v9, v4;
	v39 =	vld [tilespmem:s5+$0x9840];
	v57 =	vmul.f32 v14, v3;
	v32 =	vadd.f32 v26, v24;
	[tilespmem:s5+$0x1410] =	vst v49  }
0x211: {  	v63 =	vld [tilespmem:s5+$0x1860];
	v33 =	vmul.f32 v20, v3;
	v34 =	vmul.f32 v21, v4;
	v60 =	vadd.f32 v54, v53;
	[tilespmem:s5+$0x1420] =	vst v52  }
0x212: {  	v30 =	vmul.f32 v19, v4;
	v31 =	vld [tilespmem:s5+$0x1870];
	v29 =	vmul.f32 v18, v3;
	v17 =	vadd.f32 v58, v57;
	[tilespmem:s5+$0x1470] =	vst v32  }
0x213: {  	v37 =	vmul.f32 v37, v3;
	v48 =	vld [tilespmem:s5+$0x9830];
	v38 =	vmul.f32 v41, v4;
	v40 =	vadd.f32 v34, v33;
	[tilespmem:s5+$0x1440] =	vst v60  }
0x214: {  	v27 =	vld [tilespmem:s5+$0x9860];
	v41 =	vmul.f32 v44, v3;
	v51 =	vmul.f32 v16, v4;
	v36 =	vadd.f32 v30, v29;
	[tilespmem:s5+$0x1450] =	vst v17  }
0x215: {  	v16 =	vld [tilespmem:s5+$0x1840];
	v44 =	vmul.f32 v55, v3;
	v45 =	vmul.f32 v59, v4;
	v43 =	vadd.f32 v38, v37;
	[tilespmem:s5+$0x1810] =	vst v40  }
0x216: {  	v62 =	vmul.f32 v12, v4;
	v61 =	vmul.f32 v11, v3;
	v56 =	vadd.f32 v51, v50;
	[tilespmem:s5+$0x1800] =	vst v36  }
0x217: {  	v49 =	vadd.f32 v45, v44;
	v50 =	vmul.f32 v31, v3;
	v51 =	vmul.f32 v35, v4;
	[tilespmem:s5+$0x1820] =	vst v43  }
0x218: {  	v28 =	vadd.f32 v62, v61;
	v42 =	vmul.f32 v48, v4;
	[tilespmem:s5+$0x1430] =	vst v56  }
0x219: {  	v47 =	vmul.f32 v63, v3;
	v48 =	vmul.f32 v27, v4;
	[tilespmem:s5+$0x1850] =	vst v49;
	v55 =	vadd.f32 v51, v50  }
0x21a: {  	s21 =	sand.u32 $0x7, s18;
	v54 =	vmul.f32 v39, v4;
	[tilespmem:s5+$0x1460] =	vst v28;
	v46 =	vadd.f32 v42, v41;
	v53 =	vmul.f32 v16, v3  }
0x21b: {  	s6 =	sshll.u32 s21, $0x7;
	v52 =	vadd.f32 v48, v47;
	[tilespmem:s5+$0x1870] =	vst v55  }
0x21c: {  	s6 =	sadd.s32 s6, s17;
	[tilespmem:s5+$0x1830] =	vst v46;
	v56 =	vadd.f32 v54, v53  }
0x21d: {  	s21 =	sor.u32 $0x1C00, s6;
	[tilespmem:s5+$0x1860] =	vst v52  }
0x21e: {  	[tilespmem:s5+$0x1840] =	vst v56;
	v0 =	vld [tilespmem:s21+$0x0]  }
0x21f: {  	v1 =	vld [tilespmem:s21+$0x8000];
	_ =	sdelay $0x4  }
0x220: {  	v0 =	vmul.f32 v0, v3;
	v1 =	vmul.f32 v1, v4;
	_ =	sdelay $0x1  }
0x221: {  	v0 =	vadd.f32 v1, v0;
	_ =	sdelay $0x1  }
0x222: {  	[tilespmem:s21+$0x0] =	vst v0;
	s21 =	sor.u32 $0x1C10, s6  }
0x223: {  	v0 =	vld [tilespmem:s21+$0x0]  }
0x224: {  	v57 =	vld [tilespmem:s21+$0x8000];
	_ =	sdelay $0x4  }
0x225: {  	v0 =	vmul.f32 v0, v3;
	v1 =	vmul.f32 v57, v4;
	_ =	sdelay $0x1  }
0x226: {  	v0 =	vadd.f32 v1, v0;
	_ =	sdelay $0x1  }
0x227: {  	[tilespmem:s21+$0x0] =	vst v0;
	s21 =	sor.u32 $0x1C20, s6  }
0x228: {  	v0 =	vld [tilespmem:s21+$0x0]  }
0x229: {  	v58 =	vld [tilespmem:s21+$0x8000];
	_ =	sdelay $0x4  }
0x22a: {  	v0 =	vmul.f32 v0, v3;
	v1 =	vmul.f32 v58, v4;
	_ =	sdelay $0x1  }
0x22b: {  	v0 =	vadd.f32 v1, v0;
	_ =	sdelay $0x1  }
0x22c: {  	[tilespmem:s21+$0x0] =	vst v0;
	s21 =	sor.u32 $0x1C30, s6  }
0x22d: {  	v0 =	vld [tilespmem:s21+$0x0]  }
0x22e: {  	v59 =	vld [tilespmem:s21+$0x8000];
	_ =	sdelay $0x4  }
0x22f: {  	v0 =	vmul.f32 v0, v3;
	v1 =	vmul.f32 v59, v4;
	_ =	sdelay $0x1  }
0x230: {  	v0 =	vadd.f32 v1, v0;
	_ =	sdelay $0x1  }
0x231: {  	[tilespmem:s21+$0x0] =	vst v0;
	s21 =	sor.u32 $0x1C40, s6  }
0x232: {  	v0 =	vld [tilespmem:s21+$0x0]  }
0x233: {  	v60 =	vld [tilespmem:s21+$0x8000];
	_ =	sdelay $0x4  }
0x234: {  	v0 =	vmul.f32 v0, v3;
	v1 =	vmul.f32 v60, v4;
	_ =	sdelay $0x1  }
0x235: {  	v0 =	vadd.f32 v1, v0;
	_ =	sdelay $0x1  }
0x236: {  	[tilespmem:s21+$0x0] =	vst v0;
	s21 =	sor.u32 $0x1C50, s6  }
0x237: {  	v0 =	vld [tilespmem:s21+$0x0]  }
0x238: {  	v61 =	vld [tilespmem:s21+$0x8000];
	_ =	sdelay $0x4  }
0x239: {  	v0 =	vmul.f32 v0, v3;
	v1 =	vmul.f32 v61, v4;
	_ =	sdelay $0x1  }
0x23a: {  	v0 =	vadd.f32 v1, v0;
	_ =	sdelay $0x1  }
0x23b: {  	[tilespmem:s21+$0x0] =	vst v0;
	s21 =	sor.u32 $0x1C60, s6  }
0x23c: {  	v0 =	vld [tilespmem:s21+$0x0]  }
0x23d: {  	v62 =	vld [tilespmem:s21+$0x8000];
	_ =	sdelay $0x4  }
0x23e: {  	v0 =	vmul.f32 v0, v3;
	v1 =	vmul.f32 v62, v4;
	_ =	sdelay $0x1  }
0x23f: {  	v0 =	vadd.f32 v1, v0;
	_ =	sdelay $0x1  }
0x240: {  	[tilespmem:s21+$0x0] =	vst v0;
	s21 =	sor.u32 $0x1C70, s6  }
0x241: {  	v0 =	vld [tilespmem:s21+$0x0]  }
0x242: {  	v63 =	vld [tilespmem:s21+$0x8000];
	_ =	sdelay $0x3  }
0x243: {  	p0 =	sne.s32 s20, $0x1F  }
.Ltmp1:
0x244: {  	v0 =	vmul.f32 v0, v3;
	v1 =	vmul.f32 v63, v4;
	(pc) =	sbr.rel @p0 .LBB2_4-.Ltmp1, $4  }
0x245: {  	_ = 	snop  }
0x246: {  	v0 =	vadd.f32 v1, v0  }
0x247: {  	s4 =	sadd.s32 $0x80, s4  }
0x248: {  	s20 =	sadd.s32 $0x1, s20;
	s18 =	sadd.s32 $0x1, s18;
	s17 =	sadd.s32 $0x400, s17;
	[tilespmem:s21+$0x0] =	vst v0  }
0x249: {  	s4 =	rddreg [dreg:$0xc]  }
0x24a: {  	[hbm4b:s4+s1] =	stream.linear.scatter [tilespmem:s1], [sflag:$0x3], $0x8000, $0x38;
	[tilespmem:$0x10200] =	vst v63  }
0x24b: {  	_ =	swait.ge [sflag:s19], $0x8000  }
0x24c: {  	s16 =	sadd.s32 $0x1, s16;
	s21 =	rddreg [dreg:$0xd]  }
0x24d: {  	p0 =	sne.s32 s16, s21  }
.Ltmp2:
0x24e: {  	_ = 	snop;
	(pc) =	sbr.rel @p0 .LBB2_1-.Ltmp2, $3  }
0x24f: {  	_ =	sdelay $0x1  }
0x250: {  	[sflag:s19] =	ssyncset.done $0x0  }
0x251: {  	[sflag:s19] =	ssyncadd.s32 $0xFFFF8000  }
0x252: {  	_ =	sfence.sel $0x180000  }
0x253: {  	[bflag:$0x0] =	sbarrier.arrive $0xFFFF  }
0x254: {  	_ =	strace $0x9000004A  }
0x255: {  	s0 =	stileid.u32;
	[bflag:$0x2] =	sbarrier.arrive $0xFFFF  }
0x256: {  	p0 =	sne.s32 s0, $0x0;
	s0 =	rddreg [dreg:$0x2]  }
0x257: {  	s0 =	sadd.s32 @!p0 $0x100000, s0  }
0x258: {  	[sflag:s0] =	ssyncadd.tile.s32 @!p0 $0x1;
	_ =	shalt  }
.Lfunc_end2:
_tile_overlayer_lowered:
.L_overlay_start_2:
0x259: {  	(tag) =	ssettag $0x2  }
0x25a: {  	s0 =	rddreg [dreg:$0x0];
	s2 =	stileid.u32  }
0x25b: {  	s1 =	rddreg [dreg:$0x1];
	p0 =	sne.s32 s2, $0x0  }
0x25c: {  	s3 =	rddreg [dreg:$0x2];
	[bflag:$0x3] =	sbarrier.arrive $0xFFFF;
	s2 =	simm.s32 @!p0 $0x1C03  }
0x25d: {  	[timem:s3], [sflag:s2] =	dma.local @!p0 [hbm:s0], s1  }
0x25e: {  	s0 =	simm.s32 @!p0 $0x3  }
0x25f: {  	_ =	swait.ge @!p0 [sflag:s0], s1  }
0x260: {  	s1 =	ssub.s32 @!p0 $0x0, s1;
	[sflag:s0] =	ssyncset.done @!p0 $0x0  }
0x261: {  	[sflag:s0] =	ssyncadd.s32 @!p0 s1  }
0x262: {  	[bflag:$0x3] =	sbarrier.arrive $0xFFFF  }
0x263: {  	_ =	shalt  }

// kernel: kernel.7.cloned.1.call-start
scs
__scs_entry_jumppad:
0x0: {  	(pc) =	sbr.rel $0x88, $3  }
0x1: {  	(tag) =	ssettag $0x0;
	lr =	simm.s32 $0x1  }
0x2: {  	[smem:$0x3F99] =	sst lr;
	_ =	strace $0xD0000000  }
0x3: {  	_ = 	snop  }
0x4: {  	_ = 	snop  }
0x5: {  	_ = 	snop  }
0x6: {  	_ = 	snop  }
0x7: {  	_ = 	snop  }
__scs_overlays_trampoline_lowered:
0x8: {  	[smem:$0x3FA8] =	sst s0  }
0x9: {  	[smem:$0x3FA9] =	sst s1  }
0xa: {  	[smem:$0x3FAA] =	sst s2  }
0xb: {  	[smem:$0x3FAB] =	sst s3  }
0xc: {  	[smem:$0x3FAC] =	sst s4  }
0xd: {  	[smem:$0x3FAD] =	sst s5  }
0xe: {  	[smem:$0x3FAE] =	sst s6  }
0xf: {  	[smem:$0x3FAF] =	sst s7  }
0x10: {  	[smem:$0x3FB0] =	sst s8  }
0x11: {  	[smem:$0x3FB1] =	sst s9;
	s0 =	simm.s32 @!p0 $0x0  }
0x12: {  	s1 =	sld [smem:$0x3F97];
	s0 =	simm.s32 @p0 $0x1  }
0x13: {  	[smem:$0x3FB2] =	sst s0;
	s0 =	simm.s32 @!p1 $0x0  }
0x14: {  	s2 =	sld [smem:$0x3F96];
	s0 =	simm.s32 @p1 $0x1  }
0x15: {  	[smem:$0x3FB3] =	sst s0;
	s0 =	simm.s32 @!p2 $0x0  }
0x16: {  	s3 =	sld [smem:$0x3FDB];
	s0 =	simm.s32 @p2 $0x1  }
0x17: {  	s4 =	simm.s32 $0x1BF5;
	[smem:$0x3FB5] =	sst s0  }
0x18: {  	s0 =	sld [smem:$0x3F98];
	_ =	swait.ge [sflag:s4], $0x0  }
0x19: {  	s7 =	sld [smem:$0x3F99]  }
0x1a: {  	s8 =	sadd.s32 $0xFFFFE003, lr  }
0x1b: {  	s9 =	sadd.s32 $0xFFFFFEF7, lr;
	s5 =	simm.s32 $0xFFFFFFFF;
	p2 =	slt.u32 s8, $0xFFFFF086  }
0x1c: {  	p1 =	slt.u32 s9, $0xF7A;
	s5 =	simm.s32 @!p2 $0x0  }
0x1d: {  	s5 =	simm.s32 @p1 $0x1;
	p0 =	seq.s32 s7, s2  }
0x1e: {  	s7 =	smul.u32 @!p0 $0xF7A, s2;
	p2 =	seq.s32 @!p0 s5, $0x0  }
0x1f: {  	s9 =	smul.u32 $0xF7A, s1;
	s8 =	simm.s32 @!p0 $0x1BF5;
	p2 =	por !p2, p0  }
0x20: {  	[sflag:s8] =	ssyncset.s32 @!p0 $0xFFFFF086;
	s6 =	sadd.s32 @!p0 s3, s7;
	s7 =	simm.s32 @!p0 $0x108  }
0x21: {  	s3 =	sadd.s32 s3, s9;
	s6 =	sadd.s32 @!p0 $0x88, s6;
	s7 =	simm.s32 @p2 $0x1082  }
0x22: {  	[simem:s7], [sflag:s8] =	dma.local @!p0 [hbm:s6], $0xF7A  }
0x23: {  	s9 =	sor.u32 $0xD0000000, s2;
	s6 =	simm.s32 $0x108;
	_ =	swait.ge @!p0 [sflag:s8], $0x0  }
0x24: {  	s3 =	sadd.s32 $0x88, s3;
	s6 =	simm.s32 @!p1 $0x1082;
	[sflag:s4] =	ssyncset.s32 $0xFFFFF086  }
0x25: {  	[simem:s6], [sflag:s4] =	dma.local [hbm:s3], $0xF7A  }
0x26: {  	[smem:$0x3F99] =	sst s1;
	(tag) =	ssettag s2;
	_ =	strace s9  }
0x27: {  	s1 =	sld [smem:$0x3FA9]  }
0x28: {  	s2 =	sld [smem:$0x3FAA]  }
0x29: {  	s4 =	sld [smem:$0x3FAC]  }
0x2a: {  	p0 =	seq.s32 s5, $0x0;
	s5 =	sld [smem:$0x3FAD]  }
0x2b: {  	s6 =	sld [smem:$0x3FAE]  }
0x2c: {  	s7 =	sld [smem:$0x3FAF]  }
0x2d: {  	s3 =	simm.s32 $0x108;
	s8 =	sld [smem:$0x3FB0]  }
0x2e: {  	s3 =	simm.s32 @!p0 $0x1082;
	s9 =	sld [smem:$0x3FB1]  }
0x2f: {  	lr =	sadd.s32 s0, s3;
	s0 =	sld [smem:$0x3FA8]  }
0x30: {  	s3 =	sld [smem:$0x3FAB]  }
0x31: {  	[smem:$0x3FB4] =	sst s10  }
0x32: {  	s10 =	sld [smem:$0x3FB2];
	_ =	sdelay $0x3  }
0x33: {  	p0 =	seq.s32 s10, $0x1;
	s10 =	sld [smem:$0x3FB4];
	_ =	sdelay $0x3  }
0x34: {  	[smem:$0x3FB4] =	sst s10  }
0x35: {  	s10 =	sld [smem:$0x3FB3];
	_ =	sdelay $0x3  }
0x36: {  	p1 =	seq.s32 s10, $0x1;
	s10 =	sld [smem:$0x3FB4];
	_ =	sdelay $0x3  }
0x37: {  	[smem:$0x3FB4] =	sst s10  }
0x38: {  	s10 =	sld [smem:$0x3FB5]  }
0x39: {  	_ = 	snop;
	(pc) =	sbr.ind lr, $3  }
0x3a: {  	_ = 	snop  }
0x3b: {  	_ = 	snop  }
0x3c: {  	p2 =	seq.s32 s10, $0x1;
	s10 =	sld [smem:$0x3FB4]  }
0x3d: {  	_ =	shalt  }
0x3e: {  	_ =	shalt  }
0x3f: {  	_ =	shalt  }
0x40: {  	_ =	shalt  }
0x41: {  	_ =	shalt  }
0x42: {  	_ =	shalt  }
0x43: {  	_ =	shalt  }
0x44: {  	_ =	shalt  }
0x45: {  	_ =	shalt  }
0x46: {  	_ =	shalt  }
0x47: {  	_ =	shalt  }
0x48: {  	_ =	shalt  }
0x49: {  	_ =	shalt  }
0x4a: {  	_ =	shalt  }
0x4b: {  	_ =	shalt  }
0x4c: {  	_ =	shalt  }
0x4d: {  	_ =	shalt  }
0x4e: {  	_ =	shalt  }
0x4f: {  	_ =	shalt  }
0x50: {  	_ =	shalt  }
0x51: {  	_ =	shalt  }
0x52: {  	_ =	shalt  }
0x53: {  	_ =	shalt  }
0x54: {  	_ =	shalt  }
0x55: {  	_ =	shalt  }
0x56: {  	_ =	shalt  }
0x57: {  	_ =	shalt  }
0x58: {  	_ =	shalt  }
0x59: {  	_ =	shalt  }
0x5a: {  	_ =	shalt  }
0x5b: {  	_ =	shalt  }
0x5c: {  	_ =	shalt  }
0x5d: {  	_ =	shalt  }
0x5e: {  	_ =	shalt  }
0x5f: {  	_ =	shalt  }
0x60: {  	_ =	shalt  }
0x61: {  	_ =	shalt  }
0x62: {  	_ =	shalt  }
0x63: {  	_ =	shalt  }
0x64: {  	_ =	shalt  }
0x65: {  	_ =	shalt  }
0x66: {  	_ =	shalt  }
0x67: {  	_ =	shalt  }
0x68: {  	_ =	shalt  }
0x69: {  	_ =	shalt  }
0x6a: {  	_ =	shalt  }
0x6b: {  	_ =	shalt  }
0x6c: {  	_ =	shalt  }
0x6d: {  	_ =	shalt  }
0x6e: {  	_ =	shalt  }
0x6f: {  	_ =	shalt  }
0x70: {  	_ =	shalt  }
0x71: {  	_ =	shalt  }
0x72: {  	_ =	shalt  }
0x73: {  	_ =	shalt  }
0x74: {  	_ =	shalt  }
0x75: {  	_ =	shalt  }
0x76: {  	_ =	shalt  }
0x77: {  	_ =	shalt  }
0x78: {  	_ =	shalt  }
0x79: {  	_ =	shalt  }
0x7a: {  	_ =	shalt  }
0x7b: {  	_ =	shalt  }
0x7c: {  	_ =	shalt  }
0x7d: {  	_ =	shalt  }
0x7e: {  	_ =	shalt  }
0x7f: {  	_ =	shalt  }
0x80: {  	_ =	shalt  }
0x81: {  	_ =	shalt  }
0x82: {  	_ =	shalt  }
0x83: {  	_ =	shalt  }
0x84: {  	_ =	shalt  }
0x85: {  	_ =	shalt  }
0x86: {  	_ =	shalt  }
0x87: {  	_ =	shalt  }
.Lfunc_end0:
.L_simem_size_0:
called_computation_lowered:
.L_overlay_start_0:
0x88: {  	s2 =	sld [smem:$0x3FD9]  }
0x89: {  	s3 =	sld [smem:$0x3FFE];
	_ =	sdelay $0x1  }
0x8a: {  	s1 =	srdreg.scid  }
0x8b: {  	s0 =	sand.u32 $0x1, s1  }
0x8c: {  	s17 =	sshll.u32 s0, $0xA;
	s2 =	sadd.s32 s3, s2  }
0x8d: {  	s2 =	sadd.s32 s2, s17  }
0x8e: {  	[smem:$0x3FC0] =	sst s2  }
0x8f: {  	_ = 	snop  }
0x90: {  	s2 =	sld [smem:$0x3FC9]  }
0x91: {  	s18 =	sld [smem:$0x3FD0];
	(tm) =	ssettm $0x1  }
0x92: {  	s4 =	sld [smem:$0x3FFB];
	_ =	sdelay $0x3  }
0x93: {  	_ =	strace s4  }
0x94: {  	s4 =	sld [smem:$0x3FFC];
	_ =	sdelay $0x3  }
0x95: {  	_ =	strace s4  }
0x96: {  	s4 =	sld [smem:$0x3FFD];
	_ =	sdelay $0x3  }
0x97: {  	_ =	strace s4  }
0x98: {  	_ =	strace $0x8FFFFFFF  }
0x99: {  	s19 =	sld [smem:$0x3FDB];
	_ =	sdelay $0x1  }
0x9a: {  	s5 =	simm.s32 $_scs_section_size  }
0x9b: {  	s6 =	simm.s32 $_size__tile_overlayer_lowered;
	s7 =	simm.s32 $_tile_overlayer_lowered  }
0x9c: {  	s22 =	simm.s32 $0x1BFF;
	s21 =	sshll.u32 s7, $0x1;
	s4 =	sadd.s32 s5, s19  }
0x9d: {  	s8 =	simm.s32 $0x0;
	s20 =	sshll.u32 s6, $0x1;
	s6 =	sadd.s32 s21, s4  }
0x9e: {  	[timem:s8], [sflag:s22] =	dma.local [hbm:s6], s20  }
0x9f: {  	_ =	swait.ge [sflag:s22], s20  }
0xa0: {  	s5 =	ssub.s32 $0x0, s20;
	[sflag:s22] =	ssyncset.done $0x0  }
0xa1: {  	[sflag:s22] =	ssyncadd.s32 s5;
	_ =	sdelay $0x1  }
0xa2: {  	s23 =	simm.s32 $0x1B8B  }
0xa3: {  	_ =	swait.ge [sflag:s23], $0x1  }
0xa4: {  	[sflag:s23] =	ssyncset.done $0x0  }
0xa5: {  	s25 =	simm.s32 $0x1B8E;
	s24 =	sld [smem:$0x3FFE];
	[sflag:s23] =	ssyncadd.s32 $0xFFFFFFFF  }
0xa6: {  	s26 =	simm.s32 $execute0_lowered;
	[smem:$0x3FD2] =	sst s25  }
0xa7: {  	s6 =	sshll.u32 s26, $0x1;
	_ =	strace $0x80000046;
	[dreg:$0x1] =	wrdreg $0xFFFFFFFF  }
0xa8: {  	s28 =	simm.s32 $_size_execute0_lowered;
	s4 =	sadd.s32 s4, s6;
	[dreg:$0x0] =	wrdreg $0x0  }
0xa9: {  	s6 =	sshll.u32 s28, $0x1;
	[dreg:$0x2] =	wrdreg s4  }
0xaa: {  	[dreg:$0x3] =	wrdreg s6  }
0xab: {  	[dreg:$0x4] =	wrdreg $0xC0  }
0xac: {  	_ =	task [dreg:s8], $0x5FFFF  }
0xad: {  	[dreg:$0x1] =	wrdreg $0xFFFFFFFF  }
0xae: {  	[dreg:$0x0] =	wrdreg $0x60  }
0xaf: {  	[dreg:$0x2] =	wrdreg s2  }
0xb0: {  	[dreg:$0x3] =	wrdreg s18  }
0xb1: {  	[dreg:$0x4] =	wrdreg s24  }
0xb2: {  	[dreg:$0x5] =	wrdreg $0x9  }
0xb3: {  	_ =	task.clear_ibuf [dreg:s8], $0x6FFFF;
	_ =	strace $0x90000046  }
0xb4: {  	s29 =	simm.s32 $0x9;
	_ =	strace $0x80000048  }
0xb5: {  	_ =	swait.ge [sflag:s29], $0x1  }
0xb6: {  	[sflag:s29] =	ssyncadd.s32 $0xFFFFFFFF  }
0xb7: {  	_ =	strace $0x90000048  }
0xb8: {  	_ =	sfence  }
0xb9: {  	s30 =	sld [smem:$0x0];
	_ =	sdelay $0x2  }
0xba: {  	s31 =	sshll.u32 s1, $0xD;
	s1 =	sshrl.u32 s1, $0x2  }
0xbb: {  	s3 =	sand.u32 $0x4000, s31;
	s1 =	sadd.s32 s1, s30  }
0xbc: {  	s0 =	sor.u32 s3, s0;
	s1 =	sshll.u32 s1, $0x11  }
0xbd: {  	s0 =	sor.u32 s1, s0  }
0xbe: {  	s0 =	sadd.s32 $0x8F2B, s0  }
0xbf: {  	[sflag:s0] =	ssyncadd.remote.s32 $0x1  }
0xc0: {  	_ =	sfence.sel $0xFFFF  }
0xc1: {  	[dreg:$0x0] =	wrdreg $0xFFFFFFFF;
	(pc) =	sbr.abs _section_cstart, $3  }
0xc2: {  	[dreg:$0x1] =	wrdreg $0xFFFFFFFF  }
0xc3: {  	_ =	task.clear_ibuf [dreg:s8], $0x2FFFF;
	_ =	strace $0x9FFFFFFF  }
0xc4: {  	(tm) =	ssettm $0x7FFFFFFF  }
0xc5: {  	_ =	shalt  }
tec
execute0_lowered:
.L_overlay_start_1:
0x0: {  	(tag) =	ssettag $0x1  }
0x1: {  	s0 =	rddreg [dreg:$0x0]  }
0x2: {  	s1 =	rddreg [dreg:$0x1];
	s2 =	srdreg.scid  }
0x3: {  	s4 =	stileid.u32;
	s6 =	rddreg [dreg:$0x2];
	s25 =	simm.s32 $0x10000  }
0x4: {  	s26 =	simm.s32 $0x10080;
	s28 =	simm.s32 $0x4800;
	s29 =	simm.s32 $0x5000  }
0x5: {  	s30 =	simm.s32 $0x5800;
	s31 =	simm.s32 $0x6000;
	s10 =	simm.s32 $0x7800  }
0x6: {  	s11 =	simm.s32 $0x8000;
	s12 =	simm.s32 $0x8800;
	s13 =	simm.s32 $0x9000  }
0x7: {  	s14 =	simm.s32 $0x9800;
	s15 =	simm.s32 $0xA000;
	s16 =	simm.s32 $0xA800  }
0x8: {  	s17 =	simm.s32 $0xB000;
	s18 =	simm.s32 $0xB800;
	s9 =	simm.s32 $0xC800  }
0x9: {  	s3 =	sand.u32 $0x1, s2;
	s4 =	sshll.u32 s4, $0x1;
	s2 =	simm.s32 $0x0  }
0xa: {  	s4 =	sor.u32 s3, s4;
	[smem:$0x7FF] =	sst s2;
	s21 =	ssub.s32 $0x2, s3  }
0xb: {  	s3 =	sadd.s32 $0x1200, s6;
	s5 =	sshll.u32 s4, $0x4;
	s4 =	sshll.u32 s4, $0xD  }
0xc: {  	_ =	strace $0x80000047;
	s23 =	sshrl.u32 s21, $0x1;
	[dreg:$0x7] =	wrdreg s25  }
0xd: {  	[dreg:$0x8] =	wrdreg s26;
	s25 =	simm.s32 $0x3800;
	s26 =	simm.s32 $0x4000  }
0xe: {  	s7 =	sadd.s32 s5, s6;
	s0 =	sadd.s32 s0, s4;
	s22 =	sadd.s32 s1, s5  }
0xf: {  	s1 =	ssub.s32 s21, s23;
	s4 =	sadd.s32 $0x1300, s6;
	s5 =	sadd.s32 $0x1400, s6  }
0x10: {  	v2 =	vlaneseq.u32;
	s6 =	sadd.s32 $0x1500, s6;
	s23 =	simm.s32 $0x2800;
	[dreg:$0x4] =	wrdreg s0  }
0x11: {  	vm0 =	vmmov $0xffff;
	v1 =	vshrl.u32 v2, $0x3;
	[dreg:$0x5] =	wrdreg s22;
	s24 =	sadd.s32 $0x1000, s7;
	s7 =	smax.u32 s1, $0x1  }
0x12: {  	v0 =	vand.u32 $0x7, v2;
	v2 =	vor.u32 $0x8, v2;
	v1 =	vmul.u32 $0x8, v1;
	s22 =	simm.s32 $0x2000;
	[dreg:$0x6] =	wrdreg s24;
	s24 =	simm.s32 $0x3000  }
.LBB2_1:
0x13: {  	s19 =	rddreg [dreg:$0x4]  }
0x14: {  	s20 =	rddreg [dreg:$0x5]  }
0x15: {  	[tilespmem:s2], [sflag:$0x1] =	stream.linear.gather [hbm4b:s19+s2], $0x10000, $0x38;
	[tilespmem:$0x10100] =	vst v63  }
0x16: {  	s21 =	rddreg [dreg:$0x7];
	s0 =	simm.s32 $0x3  }
0x17: {  	[tilespmem:s21], [sflag:$0x3] =	stream.linear.gather [hbm4b:s20+s2], $0x80, $0x38;
	[tilespmem:$0x10100] =	vst v63  }
0x18: {  	_ =	swait.ge [sflag:s0], $0x80  }
0x19: {  	s1 =	rddreg [dreg:$0x6];
	[sflag:s0] =	ssyncset.done $0x0  }
0x1a: {  	s8 =	rddreg [dreg:$0x8];
	[sflag:s0] =	ssyncadd.s32 $0xFFFFFF80  }
0x1b: {  	[tilespmem:s8], [sflag:$0x3] =	stream.linear.gather [hbm4b:s1+s2], $0x80, $0x38;
	[tilespmem:$0x10100] =	vst v63  }
0x1c: {  	_ =	swait.ge [sflag:s0], $0x80  }
0x1d: {  	[sflag:s0] =	ssyncset.done $0x0  }
0x1e: {  	[sflag:s0] =	ssyncadd.s32 $0xFFFFFF80;
	s0 =	simm.s32 $0x1  }
0x1f: {  	_ =	swait.ge [sflag:s0], $0x10000  }
0x20: {  	[sflag:s0] =	ssyncset.done $0x0  }
0x21: {  	[sflag:s0] =	ssyncadd.s32 $0xFFFF0000  }
0x22: {  	v3 =	vld [tilespmem:$0x10000];
	_ =	sdelay $0x4  }
0x23: {  	v4 =	vshll.u32 v3, $0x3  }
0x24: {  	v3 =	vand.u32 $0x7, v3;
	v4 =	vand.u32 $0xFFFFFFC0, v4  }
0x25: {  	v3 =	vor.u32 v3, v4  }
0x26: {  	v4 =	vperm.xlane v3, v0;
	_ =	sdelay $0x1  }
0x27: {  	v4 =	vadd.s32 v1, v4;
	_ =	sdelay $0x4  }
0x28: {  	[hbm4b:s3+s2] =	stream.indirect_vreg.scatter [tilespmem:s2], [sflag:$0x1], $0x80, v4, vm0, $0xb8;
	[tilespmem:$0x10100] =	vst v63  }
0x29: {  	s19 =	simm.s32 $0x800;
	v3 =	vperm.xlane v3, v2  }
0x2a: {  	[hbm4b:s4+s2] =	stream.indirect_vreg.scatter [tilespmem:s19], [sflag:$0x1], $0x80, v4, vm0, $0xb8;
	[tilespmem:$0x10100] =	vst v63  }
0x2b: {  	s20 =	simm.s32 $0x1000;
	v3 =	vadd.s32 v1, v3  }
0x2c: {  	[hbm4b:s5+s2] =	stream.indirect_vreg.scatter [tilespmem:s20], [sflag:$0x1], $0x80, v4, vm0, $0xb8;
	[tilespmem:$0x10100] =	vst v63  }
0x2d: {  	s21 =	simm.s32 $0x1800  }
0x2e: {  	[hbm4b:s6+s2] =	stream.indirect_vreg.scatter [tilespmem:s21], [sflag:$0x1], $0x80, v4, vm0, $0xb8;
	[tilespmem:$0x10100] =	vst v63  }
0x2f: {  	_ = 	snop  }
0x30: {  	[hbm4b:s3+s2] =	stream.indirect_vreg.scatter [tilespmem:s22], [sflag:$0x1], $0x80, v3, vm0, $0xb8;
	[tilespmem:$0x10100] =	vst v63  }
0x31: {  	_ = 	snop  }
0x32: {  	[hbm4b:s4+s2] =	stream.indirect_vreg.scatter [tilespmem:s23], [sflag:$0x1], $0x80, v3, vm0, $0xb8;
	[tilespmem:$0x10100] =	vst v63  }
0x33: {  	_ = 	snop  }
0x34: {  	[hbm4b:s5+s2] =	stream.indirect_vreg.scatter [tilespmem:s24], [sflag:$0x1], $0x80, v3, vm0, $0xb8;
	[tilespmem:$0x10100] =	vst v63  }
0x35: {  	_ = 	snop  }
0x36: {  	[hbm4b:s6+s2] =	stream.indirect_vreg.scatter [tilespmem:s25], [sflag:$0x1], $0x80, v3, vm0, $0xb8;
	[tilespmem:$0x10100] =	vst v63  }
0x37: {  	v3 =	vld [tilespmem:$0x10010];
	_ =	sdelay $0x4  }
0x38: {  	v57 =	vshll.u32 v3, $0x3  }
0x39: {  	v3 =	vand.u32 $0x7, v3;
	v4 =	vand.u32 $0xFFFFFFC0, v57  }
0x3a: {  	v3 =	vor.u32 v3, v4  }
0x3b: {  	v4 =	vperm.xlane v3, v0;
	_ =	sdelay $0x1  }
0x3c: {  	v4 =	vadd.s32 v1, v4;
	_ =	sdelay $0x4  }
0x3d: {  	[hbm4b:s3+s2] =	stream.indirect_vreg.scatter [tilespmem:s26], [sflag:$0x1], $0x80, v4, vm0, $0xb8;
	[tilespmem:$0x10100] =	vst v63  }
0x3e: {  	v3 =	vperm.xlane v3, v2  }
0x3f: {  	[hbm4b:s4+s2] =	stream.indirect_vreg.scatter [tilespmem:s28], [sflag:$0x1], $0x80, v4, vm0, $0xb8;
	[tilespmem:$0x10100] =	vst v63  }
0x40: {  	v3 =	vadd.s32 v1, v3  }
0x41: {  	[hbm4b:s5+s2] =	stream.indirect_vreg.scatter [tilespmem:s29], [sflag:$0x1], $0x80, v4, vm0, $0xb8;
	[tilespmem:$0x10100] =	vst v63  }
0x42: {  	_ = 	snop  }
0x43: {  	[hbm4b:s6+s2] =	stream.indirect_vreg.scatter [tilespmem:s30], [sflag:$0x1], $0x80, v4, vm0, $0xb8;
	[tilespmem:$0x10100] =	vst v63  }
0x44: {  	_ = 	snop  }
0x45: {  	[hbm4b:s3+s2] =	stream.indirect_vreg.scatter [tilespmem:s31], [sflag:$0x1], $0x80, v3, vm0, $0xb8;
	[tilespmem:$0x10100] =	vst v63  }
0x46: {  	s1 =	simm.s32 $0x6800  }
0x47: {  	[hbm4b:s4+s2] =	stream.indirect_vreg.scatter [tilespmem:s1], [sflag:$0x1], $0x80, v3, vm0, $0xb8;
	[tilespmem:$0x10100] =	vst v63  }
0x48: {  	s8 =	simm.s32 $0x7000  }
0x49: {  	[hbm4b:s5+s2] =	stream.indirect_vreg.scatter [tilespmem:s8], [sflag:$0x1], $0x80, v3, vm0, $0xb8;
	[tilespmem:$0x10100] =	vst v63  }
0x4a: {  	_ = 	snop  }
0x4b: {  	[hbm4b:s6+s2] =	stream.indirect_vreg.scatter [tilespmem:s10], [sflag:$0x1], $0x80, v3, vm0, $0xb8;
	[tilespmem:$0x10100] =	vst v63  }
0x4c: {  	v3 =	vld [tilespmem:$0x10020];
	_ =	sdelay $0x4  }
0x4d: {  	v58 =	vshll.u32 v3, $0x3  }
0x4e: {  	v3 =	vand.u32 $0x7, v3;
	v4 =	vand.u32 $0xFFFFFFC0, v58  }
0x4f: {  	v3 =	vor.u32 v3, v4  }
0x50: {  	v4 =	vperm.xlane v3, v0;
	_ =	sdelay $0x1  }
0x51: {  	v4 =	vadd.s32 v1, v4;
	_ =	sdelay $0x4  }
0x52: {  	[hbm4b:s3+s2] =	stream.indirect_vreg.scatter [tilespmem:s11], [sflag:$0x1], $0x80, v4, vm0, $0xb8;
	[tilespmem:$0x10100] =	vst v63  }
0x53: {  	v3 =	vperm.xlane v3, v2  }
0x54: {  	[hbm4b:s4+s2] =	stream.indirect_vreg.scatter [tilespmem:s12], [sflag:$0x1], $0x80, v4, vm0, $0xb8;
	[tilespmem:$0x10100] =	vst v63  }
0x55: {  	v3 =	vadd.s32 v1, v3  }
0x56: {  	[hbm4b:s5+s2] =	stream.indirect_vreg.scatter [tilespmem:s13], [sflag:$0x1], $0x80, v4, vm0, $0xb8;
	[tilespmem:$0x10100] =	vst v63  }
0x57: {  	_ = 	snop  }
0x58: {  	[hbm4b:s6+s2] =	stream.indirect_vreg.scatter [tilespmem:s14], [sflag:$0x1], $0x80, v4, vm0, $0xb8;
	[tilespmem:$0x10100] =	vst v63  }
0x59: {  	_ = 	snop  }
0x5a: {  	[hbm4b:s3+s2] =	stream.indirect_vreg.scatter [tilespmem:s15], [sflag:$0x1], $0x80, v3, vm0, $0xb8;
	[tilespmem:$0x10100] =	vst v63  }
0x5b: {  	_ = 	snop  }
0x5c: {  	[hbm4b:s4+s2] =	stream.indirect_vreg.scatter [tilespmem:s16], [sflag:$0x1], $0x80, v3, vm0, $0xb8;
	[tilespmem:$0x10100] =	vst v63  }
0x5d: {  	_ = 	snop  }
0x5e: {  	[hbm4b:s5+s2] =	stream.indirect_vreg.scatter [tilespmem:s17], [sflag:$0x1], $0x80, v3, vm0, $0xb8;
	[tilespmem:$0x10100] =	vst v63  }
0x5f: {  	_ = 	snop  }
0x60: {  	[hbm4b:s6+s2] =	stream.indirect_vreg.scatter [tilespmem:s18], [sflag:$0x1], $0x80, v3, vm0, $0xb8;
	[tilespmem:$0x10100] =	vst v63  }
0x61: {  	v3 =	vld [tilespmem:$0x10030];
	_ =	sdelay $0x4  }
0x62: {  	v59 =	vshll.u32 v3, $0x3  }
0x63: {  	v3 =	vand.u32 $0x7, v3;
	v4 =	vand.u32 $0xFFFFFFC0, v59  }
0x64: {  	v3 =	vor.u32 v3, v4  }
0x65: {  	v4 =	vperm.xlane v3, v0;
	_ =	sdelay $0x1  }
0x66: {  	v4 =	vadd.s32 v1, v4;
	_ =	sdelay $0x3  }
0x67: {  	s8 =	simm.s32 $0xC000  }
0x68: {  	[hbm4b:s3+s2] =	stream.indirect_vreg.scatter [tilespmem:s8], [sflag:$0x1], $0x80, v4, vm0, $0xb8;
	[tilespmem:$0x10100] =	vst v63  }
0x69: {  	v3 =	vperm.xlane v3, v2  }
0x6a: {  	[hbm4b:s4+s2] =	stream.indirect_vreg.scatter [tilespmem:s9], [sflag:$0x1], $0x80, v4, vm0, $0xb8;
	[tilespmem:$0x10100] =	vst v63  }
0x6b: {  	s1 =	simm.s32 $0xD000;
	v3 =	vadd.s32 v1, v3  }
0x6c: {  	[hbm4b:s5+s2] =	stream.indirect_vreg.scatter [tilespmem:s1], [sflag:$0x1], $0x80, v4, vm0, $0xb8;
	[tilespmem:$0x10100] =	vst v63  }
0x6d: {  	s1 =	simm.s32 $0xD800  }
0x6e: {  	[hbm4b:s6+s2] =	stream.indirect_vreg.scatter [tilespmem:s1], [sflag:$0x1], $0x80, v4, vm0, $0xb8;
	[tilespmem:$0x10100] =	vst v63  }
0x6f: {  	s1 =	simm.s32 $0xE000  }
0x70: {  	[hbm4b:s3+s2] =	stream.indirect_vreg.scatter [tilespmem:s1], [sflag:$0x1], $0x80, v3, vm0, $0xb8;
	[tilespmem:$0x10100] =	vst v63  }
0x71: {  	s1 =	simm.s32 $0xE800  }
0x72: {  	[hbm4b:s4+s2] =	stream.indirect_vreg.scatter [tilespmem:s1], [sflag:$0x1], $0x80, v3, vm0, $0xb8;
	[tilespmem:$0x10100] =	vst v63  }
0x73: {  	s1 =	simm.s32 $0xF000  }
0x74: {  	[hbm4b:s5+s2] =	stream.indirect_vreg.scatter [tilespmem:s1], [sflag:$0x1], $0x80, v3, vm0, $0xb8;
	[tilespmem:$0x10100] =	vst v63  }
0x75: {  	s1 =	simm.s32 $0xF800  }
0x76: {  	[hbm4b:s6+s2] =	stream.indirect_vreg.scatter [tilespmem:s1], [sflag:$0x1], $0x80, v3, vm0, $0xb8;
	[tilespmem:$0x10100] =	vst v63  }
0x77: {  	v3 =	vld [tilespmem:$0x10080];
	_ =	sdelay $0x4  }
0x78: {  	v60 =	vshll.u32 v3, $0x3  }
0x79: {  	v3 =	vand.u32 $0x7, v3;
	v4 =	vand.u32 $0xFFFFFFC0, v60  }
0x7a: {  	v3 =	vor.u32 v3, v4  }
0x7b: {  	v4 =	vperm.xlane v3, v0;
	_ =	sdelay $0x1  }
0x7c: {  	v4 =	vadd.s32 v1, v4;
	_ =	sdelay $0x4  }
0x7d: {  	[hbm4b:s3+s2] =	stream.indirect_vreg.scatter [tilespmem:s2], [sflag:$0x2], $0x80, v4, vm0, $0xb8;
	[tilespmem:$0x10100] =	vst v63  }
0x7e: {  	v3 =	vperm.xlane v3, v2  }
0x7f: {  	[hbm4b:s4+s2] =	stream.indirect_vreg.scatter [tilespmem:s19], [sflag:$0x2], $0x80, v4, vm0, $0xb8;
	[tilespmem:$0x10100] =	vst v63  }
0x80: {  	v3 =	vadd.s32 v1, v3  }
0x81: {  	[hbm4b:s5+s2] =	stream.indirect_vreg.scatter [tilespmem:s20], [sflag:$0x2], $0x80, v4, vm0, $0xb8;
	[tilespmem:$0x10100] =	vst v63  }
0x82: {  	_ = 	snop  }
0x83: {  	[hbm4b:s6+s2] =	stream.indirect_vreg.scatter [tilespmem:s21], [sflag:$0x2], $0x80, v4, vm0, $0xb8;
	[tilespmem:$0x10100] =	vst v63  }
0x84: {  	_ = 	snop  }
0x85: {  	[hbm4b:s3+s2] =	stream.indirect_vreg.scatter [tilespmem:s22], [sflag:$0x2], $0x80, v3, vm0, $0xb8;
	[tilespmem:$0x10100] =	vst v63  }
0x86: {  	_ = 	snop  }
0x87: {  	[hbm4b:s4+s2] =	stream.indirect_vreg.scatter [tilespmem:s23], [sflag:$0x2], $0x80, v3, vm0, $0xb8;
	[tilespmem:$0x10100] =	vst v63  }
0x88: {  	_ = 	snop  }
0x89: {  	[hbm4b:s5+s2] =	stream.indirect_vreg.scatter [tilespmem:s24], [sflag:$0x2], $0x80, v3, vm0, $0xb8;
	[tilespmem:$0x10100] =	vst v63  }
0x8a: {  	_ = 	snop  }
0x8b: {  	[hbm4b:s6+s2] =	stream.indirect_vreg.scatter [tilespmem:s25], [sflag:$0x2], $0x80, v3, vm0, $0xb8;
	[tilespmem:$0x10100] =	vst v63  }
0x8c: {  	v3 =	vld [tilespmem:$0x10090];
	_ =	sdelay $0x4  }
0x8d: {  	v61 =	vshll.u32 v3, $0x3  }
0x8e: {  	v3 =	vand.u32 $0x7, v3;
	v4 =	vand.u32 $0xFFFFFFC0, v61  }
0x8f: {  	v3 =	vor.u32 v3, v4  }
0x90: {  	v4 =	vperm.xlane v3, v0;
	_ =	sdelay $0x1  }
0x91: {  	v4 =	vadd.s32 v1, v4;
	_ =	sdelay $0x4  }
0x92: {  	[hbm4b:s3+s2] =	stream.indirect_vreg.scatter [tilespmem:s26], [sflag:$0x2], $0x80, v4, vm0, $0xb8;
	[tilespmem:$0x10100] =	vst v63  }
0x93: {  	v3 =	vperm.xlane v3, v2  }
0x94: {  	[hbm4b:s4+s2] =	stream.indirect_vreg.scatter [tilespmem:s28], [sflag:$0x2], $0x80, v4, vm0, $0xb8;
	[tilespmem:$0x10100] =	vst v63  }
0x95: {  	v3 =	vadd.s32 v1, v3  }
0x96: {  	[hbm4b:s5+s2] =	stream.indirect_vreg.scatter [tilespmem:s29], [sflag:$0x2], $0x80, v4, vm0, $0xb8;
	[tilespmem:$0x10100] =	vst v63  }
0x97: {  	_ = 	snop  }
0x98: {  	[hbm4b:s6+s2] =	stream.indirect_vreg.scatter [tilespmem:s30], [sflag:$0x2], $0x80, v4, vm0, $0xb8;
	[tilespmem:$0x10100] =	vst v63  }
0x99: {  	_ = 	snop  }
0x9a: {  	[hbm4b:s3+s2] =	stream.indirect_vreg.scatter [tilespmem:s31], [sflag:$0x2], $0x80, v3, vm0, $0xb8;
	[tilespmem:$0x10100] =	vst v63  }
0x9b: {  	s20 =	simm.s32 $0x6800  }
0x9c: {  	[hbm4b:s4+s2] =	stream.indirect_vreg.scatter [tilespmem:s20], [sflag:$0x2], $0x80, v3, vm0, $0xb8;
	[tilespmem:$0x10100] =	vst v63  }
0x9d: {  	s21 =	simm.s32 $0x7000  }
0x9e: {  	[hbm4b:s5+s2] =	stream.indirect_vreg.scatter [tilespmem:s21], [sflag:$0x2], $0x80, v3, vm0, $0xb8;
	[tilespmem:$0x10100] =	vst v63  }
0x9f: {  	_ = 	snop  }
0xa0: {  	[hbm4b:s6+s2] =	stream.indirect_vreg.scatter [tilespmem:s10], [sflag:$0x2], $0x80, v3, vm0, $0xb8;
	[tilespmem:$0x10100] =	vst v63  }
0xa1: {  	v3 =	vld [tilespmem:$0x100A0];
	_ =	sdelay $0x4  }
0xa2: {  	v62 =	vshll.u32 v3, $0x3  }
0xa3: {  	v3 =	vand.u32 $0x7, v3;
	v4 =	vand.u32 $0xFFFFFFC0, v62  }
0xa4: {  	v3 =	vor.u32 v3, v4  }
0xa5: {  	v4 =	vperm.xlane v3, v0;
	_ =	sdelay $0x1  }
0xa6: {  	v4 =	vadd.s32 v1, v4;
	_ =	sdelay $0x4  }
0xa7: {  	[hbm4b:s3+s2] =	stream.indirect_vreg.scatter [tilespmem:s11], [sflag:$0x2], $0x80, v4, vm0, $0xb8;
	[tilespmem:$0x10100] =	vst v63  }
0xa8: {  	v3 =	vperm.xlane v3, v2  }
0xa9: {  	[hbm4b:s4+s2] =	stream.indirect_vreg.scatter [tilespmem:s12], [sflag:$0x2], $0x80, v4, vm0, $0xb8;
	[tilespmem:$0x10100] =	vst v63  }
0xaa: {  	v3 =	vadd.s32 v1, v3  }
0xab: {  	[hbm4b:s5+s2] =	stream.indirect_vreg.scatter [tilespmem:s13], [sflag:$0x2], $0x80, v4, vm0, $0xb8;
	[tilespmem:$0x10100] =	vst v63  }
0xac: {  	_ = 	snop  }
0xad: {  	[hbm4b:s6+s2] =	stream.indirect_vreg.scatter [tilespmem:s14], [sflag:$0x2], $0x80, v4, vm0, $0xb8;
	[tilespmem:$0x10100] =	vst v63  }
0xae: {  	_ = 	snop  }
0xaf: {  	[hbm4b:s3+s2] =	stream.indirect_vreg.scatter [tilespmem:s15], [sflag:$0x2], $0x80, v3, vm0, $0xb8;
	[tilespmem:$0x10100] =	vst v63  }
0xb0: {  	_ = 	snop  }
0xb1: {  	[hbm4b:s4+s2] =	stream.indirect_vreg.scatter [tilespmem:s16], [sflag:$0x2], $0x80, v3, vm0, $0xb8;
	[tilespmem:$0x10100] =	vst v63  }
0xb2: {  	_ = 	snop  }
0xb3: {  	[hbm4b:s5+s2] =	stream.indirect_vreg.scatter [tilespmem:s17], [sflag:$0x2], $0x80, v3, vm0, $0xb8;
	[tilespmem:$0x10100] =	vst v63  }
0xb4: {  	_ = 	snop  }
0xb5: {  	[hbm4b:s6+s2] =	stream.indirect_vreg.scatter [tilespmem:s18], [sflag:$0x2], $0x80, v3, vm0, $0xb8;
	[tilespmem:$0x10100] =	vst v63  }
0xb6: {  	v3 =	vld [tilespmem:$0x100B0];
	_ =	sdelay $0x4  }
0xb7: {  	v63 =	vshll.u32 v3, $0x3  }
0xb8: {  	v3 =	vand.u32 $0x7, v3;
	v4 =	vand.u32 $0xFFFFFFC0, v63  }
0xb9: {  	v3 =	vor.u32 v3, v4  }
0xba: {  	v4 =	vperm.xlane v3, v0;
	_ =	sdelay $0x1  }
0xbb: {  	v4 =	vadd.s32 v1, v4;
	_ =	sdelay $0x4  }
0xbc: {  	[hbm4b:s3+s2] =	stream.indirect_vreg.scatter [tilespmem:s8], [sflag:$0x2], $0x80, v4, vm0, $0xb8;
	[tilespmem:$0x10100] =	vst v63  }
0xbd: {  	v3 =	vperm.xlane v3, v2  }
0xbe: {  	[hbm4b:s4+s2] =	stream.indirect_vreg.scatter [tilespmem:s9], [sflag:$0x2], $0x80, v4, vm0, $0xb8;
	[tilespmem:$0x10100] =	vst v63  }
0xbf: {  	s19 =	simm.s32 $0xD000;
	v3 =	vadd.s32 v1, v3  }
0xc0: {  	[hbm4b:s5+s2] =	stream.indirect_vreg.scatter [tilespmem:s19], [sflag:$0x2], $0x80, v4, vm0, $0xb8;
	[tilespmem:$0x10100] =	vst v63  }
0xc1: {  	s20 =	simm.s32 $0xD800  }
0xc2: {  	[hbm4b:s6+s2] =	stream.indirect_vreg.scatter [tilespmem:s20], [sflag:$0x2], $0x80, v4, vm0, $0xb8;
	[tilespmem:$0x10100] =	vst v63  }
0xc3: {  	s21 =	simm.s32 $0xE000  }
0xc4: {  	[hbm4b:s3+s2] =	stream.indirect_vreg.scatter [tilespmem:s21], [sflag:$0x2], $0x80, v3, vm0, $0xb8;
	[tilespmem:$0x10100] =	vst v63  }
0xc5: {  	s19 =	simm.s32 $0xE800  }
0xc6: {  	[hbm4b:s4+s2] =	stream.indirect_vreg.scatter [tilespmem:s19], [sflag:$0x2], $0x80, v3, vm0, $0xb8;
	[tilespmem:$0x10100] =	vst v63  }
0xc7: {  	s20 =	simm.s32 $0xF000  }
0xc8: {  	[hbm4b:s5+s2] =	stream.indirect_vreg.scatter [tilespmem:s20], [sflag:$0x2], $0x80, v3, vm0, $0xb8;
	[tilespmem:$0x10100] =	vst v63  }
0xc9: {  	_ = 	snop  }
0xca: {  	[hbm4b:s6+s2] =	stream.indirect_vreg.scatter [tilespmem:s1], [sflag:$0x2], $0x80, v3, vm0, $0xb8;
	[tilespmem:$0x10100] =	vst v63  }
0xcb: {  	p0 =	sne.s32 s7, $0x1;
	_ =	swait.ge [sflag:s0], $0x10000  }
.Ltmp0:
0xcc: {  	[sflag:s0] =	ssyncset.done $0x0;
	(pc) =	sbr.rel @p0 .LBB2_1-.Ltmp0, $4  }
0xcd: {  	s21 =	simm.s32 $0x2;
	[sflag:s0] =	ssyncadd.s32 $0xFFFF0000  }
0xce: {  	_ =	swait.ge [sflag:s21], $0x10000  }
0xcf: {  	[sflag:s21] =	ssyncset.done $0x0  }
0xd0: {  	s7 =	sadd.s32 $0xFFFFFFFF, s7;
	[sflag:s21] =	ssyncadd.s32 $0xFFFF0000  }
0xd1: {  	_ =	sfence.sel $0x180000  }
0xd2: {  	[bflag:$0x0] =	sbarrier.arrive $0xFFFF  }
0xd3: {  	_ =	strace $0x90000047  }
0xd4: {  	s0 =	stileid.u32;
	[bflag:$0x2] =	sbarrier.arrive $0xFFFF  }
0xd5: {  	p0 =	sne.s32 s0, $0x0;
	s0 =	rddreg [dreg:$0x3]  }
0xd6: {  	s0 =	sadd.s32 @!p0 $0x100000, s0  }
0xd7: {  	[sflag:s0] =	ssyncadd.tile.s32 @!p0 $0x1;
	_ =	shalt  }
.Lfunc_end2:
_tile_overlayer_lowered:
.L_overlay_start_2:
0xd8: {  	(tag) =	ssettag $0x2  }
0xd9: {  	s0 =	rddreg [dreg:$0x0];
	s2 =	stileid.u32  }
0xda: {  	s1 =	rddreg [dreg:$0x1];
	p0 =	sne.s32 s2, $0x0  }
0xdb: {  	s3 =	rddreg [dreg:$0x2];
	[bflag:$0x3] =	sbarrier.arrive $0xFFFF;
	s2 =	simm.s32 @!p0 $0x1C03  }
0xdc: {  	[timem:s3], [sflag:s2] =	dma.local @!p0 [hbm:s0], s1  }
0xdd: {  	s0 =	simm.s32 @!p0 $0x3  }
0xde: {  	_ =	swait.ge @!p0 [sflag:s0], s1  }
0xdf: {  	s1 =	ssub.s32 @!p0 $0x0, s1;
	[sflag:s0] =	ssyncset.done @!p0 $0x0  }
0xe0: {  	[sflag:s0] =	ssyncadd.s32 @!p0 s1  }
0xe1: {  	[bflag:$0x3] =	sbarrier.arrive $0xFFFF  }
0xe2: {  	_ =	shalt  }

</sc_bundles>
